<compile_context>
chip_gen: v7x
topology: tpu7x:2x2x1
jax: 0.10.2.dev20260603
libtpu: 0.0.44.dev20260713+nightly
codegen_flags: <defaults>
</compile_context>

<pallas_src>
import functools

import jax
import jax.numpy as jnp
from jax import lax
from jax.experimental import pallas as pl
from jax.experimental.pallas import tpu as pltpu
from jax.experimental.pallas import tpu_sc as plsc

NC, NS = 2, 16
NW = NC * NS
BL = 128

N = 10000
E = 320000
M = 2500
G = 256
D = 128
F = 9
V = 128

N_PAD = 10240
NH = N_PAD // 2
NH_PAD = 5248
M_PAD = 2560
G_PAD = 384
H3_PAD = 12288
E_PAD = 327680
DEG_PAD = 655360
POOL_PAD = 32768


def _mesh():
    return plsc.VectorSubcoreMesh(
        core_axis_name="c", subcore_axis_name="s",
        num_cores=NC, num_subcores=NS)


@functools.lru_cache(None)
def _sc_pair_split(rpt: int, a_rows: int):
    ar16 = a_rows // NS

    def body(gidx, sidx, table, zeros, out, gv, sv, b0, b1, acc, sem0, sem1):
        c = lax.axis_index("c")
        s = lax.axis_index("s")
        row0 = (c * NS + s) * rpt
        pltpu.sync_copy(zeros, acc.at[pl.ds(s * ar16, ar16)])
        pltpu.sync_copy(gidx.at[pl.ds(row0, rpt)], gv)
        pltpu.sync_copy(sidx.at[pl.ds(row0, rpt)], sv)
        plsc.subcore_barrier()

        def start(j, buf, sem):
            pltpu.async_copy(table.at[gv.at[j]], buf, sem)

        def finish(j, buf, sem):
            pltpu.make_async_copy(table.at[gv.at[j]], buf, sem).wait()
            pltpu.sync_copy(buf, acc.at[sv.at[j]], add=True)

        start(0, b0, sem0)
        start(1, b1, sem1)

        def step(i, carry):
            j0 = 2 * i

            finish(j0, b0, sem0)

            @pl.when(j0 + 2 < rpt)
            def _():
                start(j0 + 2, b0, sem0)

            finish(j0 + 1, b1, sem1)

            @pl.when(j0 + 3 < rpt)
            def _():
                start(j0 + 3, b1, sem1)

            return carry

        lax.fori_loop(0, rpt // 2, step, 0)
        plsc.subcore_barrier()
        pltpu.sync_copy(acc.at[pl.ds(s * ar16, ar16)],
                        out.at[c, pl.ds(s * ar16, ar16)])

    return pl.kernel(
        body,
        out_type=jax.ShapeDtypeStruct((NC, a_rows, D), jnp.float32),
        mesh=_mesh(),
        scratch_types=[
            pltpu.VMEM((rpt, BL), jnp.int32),
            pltpu.VMEM((rpt, BL), jnp.int32),
            pltpu.VMEM((BL, D), jnp.float32),
            pltpu.VMEM((BL, D), jnp.float32),
            pltpu.VMEM_SHARED((a_rows, D), jnp.float32),
            pltpu.SemaphoreType.DMA,
            pltpu.SemaphoreType.DMA,
        ],
    )


@functools.lru_cache(None)
def _sc_range_split(rpt: int, t_rows: int):
    ar16 = NH_PAD // NS

    def body(gidx, sidx, table, zeros, out, gv, sv, b0, b1, acc, sem0, sem1):
        c = lax.axis_index("c")
        s = lax.axis_index("s")
        row0 = s * rpt
        pltpu.sync_copy(zeros, acc.at[pl.ds(s * ar16, ar16)])
        pltpu.sync_copy(gidx.at[pl.ds(row0, rpt)], gv)
        pltpu.sync_copy(sidx.at[c, pl.ds(row0, rpt)], sv)
        plsc.subcore_barrier()

        def start(j, buf, sem):
            pltpu.async_copy(table.at[gv.at[j]], buf, sem)

        def finish(j, buf, sem):
            pltpu.make_async_copy(table.at[gv.at[j]], buf, sem).wait()
            pltpu.sync_copy(buf, acc.at[sv.at[j]], add=True)

        start(0, b0, sem0)
        start(1, b1, sem1)

        def step(i, carry):
            j0 = 2 * i

            finish(j0, b0, sem0)

            @pl.when(j0 + 2 < rpt)
            def _():
                start(j0 + 2, b0, sem0)

            finish(j0 + 1, b1, sem1)

            @pl.when(j0 + 3 < rpt)
            def _():
                start(j0 + 3, b1, sem1)

            return carry

        lax.fori_loop(0, rpt // 2, step, 0)
        plsc.subcore_barrier()
        pltpu.sync_copy(acc.at[pl.ds(s * ar16, ar16)],
                        out.at[c, pl.ds(s * ar16, ar16)])

    return pl.kernel(
        body,
        out_type=jax.ShapeDtypeStruct((NC, NH_PAD, D), jnp.float32),
        mesh=_mesh(),
        scratch_types=[
            pltpu.VMEM((rpt, BL), jnp.int32),
            pltpu.VMEM((rpt, BL), jnp.int32),
            pltpu.VMEM((BL, D), jnp.float32),
            pltpu.VMEM((BL, D), jnp.float32),
            pltpu.VMEM_SHARED((NH_PAD, D), jnp.float32),
            pltpu.SemaphoreType.DMA,
            pltpu.SemaphoreType.DMA,
        ],
    )




def _vjoin(hs_ref):
    return jnp.concatenate([hs_ref[0, :NH], hs_ref[1, :NH]], axis=0)


def _tc_enc_hv(xt, at, wv, bv):
    def body(x_ref, at_ref, w_ref, b_ref, o_ref):
        h = jnp.zeros((N_PAD, D), jnp.float32)
        for f in range(F):
            oh = (jax.lax.broadcasted_iota(jnp.int32, (V, N_PAD), 0)
                  == x_ref[f][None, :]).astype(jnp.float32)
            h = h + jax.lax.dot_general(
                oh, at_ref[f], (((0,), (0,)), ((), ())),
                preferred_element_type=jnp.float32)
        o_ref[...] = (jnp.dot(h, w_ref[...], preferred_element_type=jnp.float32,
                precision=jax.lax.Precision.HIGHEST)
                      + b_ref[...])
    return pl.pallas_call(
        body, out_shape=jax.ShapeDtypeStruct((N_PAD, D), jnp.float32))(
            xt, at, wv, bv)


def _tc_hv(hs, cnt, wv, bv):
    def body(hs_ref, c_ref, w_ref, b_ref, o_ref):
        dv = jnp.maximum(jnp.sum(c_ref[...], axis=0), 1.0)[:, None]
        h = jnp.maximum(_vjoin(hs_ref) / dv, 0.0)
        o_ref[...] = (jnp.dot(h, w_ref[...], preferred_element_type=jnp.float32,
                precision=jax.lax.Precision.HIGHEST)
                      + b_ref[...])
    return pl.pallas_call(
        body, out_shape=jax.ShapeDtypeStruct((N_PAD, D), jnp.float32))(hs, cnt, wv, bv)


def _tc_he(hs, cnt, we, be):
    def body(hs_ref, c_ref, w_ref, b_ref, o_ref):
        de = jnp.maximum(jnp.sum(c_ref[...], axis=0), 1.0)[:, None]
        he = jnp.maximum((hs_ref[0] + hs_ref[1]) / de, 0.0)
        o_ref[...] = (jnp.dot(he, w_ref[...], preferred_element_type=jnp.float32,
                precision=jax.lax.Precision.HIGHEST)
                      + b_ref[...])
    return pl.pallas_call(
        body, out_shape=jax.ShapeDtypeStruct((M_PAD, D), jnp.float32))(hs, cnt, we, be)


def _tc_h3(hs, cnt):
    def body(hs_ref, c_ref, o_ref):
        dv = jnp.maximum(jnp.sum(c_ref[...], axis=0), 1.0)[:, None]
        h3 = jnp.maximum(_vjoin(hs_ref) / dv, 0.0)
        o_ref[pl.ds(0, N_PAD), :] = h3
        o_ref[pl.ds(N_PAD, H3_PAD - N_PAD), :] = jnp.zeros(
            (H3_PAD - N_PAD, D), jnp.float32)
    return pl.pallas_call(
        body, out_shape=jax.ShapeDtypeStruct((H3_PAD, D), jnp.float32))(hs, cnt)


def _tc_mlp(gs, w1, b1, w2, b2, w3, b3):
    def body(gs_ref, w1r, b1r, w2r, b2r, w3r, b3r, o_ref):
        g = jnp.sum(gs_ref[...], axis=0)[:G]
        g = jnp.maximum(jnp.dot(g, w1r[...], preferred_element_type=jnp.float32,
                precision=jax.lax.Precision.HIGHEST)
                        + b1r[...], 0.0)
        g = jnp.maximum(jnp.dot(g, w2r[...], preferred_element_type=jnp.float32,
                precision=jax.lax.Precision.HIGHEST)
                        + b2r[...], 0.0)
        o_ref[...] = (jnp.dot(g, w3r[...], preferred_element_type=jnp.float32,
                precision=jax.lax.Precision.HIGHEST)
                      + b3r[...])
    return pl.pallas_call(
        body, out_shape=jax.ShapeDtypeStruct((G, 1), jnp.float32))(
            gs, w1, b1, w2, b2, w3, b3)




def _range_sidx(tgt):
    c0 = jnp.where(tgt < NH, tgt, NH_PAD - 1)
    c1 = jnp.where(tgt >= NH, tgt - NH, NH_PAD - 1)
    return jnp.stack([c0, c1]).reshape(2, -1, BL)


def kernel(x, v_idx, e_idx, batch, atom_tables,
           layer_Wv, layer_bv, layer_We, layer_be,
           mlp_W1, mlp_b1, mlp_W2, mlp_b2, mlp_W3, mlp_b3):
    i32 = jnp.int32
    f32 = jnp.float32
    v_idx = v_idx.astype(i32)
    e_idx = e_idx.astype(i32)

    xt = jnp.concatenate(
        [x.astype(i32), jnp.zeros((N_PAD - N, F), i32)]).T

    pad_e = E_PAD - E
    vidx_g = jnp.concatenate([v_idx, jnp.zeros((pad_e,), i32)]).reshape(-1, BL)
    eidx_s = jnp.concatenate(
        [e_idx, jnp.full((pad_e,), M_PAD - 1, i32)]).reshape(-1, BL)
    eidx_g = jnp.concatenate([e_idx, jnp.zeros((pad_e,), i32)]).reshape(-1, BL)
    vidx_s = _range_sidx(jnp.concatenate(
        [v_idx, jnp.full((pad_e,), N_PAD - 1, i32)]))

    deg_rows = M_PAD + N_PAD
    deg_t = jnp.concatenate(
        [e_idx, M_PAD + v_idx,
         jnp.full((DEG_PAD - 2 * E,), deg_rows - 1, i32)])
    deg_g = (deg_t % BL).reshape(-1, BL)
    deg_p = jnp.arange(DEG_PAD, dtype=i32)
    deg_tile = (deg_p // ((DEG_PAD // NW // BL) * BL)) % NS
    deg_base = deg_t // BL
    deg_row = jnp.where(deg_t < M_PAD, deg_base + 20 * (deg_p % 6),
                        deg_base + 100)
    deg_s = (deg_row + 256 * deg_tile).reshape(-1, BL)
    ident = jnp.eye(BL, dtype=f32)

    pad_p = jnp.arange(POOL_PAD - N_PAD, dtype=i32)
    pool_g = jnp.concatenate(
        [jnp.arange(N_PAD, dtype=i32),
         N_PAD + pad_p % (H3_PAD - N_PAD)]).reshape(-1, BL)
    pool_s = jnp.concatenate(
        [jnp.concatenate(
            [batch.astype(i32), jnp.full((N_PAD - N,), G_PAD - 1, i32)])
         + G_PAD * (jnp.arange(N_PAD, dtype=i32) % 8),
         pad_p % (8 * G_PAD)]).reshape(-1, BL)

    zeros128 = jnp.zeros((NH_PAD // NS, D), f32)

    bv = layer_bv.reshape(3, 1, D)
    be = layer_be.reshape(3, 1, D)
    b1 = mlp_b1.reshape(1, D)
    b2 = mlp_b2.reshape(1, D)
    b3 = mlp_b3.reshape(1, 1)

    deg = _sc_pair_split(DEG_PAD // NW // BL, NS * 256)(
        deg_g, deg_s, ident, zeros128[:256])
    dreg = deg.reshape(NC * NS, 256, BL)
    cnt_e = dreg[:, :120].reshape(NC * NS * 6, M_PAD)
    cnt_v = dreg[:, 120:200].reshape(NC * NS, N_PAD)

    hv = _tc_enc_hv(xt, atom_tables, layer_Wv[0], bv[0])
    hs = None
    for l in range(3):
        hes = _sc_pair_split(E_PAD // NW // BL, M_PAD)(
            vidx_g, eidx_s, hv, zeros128[:M_PAD // NS])
        he = _tc_he(hes, cnt_e, layer_We[l], be[l])
        hs = _sc_range_split(E_PAD // NS // BL, M_PAD)(
            eidx_g, vidx_s, he, zeros128)
        if l < 2:
            hv = _tc_hv(hs, cnt_v, layer_Wv[l + 1], bv[l + 1])

    h3 = _tc_h3(hs, cnt_v)
    gs = _sc_pair_split(POOL_PAD // NW // BL, 8 * G_PAD)(
        pool_g, pool_s, h3, zeros128[:8 * G_PAD // NS])
    out = _tc_mlp(gs.reshape(NC * 8, G_PAD, D), mlp_W1, b1, mlp_W2, b2,
                  mlp_W3, b3)
    return out.reshape(-1)

# --- scband reference (transcript-rebuilt; emitter-appended) ---
"""Pipeline reference for scband-hnhn-12163347382926 (READ-ONLY COPY).

The authoritative reference and input builder live on the scoring server;
editing this copy changes nothing except your own understanding.
"""

import jax, jax.numpy as jnp
import numpy as np

N = 10000      # vertices
E = 320000     # vertex-hyperedge incidence pairs
M = 2500       # hyperedges
G = 256        # graphs in batch
D = 128        # hid_channels
NUM_LAYERS = 3
ATOM_FEATS = 9
ATOM_VOCAB = 128


def setup_inputs(seed: int = 0) -> dict:
    key = jax.random.key(seed)
    ks = jax.random.split(key, 16)
    x = jax.random.randint(ks[0], (N, ATOM_FEATS), 0, ATOM_VOCAB, dtype=jnp.int64 if jax.config.read('jax_enable_x64') else jnp.int32).astype(jnp.int32)
    v_idx = jax.random.randint(ks[1], (E,), 0, N).astype(jnp.int32)
    e_idx = jax.random.randint(ks[2], (E,), 0, M).astype(jnp.int32)
    batch = jnp.sort(jax.random.randint(ks[3], (N,), 0, G)).astype(jnp.int32)
    atom_tables = jax.random.normal(ks[4], (ATOM_FEATS, ATOM_VOCAB, D), dtype=jnp.float32) * 0.02
    layer_Wv = jax.random.normal(ks[5], (NUM_LAYERS, D, D), dtype=jnp.float32) * 0.05
    layer_bv = jnp.zeros((NUM_LAYERS, D), dtype=jnp.float32)
    layer_We = jax.random.normal(ks[6], (NUM_LAYERS, D, D), dtype=jnp.float32) * 0.05
    layer_be = jnp.zeros((NUM_LAYERS, D), dtype=jnp.float32)
    mlp_W1 = jax.random.normal(ks[7], (D, D), dtype=jnp.float32) * 0.05
    mlp_b1 = jnp.zeros((D,), dtype=jnp.float32)
    mlp_W2 = jax.random.normal(ks[8], (D, D), dtype=jnp.float32) * 0.05
    mlp_b2 = jnp.zeros((D,), dtype=jnp.float32)
    mlp_W3 = jax.random.normal(ks[9], (D, 1), dtype=jnp.float32) * 0.05
    mlp_b3 = jnp.zeros((1,), dtype=jnp.float32)
    return {"x": x, "v_idx": v_idx, "e_idx": e_idx, "batch": batch,
            "atom_tables": atom_tables,
            "layer_Wv": layer_Wv, "layer_bv": layer_bv,
            "layer_We": layer_We, "layer_be": layer_be,
            "mlp_W1": mlp_W1, "mlp_b1": mlp_b1,
            "mlp_W2": mlp_W2, "mlp_b2": mlp_b2,
            "mlp_W3": mlp_W3, "mlp_b3": mlp_b3}


def reference(x, v_idx, e_idx, batch, atom_tables,
              layer_Wv, layer_bv, layer_We, layer_be,
              mlp_W1, mlp_b1, mlp_W2, mlp_b2, mlp_W3, mlp_b3):
    # AtomEncoder: sum of per-feature-column embedding lookups
    h = jnp.zeros((x.shape[0], atom_tables.shape[2]), dtype=jnp.float32)
    for f in range(ATOM_FEATS):
        h = h + jnp.take(atom_tables[f], x[:, f], axis=0)

    # hyperedge / vertex degrees from incidence structure (HNHN normalization)
    de = jnp.maximum(jnp.bincount(e_idx, length=M), 1).astype(jnp.float32)
    dv = jnp.maximum(jnp.bincount(v_idx, length=N), 1).astype(jnp.float32)

    # HNHNConv stack: vertex->hyperedge->vertex message passing with hyperedge neurons
    for l in range(NUM_LAYERS):
        hv = h @ layer_Wv[l] + layer_bv[l]
        he = jax.ops.segment_sum(hv[v_idx], e_idx, num_segments=M) / de[:, None]
        he = jax.nn.relu(he)
        he = he @ layer_We[l] + layer_be[l]
        h = jax.ops.segment_sum(he[e_idx], v_idx, num_segments=N) / dv[:, None]
        h = jax.nn.relu(h)

    # global_add_pool over graph assignment
    g = jax.ops.segment_sum(h, batch, num_segments=G)

    # 3-layer MLP head -> scalar per graph
    g = jax.nn.relu(g @ mlp_W1 + mlp_b1)
    g = jax.nn.relu(g @ mlp_W2 + mlp_b2)
    g = g @ mlp_W3 + mlp_b3
    return g.reshape(-1)

if __name__ == "__main__":
    import jax
    _d = setup_inputs()
    print(jax.jit(kernel)(*tuple(_d.values())))

</pallas_src>

<mosaic_0001>
#map = affine_map<(d0, d1) -> (0, 0)>
#map1 = affine_map<(d0, d1) -> (0, 0, 0)>
module attributes {stable_mosaic.version = 14 : i64} {
  func.func @body(%arg0: i32, %arg1: i32, %arg2: memref<2560x128xi32, #tpu.memory_space<hbm>>, %arg3: memref<2560x128xi32, #tpu.memory_space<hbm>>, %arg4: memref<10240x128xf32, #tpu.memory_space<hbm>>, %arg5: memref<160x128xf32, #tpu.memory_space<hbm>>, %arg6: memref<2x2560x128xf32, #tpu.memory_space<hbm>>, %arg7: memref<80x128xi32, #tpu.memory_space<vmem>>, %arg8: memref<80x128xi32, #tpu.memory_space<vmem>>, %arg9: memref<128x128xf32, #tpu.memory_space<vmem>>, %arg10: memref<128x128xf32, #tpu.memory_space<vmem>>, %arg11: memref<2560x128xf32, #tpu.memory_space<vmem_shared>>, %arg12: memref<!tpu.dma_semaphore, #tpu.memory_space<semaphore_mem>>, %arg13: memref<!tpu.dma_semaphore, #tpu.memory_space<semaphore_mem>>) attributes {dimension_semantics = [#tpu.dimension_semantics<core_parallel>, #tpu.dimension_semantics<subcore_parallel>], iteration_bounds = array<i64: 2, 16>, scalar_prefetch = 0 : i64, scratch_operands = 7 : i64, tpu.core_type = #tpu.core_type<sc_vector_subcore>, window_params = [{transform_indices = #map}, {transform_indices = #map}, {transform_indices = #map}, {transform_indices = #map}, {transform_indices = #map1}]} {
    %mul3A = arith.constant 16 : i32
    %mul3A_0 = arith.muli %arg0, %mul3A : i32
    %add3A = arith.addi %mul3A_0, %arg1 : i32
    %mul3A_1 = arith.constant 80 : i32
    %mul3A_2 = arith.muli %add3A, %mul3A_1 : i32
    %mul3A_3 = arith.constant 160 : i32
    %mul3A_4 = arith.muli %arg1, %mul3A_3 : i32
    "tpu.region"() ({
      %run_scoped3A = tpu.sem_alloc : memref<!tpu.dma_semaphore, #tpu.memory_space<semaphore_mem>>
      %dma_start3A_28 = arith.constant 0 : i32
      %dma_start3A_29 = tpu.memref_slice %arg11[%mul3A_4, %dma_start3A_28] : memref<2560x128xf32, #tpu.memory_space<vmem_shared>> -> memref<160x128xf32, #tpu.memory_space<vmem_shared>>
      tpu.enqueue_dma source(%arg5 : memref<160x128xf32, #tpu.memory_space<hbm>>) target(%dma_start3A_29 : memref<160x128xf32, #tpu.memory_space<vmem_shared>>) target_semaphore(%run_scoped3A : memref<!tpu.dma_semaphore, #tpu.memory_space<semaphore_mem>>)
      %dma_wait3A = arith.constant 0 : i32
      %dma_wait3A_30 = tpu.memref_slice %arg11[%mul3A_4, %dma_wait3A] : memref<2560x128xf32, #tpu.memory_space<vmem_shared>> -> memref<160x128xf32, #tpu.memory_space<vmem_shared>>
      tpu.wait_dma2 semaphore(%run_scoped3A : memref<!tpu.dma_semaphore, #tpu.memory_space<semaphore_mem>>) src(%arg5 : memref<160x128xf32, #tpu.memory_space<hbm>>) dst(%dma_wait3A_30 : memref<160x128xf32, #tpu.memory_space<vmem_shared>>)
      tpu.yield
    }) : () -> ()
    "tpu.region"() ({
      %run_scoped3A = tpu.sem_alloc : memref<!tpu.dma_semaphore, #tpu.memory_space<semaphore_mem>>
      %dma_start3A_28 = arith.constant 0 : i32
      %dma_start3A_29 = tpu.memref_slice %arg2[%mul3A_2, %dma_start3A_28] : memref<2560x128xi32, #tpu.memory_space<hbm>> -> memref<80x128xi32, #tpu.memory_space<hbm>>
      %dma_start3A_30 = arith.constant 0 : i32
      %dma_start3A_31 = tpu.memref_slice %arg2[%mul3A_2, %dma_start3A_30] : memref<2560x128xi32, #tpu.memory_space<hbm>> -> memref<80x128xi32, #tpu.memory_space<hbm>>
      tpu.enqueue_dma source(%dma_start3A_31 : memref<80x128xi32, #tpu.memory_space<hbm>>) target(%arg7 : memref<80x128xi32, #tpu.memory_space<vmem>>) target_semaphore(%run_scoped3A : memref<!tpu.dma_semaphore, #tpu.memory_space<semaphore_mem>>)
      %dma_wait3A = arith.constant 0 : i32
      %dma_wait3A_32 = tpu.memref_slice %arg2[%mul3A_2, %dma_wait3A] : memref<2560x128xi32, #tpu.memory_space<hbm>> -> memref<80x128xi32, #tpu.memory_space<hbm>>
      %dma_wait3A_33 = arith.constant 0 : i32
      %dma_wait3A_34 = tpu.memref_slice %arg2[%mul3A_2, %dma_wait3A_33] : memref<2560x128xi32, #tpu.memory_space<hbm>> -> memref<80x128xi32, #tpu.memory_space<hbm>>
      tpu.wait_dma2 semaphore(%run_scoped3A : memref<!tpu.dma_semaphore, #tpu.memory_space<semaphore_mem>>) src(%dma_wait3A_34 : memref<80x128xi32, #tpu.memory_space<hbm>>) dst(%arg7 : memref<80x128xi32, #tpu.memory_space<vmem>>)
      tpu.yield
    }) : () -> ()
    "tpu.region"() ({
      %run_scoped3A = tpu.sem_alloc : memref<!tpu.dma_semaphore, #tpu.memory_space<semaphore_mem>>
      %dma_start3A_28 = arith.constant 0 : i32
      %dma_start3A_29 = tpu.memref_slice %arg3[%mul3A_2, %dma_start3A_28] : memref<2560x128xi32, #tpu.memory_space<hbm>> -> memref<80x128xi32, #tpu.memory_space<hbm>>
      %dma_start3A_30 = arith.constant 0 : i32
      %dma_start3A_31 = tpu.memref_slice %arg3[%mul3A_2, %dma_start3A_30] : memref<2560x128xi32, #tpu.memory_space<hbm>> -> memref<80x128xi32, #tpu.memory_space<hbm>>
      tpu.enqueue_dma source(%dma_start3A_31 : memref<80x128xi32, #tpu.memory_space<hbm>>) target(%arg8 : memref<80x128xi32, #tpu.memory_space<vmem>>) target_semaphore(%run_scoped3A : memref<!tpu.dma_semaphore, #tpu.memory_space<semaphore_mem>>)
      %dma_wait3A = arith.constant 0 : i32
      %dma_wait3A_32 = tpu.memref_slice %arg3[%mul3A_2, %dma_wait3A] : memref<2560x128xi32, #tpu.memory_space<hbm>> -> memref<80x128xi32, #tpu.memory_space<hbm>>
      %dma_wait3A_33 = arith.constant 0 : i32
      %dma_wait3A_34 = tpu.memref_slice %arg3[%mul3A_2, %dma_wait3A_33] : memref<2560x128xi32, #tpu.memory_space<hbm>> -> memref<80x128xi32, #tpu.memory_space<hbm>>
      tpu.wait_dma2 semaphore(%run_scoped3A : memref<!tpu.dma_semaphore, #tpu.memory_space<semaphore_mem>>) src(%dma_wait3A_34 : memref<80x128xi32, #tpu.memory_space<hbm>>) dst(%arg8 : memref<80x128xi32, #tpu.memory_space<vmem>>)
      tpu.yield
    }) : () -> ()
    %barrier3A = arith.constant 0 : index
    tpu.barrier barrier_id(%barrier3A)
    %dma_start3A = arith.constant 0 : i32
    %dma_start3A_5 = arith.constant 0 : i32
    %dma_start3A_6 = tpu.memref_slice %arg7[%dma_start3A, %dma_start3A_5] : memref<80x128xi32, #tpu.memory_space<vmem>> -> memref<1x128xi32, #tpu.memory_space<vmem>>
    %dma_start3A_7 = tpu.memref_squeeze %dma_start3A_6 : memref<1x128xi32, #tpu.memory_space<vmem>> -> memref<128xi32, #tpu.memory_space<vmem>>
    %dma_start3A_8 = arith.constant 0 : i32
    %dma_start3A_9 = arith.constant 0 : i32
    %dma_start3A_10 = tpu.memref_slice %arg4[%dma_start3A_8, %dma_start3A_9] : memref<10240x128xf32, #tpu.memory_space<hbm>> -> memref<10240x128xf32, #tpu.memory_space<hbm>>
    tpu.enqueue_indirect_dma source(%dma_start3A_10 : memref<10240x128xf32, #tpu.memory_space<hbm>>) target(%arg9 : memref<128x128xf32, #tpu.memory_space<vmem>>) offsets(%dma_start3A_7 : memref<128xi32, #tpu.memory_space<vmem>>) semaphore(%arg12 : memref<!tpu.dma_semaphore, #tpu.memory_space<semaphore_mem>>)
    %dma_start3A_11 = arith.constant 1 : i32
    %dma_start3A_12 = arith.constant 0 : i32
    %dma_start3A_13 = tpu.memref_slice %arg7[%dma_start3A_11, %dma_start3A_12] : memref<80x128xi32, #tpu.memory_space<vmem>> -> memref<1x128xi32, #tpu.memory_space<vmem>>
    %dma_start3A_14 = tpu.memref_squeeze %dma_start3A_13 : memref<1x128xi32, #tpu.memory_space<vmem>> -> memref<128xi32, #tpu.memory_space<vmem>>
    %dma_start3A_15 = arith.constant 0 : i32
    %dma_start3A_16 = arith.constant 0 : i32
    %dma_start3A_17 = tpu.memref_slice %arg4[%dma_start3A_15, %dma_start3A_16] : memref<10240x128xf32, #tpu.memory_space<hbm>> -> memref<10240x128xf32, #tpu.memory_space<hbm>>
    tpu.enqueue_indirect_dma source(%dma_start3A_17 : memref<10240x128xf32, #tpu.memory_space<hbm>>) target(%arg10 : memref<128x128xf32, #tpu.memory_space<vmem>>) offsets(%dma_start3A_14 : memref<128xi32, #tpu.memory_space<vmem>>) semaphore(%arg13 : memref<!tpu.dma_semaphore, #tpu.memory_space<semaphore_mem>>)
    %scan3A = arith.constant 0 : i32
    %scan3A_18 = arith.constant 0 : i32
    %scan3A_19 = arith.constant 40 : i32
    %scan3A_20 = arith.addi %scan3A_18, %scan3A_19 : i32
    %scan3A_21 = arith.constant 1 : i32
    scf.for %scan3A_28 = %scan3A_18 to %scan3A_20 step %scan3A_21  : i32 {
      %mul3A_29 = arith.constant 2 : i32
      %mul3A_30 = arith.muli %mul3A_29, %scan3A_28 : i32
      %dma_wait3A = arith.constant 0 : i32
      %dma_wait3A_31 = tpu.memref_slice %arg7[%mul3A_30, %dma_wait3A] : memref<80x128xi32, #tpu.memory_space<vmem>> -> memref<1x128xi32, #tpu.memory_space<vmem>>
      %dma_wait3A_32 = tpu.memref_squeeze %dma_wait3A_31 : memref<1x128xi32, #tpu.memory_space<vmem>> -> memref<128xi32, #tpu.memory_space<vmem>>
      %dma_wait3A_33 = arith.constant 0 : i32
      %dma_wait3A_34 = arith.constant 0 : i32
      %dma_wait3A_35 = tpu.memref_slice %arg4[%dma_wait3A_33, %dma_wait3A_34] : memref<10240x128xf32, #tpu.memory_space<hbm>> -> memref<10240x128xf32, #tpu.memory_space<hbm>>
      tpu.wait_indirect_dma semaphore(%arg12 : memref<!tpu.dma_semaphore, #tpu.memory_space<semaphore_mem>>) src(%dma_wait3A_35 : memref<10240x128xf32, #tpu.memory_space<hbm>>) dst(%arg9 : memref<128x128xf32, #tpu.memory_space<vmem>>)
      "tpu.region"() ({
        %run_scoped3A = tpu.sem_alloc : memref<!tpu.dma_semaphore, #tpu.memory_space<semaphore_mem>>
        %dma_start3A_55 = arith.constant 0 : i32
        %dma_start3A_56 = tpu.memref_slice %arg8[%mul3A_30, %dma_start3A_55] : memref<80x128xi32, #tpu.memory_space<vmem>> -> memref<1x128xi32, #tpu.memory_space<vmem>>
        %dma_start3A_57 = tpu.memref_squeeze %dma_start3A_56 : memref<1x128xi32, #tpu.memory_space<vmem>> -> memref<128xi32, #tpu.memory_space<vmem>>
        %dma_start3A_58 = arith.constant 0 : i32
        %dma_start3A_59 = arith.constant 0 : i32
        %dma_start3A_60 = tpu.memref_slice %arg11[%dma_start3A_58, %dma_start3A_59] : memref<2560x128xf32, #tpu.memory_space<vmem_shared>> -> memref<2560x128xf32, #tpu.memory_space<vmem_shared>>
        tpu.enqueue_indirect_dma source(%arg9 : memref<128x128xf32, #tpu.memory_space<vmem>>) target(%dma_start3A_60 : memref<2560x128xf32, #tpu.memory_space<vmem_shared>>) offsets(%dma_start3A_57 : memref<128xi32, #tpu.memory_space<vmem>>) semaphore(%run_scoped3A : memref<!tpu.dma_semaphore, #tpu.memory_space<semaphore_mem>>) {add = true}
        %dma_wait3A_61 = arith.constant 0 : i32
        %dma_wait3A_62 = tpu.memref_slice %arg8[%mul3A_30, %dma_wait3A_61] : memref<80x128xi32, #tpu.memory_space<vmem>> -> memref<1x128xi32, #tpu.memory_space<vmem>>
        %dma_wait3A_63 = tpu.memref_squeeze %dma_wait3A_62 : memref<1x128xi32, #tpu.memory_space<vmem>> -> memref<128xi32, #tpu.memory_space<vmem>>
        %dma_wait3A_64 = arith.constant 0 : i32
        %dma_wait3A_65 = arith.constant 0 : i32
        %dma_wait3A_66 = tpu.memref_slice %arg11[%dma_wait3A_64, %dma_wait3A_65] : memref<2560x128xf32, #tpu.memory_space<vmem_shared>> -> memref<2560x128xf32, #tpu.memory_space<vmem_shared>>
        tpu.wait_indirect_dma semaphore(%run_scoped3A : memref<!tpu.dma_semaphore, #tpu.memory_space<semaphore_mem>>) src(%arg9 : memref<128x128xf32, #tpu.memory_space<vmem>>) dst(%dma_wait3A_66 : memref<2560x128xf32, #tpu.memory_space<vmem_shared>>)
        tpu.yield
      }) : () -> ()
      %add3A_36 = arith.constant 2 : i32
      %add3A_37 = arith.addi %mul3A_30, %add3A_36 : i32
      %lt3A = arith.constant 80 : i32
      %lt3A_38 = arith.cmpi slt, %add3A_37, %lt3A : i32
      %convert_element_type3A = arith.extui %lt3A_38 : i1 to i32
      %cond3A = arith.constant 0 : i32
      %cond3A_39 = arith.cmpi ne, %convert_element_type3A, %cond3A : i32
      scf.if %cond3A_39 {
        %add3A_55 = arith.constant 2 : i32
        %add3A_56 = arith.addi %mul3A_30, %add3A_55 : i32
        %dma_start3A_57 = arith.constant 0 : i32
        %dma_start3A_58 = tpu.memref_slice %arg7[%add3A_56, %dma_start3A_57] : memref<80x128xi32, #tpu.memory_space<vmem>> -> memref<1x128xi32, #tpu.memory_space<vmem>>
        %dma_start3A_59 = tpu.memref_squeeze %dma_start3A_58 : memref<1x128xi32, #tpu.memory_space<vmem>> -> memref<128xi32, #tpu.memory_space<vmem>>
        %dma_start3A_60 = arith.constant 0 : i32
        %dma_start3A_61 = arith.constant 0 : i32
        %dma_start3A_62 = tpu.memref_slice %arg4[%dma_start3A_60, %dma_start3A_61] : memref<10240x128xf32, #tpu.memory_space<hbm>> -> memref<10240x128xf32, #tpu.memory_space<hbm>>
        tpu.enqueue_indirect_dma source(%dma_start3A_62 : memref<10240x128xf32, #tpu.memory_space<hbm>>) target(%arg9 : memref<128x128xf32, #tpu.memory_space<vmem>>) offsets(%dma_start3A_59 : memref<128xi32, #tpu.memory_space<vmem>>) semaphore(%arg12 : memref<!tpu.dma_semaphore, #tpu.memory_space<semaphore_mem>>)
      } else {
      }
      %add3A_40 = arith.constant 1 : i32
      %add3A_41 = arith.addi %mul3A_30, %add3A_40 : i32
      %dma_wait3A_42 = arith.constant 0 : i32
      %dma_wait3A_43 = tpu.memref_slice %arg7[%add3A_41, %dma_wait3A_42] : memref<80x128xi32, #tpu.memory_space<vmem>> -> memref<1x128xi32, #tpu.memory_space<vmem>>
      %dma_wait3A_44 = tpu.memref_squeeze %dma_wait3A_43 : memref<1x128xi32, #tpu.memory_space<vmem>> -> memref<128xi32, #tpu.memory_space<vmem>>
      %dma_wait3A_45 = arith.constant 0 : i32
      %dma_wait3A_46 = arith.constant 0 : i32
      %dma_wait3A_47 = tpu.memref_slice %arg4[%dma_wait3A_45, %dma_wait3A_46] : memref<10240x128xf32, #tpu.memory_space<hbm>> -> memref<10240x128xf32, #tpu.memory_space<hbm>>
      tpu.wait_indirect_dma semaphore(%arg13 : memref<!tpu.dma_semaphore, #tpu.memory_space<semaphore_mem>>) src(%dma_wait3A_47 : memref<10240x128xf32, #tpu.memory_space<hbm>>) dst(%arg10 : memref<128x128xf32, #tpu.memory_space<vmem>>)
      "tpu.region"() ({
        %run_scoped3A = tpu.sem_alloc : memref<!tpu.dma_semaphore, #tpu.memory_space<semaphore_mem>>
        %dma_start3A_55 = arith.constant 0 : i32
        %dma_start3A_56 = tpu.memref_slice %arg8[%add3A_41, %dma_start3A_55] : memref<80x128xi32, #tpu.memory_space<vmem>> -> memref<1x128xi32, #tpu.memory_space<vmem>>
        %dma_start3A_57 = tpu.memref_squeeze %dma_start3A_56 : memref<1x128xi32, #tpu.memory_space<vmem>> -> memref<128xi32, #tpu.memory_space<vmem>>
        %dma_start3A_58 = arith.constant 0 : i32
        %dma_start3A_59 = arith.constant 0 : i32
        %dma_start3A_60 = tpu.memref_slice %arg11[%dma_start3A_58, %dma_start3A_59] : memref<2560x128xf32, #tpu.memory_space<vmem_shared>> -> memref<2560x128xf32, #tpu.memory_space<vmem_shared>>
        tpu.enqueue_indirect_dma source(%arg10 : memref<128x128xf32, #tpu.memory_space<vmem>>) target(%dma_start3A_60 : memref<2560x128xf32, #tpu.memory_space<vmem_shared>>) offsets(%dma_start3A_57 : memref<128xi32, #tpu.memory_space<vmem>>) semaphore(%run_scoped3A : memref<!tpu.dma_semaphore, #tpu.memory_space<semaphore_mem>>) {add = true}
        %dma_wait3A_61 = arith.constant 0 : i32
        %dma_wait3A_62 = tpu.memref_slice %arg8[%add3A_41, %dma_wait3A_61] : memref<80x128xi32, #tpu.memory_space<vmem>> -> memref<1x128xi32, #tpu.memory_space<vmem>>
        %dma_wait3A_63 = tpu.memref_squeeze %dma_wait3A_62 : memref<1x128xi32, #tpu.memory_space<vmem>> -> memref<128xi32, #tpu.memory_space<vmem>>
        %dma_wait3A_64 = arith.constant 0 : i32
        %dma_wait3A_65 = arith.constant 0 : i32
        %dma_wait3A_66 = tpu.memref_slice %arg11[%dma_wait3A_64, %dma_wait3A_65] : memref<2560x128xf32, #tpu.memory_space<vmem_shared>> -> memref<2560x128xf32, #tpu.memory_space<vmem_shared>>
        tpu.wait_indirect_dma semaphore(%run_scoped3A : memref<!tpu.dma_semaphore, #tpu.memory_space<semaphore_mem>>) src(%arg10 : memref<128x128xf32, #tpu.memory_space<vmem>>) dst(%dma_wait3A_66 : memref<2560x128xf32, #tpu.memory_space<vmem_shared>>)
        tpu.yield
      }) : () -> ()
      %add3A_48 = arith.constant 3 : i32
      %add3A_49 = arith.addi %mul3A_30, %add3A_48 : i32
      %lt3A_50 = arith.constant 80 : i32
      %lt3A_51 = arith.cmpi slt, %add3A_49, %lt3A_50 : i32
      %convert_element_type3A_52 = arith.extui %lt3A_51 : i1 to i32
      %cond3A_53 = arith.constant 0 : i32
      %cond3A_54 = arith.cmpi ne, %convert_element_type3A_52, %cond3A_53 : i32
      scf.if %cond3A_54 {
        %add3A_55 = arith.constant 3 : i32
        %add3A_56 = arith.addi %mul3A_30, %add3A_55 : i32
        %dma_start3A_57 = arith.constant 0 : i32
        %dma_start3A_58 = tpu.memref_slice %arg7[%add3A_56, %dma_start3A_57] : memref<80x128xi32, #tpu.memory_space<vmem>> -> memref<1x128xi32, #tpu.memory_space<vmem>>
        %dma_start3A_59 = tpu.memref_squeeze %dma_start3A_58 : memref<1x128xi32, #tpu.memory_space<vmem>> -> memref<128xi32, #tpu.memory_space<vmem>>
        %dma_start3A_60 = arith.constant 0 : i32
        %dma_start3A_61 = arith.constant 0 : i32
        %dma_start3A_62 = tpu.memref_slice %arg4[%dma_start3A_60, %dma_start3A_61] : memref<10240x128xf32, #tpu.memory_space<hbm>> -> memref<10240x128xf32, #tpu.memory_space<hbm>>
        tpu.enqueue_indirect_dma source(%dma_start3A_62 : memref<10240x128xf32, #tpu.memory_space<hbm>>) target(%arg10 : memref<128x128xf32, #tpu.memory_space<vmem>>) offsets(%dma_start3A_59 : memref<128xi32, #tpu.memory_space<vmem>>) semaphore(%arg13 : memref<!tpu.dma_semaphore, #tpu.memory_space<semaphore_mem>>)
      } else {
      }
    }
    %scan3A_22 = arith.constant 40 : i32
    %barrier3A_23 = arith.constant 0 : index
    tpu.barrier barrier_id(%barrier3A_23)
    %mul3A_24 = arith.constant 160 : i32
    %mul3A_25 = arith.muli %arg1, %mul3A_24 : i32
    %mul3A_26 = arith.constant 160 : i32
    %mul3A_27 = arith.muli %arg1, %mul3A_26 : i32
    "tpu.region"() ({
      %run_scoped3A = tpu.sem_alloc : memref<!tpu.dma_semaphore, #tpu.memory_space<semaphore_mem>>
      %dma_start3A_28 = arith.constant 0 : i32
      %dma_start3A_29 = tpu.memref_slice %arg6[%arg0, %mul3A_27, %dma_start3A_28] : memref<2x2560x128xf32, #tpu.memory_space<hbm>> -> memref<1x160x128xf32, #tpu.memory_space<hbm>>
      %dma_start3A_30 = tpu.memref_squeeze %dma_start3A_29 : memref<1x160x128xf32, #tpu.memory_space<hbm>> -> memref<160x128xf32, #tpu.memory_space<hbm>>
      %dma_start3A_31 = arith.constant 0 : i32
      %dma_start3A_32 = tpu.memref_slice %arg11[%mul3A_25, %dma_start3A_31] : memref<2560x128xf32, #tpu.memory_space<vmem_shared>> -> memref<160x128xf32, #tpu.memory_space<vmem_shared>>
      tpu.enqueue_dma source(%dma_start3A_32 : memref<160x128xf32, #tpu.memory_space<vmem_shared>>) target(%dma_start3A_30 : memref<160x128xf32, #tpu.memory_space<hbm>>) target_semaphore(%run_scoped3A : memref<!tpu.dma_semaphore, #tpu.memory_space<semaphore_mem>>)
      %dma_wait3A = arith.constant 0 : i32
      %dma_wait3A_33 = tpu.memref_slice %arg6[%arg0, %mul3A_27, %dma_wait3A] : memref<2x2560x128xf32, #tpu.memory_space<hbm>> -> memref<1x160x128xf32, #tpu.memory_space<hbm>>
      %dma_wait3A_34 = tpu.memref_squeeze %dma_wait3A_33 : memref<1x160x128xf32, #tpu.memory_space<hbm>> -> memref<160x128xf32, #tpu.memory_space<hbm>>
      %dma_wait3A_35 = arith.constant 0 : i32
      %dma_wait3A_36 = tpu.memref_slice %arg11[%mul3A_25, %dma_wait3A_35] : memref<2560x128xf32, #tpu.memory_space<vmem_shared>> -> memref<160x128xf32, #tpu.memory_space<vmem_shared>>
      tpu.wait_dma2 semaphore(%run_scoped3A : memref<!tpu.dma_semaphore, #tpu.memory_space<semaphore_mem>>) src(%dma_wait3A_36 : memref<160x128xf32, #tpu.memory_space<vmem_shared>>) dst(%dma_wait3A_34 : memref<160x128xf32, #tpu.memory_space<hbm>>)
      tpu.yield
    }) : () -> ()
    return
  }
}

#map = affine_map<(d0, d1) -> (0, 0)>
#map1 = affine_map<(d0, d1) -> (0, 0, 0)>
module attributes {stable_mosaic.version = 14 : i64} {
  func.func @body(%arg0: i32, %arg1: i32, %arg2: memref<2560x128xi32, #tpu.memory_space<hbm>>, %arg3: memref<2x2560x128xi32, #tpu.memory_space<hbm>>, %arg4: memref<2560x128xf32, #tpu.memory_space<hbm>>, %arg5: memref<328x128xf32, #tpu.memory_space<hbm>>, %arg6: memref<2x5248x128xf32, #tpu.memory_space<hbm>>, %arg7: memref<160x128xi32, #tpu.memory_space<vmem>>, %arg8: memref<160x128xi32, #tpu.memory_space<vmem>>, %arg9: memref<128x128xf32, #tpu.memory_space<vmem>>, %arg10: memref<128x128xf32, #tpu.memory_space<vmem>>, %arg11: memref<5248x128xf32, #tpu.memory_space<vmem_shared>>, %arg12: memref<!tpu.dma_semaphore, #tpu.memory_space<semaphore_mem>>, %arg13: memref<!tpu.dma_semaphore, #tpu.memory_space<semaphore_mem>>) attributes {dimension_semantics = [#tpu.dimension_semantics<core_parallel>, #tpu.dimension_semantics<subcore_parallel>], iteration_bounds = array<i64: 2, 16>, scalar_prefetch = 0 : i64, scratch_operands = 7 : i64, tpu.core_type = #tpu.core_type<sc_vector_subcore>, window_params = [{transform_indices = #map}, {transform_indices = #map1}, {transform_indices = #map}, {transform_indices = #map}, {transform_indices = #map1}]} {
    %mul3A = arith.constant 160 : i32
    %mul3A_0 = arith.muli %arg1, %mul3A : i32
    %mul3A_1 = arith.constant 328 : i32
    %mul3A_2 = arith.muli %arg1, %mul3A_1 : i32
    "tpu.region"() ({
      %run_scoped3A = tpu.sem_alloc : memref<!tpu.dma_semaphore, #tpu.memory_space<semaphore_mem>>
      %dma_start3A_26 = arith.constant 0 : i32
      %dma_start3A_27 = tpu.memref_slice %arg11[%mul3A_2, %dma_start3A_26] : memref<5248x128xf32, #tpu.memory_space<vmem_shared>> -> memref<328x128xf32, #tpu.memory_space<vmem_shared>>
      tpu.enqueue_dma source(%arg5 : memref<328x128xf32, #tpu.memory_space<hbm>>) target(%dma_start3A_27 : memref<328x128xf32, #tpu.memory_space<vmem_shared>>) target_semaphore(%run_scoped3A : memref<!tpu.dma_semaphore, #tpu.memory_space<semaphore_mem>>)
      %dma_wait3A = arith.constant 0 : i32
      %dma_wait3A_28 = tpu.memref_slice %arg11[%mul3A_2, %dma_wait3A] : memref<5248x128xf32, #tpu.memory_space<vmem_shared>> -> memref<328x128xf32, #tpu.memory_space<vmem_shared>>
      tpu.wait_dma2 semaphore(%run_scoped3A : memref<!tpu.dma_semaphore, #tpu.memory_space<semaphore_mem>>) src(%arg5 : memref<328x128xf32, #tpu.memory_space<hbm>>) dst(%dma_wait3A_28 : memref<328x128xf32, #tpu.memory_space<vmem_shared>>)
      tpu.yield
    }) : () -> ()
    "tpu.region"() ({
      %run_scoped3A = tpu.sem_alloc : memref<!tpu.dma_semaphore, #tpu.memory_space<semaphore_mem>>
      %dma_start3A_26 = arith.constant 0 : i32
      %dma_start3A_27 = tpu.memref_slice %arg2[%mul3A_0, %dma_start3A_26] : memref<2560x128xi32, #tpu.memory_space<hbm>> -> memref<160x128xi32, #tpu.memory_space<hbm>>
      %dma_start3A_28 = arith.constant 0 : i32
      %dma_start3A_29 = tpu.memref_slice %arg2[%mul3A_0, %dma_start3A_28] : memref<2560x128xi32, #tpu.memory_space<hbm>> -> memref<160x128xi32, #tpu.memory_space<hbm>>
      tpu.enqueue_dma source(%dma_start3A_29 : memref<160x128xi32, #tpu.memory_space<hbm>>) target(%arg7 : memref<160x128xi32, #tpu.memory_space<vmem>>) target_semaphore(%run_scoped3A : memref<!tpu.dma_semaphore, #tpu.memory_space<semaphore_mem>>)
      %dma_wait3A = arith.constant 0 : i32
      %dma_wait3A_30 = tpu.memref_slice %arg2[%mul3A_0, %dma_wait3A] : memref<2560x128xi32, #tpu.memory_space<hbm>> -> memref<160x128xi32, #tpu.memory_space<hbm>>
      %dma_wait3A_31 = arith.constant 0 : i32
      %dma_wait3A_32 = tpu.memref_slice %arg2[%mul3A_0, %dma_wait3A_31] : memref<2560x128xi32, #tpu.memory_space<hbm>> -> memref<160x128xi32, #tpu.memory_space<hbm>>
      tpu.wait_dma2 semaphore(%run_scoped3A : memref<!tpu.dma_semaphore, #tpu.memory_space<semaphore_mem>>) src(%dma_wait3A_32 : memref<160x128xi32, #tpu.memory_space<hbm>>) dst(%arg7 : memref<160x128xi32, #tpu.memory_space<vmem>>)
      tpu.yield
    }) : () -> ()
    "tpu.region"() ({
      %run_scoped3A = tpu.sem_alloc : memref<!tpu.dma_semaphore, #tpu.memory_space<semaphore_mem>>
      %dma_start3A_26 = arith.constant 0 : i32
      %dma_start3A_27 = tpu.memref_slice %arg3[%arg0, %mul3A_0, %dma_start3A_26] : memref<2x2560x128xi32, #tpu.memory_space<hbm>> -> memref<1x160x128xi32, #tpu.memory_space<hbm>>
      %dma_start3A_28 = tpu.memref_squeeze %dma_start3A_27 : memref<1x160x128xi32, #tpu.memory_space<hbm>> -> memref<160x128xi32, #tpu.memory_space<hbm>>
      %dma_start3A_29 = arith.constant 0 : i32
      %dma_start3A_30 = tpu.memref_slice %arg3[%arg0, %mul3A_0, %dma_start3A_29] : memref<2x2560x128xi32, #tpu.memory_space<hbm>> -> memref<1x160x128xi32, #tpu.memory_space<hbm>>
      %dma_start3A_31 = tpu.memref_squeeze %dma_start3A_30 : memref<1x160x128xi32, #tpu.memory_space<hbm>> -> memref<160x128xi32, #tpu.memory_space<hbm>>
      tpu.enqueue_dma source(%dma_start3A_31 : memref<160x128xi32, #tpu.memory_space<hbm>>) target(%arg8 : memref<160x128xi32, #tpu.memory_space<vmem>>) target_semaphore(%run_scoped3A : memref<!tpu.dma_semaphore, #tpu.memory_space<semaphore_mem>>)
      %dma_wait3A = arith.constant 0 : i32
      %dma_wait3A_32 = tpu.memref_slice %arg3[%arg0, %mul3A_0, %dma_wait3A] : memref<2x2560x128xi32, #tpu.memory_space<hbm>> -> memref<1x160x128xi32, #tpu.memory_space<hbm>>
      %dma_wait3A_33 = tpu.memref_squeeze %dma_wait3A_32 : memref<1x160x128xi32, #tpu.memory_space<hbm>> -> memref<160x128xi32, #tpu.memory_space<hbm>>
      %dma_wait3A_34 = arith.constant 0 : i32
      %dma_wait3A_35 = tpu.memref_slice %arg3[%arg0, %mul3A_0, %dma_wait3A_34] : memref<2x2560x128xi32, #tpu.memory_space<hbm>> -> memref<1x160x128xi32, #tpu.memory_space<hbm>>
      %dma_wait3A_36 = tpu.memref_squeeze %dma_wait3A_35 : memref<1x160x128xi32, #tpu.memory_space<hbm>> -> memref<160x128xi32, #tpu.memory_space<hbm>>
      tpu.wait_dma2 semaphore(%run_scoped3A : memref<!tpu.dma_semaphore, #tpu.memory_space<semaphore_mem>>) src(%dma_wait3A_36 : memref<160x128xi32, #tpu.memory_space<hbm>>) dst(%arg8 : memref<160x128xi32, #tpu.memory_space<vmem>>)
      tpu.yield
    }) : () -> ()
    %barrier3A = arith.constant 0 : index
    tpu.barrier barrier_id(%barrier3A)
    %dma_start3A = arith.constant 0 : i32
    %dma_start3A_3 = arith.constant 0 : i32
    %dma_start3A_4 = tpu.memref_slice %arg7[%dma_start3A, %dma_start3A_3] : memref<160x128xi32, #tpu.memory_space<vmem>> -> memref<1x128xi32, #tpu.memory_space<vmem>>
    %dma_start3A_5 = tpu.memref_squeeze %dma_start3A_4 : memref<1x128xi32, #tpu.memory_space<vmem>> -> memref<128xi32, #tpu.memory_space<vmem>>
    %dma_start3A_6 = arith.constant 0 : i32
    %dma_start3A_7 = arith.constant 0 : i32
    %dma_start3A_8 = tpu.memref_slice %arg4[%dma_start3A_6, %dma_start3A_7] : memref<2560x128xf32, #tpu.memory_space<hbm>> -> memref<2560x128xf32, #tpu.memory_space<hbm>>
    tpu.enqueue_indirect_dma source(%dma_start3A_8 : memref<2560x128xf32, #tpu.memory_space<hbm>>) target(%arg9 : memref<128x128xf32, #tpu.memory_space<vmem>>) offsets(%dma_start3A_5 : memref<128xi32, #tpu.memory_space<vmem>>) semaphore(%arg12 : memref<!tpu.dma_semaphore, #tpu.memory_space<semaphore_mem>>)
    %dma_start3A_9 = arith.constant 1 : i32
    %dma_start3A_10 = arith.constant 0 : i32
    %dma_start3A_11 = tpu.memref_slice %arg7[%dma_start3A_9, %dma_start3A_10] : memref<160x128xi32, #tpu.memory_space<vmem>> -> memref<1x128xi32, #tpu.memory_space<vmem>>
    %dma_start3A_12 = tpu.memref_squeeze %dma_start3A_11 : memref<1x128xi32, #tpu.memory_space<vmem>> -> memref<128xi32, #tpu.memory_space<vmem>>
    %dma_start3A_13 = arith.constant 0 : i32
    %dma_start3A_14 = arith.constant 0 : i32
    %dma_start3A_15 = tpu.memref_slice %arg4[%dma_start3A_13, %dma_start3A_14] : memref<2560x128xf32, #tpu.memory_space<hbm>> -> memref<2560x128xf32, #tpu.memory_space<hbm>>
    tpu.enqueue_indirect_dma source(%dma_start3A_15 : memref<2560x128xf32, #tpu.memory_space<hbm>>) target(%arg10 : memref<128x128xf32, #tpu.memory_space<vmem>>) offsets(%dma_start3A_12 : memref<128xi32, #tpu.memory_space<vmem>>) semaphore(%arg13 : memref<!tpu.dma_semaphore, #tpu.memory_space<semaphore_mem>>)
    %scan3A = arith.constant 0 : i32
    %scan3A_16 = arith.constant 0 : i32
    %scan3A_17 = arith.constant 80 : i32
    %scan3A_18 = arith.addi %scan3A_16, %scan3A_17 : i32
    %scan3A_19 = arith.constant 1 : i32
    scf.for %scan3A_26 = %scan3A_16 to %scan3A_18 step %scan3A_19  : i32 {
      %mul3A_27 = arith.constant 2 : i32
      %mul3A_28 = arith.muli %mul3A_27, %scan3A_26 : i32
      %dma_wait3A = arith.constant 0 : i32
      %dma_wait3A_29 = tpu.memref_slice %arg7[%mul3A_28, %dma_wait3A] : memref<160x128xi32, #tpu.memory_space<vmem>> -> memref<1x128xi32, #tpu.memory_space<vmem>>
      %dma_wait3A_30 = tpu.memref_squeeze %dma_wait3A_29 : memref<1x128xi32, #tpu.memory_space<vmem>> -> memref<128xi32, #tpu.memory_space<vmem>>
      %dma_wait3A_31 = arith.constant 0 : i32
      %dma_wait3A_32 = arith.constant 0 : i32
      %dma_wait3A_33 = tpu.memref_slice %arg4[%dma_wait3A_31, %dma_wait3A_32] : memref<2560x128xf32, #tpu.memory_space<hbm>> -> memref<2560x128xf32, #tpu.memory_space<hbm>>
      tpu.wait_indirect_dma semaphore(%arg12 : memref<!tpu.dma_semaphore, #tpu.memory_space<semaphore_mem>>) src(%dma_wait3A_33 : memref<2560x128xf32, #tpu.memory_space<hbm>>) dst(%arg9 : memref<128x128xf32, #tpu.memory_space<vmem>>)
      "tpu.region"() ({
        %run_scoped3A = tpu.sem_alloc : memref<!tpu.dma_semaphore, #tpu.memory_space<semaphore_mem>>
        %dma_start3A_52 = arith.constant 0 : i32
        %dma_start3A_53 = tpu.memref_slice %arg8[%mul3A_28, %dma_start3A_52] : memref<160x128xi32, #tpu.memory_space<vmem>> -> memref<1x128xi32, #tpu.memory_space<vmem>>
        %dma_start3A_54 = tpu.memref_squeeze %dma_start3A_53 : memref<1x128xi32, #tpu.memory_space<vmem>> -> memref<128xi32, #tpu.memory_space<vmem>>
        %dma_start3A_55 = arith.constant 0 : i32
        %dma_start3A_56 = arith.constant 0 : i32
        %dma_start3A_57 = tpu.memref_slice %arg11[%dma_start3A_55, %dma_start3A_56] : memref<5248x128xf32, #tpu.memory_space<vmem_shared>> -> memref<5248x128xf32, #tpu.memory_space<vmem_shared>>
        tpu.enqueue_indirect_dma source(%arg9 : memref<128x128xf32, #tpu.memory_space<vmem>>) target(%dma_start3A_57 : memref<5248x128xf32, #tpu.memory_space<vmem_shared>>) offsets(%dma_start3A_54 : memref<128xi32, #tpu.memory_space<vmem>>) semaphore(%run_scoped3A : memref<!tpu.dma_semaphore, #tpu.memory_space<semaphore_mem>>) {add = true}
        %dma_wait3A_58 = arith.constant 0 : i32
        %dma_wait3A_59 = tpu.memref_slice %arg8[%mul3A_28, %dma_wait3A_58] : memref<160x128xi32, #tpu.memory_space<vmem>> -> memref<1x128xi32, #tpu.memory_space<vmem>>
        %dma_wait3A_60 = tpu.memref_squeeze %dma_wait3A_59 : memref<1x128xi32, #tpu.memory_space<vmem>> -> memref<128xi32, #tpu.memory_space<vmem>>
        %dma_wait3A_61 = arith.constant 0 : i32
        %dma_wait3A_62 = arith.constant 0 : i32
        %dma_wait3A_63 = tpu.memref_slice %arg11[%dma_wait3A_61, %dma_wait3A_62] : memref<5248x128xf32, #tpu.memory_space<vmem_shared>> -> memref<5248x128xf32, #tpu.memory_space<vmem_shared>>
        tpu.wait_indirect_dma semaphore(%run_scoped3A : memref<!tpu.dma_semaphore, #tpu.memory_space<semaphore_mem>>) src(%arg9 : memref<128x128xf32, #tpu.memory_space<vmem>>) dst(%dma_wait3A_63 : memref<5248x128xf32, #tpu.memory_space<vmem_shared>>)
        tpu.yield
      }) : () -> ()
      %add3A = arith.constant 2 : i32
      %add3A_34 = arith.addi %mul3A_28, %add3A : i32
      %lt3A = arith.constant 160 : i32
      %lt3A_35 = arith.cmpi slt, %add3A_34, %lt3A : i32
      %convert_element_type3A = arith.extui %lt3A_35 : i1 to i32
      %cond3A = arith.constant 0 : i32
      %cond3A_36 = arith.cmpi ne, %convert_element_type3A, %cond3A : i32
      scf.if %cond3A_36 {
        %add3A_52 = arith.constant 2 : i32
        %add3A_53 = arith.addi %mul3A_28, %add3A_52 : i32
        %dma_start3A_54 = arith.constant 0 : i32
        %dma_start3A_55 = tpu.memref_slice %arg7[%add3A_53, %dma_start3A_54] : memref<160x128xi32, #tpu.memory_space<vmem>> -> memref<1x128xi32, #tpu.memory_space<vmem>>
        %dma_start3A_56 = tpu.memref_squeeze %dma_start3A_55 : memref<1x128xi32, #tpu.memory_space<vmem>> -> memref<128xi32, #tpu.memory_space<vmem>>
        %dma_start3A_57 = arith.constant 0 : i32
        %dma_start3A_58 = arith.constant 0 : i32
        %dma_start3A_59 = tpu.memref_slice %arg4[%dma_start3A_57, %dma_start3A_58] : memref<2560x128xf32, #tpu.memory_space<hbm>> -> memref<2560x128xf32, #tpu.memory_space<hbm>>
        tpu.enqueue_indirect_dma source(%dma_start3A_59 : memref<2560x128xf32, #tpu.memory_space<hbm>>) target(%arg9 : memref<128x128xf32, #tpu.memory_space<vmem>>) offsets(%dma_start3A_56 : memref<128xi32, #tpu.memory_space<vmem>>) semaphore(%arg12 : memref<!tpu.dma_semaphore, #tpu.memory_space<semaphore_mem>>)
      } else {
      }
      %add3A_37 = arith.constant 1 : i32
      %add3A_38 = arith.addi %mul3A_28, %add3A_37 : i32
      %dma_wait3A_39 = arith.constant 0 : i32
      %dma_wait3A_40 = tpu.memref_slice %arg7[%add3A_38, %dma_wait3A_39] : memref<160x128xi32, #tpu.memory_space<vmem>> -> memref<1x128xi32, #tpu.memory_space<vmem>>
      %dma_wait3A_41 = tpu.memref_squeeze %dma_wait3A_40 : memref<1x128xi32, #tpu.memory_space<vmem>> -> memref<128xi32, #tpu.memory_space<vmem>>
      %dma_wait3A_42 = arith.constant 0 : i32
      %dma_wait3A_43 = arith.constant 0 : i32
      %dma_wait3A_44 = tpu.memref_slice %arg4[%dma_wait3A_42, %dma_wait3A_43] : memref<2560x128xf32, #tpu.memory_space<hbm>> -> memref<2560x128xf32, #tpu.memory_space<hbm>>
      tpu.wait_indirect_dma semaphore(%arg13 : memref<!tpu.dma_semaphore, #tpu.memory_space<semaphore_mem>>) src(%dma_wait3A_44 : memref<2560x128xf32, #tpu.memory_space<hbm>>) dst(%arg10 : memref<128x128xf32, #tpu.memory_space<vmem>>)
      "tpu.region"() ({
        %run_scoped3A = tpu.sem_alloc : memref<!tpu.dma_semaphore, #tpu.memory_space<semaphore_mem>>
        %dma_start3A_52 = arith.constant 0 : i32
        %dma_start3A_53 = tpu.memref_slice %arg8[%add3A_38, %dma_start3A_52] : memref<160x128xi32, #tpu.memory_space<vmem>> -> memref<1x128xi32, #tpu.memory_space<vmem>>
        %dma_start3A_54 = tpu.memref_squeeze %dma_start3A_53 : memref<1x128xi32, #tpu.memory_space<vmem>> -> memref<128xi32, #tpu.memory_space<vmem>>
        %dma_start3A_55 = arith.constant 0 : i32
        %dma_start3A_56 = arith.constant 0 : i32
        %dma_start3A_57 = tpu.memref_slice %arg11[%dma_start3A_55, %dma_start3A_56] : memref<5248x128xf32, #tpu.memory_space<vmem_shared>> -> memref<5248x128xf32, #tpu.memory_space<vmem_shared>>
        tpu.enqueue_indirect_dma source(%arg10 : memref<128x128xf32, #tpu.memory_space<vmem>>) target(%dma_start3A_57 : memref<5248x128xf32, #tpu.memory_space<vmem_shared>>) offsets(%dma_start3A_54 : memref<128xi32, #tpu.memory_space<vmem>>) semaphore(%run_scoped3A : memref<!tpu.dma_semaphore, #tpu.memory_space<semaphore_mem>>) {add = true}
        %dma_wait3A_58 = arith.constant 0 : i32
        %dma_wait3A_59 = tpu.memref_slice %arg8[%add3A_38, %dma_wait3A_58] : memref<160x128xi32, #tpu.memory_space<vmem>> -> memref<1x128xi32, #tpu.memory_space<vmem>>
        %dma_wait3A_60 = tpu.memref_squeeze %dma_wait3A_59 : memref<1x128xi32, #tpu.memory_space<vmem>> -> memref<128xi32, #tpu.memory_space<vmem>>
        %dma_wait3A_61 = arith.constant 0 : i32
        %dma_wait3A_62 = arith.constant 0 : i32
        %dma_wait3A_63 = tpu.memref_slice %arg11[%dma_wait3A_61, %dma_wait3A_62] : memref<5248x128xf32, #tpu.memory_space<vmem_shared>> -> memref<5248x128xf32, #tpu.memory_space<vmem_shared>>
        tpu.wait_indirect_dma semaphore(%run_scoped3A : memref<!tpu.dma_semaphore, #tpu.memory_space<semaphore_mem>>) src(%arg10 : memref<128x128xf32, #tpu.memory_space<vmem>>) dst(%dma_wait3A_63 : memref<5248x128xf32, #tpu.memory_space<vmem_shared>>)
        tpu.yield
      }) : () -> ()
      %add3A_45 = arith.constant 3 : i32
      %add3A_46 = arith.addi %mul3A_28, %add3A_45 : i32
      %lt3A_47 = arith.constant 160 : i32
      %lt3A_48 = arith.cmpi slt, %add3A_46, %lt3A_47 : i32
      %convert_element_type3A_49 = arith.extui %lt3A_48 : i1 to i32
      %cond3A_50 = arith.constant 0 : i32
      %cond3A_51 = arith.cmpi ne, %convert_element_type3A_49, %cond3A_50 : i32
      scf.if %cond3A_51 {
        %add3A_52 = arith.constant 3 : i32
        %add3A_53 = arith.addi %mul3A_28, %add3A_52 : i32
        %dma_start3A_54 = arith.constant 0 : i32
        %dma_start3A_55 = tpu.memref_slice %arg7[%add3A_53, %dma_start3A_54] : memref<160x128xi32, #tpu.memory_space<vmem>> -> memref<1x128xi32, #tpu.memory_space<vmem>>
        %dma_start3A_56 = tpu.memref_squeeze %dma_start3A_55 : memref<1x128xi32, #tpu.memory_space<vmem>> -> memref<128xi32, #tpu.memory_space<vmem>>
        %dma_start3A_57 = arith.constant 0 : i32
        %dma_start3A_58 = arith.constant 0 : i32
        %dma_start3A_59 = tpu.memref_slice %arg4[%dma_start3A_57, %dma_start3A_58] : memref<2560x128xf32, #tpu.memory_space<hbm>> -> memref<2560x128xf32, #tpu.memory_space<hbm>>
        tpu.enqueue_indirect_dma source(%dma_start3A_59 : memref<2560x128xf32, #tpu.memory_space<hbm>>) target(%arg10 : memref<128x128xf32, #tpu.memory_space<vmem>>) offsets(%dma_start3A_56 : memref<128xi32, #tpu.memory_space<vmem>>) semaphore(%arg13 : memref<!tpu.dma_semaphore, #tpu.memory_space<semaphore_mem>>)
      } else {
      }
    }
    %scan3A_20 = arith.constant 80 : i32
    %barrier3A_21 = arith.constant 0 : index
    tpu.barrier barrier_id(%barrier3A_21)
    %mul3A_22 = arith.constant 328 : i32
    %mul3A_23 = arith.muli %arg1, %mul3A_22 : i32
    %mul3A_24 = arith.constant 328 : i32
    %mul3A_25 = arith.muli %arg1, %mul3A_24 : i32
    "tpu.region"() ({
      %run_scoped3A = tpu.sem_alloc : memref<!tpu.dma_semaphore, #tpu.memory_space<semaphore_mem>>
      %dma_start3A_26 = arith.constant 0 : i32
      %dma_start3A_27 = tpu.memref_slice %arg6[%arg0, %mul3A_25, %dma_start3A_26] : memref<2x5248x128xf32, #tpu.memory_space<hbm>> -> memref<1x328x128xf32, #tpu.memory_space<hbm>>
      %dma_start3A_28 = tpu.memref_squeeze %dma_start3A_27 : memref<1x328x128xf32, #tpu.memory_space<hbm>> -> memref<328x128xf32, #tpu.memory_space<hbm>>
      %dma_start3A_29 = arith.constant 0 : i32
      %dma_start3A_30 = tpu.memref_slice %arg11[%mul3A_23, %dma_start3A_29] : memref<5248x128xf32, #tpu.memory_space<vmem_shared>> -> memref<328x128xf32, #tpu.memory_space<vmem_shared>>
      tpu.enqueue_dma source(%dma_start3A_30 : memref<328x128xf32, #tpu.memory_space<vmem_shared>>) target(%dma_start3A_28 : memref<328x128xf32, #tpu.memory_space<hbm>>) target_semaphore(%run_scoped3A : memref<!tpu.dma_semaphore, #tpu.memory_space<semaphore_mem>>)
      %dma_wait3A = arith.constant 0 : i32
      %dma_wait3A_31 = tpu.memref_slice %arg6[%arg0, %mul3A_25, %dma_wait3A] : memref<2x5248x128xf32, #tpu.memory_space<hbm>> -> memref<1x328x128xf32, #tpu.memory_space<hbm>>
      %dma_wait3A_32 = tpu.memref_squeeze %dma_wait3A_31 : memref<1x328x128xf32, #tpu.memory_space<hbm>> -> memref<328x128xf32, #tpu.memory_space<hbm>>
      %dma_wait3A_33 = arith.constant 0 : i32
      %dma_wait3A_34 = tpu.memref_slice %arg11[%mul3A_23, %dma_wait3A_33] : memref<5248x128xf32, #tpu.memory_space<vmem_shared>> -> memref<328x128xf32, #tpu.memory_space<vmem_shared>>
      tpu.wait_dma2 semaphore(%run_scoped3A : memref<!tpu.dma_semaphore, #tpu.memory_space<semaphore_mem>>) src(%dma_wait3A_34 : memref<328x128xf32, #tpu.memory_space<vmem_shared>>) dst(%dma_wait3A_32 : memref<328x128xf32, #tpu.memory_space<hbm>>)
      tpu.yield
    }) : () -> ()
    return
  }
}

#map = affine_map<(d0, d1) -> (0, 0)>
#map1 = affine_map<(d0, d1) -> (0, 0, 0)>
module attributes {stable_mosaic.version = 14 : i64} {
  func.func @body(%arg0: i32, %arg1: i32, %arg2: memref<5120x128xi32, #tpu.memory_space<hbm>>, %arg3: memref<5120x128xi32, #tpu.memory_space<hbm>>, %arg4: memref<128x128xf32, #tpu.memory_space<hbm>>, %arg5: memref<256x128xf32, #tpu.memory_space<hbm>>, %arg6: memref<2x4096x128xf32, #tpu.memory_space<hbm>>, %arg7: memref<160x128xi32, #tpu.memory_space<vmem>>, %arg8: memref<160x128xi32, #tpu.memory_space<vmem>>, %arg9: memref<128x128xf32, #tpu.memory_space<vmem>>, %arg10: memref<128x128xf32, #tpu.memory_space<vmem>>, %arg11: memref<4096x128xf32, #tpu.memory_space<vmem_shared>>, %arg12: memref<!tpu.dma_semaphore, #tpu.memory_space<semaphore_mem>>, %arg13: memref<!tpu.dma_semaphore, #tpu.memory_space<semaphore_mem>>) attributes {dimension_semantics = [#tpu.dimension_semantics<core_parallel>, #tpu.dimension_semantics<subcore_parallel>], iteration_bounds = array<i64: 2, 16>, scalar_prefetch = 0 : i64, scratch_operands = 7 : i64, tpu.core_type = #tpu.core_type<sc_vector_subcore>, window_params = [{transform_indices = #map}, {transform_indices = #map}, {transform_indices = #map}, {transform_indices = #map}, {transform_indices = #map1}]} {
    %mul3A = arith.constant 16 : i32
    %mul3A_0 = arith.muli %arg0, %mul3A : i32
    %add3A = arith.addi %mul3A_0, %arg1 : i32
    %mul3A_1 = arith.constant 160 : i32
    %mul3A_2 = arith.muli %add3A, %mul3A_1 : i32
    %mul3A_3 = arith.constant 256 : i32
    %mul3A_4 = arith.muli %arg1, %mul3A_3 : i32
    "tpu.region"() ({
      %run_scoped3A = tpu.sem_alloc : memref<!tpu.dma_semaphore, #tpu.memory_space<semaphore_mem>>
      %dma_start3A_28 = arith.constant 0 : i32
      %dma_start3A_29 = tpu.memref_slice %arg11[%mul3A_4, %dma_start3A_28] : memref<4096x128xf32, #tpu.memory_space<vmem_shared>> -> memref<256x128xf32, #tpu.memory_space<vmem_shared>>
      tpu.enqueue_dma source(%arg5 : memref<256x128xf32, #tpu.memory_space<hbm>>) target(%dma_start3A_29 : memref<256x128xf32, #tpu.memory_space<vmem_shared>>) target_semaphore(%run_scoped3A : memref<!tpu.dma_semaphore, #tpu.memory_space<semaphore_mem>>)
      %dma_wait3A = arith.constant 0 : i32
      %dma_wait3A_30 = tpu.memref_slice %arg11[%mul3A_4, %dma_wait3A] : memref<4096x128xf32, #tpu.memory_space<vmem_shared>> -> memref<256x128xf32, #tpu.memory_space<vmem_shared>>
      tpu.wait_dma2 semaphore(%run_scoped3A : memref<!tpu.dma_semaphore, #tpu.memory_space<semaphore_mem>>) src(%arg5 : memref<256x128xf32, #tpu.memory_space<hbm>>) dst(%dma_wait3A_30 : memref<256x128xf32, #tpu.memory_space<vmem_shared>>)
      tpu.yield
    }) : () -> ()
    "tpu.region"() ({
      %run_scoped3A = tpu.sem_alloc : memref<!tpu.dma_semaphore, #tpu.memory_space<semaphore_mem>>
      %dma_start3A_28 = arith.constant 0 : i32
      %dma_start3A_29 = tpu.memref_slice %arg2[%mul3A_2, %dma_start3A_28] : memref<5120x128xi32, #tpu.memory_space<hbm>> -> memref<160x128xi32, #tpu.memory_space<hbm>>
      %dma_start3A_30 = arith.constant 0 : i32
      %dma_start3A_31 = tpu.memref_slice %arg2[%mul3A_2, %dma_start3A_30] : memref<5120x128xi32, #tpu.memory_space<hbm>> -> memref<160x128xi32, #tpu.memory_space<hbm>>
      tpu.enqueue_dma source(%dma_start3A_31 : memref<160x128xi32, #tpu.memory_space<hbm>>) target(%arg7 : memref<160x128xi32, #tpu.memory_space<vmem>>) target_semaphore(%run_scoped3A : memref<!tpu.dma_semaphore, #tpu.memory_space<semaphore_mem>>)
      %dma_wait3A = arith.constant 0 : i32
      %dma_wait3A_32 = tpu.memref_slice %arg2[%mul3A_2, %dma_wait3A] : memref<5120x128xi32, #tpu.memory_space<hbm>> -> memref<160x128xi32, #tpu.memory_space<hbm>>
      %dma_wait3A_33 = arith.constant 0 : i32
      %dma_wait3A_34 = tpu.memref_slice %arg2[%mul3A_2, %dma_wait3A_33] : memref<5120x128xi32, #tpu.memory_space<hbm>> -> memref<160x128xi32, #tpu.memory_space<hbm>>
      tpu.wait_dma2 semaphore(%run_scoped3A : memref<!tpu.dma_semaphore, #tpu.memory_space<semaphore_mem>>) src(%dma_wait3A_34 : memref<160x128xi32, #tpu.memory_space<hbm>>) dst(%arg7 : memref<160x128xi32, #tpu.memory_space<vmem>>)
      tpu.yield
    }) : () -> ()
    "tpu.region"() ({
      %run_scoped3A = tpu.sem_alloc : memref<!tpu.dma_semaphore, #tpu.memory_space<semaphore_mem>>
      %dma_start3A_28 = arith.constant 0 : i32
      %dma_start3A_29 = tpu.memref_slice %arg3[%mul3A_2, %dma_start3A_28] : memref<5120x128xi32, #tpu.memory_space<hbm>> -> memref<160x128xi32, #tpu.memory_space<hbm>>
      %dma_start3A_30 = arith.constant 0 : i32
      %dma_start3A_31 = tpu.memref_slice %arg3[%mul3A_2, %dma_start3A_30] : memref<5120x128xi32, #tpu.memory_space<hbm>> -> memref<160x128xi32, #tpu.memory_space<hbm>>
      tpu.enqueue_dma source(%dma_start3A_31 : memref<160x128xi32, #tpu.memory_space<hbm>>) target(%arg8 : memref<160x128xi32, #tpu.memory_space<vmem>>) target_semaphore(%run_scoped3A : memref<!tpu.dma_semaphore, #tpu.memory_space<semaphore_mem>>)
      %dma_wait3A = arith.constant 0 : i32
      %dma_wait3A_32 = tpu.memref_slice %arg3[%mul3A_2, %dma_wait3A] : memref<5120x128xi32, #tpu.memory_space<hbm>> -> memref<160x128xi32, #tpu.memory_space<hbm>>
      %dma_wait3A_33 = arith.constant 0 : i32
      %dma_wait3A_34 = tpu.memref_slice %arg3[%mul3A_2, %dma_wait3A_33] : memref<5120x128xi32, #tpu.memory_space<hbm>> -> memref<160x128xi32, #tpu.memory_space<hbm>>
      tpu.wait_dma2 semaphore(%run_scoped3A : memref<!tpu.dma_semaphore, #tpu.memory_space<semaphore_mem>>) src(%dma_wait3A_34 : memref<160x128xi32, #tpu.memory_space<hbm>>) dst(%arg8 : memref<160x128xi32, #tpu.memory_space<vmem>>)
      tpu.yield
    }) : () -> ()
    %barrier3A = arith.constant 0 : index
    tpu.barrier barrier_id(%barrier3A)
    %dma_start3A = arith.constant 0 : i32
    %dma_start3A_5 = arith.constant 0 : i32
    %dma_start3A_6 = tpu.memref_slice %arg7[%dma_start3A, %dma_start3A_5] : memref<160x128xi32, #tpu.memory_space<vmem>> -> memref<1x128xi32, #tpu.memory_space<vmem>>
    %dma_start3A_7 = tpu.memref_squeeze %dma_start3A_6 : memref<1x128xi32, #tpu.memory_space<vmem>> -> memref<128xi32, #tpu.memory_space<vmem>>
    %dma_start3A_8 = arith.constant 0 : i32
    %dma_start3A_9 = arith.constant 0 : i32
    %dma_start3A_10 = tpu.memref_slice %arg4[%dma_start3A_8, %dma_start3A_9] : memref<128x128xf32, #tpu.memory_space<hbm>> -> memref<128x128xf32, #tpu.memory_space<hbm>>
    tpu.enqueue_indirect_dma source(%dma_start3A_10 : memref<128x128xf32, #tpu.memory_space<hbm>>) target(%arg9 : memref<128x128xf32, #tpu.memory_space<vmem>>) offsets(%dma_start3A_7 : memref<128xi32, #tpu.memory_space<vmem>>) semaphore(%arg12 : memref<!tpu.dma_semaphore, #tpu.memory_space<semaphore_mem>>)
    %dma_start3A_11 = arith.constant 1 : i32
    %dma_start3A_12 = arith.constant 0 : i32
    %dma_start3A_13 = tpu.memref_slice %arg7[%dma_start3A_11, %dma_start3A_12] : memref<160x128xi32, #tpu.memory_space<vmem>> -> memref<1x128xi32, #tpu.memory_space<vmem>>
    %dma_start3A_14 = tpu.memref_squeeze %dma_start3A_13 : memref<1x128xi32, #tpu.memory_space<vmem>> -> memref<128xi32, #tpu.memory_space<vmem>>
    %dma_start3A_15 = arith.constant 0 : i32
    %dma_start3A_16 = arith.constant 0 : i32
    %dma_start3A_17 = tpu.memref_slice %arg4[%dma_start3A_15, %dma_start3A_16] : memref<128x128xf32, #tpu.memory_space<hbm>> -> memref<128x128xf32, #tpu.memory_space<hbm>>
    tpu.enqueue_indirect_dma source(%dma_start3A_17 : memref<128x128xf32, #tpu.memory_space<hbm>>) target(%arg10 : memref<128x128xf32, #tpu.memory_space<vmem>>) offsets(%dma_start3A_14 : memref<128xi32, #tpu.memory_space<vmem>>) semaphore(%arg13 : memref<!tpu.dma_semaphore, #tpu.memory_space<semaphore_mem>>)
    %scan3A = arith.constant 0 : i32
    %scan3A_18 = arith.constant 0 : i32
    %scan3A_19 = arith.constant 80 : i32
    %scan3A_20 = arith.addi %scan3A_18, %scan3A_19 : i32
    %scan3A_21 = arith.constant 1 : i32
    scf.for %scan3A_28 = %scan3A_18 to %scan3A_20 step %scan3A_21  : i32 {
      %mul3A_29 = arith.constant 2 : i32
      %mul3A_30 = arith.muli %mul3A_29, %scan3A_28 : i32
      %dma_wait3A = arith.constant 0 : i32
      %dma_wait3A_31 = tpu.memref_slice %arg7[%mul3A_30, %dma_wait3A] : memref<160x128xi32, #tpu.memory_space<vmem>> -> memref<1x128xi32, #tpu.memory_space<vmem>>
      %dma_wait3A_32 = tpu.memref_squeeze %dma_wait3A_31 : memref<1x128xi32, #tpu.memory_space<vmem>> -> memref<128xi32, #tpu.memory_space<vmem>>
      %dma_wait3A_33 = arith.constant 0 : i32
      %dma_wait3A_34 = arith.constant 0 : i32
      %dma_wait3A_35 = tpu.memref_slice %arg4[%dma_wait3A_33, %dma_wait3A_34] : memref<128x128xf32, #tpu.memory_space<hbm>> -> memref<128x128xf32, #tpu.memory_space<hbm>>
      tpu.wait_indirect_dma semaphore(%arg12 : memref<!tpu.dma_semaphore, #tpu.memory_space<semaphore_mem>>) src(%dma_wait3A_35 : memref<128x128xf32, #tpu.memory_space<hbm>>) dst(%arg9 : memref<128x128xf32, #tpu.memory_space<vmem>>)
      "tpu.region"() ({
        %run_scoped3A = tpu.sem_alloc : memref<!tpu.dma_semaphore, #tpu.memory_space<semaphore_mem>>
        %dma_start3A_55 = arith.constant 0 : i32
        %dma_start3A_56 = tpu.memref_slice %arg8[%mul3A_30, %dma_start3A_55] : memref<160x128xi32, #tpu.memory_space<vmem>> -> memref<1x128xi32, #tpu.memory_space<vmem>>
        %dma_start3A_57 = tpu.memref_squeeze %dma_start3A_56 : memref<1x128xi32, #tpu.memory_space<vmem>> -> memref<128xi32, #tpu.memory_space<vmem>>
        %dma_start3A_58 = arith.constant 0 : i32
        %dma_start3A_59 = arith.constant 0 : i32
        %dma_start3A_60 = tpu.memref_slice %arg11[%dma_start3A_58, %dma_start3A_59] : memref<4096x128xf32, #tpu.memory_space<vmem_shared>> -> memref<4096x128xf32, #tpu.memory_space<vmem_shared>>
        tpu.enqueue_indirect_dma source(%arg9 : memref<128x128xf32, #tpu.memory_space<vmem>>) target(%dma_start3A_60 : memref<4096x128xf32, #tpu.memory_space<vmem_shared>>) offsets(%dma_start3A_57 : memref<128xi32, #tpu.memory_space<vmem>>) semaphore(%run_scoped3A : memref<!tpu.dma_semaphore, #tpu.memory_space<semaphore_mem>>) {add = true}
        %dma_wait3A_61 = arith.constant 0 : i32
        %dma_wait3A_62 = tpu.memref_slice %arg8[%mul3A_30, %dma_wait3A_61] : memref<160x128xi32, #tpu.memory_space<vmem>> -> memref<1x128xi32, #tpu.memory_space<vmem>>
        %dma_wait3A_63 = tpu.memref_squeeze %dma_wait3A_62 : memref<1x128xi32, #tpu.memory_space<vmem>> -> memref<128xi32, #tpu.memory_space<vmem>>
        %dma_wait3A_64 = arith.constant 0 : i32
        %dma_wait3A_65 = arith.constant 0 : i32
        %dma_wait3A_66 = tpu.memref_slice %arg11[%dma_wait3A_64, %dma_wait3A_65] : memref<4096x128xf32, #tpu.memory_space<vmem_shared>> -> memref<4096x128xf32, #tpu.memory_space<vmem_shared>>
        tpu.wait_indirect_dma semaphore(%run_scoped3A : memref<!tpu.dma_semaphore, #tpu.memory_space<semaphore_mem>>) src(%arg9 : memref<128x128xf32, #tpu.memory_space<vmem>>) dst(%dma_wait3A_66 : memref<4096x128xf32, #tpu.memory_space<vmem_shared>>)
        tpu.yield
      }) : () -> ()
      %add3A_36 = arith.constant 2 : i32
      %add3A_37 = arith.addi %mul3A_30, %add3A_36 : i32
      %lt3A = arith.constant 160 : i32
      %lt3A_38 = arith.cmpi slt, %add3A_37, %lt3A : i32
      %convert_element_type3A = arith.extui %lt3A_38 : i1 to i32
      %cond3A = arith.constant 0 : i32
      %cond3A_39 = arith.cmpi ne, %convert_element_type3A, %cond3A : i32
      scf.if %cond3A_39 {
        %add3A_55 = arith.constant 2 : i32
        %add3A_56 = arith.addi %mul3A_30, %add3A_55 : i32
        %dma_start3A_57 = arith.constant 0 : i32
        %dma_start3A_58 = tpu.memref_slice %arg7[%add3A_56, %dma_start3A_57] : memref<160x128xi32, #tpu.memory_space<vmem>> -> memref<1x128xi32, #tpu.memory_space<vmem>>
        %dma_start3A_59 = tpu.memref_squeeze %dma_start3A_58 : memref<1x128xi32, #tpu.memory_space<vmem>> -> memref<128xi32, #tpu.memory_space<vmem>>
        %dma_start3A_60 = arith.constant 0 : i32
        %dma_start3A_61 = arith.constant 0 : i32
        %dma_start3A_62 = tpu.memref_slice %arg4[%dma_start3A_60, %dma_start3A_61] : memref<128x128xf32, #tpu.memory_space<hbm>> -> memref<128x128xf32, #tpu.memory_space<hbm>>
        tpu.enqueue_indirect_dma source(%dma_start3A_62 : memref<128x128xf32, #tpu.memory_space<hbm>>) target(%arg9 : memref<128x128xf32, #tpu.memory_space<vmem>>) offsets(%dma_start3A_59 : memref<128xi32, #tpu.memory_space<vmem>>) semaphore(%arg12 : memref<!tpu.dma_semaphore, #tpu.memory_space<semaphore_mem>>)
      } else {
      }
      %add3A_40 = arith.constant 1 : i32
      %add3A_41 = arith.addi %mul3A_30, %add3A_40 : i32
      %dma_wait3A_42 = arith.constant 0 : i32
      %dma_wait3A_43 = tpu.memref_slice %arg7[%add3A_41, %dma_wait3A_42] : memref<160x128xi32, #tpu.memory_space<vmem>> -> memref<1x128xi32, #tpu.memory_space<vmem>>
      %dma_wait3A_44 = tpu.memref_squeeze %dma_wait3A_43 : memref<1x128xi32, #tpu.memory_space<vmem>> -> memref<128xi32, #tpu.memory_space<vmem>>
      %dma_wait3A_45 = arith.constant 0 : i32
      %dma_wait3A_46 = arith.constant 0 : i32
      %dma_wait3A_47 = tpu.memref_slice %arg4[%dma_wait3A_45, %dma_wait3A_46] : memref<128x128xf32, #tpu.memory_space<hbm>> -> memref<128x128xf32, #tpu.memory_space<hbm>>
      tpu.wait_indirect_dma semaphore(%arg13 : memref<!tpu.dma_semaphore, #tpu.memory_space<semaphore_mem>>) src(%dma_wait3A_47 : memref<128x128xf32, #tpu.memory_space<hbm>>) dst(%arg10 : memref<128x128xf32, #tpu.memory_space<vmem>>)
      "tpu.region"() ({
        %run_scoped3A = tpu.sem_alloc : memref<!tpu.dma_semaphore, #tpu.memory_space<semaphore_mem>>
        %dma_start3A_55 = arith.constant 0 : i32
        %dma_start3A_56 = tpu.memref_slice %arg8[%add3A_41, %dma_start3A_55] : memref<160x128xi32, #tpu.memory_space<vmem>> -> memref<1x128xi32, #tpu.memory_space<vmem>>
        %dma_start3A_57 = tpu.memref_squeeze %dma_start3A_56 : memref<1x128xi32, #tpu.memory_space<vmem>> -> memref<128xi32, #tpu.memory_space<vmem>>
        %dma_start3A_58 = arith.constant 0 : i32
        %dma_start3A_59 = arith.constant 0 : i32
        %dma_start3A_60 = tpu.memref_slice %arg11[%dma_start3A_58, %dma_start3A_59] : memref<4096x128xf32, #tpu.memory_space<vmem_shared>> -> memref<4096x128xf32, #tpu.memory_space<vmem_shared>>
        tpu.enqueue_indirect_dma source(%arg10 : memref<128x128xf32, #tpu.memory_space<vmem>>) target(%dma_start3A_60 : memref<4096x128xf32, #tpu.memory_space<vmem_shared>>) offsets(%dma_start3A_57 : memref<128xi32, #tpu.memory_space<vmem>>) semaphore(%run_scoped3A : memref<!tpu.dma_semaphore, #tpu.memory_space<semaphore_mem>>) {add = true}
        %dma_wait3A_61 = arith.constant 0 : i32
        %dma_wait3A_62 = tpu.memref_slice %arg8[%add3A_41, %dma_wait3A_61] : memref<160x128xi32, #tpu.memory_space<vmem>> -> memref<1x128xi32, #tpu.memory_space<vmem>>
        %dma_wait3A_63 = tpu.memref_squeeze %dma_wait3A_62 : memref<1x128xi32, #tpu.memory_space<vmem>> -> memref<128xi32, #tpu.memory_space<vmem>>
        %dma_wait3A_64 = arith.constant 0 : i32
        %dma_wait3A_65 = arith.constant 0 : i32
        %dma_wait3A_66 = tpu.memref_slice %arg11[%dma_wait3A_64, %dma_wait3A_65] : memref<4096x128xf32, #tpu.memory_space<vmem_shared>> -> memref<4096x128xf32, #tpu.memory_space<vmem_shared>>
        tpu.wait_indirect_dma semaphore(%run_scoped3A : memref<!tpu.dma_semaphore, #tpu.memory_space<semaphore_mem>>) src(%arg10 : memref<128x128xf32, #tpu.memory_space<vmem>>) dst(%dma_wait3A_66 : memref<4096x128xf32, #tpu.memory_space<vmem_shared>>)
        tpu.yield
      }) : () -> ()
      %add3A_48 = arith.constant 3 : i32
      %add3A_49 = arith.addi %mul3A_30, %add3A_48 : i32
      %lt3A_50 = arith.constant 160 : i32
      %lt3A_51 = arith.cmpi slt, %add3A_49, %lt3A_50 : i32
      %convert_element_type3A_52 = arith.extui %lt3A_51 : i1 to i32
      %cond3A_53 = arith.constant 0 : i32
      %cond3A_54 = arith.cmpi ne, %convert_element_type3A_52, %cond3A_53 : i32
      scf.if %cond3A_54 {
        %add3A_55 = arith.constant 3 : i32
        %add3A_56 = arith.addi %mul3A_30, %add3A_55 : i32
        %dma_start3A_57 = arith.constant 0 : i32
        %dma_start3A_58 = tpu.memref_slice %arg7[%add3A_56, %dma_start3A_57] : memref<160x128xi32, #tpu.memory_space<vmem>> -> memref<1x128xi32, #tpu.memory_space<vmem>>
        %dma_start3A_59 = tpu.memref_squeeze %dma_start3A_58 : memref<1x128xi32, #tpu.memory_space<vmem>> -> memref<128xi32, #tpu.memory_space<vmem>>
        %dma_start3A_60 = arith.constant 0 : i32
        %dma_start3A_61 = arith.constant 0 : i32
        %dma_start3A_62 = tpu.memref_slice %arg4[%dma_start3A_60, %dma_start3A_61] : memref<128x128xf32, #tpu.memory_space<hbm>> -> memref<128x128xf32, #tpu.memory_space<hbm>>
        tpu.enqueue_indirect_dma source(%dma_start3A_62 : memref<128x128xf32, #tpu.memory_space<hbm>>) target(%arg10 : memref<128x128xf32, #tpu.memory_space<vmem>>) offsets(%dma_start3A_59 : memref<128xi32, #tpu.memory_space<vmem>>) semaphore(%arg13 : memref<!tpu.dma_semaphore, #tpu.memory_space<semaphore_mem>>)
      } else {
      }
    }
    %scan3A_22 = arith.constant 80 : i32
    %barrier3A_23 = arith.constant 0 : index
    tpu.barrier barrier_id(%barrier3A_23)
    %mul3A_24 = arith.constant 256 : i32
    %mul3A_25 = arith.muli %arg1, %mul3A_24 : i32
    %mul3A_26 = arith.constant 256 : i32
    %mul3A_27 = arith.muli %arg1, %mul3A_26 : i32
    "tpu.region"() ({
      %run_scoped3A = tpu.sem_alloc : memref<!tpu.dma_semaphore, #tpu.memory_space<semaphore_mem>>
      %dma_start3A_28 = arith.constant 0 : i32
      %dma_start3A_29 = tpu.memref_slice %arg6[%arg0, %mul3A_27, %dma_start3A_28] : memref<2x4096x128xf32, #tpu.memory_space<hbm>> -> memref<1x256x128xf32, #tpu.memory_space<hbm>>
      %dma_start3A_30 = tpu.memref_squeeze %dma_start3A_29 : memref<1x256x128xf32, #tpu.memory_space<hbm>> -> memref<256x128xf32, #tpu.memory_space<hbm>>
      %dma_start3A_31 = arith.constant 0 : i32
      %dma_start3A_32 = tpu.memref_slice %arg11[%mul3A_25, %dma_start3A_31] : memref<4096x128xf32, #tpu.memory_space<vmem_shared>> -> memref<256x128xf32, #tpu.memory_space<vmem_shared>>
      tpu.enqueue_dma source(%dma_start3A_32 : memref<256x128xf32, #tpu.memory_space<vmem_shared>>) target(%dma_start3A_30 : memref<256x128xf32, #tpu.memory_space<hbm>>) target_semaphore(%run_scoped3A : memref<!tpu.dma_semaphore, #tpu.memory_space<semaphore_mem>>)
      %dma_wait3A = arith.constant 0 : i32
      %dma_wait3A_33 = tpu.memref_slice %arg6[%arg0, %mul3A_27, %dma_wait3A] : memref<2x4096x128xf32, #tpu.memory_space<hbm>> -> memref<1x256x128xf32, #tpu.memory_space<hbm>>
      %dma_wait3A_34 = tpu.memref_squeeze %dma_wait3A_33 : memref<1x256x128xf32, #tpu.memory_space<hbm>> -> memref<256x128xf32, #tpu.memory_space<hbm>>
      %dma_wait3A_35 = arith.constant 0 : i32
      %dma_wait3A_36 = tpu.memref_slice %arg11[%mul3A_25, %dma_wait3A_35] : memref<4096x128xf32, #tpu.memory_space<vmem_shared>> -> memref<256x128xf32, #tpu.memory_space<vmem_shared>>
      tpu.wait_dma2 semaphore(%run_scoped3A : memref<!tpu.dma_semaphore, #tpu.memory_space<semaphore_mem>>) src(%dma_wait3A_36 : memref<256x128xf32, #tpu.memory_space<vmem_shared>>) dst(%dma_wait3A_34 : memref<256x128xf32, #tpu.memory_space<hbm>>)
      tpu.yield
    }) : () -> ()
    return
  }
}

#map = affine_map<(d0, d1) -> (0, 0)>
#map1 = affine_map<(d0, d1) -> (0, 0, 0)>
module attributes {stable_mosaic.version = 14 : i64} {
  func.func @body(%arg0: i32, %arg1: i32, %arg2: memref<2560x128xi32, #tpu.memory_space<hbm>>, %arg3: memref<2560x128xi32, #tpu.memory_space<hbm>>, %arg4: memref<10240x128xf32, #tpu.memory_space<hbm>>, %arg5: memref<160x128xf32, #tpu.memory_space<hbm>>, %arg6: memref<2x2560x128xf32, #tpu.memory_space<hbm>>, %arg7: memref<80x128xi32, #tpu.memory_space<vmem>>, %arg8: memref<80x128xi32, #tpu.memory_space<vmem>>, %arg9: memref<128x128xf32, #tpu.memory_space<vmem>>, %arg10: memref<128x128xf32, #tpu.memory_space<vmem>>, %arg11: memref<2560x128xf32, #tpu.memory_space<vmem_shared>>, %arg12: memref<!tpu.dma_semaphore, #tpu.memory_space<semaphore_mem>>, %arg13: memref<!tpu.dma_semaphore, #tpu.memory_space<semaphore_mem>>) attributes {dimension_semantics = [#tpu.dimension_semantics<core_parallel>, #tpu.dimension_semantics<subcore_parallel>], iteration_bounds = array<i64: 2, 16>, scalar_prefetch = 0 : i64, scratch_operands = 7 : i64, tpu.core_type = #tpu.core_type<sc_vector_subcore>, window_params = [{transform_indices = #map}, {transform_indices = #map}, {transform_indices = #map}, {transform_indices = #map}, {transform_indices = #map1}]} {
    %mul3A = arith.constant 16 : i32
    %mul3A_0 = arith.muli %arg0, %mul3A : i32
    %add3A = arith.addi %mul3A_0, %arg1 : i32
    %mul3A_1 = arith.constant 80 : i32
    %mul3A_2 = arith.muli %add3A, %mul3A_1 : i32
    %mul3A_3 = arith.constant 160 : i32
    %mul3A_4 = arith.muli %arg1, %mul3A_3 : i32
    "tpu.region"() ({
      %run_scoped3A = tpu.sem_alloc : memref<!tpu.dma_semaphore, #tpu.memory_space<semaphore_mem>>
      %dma_start3A_28 = arith.constant 0 : i32
      %dma_start3A_29 = tpu.memref_slice %arg11[%mul3A_4, %dma_start3A_28] : memref<2560x128xf32, #tpu.memory_space<vmem_shared>> -> memref<160x128xf32, #tpu.memory_space<vmem_shared>>
      tpu.enqueue_dma source(%arg5 : memref<160x128xf32, #tpu.memory_space<hbm>>) target(%dma_start3A_29 : memref<160x128xf32, #tpu.memory_space<vmem_shared>>) target_semaphore(%run_scoped3A : memref<!tpu.dma_semaphore, #tpu.memory_space<semaphore_mem>>)
      %dma_wait3A = arith.constant 0 : i32
      %dma_wait3A_30 = tpu.memref_slice %arg11[%mul3A_4, %dma_wait3A] : memref<2560x128xf32, #tpu.memory_space<vmem_shared>> -> memref<160x128xf32, #tpu.memory_space<vmem_shared>>
      tpu.wait_dma2 semaphore(%run_scoped3A : memref<!tpu.dma_semaphore, #tpu.memory_space<semaphore_mem>>) src(%arg5 : memref<160x128xf32, #tpu.memory_space<hbm>>) dst(%dma_wait3A_30 : memref<160x128xf32, #tpu.memory_space<vmem_shared>>)
      tpu.yield
    }) : () -> ()
    "tpu.region"() ({
      %run_scoped3A = tpu.sem_alloc : memref<!tpu.dma_semaphore, #tpu.memory_space<semaphore_mem>>
      %dma_start3A_28 = arith.constant 0 : i32
      %dma_start3A_29 = tpu.memref_slice %arg2[%mul3A_2, %dma_start3A_28] : memref<2560x128xi32, #tpu.memory_space<hbm>> -> memref<80x128xi32, #tpu.memory_space<hbm>>
      %dma_start3A_30 = arith.constant 0 : i32
      %dma_start3A_31 = tpu.memref_slice %arg2[%mul3A_2, %dma_start3A_30] : memref<2560x128xi32, #tpu.memory_space<hbm>> -> memref<80x128xi32, #tpu.memory_space<hbm>>
      tpu.enqueue_dma source(%dma_start3A_31 : memref<80x128xi32, #tpu.memory_space<hbm>>) target(%arg7 : memref<80x128xi32, #tpu.memory_space<vmem>>) target_semaphore(%run_scoped3A : memref<!tpu.dma_semaphore, #tpu.memory_space<semaphore_mem>>)
      %dma_wait3A = arith.constant 0 : i32
      %dma_wait3A_32 = tpu.memref_slice %arg2[%mul3A_2, %dma_wait3A] : memref<2560x128xi32, #tpu.memory_space<hbm>> -> memref<80x128xi32, #tpu.memory_space<hbm>>
      %dma_wait3A_33 = arith.constant 0 : i32
      %dma_wait3A_34 = tpu.memref_slice %arg2[%mul3A_2, %dma_wait3A_33] : memref<2560x128xi32, #tpu.memory_space<hbm>> -> memref<80x128xi32, #tpu.memory_space<hbm>>
      tpu.wait_dma2 semaphore(%run_scoped3A : memref<!tpu.dma_semaphore, #tpu.memory_space<semaphore_mem>>) src(%dma_wait3A_34 : memref<80x128xi32, #tpu.memory_space<hbm>>) dst(%arg7 : memref<80x128xi32, #tpu.memory_space<vmem>>)
      tpu.yield
    }) : () -> ()
    "tpu.region"() ({
      %run_scoped3A = tpu.sem_alloc : memref<!tpu.dma_semaphore, #tpu.memory_space<semaphore_mem>>
      %dma_start3A_28 = arith.constant 0 : i32
      %dma_start3A_29 = tpu.memref_slice %arg3[%mul3A_2, %dma_start3A_28] : memref<2560x128xi32, #tpu.memory_space<hbm>> -> memref<80x128xi32, #tpu.memory_space<hbm>>
      %dma_start3A_30 = arith.constant 0 : i32
      %dma_start3A_31 = tpu.memref_slice %arg3[%mul3A_2, %dma_start3A_30] : memref<2560x128xi32, #tpu.memory_space<hbm>> -> memref<80x128xi32, #tpu.memory_space<hbm>>
      tpu.enqueue_dma source(%dma_start3A_31 : memref<80x128xi32, #tpu.memory_space<hbm>>) target(%arg8 : memref<80x128xi32, #tpu.memory_space<vmem>>) target_semaphore(%run_scoped3A : memref<!tpu.dma_semaphore, #tpu.memory_space<semaphore_mem>>)
      %dma_wait3A = arith.constant 0 : i32
      %dma_wait3A_32 = tpu.memref_slice %arg3[%mul3A_2, %dma_wait3A] : memref<2560x128xi32, #tpu.memory_space<hbm>> -> memref<80x128xi32, #tpu.memory_space<hbm>>
      %dma_wait3A_33 = arith.constant 0 : i32
      %dma_wait3A_34 = tpu.memref_slice %arg3[%mul3A_2, %dma_wait3A_33] : memref<2560x128xi32, #tpu.memory_space<hbm>> -> memref<80x128xi32, #tpu.memory_space<hbm>>
      tpu.wait_dma2 semaphore(%run_scoped3A : memref<!tpu.dma_semaphore, #tpu.memory_space<semaphore_mem>>) src(%dma_wait3A_34 : memref<80x128xi32, #tpu.memory_space<hbm>>) dst(%arg8 : memref<80x128xi32, #tpu.memory_space<vmem>>)
      tpu.yield
    }) : () -> ()
    %barrier3A = arith.constant 0 : index
    tpu.barrier barrier_id(%barrier3A)
    %dma_start3A = arith.constant 0 : i32
    %dma_start3A_5 = arith.constant 0 : i32
    %dma_start3A_6 = tpu.memref_slice %arg7[%dma_start3A, %dma_start3A_5] : memref<80x128xi32, #tpu.memory_space<vmem>> -> memref<1x128xi32, #tpu.memory_space<vmem>>
    %dma_start3A_7 = tpu.memref_squeeze %dma_start3A_6 : memref<1x128xi32, #tpu.memory_space<vmem>> -> memref<128xi32, #tpu.memory_space<vmem>>
    %dma_start3A_8 = arith.constant 0 : i32
    %dma_start3A_9 = arith.constant 0 : i32
    %dma_start3A_10 = tpu.memref_slice %arg4[%dma_start3A_8, %dma_start3A_9] : memref<10240x128xf32, #tpu.memory_space<hbm>> -> memref<10240x128xf32, #tpu.memory_space<hbm>>
    tpu.enqueue_indirect_dma source(%dma_start3A_10 : memref<10240x128xf32, #tpu.memory_space<hbm>>) target(%arg9 : memref<128x128xf32, #tpu.memory_space<vmem>>) offsets(%dma_start3A_7 : memref<128xi32, #tpu.memory_space<vmem>>) semaphore(%arg12 : memref<!tpu.dma_semaphore, #tpu.memory_space<semaphore_mem>>)
    %dma_start3A_11 = arith.constant 1 : i32
    %dma_start3A_12 = arith.constant 0 : i32
    %dma_start3A_13 = tpu.memref_slice %arg7[%dma_start3A_11, %dma_start3A_12] : memref<80x128xi32, #tpu.memory_space<vmem>> -> memref<1x128xi32, #tpu.memory_space<vmem>>
    %dma_start3A_14 = tpu.memref_squeeze %dma_start3A_13 : memref<1x128xi32, #tpu.memory_space<vmem>> -> memref<128xi32, #tpu.memory_space<vmem>>
    %dma_start3A_15 = arith.constant 0 : i32
    %dma_start3A_16 = arith.constant 0 : i32
    %dma_start3A_17 = tpu.memref_slice %arg4[%dma_start3A_15, %dma_start3A_16] : memref<10240x128xf32, #tpu.memory_space<hbm>> -> memref<10240x128xf32, #tpu.memory_space<hbm>>
    tpu.enqueue_indirect_dma source(%dma_start3A_17 : memref<10240x128xf32, #tpu.memory_space<hbm>>) target(%arg10 : memref<128x128xf32, #tpu.memory_space<vmem>>) offsets(%dma_start3A_14 : memref<128xi32, #tpu.memory_space<vmem>>) semaphore(%arg13 : memref<!tpu.dma_semaphore, #tpu.memory_space<semaphore_mem>>)
    %scan3A = arith.constant 0 : i32
    %scan3A_18 = arith.constant 0 : i32
    %scan3A_19 = arith.constant 40 : i32
    %scan3A_20 = arith.addi %scan3A_18, %scan3A_19 : i32
    %scan3A_21 = arith.constant 1 : i32
    scf.for %scan3A_28 = %scan3A_18 to %scan3A_20 step %scan3A_21  : i32 {
      %mul3A_29 = arith.constant 2 : i32
      %mul3A_30 = arith.muli %mul3A_29, %scan3A_28 : i32
      %dma_wait3A = arith.constant 0 : i32
      %dma_wait3A_31 = tpu.memref_slice %arg7[%mul3A_30, %dma_wait3A] : memref<80x128xi32, #tpu.memory_space<vmem>> -> memref<1x128xi32, #tpu.memory_space<vmem>>
      %dma_wait3A_32 = tpu.memref_squeeze %dma_wait3A_31 : memref<1x128xi32, #tpu.memory_space<vmem>> -> memref<128xi32, #tpu.memory_space<vmem>>
      %dma_wait3A_33 = arith.constant 0 : i32
      %dma_wait3A_34 = arith.constant 0 : i32
      %dma_wait3A_35 = tpu.memref_slice %arg4[%dma_wait3A_33, %dma_wait3A_34] : memref<10240x128xf32, #tpu.memory_space<hbm>> -> memref<10240x128xf32, #tpu.memory_space<hbm>>
      tpu.wait_indirect_dma semaphore(%arg12 : memref<!tpu.dma_semaphore, #tpu.memory_space<semaphore_mem>>) src(%dma_wait3A_35 : memref<10240x128xf32, #tpu.memory_space<hbm>>) dst(%arg9 : memref<128x128xf32, #tpu.memory_space<vmem>>)
      "tpu.region"() ({
        %run_scoped3A = tpu.sem_alloc : memref<!tpu.dma_semaphore, #tpu.memory_space<semaphore_mem>>
        %dma_start3A_55 = arith.constant 0 : i32
        %dma_start3A_56 = tpu.memref_slice %arg8[%mul3A_30, %dma_start3A_55] : memref<80x128xi32, #tpu.memory_space<vmem>> -> memref<1x128xi32, #tpu.memory_space<vmem>>
        %dma_start3A_57 = tpu.memref_squeeze %dma_start3A_56 : memref<1x128xi32, #tpu.memory_space<vmem>> -> memref<128xi32, #tpu.memory_space<vmem>>
        %dma_start3A_58 = arith.constant 0 : i32
        %dma_start3A_59 = arith.constant 0 : i32
        %dma_start3A_60 = tpu.memref_slice %arg11[%dma_start3A_58, %dma_start3A_59] : memref<2560x128xf32, #tpu.memory_space<vmem_shared>> -> memref<2560x128xf32, #tpu.memory_space<vmem_shared>>
        tpu.enqueue_indirect_dma source(%arg9 : memref<128x128xf32, #tpu.memory_space<vmem>>) target(%dma_start3A_60 : memref<2560x128xf32, #tpu.memory_space<vmem_shared>>) offsets(%dma_start3A_57 : memref<128xi32, #tpu.memory_space<vmem>>) semaphore(%run_scoped3A : memref<!tpu.dma_semaphore, #tpu.memory_space<semaphore_mem>>) {add = true}
        %dma_wait3A_61 = arith.constant 0 : i32
        %dma_wait3A_62 = tpu.memref_slice %arg8[%mul3A_30, %dma_wait3A_61] : memref<80x128xi32, #tpu.memory_space<vmem>> -> memref<1x128xi32, #tpu.memory_space<vmem>>
        %dma_wait3A_63 = tpu.memref_squeeze %dma_wait3A_62 : memref<1x128xi32, #tpu.memory_space<vmem>> -> memref<128xi32, #tpu.memory_space<vmem>>
        %dma_wait3A_64 = arith.constant 0 : i32
        %dma_wait3A_65 = arith.constant 0 : i32
        %dma_wait3A_66 = tpu.memref_slice %arg11[%dma_wait3A_64, %dma_wait3A_65] : memref<2560x128xf32, #tpu.memory_space<vmem_shared>> -> memref<2560x128xf32, #tpu.memory_space<vmem_shared>>
        tpu.wait_indirect_dma semaphore(%run_scoped3A : memref<!tpu.dma_semaphore, #tpu.memory_space<semaphore_mem>>) src(%arg9 : memref<128x128xf32, #tpu.memory_space<vmem>>) dst(%dma_wait3A_66 : memref<2560x128xf32, #tpu.memory_space<vmem_shared>>)
        tpu.yield
      }) : () -> ()
      %add3A_36 = arith.constant 2 : i32
      %add3A_37 = arith.addi %mul3A_30, %add3A_36 : i32
      %lt3A = arith.constant 80 : i32
      %lt3A_38 = arith.cmpi slt, %add3A_37, %lt3A : i32
      %convert_element_type3A = arith.extui %lt3A_38 : i1 to i32
      %cond3A = arith.constant 0 : i32
      %cond3A_39 = arith.cmpi ne, %convert_element_type3A, %cond3A : i32
      scf.if %cond3A_39 {
        %add3A_55 = arith.constant 2 : i32
        %add3A_56 = arith.addi %mul3A_30, %add3A_55 : i32
        %dma_start3A_57 = arith.constant 0 : i32
        %dma_start3A_58 = tpu.memref_slice %arg7[%add3A_56, %dma_start3A_57] : memref<80x128xi32, #tpu.memory_space<vmem>> -> memref<1x128xi32, #tpu.memory_space<vmem>>
        %dma_start3A_59 = tpu.memref_squeeze %dma_start3A_58 : memref<1x128xi32, #tpu.memory_space<vmem>> -> memref<128xi32, #tpu.memory_space<vmem>>
        %dma_start3A_60 = arith.constant 0 : i32
        %dma_start3A_61 = arith.constant 0 : i32
        %dma_start3A_62 = tpu.memref_slice %arg4[%dma_start3A_60, %dma_start3A_61] : memref<10240x128xf32, #tpu.memory_space<hbm>> -> memref<10240x128xf32, #tpu.memory_space<hbm>>
        tpu.enqueue_indirect_dma source(%dma_start3A_62 : memref<10240x128xf32, #tpu.memory_space<hbm>>) target(%arg9 : memref<128x128xf32, #tpu.memory_space<vmem>>) offsets(%dma_start3A_59 : memref<128xi32, #tpu.memory_space<vmem>>) semaphore(%arg12 : memref<!tpu.dma_semaphore, #tpu.memory_space<semaphore_mem>>)
      } else {
      }
      %add3A_40 = arith.constant 1 : i32
      %add3A_41 = arith.addi %mul3A_30, %add3A_40 : i32
      %dma_wait3A_42 = arith.constant 0 : i32
      %dma_wait3A_43 = tpu.memref_slice %arg7[%add3A_41, %dma_wait3A_42] : memref<80x128xi32, #tpu.memory_space<vmem>> -> memref<1x128xi32, #tpu.memory_space<vmem>>
      %dma_wait3A_44 = tpu.memref_squeeze %dma_wait3A_43 : memref<1x128xi32, #tpu.memory_space<vmem>> -> memref<128xi32, #tpu.memory_space<vmem>>
      %dma_wait3A_45 = arith.constant 0 : i32
      %dma_wait3A_46 = arith.constant 0 : i32
      %dma_wait3A_47 = tpu.memref_slice %arg4[%dma_wait3A_45, %dma_wait3A_46] : memref<10240x128xf32, #tpu.memory_space<hbm>> -> memref<10240x128xf32, #tpu.memory_space<hbm>>
      tpu.wait_indirect_dma semaphore(%arg13 : memref<!tpu.dma_semaphore, #tpu.memory_space<semaphore_mem>>) src(%dma_wait3A_47 : memref<10240x128xf32, #tpu.memory_space<hbm>>) dst(%arg10 : memref<128x128xf32, #tpu.memory_space<vmem>>)
      "tpu.region"() ({
        %run_scoped3A = tpu.sem_alloc : memref<!tpu.dma_semaphore, #tpu.memory_space<semaphore_mem>>
        %dma_start3A_55 = arith.constant 0 : i32
        %dma_start3A_56 = tpu.memref_slice %arg8[%add3A_41, %dma_start3A_55] : memref<80x128xi32, #tpu.memory_space<vmem>> -> memref<1x128xi32, #tpu.memory_space<vmem>>
        %dma_start3A_57 = tpu.memref_squeeze %dma_start3A_56 : memref<1x128xi32, #tpu.memory_space<vmem>> -> memref<128xi32, #tpu.memory_space<vmem>>
        %dma_start3A_58 = arith.constant 0 : i32
        %dma_start3A_59 = arith.constant 0 : i32
        %dma_start3A_60 = tpu.memref_slice %arg11[%dma_start3A_58, %dma_start3A_59] : memref<2560x128xf32, #tpu.memory_space<vmem_shared>> -> memref<2560x128xf32, #tpu.memory_space<vmem_shared>>
        tpu.enqueue_indirect_dma source(%arg10 : memref<128x128xf32, #tpu.memory_space<vmem>>) target(%dma_start3A_60 : memref<2560x128xf32, #tpu.memory_space<vmem_shared>>) offsets(%dma_start3A_57 : memref<128xi32, #tpu.memory_space<vmem>>) semaphore(%run_scoped3A : memref<!tpu.dma_semaphore, #tpu.memory_space<semaphore_mem>>) {add = true}
        %dma_wait3A_61 = arith.constant 0 : i32
        %dma_wait3A_62 = tpu.memref_slice %arg8[%add3A_41, %dma_wait3A_61] : memref<80x128xi32, #tpu.memory_space<vmem>> -> memref<1x128xi32, #tpu.memory_space<vmem>>
        %dma_wait3A_63 = tpu.memref_squeeze %dma_wait3A_62 : memref<1x128xi32, #tpu.memory_space<vmem>> -> memref<128xi32, #tpu.memory_space<vmem>>
        %dma_wait3A_64 = arith.constant 0 : i32
        %dma_wait3A_65 = arith.constant 0 : i32
        %dma_wait3A_66 = tpu.memref_slice %arg11[%dma_wait3A_64, %dma_wait3A_65] : memref<2560x128xf32, #tpu.memory_space<vmem_shared>> -> memref<2560x128xf32, #tpu.memory_space<vmem_shared>>
        tpu.wait_indirect_dma semaphore(%run_scoped3A : memref<!tpu.dma_semaphore, #tpu.memory_space<semaphore_mem>>) src(%arg10 : memref<128x128xf32, #tpu.memory_space<vmem>>) dst(%dma_wait3A_66 : memref<2560x128xf32, #tpu.memory_space<vmem_shared>>)
        tpu.yield
      }) : () -> ()
      %add3A_48 = arith.constant 3 : i32
      %add3A_49 = arith.addi %mul3A_30, %add3A_48 : i32
      %lt3A_50 = arith.constant 80 : i32
      %lt3A_51 = arith.cmpi slt, %add3A_49, %lt3A_50 : i32
      %convert_element_type3A_52 = arith.extui %lt3A_51 : i1 to i32
      %cond3A_53 = arith.constant 0 : i32
      %cond3A_54 = arith.cmpi ne, %convert_element_type3A_52, %cond3A_53 : i32
      scf.if %cond3A_54 {
        %add3A_55 = arith.constant 3 : i32
        %add3A_56 = arith.addi %mul3A_30, %add3A_55 : i32
        %dma_start3A_57 = arith.constant 0 : i32
        %dma_start3A_58 = tpu.memref_slice %arg7[%add3A_56, %dma_start3A_57] : memref<80x128xi32, #tpu.memory_space<vmem>> -> memref<1x128xi32, #tpu.memory_space<vmem>>
        %dma_start3A_59 = tpu.memref_squeeze %dma_start3A_58 : memref<1x128xi32, #tpu.memory_space<vmem>> -> memref<128xi32, #tpu.memory_space<vmem>>
        %dma_start3A_60 = arith.constant 0 : i32
        %dma_start3A_61 = arith.constant 0 : i32
        %dma_start3A_62 = tpu.memref_slice %arg4[%dma_start3A_60, %dma_start3A_61] : memref<10240x128xf32, #tpu.memory_space<hbm>> -> memref<10240x128xf32, #tpu.memory_space<hbm>>
        tpu.enqueue_indirect_dma source(%dma_start3A_62 : memref<10240x128xf32, #tpu.memory_space<hbm>>) target(%arg10 : memref<128x128xf32, #tpu.memory_space<vmem>>) offsets(%dma_start3A_59 : memref<128xi32, #tpu.memory_space<vmem>>) semaphore(%arg13 : memref<!tpu.dma_semaphore, #tpu.memory_space<semaphore_mem>>)
      } else {
      }
    }
    %scan3A_22 = arith.constant 40 : i32
    %barrier3A_23 = arith.constant 0 : index
    tpu.barrier barrier_id(%barrier3A_23)
    %mul3A_24 = arith.constant 160 : i32
    %mul3A_25 = arith.muli %arg1, %mul3A_24 : i32
    %mul3A_26 = arith.constant 160 : i32
    %mul3A_27 = arith.muli %arg1, %mul3A_26 : i32
    "tpu.region"() ({
      %run_scoped3A = tpu.sem_alloc : memref<!tpu.dma_semaphore, #tpu.memory_space<semaphore_mem>>
      %dma_start3A_28 = arith.constant 0 : i32
      %dma_start3A_29 = tpu.memref_slice %arg6[%arg0, %mul3A_27, %dma_start3A_28] : memref<2x2560x128xf32, #tpu.memory_space<hbm>> -> memref<1x160x128xf32, #tpu.memory_space<hbm>>
      %dma_start3A_30 = tpu.memref_squeeze %dma_start3A_29 : memref<1x160x128xf32, #tpu.memory_space<hbm>> -> memref<160x128xf32, #tpu.memory_space<hbm>>
      %dma_start3A_31 = arith.constant 0 : i32
      %dma_start3A_32 = tpu.memref_slice %arg11[%mul3A_25, %dma_start3A_31] : memref<2560x128xf32, #tpu.memory_space<vmem_shared>> -> memref<160x128xf32, #tpu.memory_space<vmem_shared>>
      tpu.enqueue_dma source(%dma_start3A_32 : memref<160x128xf32, #tpu.memory_space<vmem_shared>>) target(%dma_start3A_30 : memref<160x128xf32, #tpu.memory_space<hbm>>) target_semaphore(%run_scoped3A : memref<!tpu.dma_semaphore, #tpu.memory_space<semaphore_mem>>)
      %dma_wait3A = arith.constant 0 : i32
      %dma_wait3A_33 = tpu.memref_slice %arg6[%arg0, %mul3A_27, %dma_wait3A] : memref<2x2560x128xf32, #tpu.memory_space<hbm>> -> memref<1x160x128xf32, #tpu.memory_space<hbm>>
      %dma_wait3A_34 = tpu.memref_squeeze %dma_wait3A_33 : memref<1x160x128xf32, #tpu.memory_space<hbm>> -> memref<160x128xf32, #tpu.memory_space<hbm>>
      %dma_wait3A_35 = arith.constant 0 : i32
      %dma_wait3A_36 = tpu.memref_slice %arg11[%mul3A_25, %dma_wait3A_35] : memref<2560x128xf32, #tpu.memory_space<vmem_shared>> -> memref<160x128xf32, #tpu.memory_space<vmem_shared>>
      tpu.wait_dma2 semaphore(%run_scoped3A : memref<!tpu.dma_semaphore, #tpu.memory_space<semaphore_mem>>) src(%dma_wait3A_36 : memref<160x128xf32, #tpu.memory_space<vmem_shared>>) dst(%dma_wait3A_34 : memref<160x128xf32, #tpu.memory_space<hbm>>)
      tpu.yield
    }) : () -> ()
    return
  }
}

#map = affine_map<(d0, d1) -> (0, 0)>
#map1 = affine_map<(d0, d1) -> (0, 0, 0)>
module attributes {stable_mosaic.version = 14 : i64} {
  func.func @body(%arg0: i32, %arg1: i32, %arg2: memref<2560x128xi32, #tpu.memory_space<hbm>>, %arg3: memref<2560x128xi32, #tpu.memory_space<hbm>>, %arg4: memref<10240x128xf32, #tpu.memory_space<hbm>>, %arg5: memref<160x128xf32, #tpu.memory_space<hbm>>, %arg6: memref<2x2560x128xf32, #tpu.memory_space<hbm>>, %arg7: memref<80x128xi32, #tpu.memory_space<vmem>>, %arg8: memref<80x128xi32, #tpu.memory_space<vmem>>, %arg9: memref<128x128xf32, #tpu.memory_space<vmem>>, %arg10: memref<128x128xf32, #tpu.memory_space<vmem>>, %arg11: memref<2560x128xf32, #tpu.memory_space<vmem_shared>>, %arg12: memref<!tpu.dma_semaphore, #tpu.memory_space<semaphore_mem>>, %arg13: memref<!tpu.dma_semaphore, #tpu.memory_space<semaphore_mem>>) attributes {dimension_semantics = [#tpu.dimension_semantics<core_parallel>, #tpu.dimension_semantics<subcore_parallel>], iteration_bounds = array<i64: 2, 16>, scalar_prefetch = 0 : i64, scratch_operands = 7 : i64, tpu.core_type = #tpu.core_type<sc_vector_subcore>, window_params = [{transform_indices = #map}, {transform_indices = #map}, {transform_indices = #map}, {transform_indices = #map}, {transform_indices = #map1}]} {
    %mul3A = arith.constant 16 : i32
    %mul3A_0 = arith.muli %arg0, %mul3A : i32
    %add3A = arith.addi %mul3A_0, %arg1 : i32
    %mul3A_1 = arith.constant 80 : i32
    %mul3A_2 = arith.muli %add3A, %mul3A_1 : i32
    %mul3A_3 = arith.constant 160 : i32
    %mul3A_4 = arith.muli %arg1, %mul3A_3 : i32
    "tpu.region"() ({
      %run_scoped3A = tpu.sem_alloc : memref<!tpu.dma_semaphore, #tpu.memory_space<semaphore_mem>>
      %dma_start3A_28 = arith.constant 0 : i32
      %dma_start3A_29 = tpu.memref_slice %arg11[%mul3A_4, %dma_start3A_28] : memref<2560x128xf32, #tpu.memory_space<vmem_shared>> -> memref<160x128xf32, #tpu.memory_space<vmem_shared>>
      tpu.enqueue_dma source(%arg5 : memref<160x128xf32, #tpu.memory_space<hbm>>) target(%dma_start3A_29 : memref<160x128xf32, #tpu.memory_space<vmem_shared>>) target_semaphore(%run_scoped3A : memref<!tpu.dma_semaphore, #tpu.memory_space<semaphore_mem>>)
      %dma_wait3A = arith.constant 0 : i32
      %dma_wait3A_30 = tpu.memref_slice %arg11[%mul3A_4, %dma_wait3A] : memref<2560x128xf32, #tpu.memory_space<vmem_shared>> -> memref<160x128xf32, #tpu.memory_space<vmem_shared>>
      tpu.wait_dma2 semaphore(%run_scoped3A : memref<!tpu.dma_semaphore, #tpu.memory_space<semaphore_mem>>) src(%arg5 : memref<160x128xf32, #tpu.memory_space<hbm>>) dst(%dma_wait3A_30 : memref<160x128xf32, #tpu.memory_space<vmem_shared>>)
      tpu.yield
    }) : () -> ()
    "tpu.region"() ({
      %run_scoped3A = tpu.sem_alloc : memref<!tpu.dma_semaphore, #tpu.memory_space<semaphore_mem>>
      %dma_start3A_28 = arith.constant 0 : i32
      %dma_start3A_29 = tpu.memref_slice %arg2[%mul3A_2, %dma_start3A_28] : memref<2560x128xi32, #tpu.memory_space<hbm>> -> memref<80x128xi32, #tpu.memory_space<hbm>>
      %dma_start3A_30 = arith.constant 0 : i32
      %dma_start3A_31 = tpu.memref_slice %arg2[%mul3A_2, %dma_start3A_30] : memref<2560x128xi32, #tpu.memory_space<hbm>> -> memref<80x128xi32, #tpu.memory_space<hbm>>
      tpu.enqueue_dma source(%dma_start3A_31 : memref<80x128xi32, #tpu.memory_space<hbm>>) target(%arg7 : memref<80x128xi32, #tpu.memory_space<vmem>>) target_semaphore(%run_scoped3A : memref<!tpu.dma_semaphore, #tpu.memory_space<semaphore_mem>>)
      %dma_wait3A = arith.constant 0 : i32
      %dma_wait3A_32 = tpu.memref_slice %arg2[%mul3A_2, %dma_wait3A] : memref<2560x128xi32, #tpu.memory_space<hbm>> -> memref<80x128xi32, #tpu.memory_space<hbm>>
      %dma_wait3A_33 = arith.constant 0 : i32
      %dma_wait3A_34 = tpu.memref_slice %arg2[%mul3A_2, %dma_wait3A_33] : memref<2560x128xi32, #tpu.memory_space<hbm>> -> memref<80x128xi32, #tpu.memory_space<hbm>>
      tpu.wait_dma2 semaphore(%run_scoped3A : memref<!tpu.dma_semaphore, #tpu.memory_space<semaphore_mem>>) src(%dma_wait3A_34 : memref<80x128xi32, #tpu.memory_space<hbm>>) dst(%arg7 : memref<80x128xi32, #tpu.memory_space<vmem>>)
      tpu.yield
    }) : () -> ()
    "tpu.region"() ({
      %run_scoped3A = tpu.sem_alloc : memref<!tpu.dma_semaphore, #tpu.memory_space<semaphore_mem>>
      %dma_start3A_28 = arith.constant 0 : i32
      %dma_start3A_29 = tpu.memref_slice %arg3[%mul3A_2, %dma_start3A_28] : memref<2560x128xi32, #tpu.memory_space<hbm>> -> memref<80x128xi32, #tpu.memory_space<hbm>>
      %dma_start3A_30 = arith.constant 0 : i32
      %dma_start3A_31 = tpu.memref_slice %arg3[%mul3A_2, %dma_start3A_30] : memref<2560x128xi32, #tpu.memory_space<hbm>> -> memref<80x128xi32, #tpu.memory_space<hbm>>
      tpu.enqueue_dma source(%dma_start3A_31 : memref<80x128xi32, #tpu.memory_space<hbm>>) target(%arg8 : memref<80x128xi32, #tpu.memory_space<vmem>>) target_semaphore(%run_scoped3A : memref<!tpu.dma_semaphore, #tpu.memory_space<semaphore_mem>>)
      %dma_wait3A = arith.constant 0 : i32
      %dma_wait3A_32 = tpu.memref_slice %arg3[%mul3A_2, %dma_wait3A] : memref<2560x128xi32, #tpu.memory_space<hbm>> -> memref<80x128xi32, #tpu.memory_space<hbm>>
      %dma_wait3A_33 = arith.constant 0 : i32
      %dma_wait3A_34 = tpu.memref_slice %arg3[%mul3A_2, %dma_wait3A_33] : memref<2560x128xi32, #tpu.memory_space<hbm>> -> memref<80x128xi32, #tpu.memory_space<hbm>>
      tpu.wait_dma2 semaphore(%run_scoped3A : memref<!tpu.dma_semaphore, #tpu.memory_space<semaphore_mem>>) src(%dma_wait3A_34 : memref<80x128xi32, #tpu.memory_space<hbm>>) dst(%arg8 : memref<80x128xi32, #tpu.memory_space<vmem>>)
      tpu.yield
    }) : () -> ()
    %barrier3A = arith.constant 0 : index
    tpu.barrier barrier_id(%barrier3A)
    %dma_start3A = arith.constant 0 : i32
    %dma_start3A_5 = arith.constant 0 : i32
    %dma_start3A_6 = tpu.memref_slice %arg7[%dma_start3A, %dma_start3A_5] : memref<80x128xi32, #tpu.memory_space<vmem>> -> memref<1x128xi32, #tpu.memory_space<vmem>>
    %dma_start3A_7 = tpu.memref_squeeze %dma_start3A_6 : memref<1x128xi32, #tpu.memory_space<vmem>> -> memref<128xi32, #tpu.memory_space<vmem>>
    %dma_start3A_8 = arith.constant 0 : i32
    %dma_start3A_9 = arith.constant 0 : i32
    %dma_start3A_10 = tpu.memref_slice %arg4[%dma_start3A_8, %dma_start3A_9] : memref<10240x128xf32, #tpu.memory_space<hbm>> -> memref<10240x128xf32, #tpu.memory_space<hbm>>
    tpu.enqueue_indirect_dma source(%dma_start3A_10 : memref<10240x128xf32, #tpu.memory_space<hbm>>) target(%arg9 : memref<128x128xf32, #tpu.memory_space<vmem>>) offsets(%dma_start3A_7 : memref<128xi32, #tpu.memory_space<vmem>>) semaphore(%arg12 : memref<!tpu.dma_semaphore, #tpu.memory_space<semaphore_mem>>)
    %dma_start3A_11 = arith.constant 1 : i32
    %dma_start3A_12 = arith.constant 0 : i32
    %dma_start3A_13 = tpu.memref_slice %arg7[%dma_start3A_11, %dma_start3A_12] : memref<80x128xi32, #tpu.memory_space<vmem>> -> memref<1x128xi32, #tpu.memory_space<vmem>>
    %dma_start3A_14 = tpu.memref_squeeze %dma_start3A_13 : memref<1x128xi32, #tpu.memory_space<vmem>> -> memref<128xi32, #tpu.memory_space<vmem>>
    %dma_start3A_15 = arith.constant 0 : i32
    %dma_start3A_16 = arith.constant 0 : i32
    %dma_start3A_17 = tpu.memref_slice %arg4[%dma_start3A_15, %dma_start3A_16] : memref<10240x128xf32, #tpu.memory_space<hbm>> -> memref<10240x128xf32, #tpu.memory_space<hbm>>
    tpu.enqueue_indirect_dma source(%dma_start3A_17 : memref<10240x128xf32, #tpu.memory_space<hbm>>) target(%arg10 : memref<128x128xf32, #tpu.memory_space<vmem>>) offsets(%dma_start3A_14 : memref<128xi32, #tpu.memory_space<vmem>>) semaphore(%arg13 : memref<!tpu.dma_semaphore, #tpu.memory_space<semaphore_mem>>)
    %scan3A = arith.constant 0 : i32
    %scan3A_18 = arith.constant 0 : i32
    %scan3A_19 = arith.constant 40 : i32
    %scan3A_20 = arith.addi %scan3A_18, %scan3A_19 : i32
    %scan3A_21 = arith.constant 1 : i32
    scf.for %scan3A_28 = %scan3A_18 to %scan3A_20 step %scan3A_21  : i32 {
      %mul3A_29 = arith.constant 2 : i32
      %mul3A_30 = arith.muli %mul3A_29, %scan3A_28 : i32
      %dma_wait3A = arith.constant 0 : i32
      %dma_wait3A_31 = tpu.memref_slice %arg7[%mul3A_30, %dma_wait3A] : memref<80x128xi32, #tpu.memory_space<vmem>> -> memref<1x128xi32, #tpu.memory_space<vmem>>
      %dma_wait3A_32 = tpu.memref_squeeze %dma_wait3A_31 : memref<1x128xi32, #tpu.memory_space<vmem>> -> memref<128xi32, #tpu.memory_space<vmem>>
      %dma_wait3A_33 = arith.constant 0 : i32
      %dma_wait3A_34 = arith.constant 0 : i32
      %dma_wait3A_35 = tpu.memref_slice %arg4[%dma_wait3A_33, %dma_wait3A_34] : memref<10240x128xf32, #tpu.memory_space<hbm>> -> memref<10240x128xf32, #tpu.memory_space<hbm>>
      tpu.wait_indirect_dma semaphore(%arg12 : memref<!tpu.dma_semaphore, #tpu.memory_space<semaphore_mem>>) src(%dma_wait3A_35 : memref<10240x128xf32, #tpu.memory_space<hbm>>) dst(%arg9 : memref<128x128xf32, #tpu.memory_space<vmem>>)
      "tpu.region"() ({
        %run_scoped3A = tpu.sem_alloc : memref<!tpu.dma_semaphore, #tpu.memory_space<semaphore_mem>>
        %dma_start3A_55 = arith.constant 0 : i32
        %dma_start3A_56 = tpu.memref_slice %arg8[%mul3A_30, %dma_start3A_55] : memref<80x128xi32, #tpu.memory_space<vmem>> -> memref<1x128xi32, #tpu.memory_space<vmem>>
        %dma_start3A_57 = tpu.memref_squeeze %dma_start3A_56 : memref<1x128xi32, #tpu.memory_space<vmem>> -> memref<128xi32, #tpu.memory_space<vmem>>
        %dma_start3A_58 = arith.constant 0 : i32
        %dma_start3A_59 = arith.constant 0 : i32
        %dma_start3A_60 = tpu.memref_slice %arg11[%dma_start3A_58, %dma_start3A_59] : memref<2560x128xf32, #tpu.memory_space<vmem_shared>> -> memref<2560x128xf32, #tpu.memory_space<vmem_shared>>
        tpu.enqueue_indirect_dma source(%arg9 : memref<128x128xf32, #tpu.memory_space<vmem>>) target(%dma_start3A_60 : memref<2560x128xf32, #tpu.memory_space<vmem_shared>>) offsets(%dma_start3A_57 : memref<128xi32, #tpu.memory_space<vmem>>) semaphore(%run_scoped3A : memref<!tpu.dma_semaphore, #tpu.memory_space<semaphore_mem>>) {add = true}
        %dma_wait3A_61 = arith.constant 0 : i32
        %dma_wait3A_62 = tpu.memref_slice %arg8[%mul3A_30, %dma_wait3A_61] : memref<80x128xi32, #tpu.memory_space<vmem>> -> memref<1x128xi32, #tpu.memory_space<vmem>>
        %dma_wait3A_63 = tpu.memref_squeeze %dma_wait3A_62 : memref<1x128xi32, #tpu.memory_space<vmem>> -> memref<128xi32, #tpu.memory_space<vmem>>
        %dma_wait3A_64 = arith.constant 0 : i32
        %dma_wait3A_65 = arith.constant 0 : i32
        %dma_wait3A_66 = tpu.memref_slice %arg11[%dma_wait3A_64, %dma_wait3A_65] : memref<2560x128xf32, #tpu.memory_space<vmem_shared>> -> memref<2560x128xf32, #tpu.memory_space<vmem_shared>>
        tpu.wait_indirect_dma semaphore(%run_scoped3A : memref<!tpu.dma_semaphore, #tpu.memory_space<semaphore_mem>>) src(%arg9 : memref<128x128xf32, #tpu.memory_space<vmem>>) dst(%dma_wait3A_66 : memref<2560x128xf32, #tpu.memory_space<vmem_shared>>)
        tpu.yield
      }) : () -> ()
      %add3A_36 = arith.constant 2 : i32
      %add3A_37 = arith.addi %mul3A_30, %add3A_36 : i32
      %lt3A = arith.constant 80 : i32
      %lt3A_38 = arith.cmpi slt, %add3A_37, %lt3A : i32
      %convert_element_type3A = arith.extui %lt3A_38 : i1 to i32
      %cond3A = arith.constant 0 : i32
      %cond3A_39 = arith.cmpi ne, %convert_element_type3A, %cond3A : i32
      scf.if %cond3A_39 {
        %add3A_55 = arith.constant 2 : i32
        %add3A_56 = arith.addi %mul3A_30, %add3A_55 : i32
        %dma_start3A_57 = arith.constant 0 : i32
        %dma_start3A_58 = tpu.memref_slice %arg7[%add3A_56, %dma_start3A_57] : memref<80x128xi32, #tpu.memory_space<vmem>> -> memref<1x128xi32, #tpu.memory_space<vmem>>
        %dma_start3A_59 = tpu.memref_squeeze %dma_start3A_58 : memref<1x128xi32, #tpu.memory_space<vmem>> -> memref<128xi32, #tpu.memory_space<vmem>>
        %dma_start3A_60 = arith.constant 0 : i32
        %dma_start3A_61 = arith.constant 0 : i32
        %dma_start3A_62 = tpu.memref_slice %arg4[%dma_start3A_60, %dma_start3A_61] : memref<10240x128xf32, #tpu.memory_space<hbm>> -> memref<10240x128xf32, #tpu.memory_space<hbm>>
        tpu.enqueue_indirect_dma source(%dma_start3A_62 : memref<10240x128xf32, #tpu.memory_space<hbm>>) target(%arg9 : memref<128x128xf32, #tpu.memory_space<vmem>>) offsets(%dma_start3A_59 : memref<128xi32, #tpu.memory_space<vmem>>) semaphore(%arg12 : memref<!tpu.dma_semaphore, #tpu.memory_space<semaphore_mem>>)
      } else {
      }
      %add3A_40 = arith.constant 1 : i32
      %add3A_41 = arith.addi %mul3A_30, %add3A_40 : i32
      %dma_wait3A_42 = arith.constant 0 : i32
      %dma_wait3A_43 = tpu.memref_slice %arg7[%add3A_41, %dma_wait3A_42] : memref<80x128xi32, #tpu.memory_space<vmem>> -> memref<1x128xi32, #tpu.memory_space<vmem>>
      %dma_wait3A_44 = tpu.memref_squeeze %dma_wait3A_43 : memref<1x128xi32, #tpu.memory_space<vmem>> -> memref<128xi32, #tpu.memory_space<vmem>>
      %dma_wait3A_45 = arith.constant 0 : i32
      %dma_wait3A_46 = arith.constant 0 : i32
      %dma_wait3A_47 = tpu.memref_slice %arg4[%dma_wait3A_45, %dma_wait3A_46] : memref<10240x128xf32, #tpu.memory_space<hbm>> -> memref<10240x128xf32, #tpu.memory_space<hbm>>
      tpu.wait_indirect_dma semaphore(%arg13 : memref<!tpu.dma_semaphore, #tpu.memory_space<semaphore_mem>>) src(%dma_wait3A_47 : memref<10240x128xf32, #tpu.memory_space<hbm>>) dst(%arg10 : memref<128x128xf32, #tpu.memory_space<vmem>>)
      "tpu.region"() ({
        %run_scoped3A = tpu.sem_alloc : memref<!tpu.dma_semaphore, #tpu.memory_space<semaphore_mem>>
        %dma_start3A_55 = arith.constant 0 : i32
        %dma_start3A_56 = tpu.memref_slice %arg8[%add3A_41, %dma_start3A_55] : memref<80x128xi32, #tpu.memory_space<vmem>> -> memref<1x128xi32, #tpu.memory_space<vmem>>
        %dma_start3A_57 = tpu.memref_squeeze %dma_start3A_56 : memref<1x128xi32, #tpu.memory_space<vmem>> -> memref<128xi32, #tpu.memory_space<vmem>>
        %dma_start3A_58 = arith.constant 0 : i32
        %dma_start3A_59 = arith.constant 0 : i32
        %dma_start3A_60 = tpu.memref_slice %arg11[%dma_start3A_58, %dma_start3A_59] : memref<2560x128xf32, #tpu.memory_space<vmem_shared>> -> memref<2560x128xf32, #tpu.memory_space<vmem_shared>>
        tpu.enqueue_indirect_dma source(%arg10 : memref<128x128xf32, #tpu.memory_space<vmem>>) target(%dma_start3A_60 : memref<2560x128xf32, #tpu.memory_space<vmem_shared>>) offsets(%dma_start3A_57 : memref<128xi32, #tpu.memory_space<vmem>>) semaphore(%run_scoped3A : memref<!tpu.dma_semaphore, #tpu.memory_space<semaphore_mem>>) {add = true}
        %dma_wait3A_61 = arith.constant 0 : i32
        %dma_wait3A_62 = tpu.memref_slice %arg8[%add3A_41, %dma_wait3A_61] : memref<80x128xi32, #tpu.memory_space<vmem>> -> memref<1x128xi32, #tpu.memory_space<vmem>>
        %dma_wait3A_63 = tpu.memref_squeeze %dma_wait3A_62 : memref<1x128xi32, #tpu.memory_space<vmem>> -> memref<128xi32, #tpu.memory_space<vmem>>
        %dma_wait3A_64 = arith.constant 0 : i32
        %dma_wait3A_65 = arith.constant 0 : i32
        %dma_wait3A_66 = tpu.memref_slice %arg11[%dma_wait3A_64, %dma_wait3A_65] : memref<2560x128xf32, #tpu.memory_space<vmem_shared>> -> memref<2560x128xf32, #tpu.memory_space<vmem_shared>>
        tpu.wait_indirect_dma semaphore(%run_scoped3A : memref<!tpu.dma_semaphore, #tpu.memory_space<semaphore_mem>>) src(%arg10 : memref<128x128xf32, #tpu.memory_space<vmem>>) dst(%dma_wait3A_66 : memref<2560x128xf32, #tpu.memory_space<vmem_shared>>)
        tpu.yield
      }) : () -> ()
      %add3A_48 = arith.constant 3 : i32
      %add3A_49 = arith.addi %mul3A_30, %add3A_48 : i32
      %lt3A_50 = arith.constant 80 : i32
      %lt3A_51 = arith.cmpi slt, %add3A_49, %lt3A_50 : i32
      %convert_element_type3A_52 = arith.extui %lt3A_51 : i1 to i32
      %cond3A_53 = arith.constant 0 : i32
      %cond3A_54 = arith.cmpi ne, %convert_element_type3A_52, %cond3A_53 : i32
      scf.if %cond3A_54 {
        %add3A_55 = arith.constant 3 : i32
        %add3A_56 = arith.addi %mul3A_30, %add3A_55 : i32
        %dma_start3A_57 = arith.constant 0 : i32
        %dma_start3A_58 = tpu.memref_slice %arg7[%add3A_56, %dma_start3A_57] : memref<80x128xi32, #tpu.memory_space<vmem>> -> memref<1x128xi32, #tpu.memory_space<vmem>>
        %dma_start3A_59 = tpu.memref_squeeze %dma_start3A_58 : memref<1x128xi32, #tpu.memory_space<vmem>> -> memref<128xi32, #tpu.memory_space<vmem>>
        %dma_start3A_60 = arith.constant 0 : i32
        %dma_start3A_61 = arith.constant 0 : i32
        %dma_start3A_62 = tpu.memref_slice %arg4[%dma_start3A_60, %dma_start3A_61] : memref<10240x128xf32, #tpu.memory_space<hbm>> -> memref<10240x128xf32, #tpu.memory_space<hbm>>
        tpu.enqueue_indirect_dma source(%dma_start3A_62 : memref<10240x128xf32, #tpu.memory_space<hbm>>) target(%arg10 : memref<128x128xf32, #tpu.memory_space<vmem>>) offsets(%dma_start3A_59 : memref<128xi32, #tpu.memory_space<vmem>>) semaphore(%arg13 : memref<!tpu.dma_semaphore, #tpu.memory_space<semaphore_mem>>)
      } else {
      }
    }
    %scan3A_22 = arith.constant 40 : i32
    %barrier3A_23 = arith.constant 0 : index
    tpu.barrier barrier_id(%barrier3A_23)
    %mul3A_24 = arith.constant 160 : i32
    %mul3A_25 = arith.muli %arg1, %mul3A_24 : i32
    %mul3A_26 = arith.constant 160 : i32
    %mul3A_27 = arith.muli %arg1, %mul3A_26 : i32
    "tpu.region"() ({
      %run_scoped3A = tpu.sem_alloc : memref<!tpu.dma_semaphore, #tpu.memory_space<semaphore_mem>>
      %dma_start3A_28 = arith.constant 0 : i32
      %dma_start3A_29 = tpu.memref_slice %arg6[%arg0, %mul3A_27, %dma_start3A_28] : memref<2x2560x128xf32, #tpu.memory_space<hbm>> -> memref<1x160x128xf32, #tpu.memory_space<hbm>>
      %dma_start3A_30 = tpu.memref_squeeze %dma_start3A_29 : memref<1x160x128xf32, #tpu.memory_space<hbm>> -> memref<160x128xf32, #tpu.memory_space<hbm>>
      %dma_start3A_31 = arith.constant 0 : i32
      %dma_start3A_32 = tpu.memref_slice %arg11[%mul3A_25, %dma_start3A_31] : memref<2560x128xf32, #tpu.memory_space<vmem_shared>> -> memref<160x128xf32, #tpu.memory_space<vmem_shared>>
      tpu.enqueue_dma source(%dma_start3A_32 : memref<160x128xf32, #tpu.memory_space<vmem_shared>>) target(%dma_start3A_30 : memref<160x128xf32, #tpu.memory_space<hbm>>) target_semaphore(%run_scoped3A : memref<!tpu.dma_semaphore, #tpu.memory_space<semaphore_mem>>)
      %dma_wait3A = arith.constant 0 : i32
      %dma_wait3A_33 = tpu.memref_slice %arg6[%arg0, %mul3A_27, %dma_wait3A] : memref<2x2560x128xf32, #tpu.memory_space<hbm>> -> memref<1x160x128xf32, #tpu.memory_space<hbm>>
      %dma_wait3A_34 = tpu.memref_squeeze %dma_wait3A_33 : memref<1x160x128xf32, #tpu.memory_space<hbm>> -> memref<160x128xf32, #tpu.memory_space<hbm>>
      %dma_wait3A_35 = arith.constant 0 : i32
      %dma_wait3A_36 = tpu.memref_slice %arg11[%mul3A_25, %dma_wait3A_35] : memref<2560x128xf32, #tpu.memory_space<vmem_shared>> -> memref<160x128xf32, #tpu.memory_space<vmem_shared>>
      tpu.wait_dma2 semaphore(%run_scoped3A : memref<!tpu.dma_semaphore, #tpu.memory_space<semaphore_mem>>) src(%dma_wait3A_36 : memref<160x128xf32, #tpu.memory_space<vmem_shared>>) dst(%dma_wait3A_34 : memref<160x128xf32, #tpu.memory_space<hbm>>)
      tpu.yield
    }) : () -> ()
    return
  }
}

#map = affine_map<(d0, d1) -> (0, 0)>
#map1 = affine_map<(d0, d1) -> (0, 0, 0)>
module attributes {stable_mosaic.version = 14 : i64} {
  func.func @body(%arg0: i32, %arg1: i32, %arg2: memref<2560x128xi32, #tpu.memory_space<hbm>>, %arg3: memref<2x2560x128xi32, #tpu.memory_space<hbm>>, %arg4: memref<2560x128xf32, #tpu.memory_space<hbm>>, %arg5: memref<328x128xf32, #tpu.memory_space<hbm>>, %arg6: memref<2x5248x128xf32, #tpu.memory_space<hbm>>, %arg7: memref<160x128xi32, #tpu.memory_space<vmem>>, %arg8: memref<160x128xi32, #tpu.memory_space<vmem>>, %arg9: memref<128x128xf32, #tpu.memory_space<vmem>>, %arg10: memref<128x128xf32, #tpu.memory_space<vmem>>, %arg11: memref<5248x128xf32, #tpu.memory_space<vmem_shared>>, %arg12: memref<!tpu.dma_semaphore, #tpu.memory_space<semaphore_mem>>, %arg13: memref<!tpu.dma_semaphore, #tpu.memory_space<semaphore_mem>>) attributes {dimension_semantics = [#tpu.dimension_semantics<core_parallel>, #tpu.dimension_semantics<subcore_parallel>], iteration_bounds = array<i64: 2, 16>, scalar_prefetch = 0 : i64, scratch_operands = 7 : i64, tpu.core_type = #tpu.core_type<sc_vector_subcore>, window_params = [{transform_indices = #map}, {transform_indices = #map1}, {transform_indices = #map}, {transform_indices = #map}, {transform_indices = #map1}]} {
    %mul3A = arith.constant 160 : i32
    %mul3A_0 = arith.muli %arg1, %mul3A : i32
    %mul3A_1 = arith.constant 328 : i32
    %mul3A_2 = arith.muli %arg1, %mul3A_1 : i32
    "tpu.region"() ({
      %run_scoped3A = tpu.sem_alloc : memref<!tpu.dma_semaphore, #tpu.memory_space<semaphore_mem>>
      %dma_start3A_26 = arith.constant 0 : i32
      %dma_start3A_27 = tpu.memref_slice %arg11[%mul3A_2, %dma_start3A_26] : memref<5248x128xf32, #tpu.memory_space<vmem_shared>> -> memref<328x128xf32, #tpu.memory_space<vmem_shared>>
      tpu.enqueue_dma source(%arg5 : memref<328x128xf32, #tpu.memory_space<hbm>>) target(%dma_start3A_27 : memref<328x128xf32, #tpu.memory_space<vmem_shared>>) target_semaphore(%run_scoped3A : memref<!tpu.dma_semaphore, #tpu.memory_space<semaphore_mem>>)
      %dma_wait3A = arith.constant 0 : i32
      %dma_wait3A_28 = tpu.memref_slice %arg11[%mul3A_2, %dma_wait3A] : memref<5248x128xf32, #tpu.memory_space<vmem_shared>> -> memref<328x128xf32, #tpu.memory_space<vmem_shared>>
      tpu.wait_dma2 semaphore(%run_scoped3A : memref<!tpu.dma_semaphore, #tpu.memory_space<semaphore_mem>>) src(%arg5 : memref<328x128xf32, #tpu.memory_space<hbm>>) dst(%dma_wait3A_28 : memref<328x128xf32, #tpu.memory_space<vmem_shared>>)
      tpu.yield
    }) : () -> ()
    "tpu.region"() ({
      %run_scoped3A = tpu.sem_alloc : memref<!tpu.dma_semaphore, #tpu.memory_space<semaphore_mem>>
      %dma_start3A_26 = arith.constant 0 : i32
      %dma_start3A_27 = tpu.memref_slice %arg2[%mul3A_0, %dma_start3A_26] : memref<2560x128xi32, #tpu.memory_space<hbm>> -> memref<160x128xi32, #tpu.memory_space<hbm>>
      %dma_start3A_28 = arith.constant 0 : i32
      %dma_start3A_29 = tpu.memref_slice %arg2[%mul3A_0, %dma_start3A_28] : memref<2560x128xi32, #tpu.memory_space<hbm>> -> memref<160x128xi32, #tpu.memory_space<hbm>>
      tpu.enqueue_dma source(%dma_start3A_29 : memref<160x128xi32, #tpu.memory_space<hbm>>) target(%arg7 : memref<160x128xi32, #tpu.memory_space<vmem>>) target_semaphore(%run_scoped3A : memref<!tpu.dma_semaphore, #tpu.memory_space<semaphore_mem>>)
      %dma_wait3A = arith.constant 0 : i32
      %dma_wait3A_30 = tpu.memref_slice %arg2[%mul3A_0, %dma_wait3A] : memref<2560x128xi32, #tpu.memory_space<hbm>> -> memref<160x128xi32, #tpu.memory_space<hbm>>
      %dma_wait3A_31 = arith.constant 0 : i32
      %dma_wait3A_32 = tpu.memref_slice %arg2[%mul3A_0, %dma_wait3A_31] : memref<2560x128xi32, #tpu.memory_space<hbm>> -> memref<160x128xi32, #tpu.memory_space<hbm>>
      tpu.wait_dma2 semaphore(%run_scoped3A : memref<!tpu.dma_semaphore, #tpu.memory_space<semaphore_mem>>) src(%dma_wait3A_32 : memref<160x128xi32, #tpu.memory_space<hbm>>) dst(%arg7 : memref<160x128xi32, #tpu.memory_space<vmem>>)
      tpu.yield
    }) : () -> ()
    "tpu.region"() ({
      %run_scoped3A = tpu.sem_alloc : memref<!tpu.dma_semaphore, #tpu.memory_space<semaphore_mem>>
      %dma_start3A_26 = arith.constant 0 : i32
      %dma_start3A_27 = tpu.memref_slice %arg3[%arg0, %mul3A_0, %dma_start3A_26] : memref<2x2560x128xi32, #tpu.memory_space<hbm>> -> memref<1x160x128xi32, #tpu.memory_space<hbm>>
      %dma_start3A_28 = tpu.memref_squeeze %dma_start3A_27 : memref<1x160x128xi32, #tpu.memory_space<hbm>> -> memref<160x128xi32, #tpu.memory_space<hbm>>
      %dma_start3A_29 = arith.constant 0 : i32
      %dma_start3A_30 = tpu.memref_slice %arg3[%arg0, %mul3A_0, %dma_start3A_29] : memref<2x2560x128xi32, #tpu.memory_space<hbm>> -> memref<1x160x128xi32, #tpu.memory_space<hbm>>
      %dma_start3A_31 = tpu.memref_squeeze %dma_start3A_30 : memref<1x160x128xi32, #tpu.memory_space<hbm>> -> memref<160x128xi32, #tpu.memory_space<hbm>>
      tpu.enqueue_dma source(%dma_start3A_31 : memref<160x128xi32, #tpu.memory_space<hbm>>) target(%arg8 : memref<160x128xi32, #tpu.memory_space<vmem>>) target_semaphore(%run_scoped3A : memref<!tpu.dma_semaphore, #tpu.memory_space<semaphore_mem>>)
      %dma_wait3A = arith.constant 0 : i32
      %dma_wait3A_32 = tpu.memref_slice %arg3[%arg0, %mul3A_0, %dma_wait3A] : memref<2x2560x128xi32, #tpu.memory_space<hbm>> -> memref<1x160x128xi32, #tpu.memory_space<hbm>>
      %dma_wait3A_33 = tpu.memref_squeeze %dma_wait3A_32 : memref<1x160x128xi32, #tpu.memory_space<hbm>> -> memref<160x128xi32, #tpu.memory_space<hbm>>
      %dma_wait3A_34 = arith.constant 0 : i32
      %dma_wait3A_35 = tpu.memref_slice %arg3[%arg0, %mul3A_0, %dma_wait3A_34] : memref<2x2560x128xi32, #tpu.memory_space<hbm>> -> memref<1x160x128xi32, #tpu.memory_space<hbm>>
      %dma_wait3A_36 = tpu.memref_squeeze %dma_wait3A_35 : memref<1x160x128xi32, #tpu.memory_space<hbm>> -> memref<160x128xi32, #tpu.memory_space<hbm>>
      tpu.wait_dma2 semaphore(%run_scoped3A : memref<!tpu.dma_semaphore, #tpu.memory_space<semaphore_mem>>) src(%dma_wait3A_36 : memref<160x128xi32, #tpu.memory_space<hbm>>) dst(%arg8 : memref<160x128xi32, #tpu.memory_space<vmem>>)
      tpu.yield
    }) : () -> ()
    %barrier3A = arith.constant 0 : index
    tpu.barrier barrier_id(%barrier3A)
    %dma_start3A = arith.constant 0 : i32
    %dma_start3A_3 = arith.constant 0 : i32
    %dma_start3A_4 = tpu.memref_slice %arg7[%dma_start3A, %dma_start3A_3] : memref<160x128xi32, #tpu.memory_space<vmem>> -> memref<1x128xi32, #tpu.memory_space<vmem>>
    %dma_start3A_5 = tpu.memref_squeeze %dma_start3A_4 : memref<1x128xi32, #tpu.memory_space<vmem>> -> memref<128xi32, #tpu.memory_space<vmem>>
    %dma_start3A_6 = arith.constant 0 : i32
    %dma_start3A_7 = arith.constant 0 : i32
    %dma_start3A_8 = tpu.memref_slice %arg4[%dma_start3A_6, %dma_start3A_7] : memref<2560x128xf32, #tpu.memory_space<hbm>> -> memref<2560x128xf32, #tpu.memory_space<hbm>>
    tpu.enqueue_indirect_dma source(%dma_start3A_8 : memref<2560x128xf32, #tpu.memory_space<hbm>>) target(%arg9 : memref<128x128xf32, #tpu.memory_space<vmem>>) offsets(%dma_start3A_5 : memref<128xi32, #tpu.memory_space<vmem>>) semaphore(%arg12 : memref<!tpu.dma_semaphore, #tpu.memory_space<semaphore_mem>>)
    %dma_start3A_9 = arith.constant 1 : i32
    %dma_start3A_10 = arith.constant 0 : i32
    %dma_start3A_11 = tpu.memref_slice %arg7[%dma_start3A_9, %dma_start3A_10] : memref<160x128xi32, #tpu.memory_space<vmem>> -> memref<1x128xi32, #tpu.memory_space<vmem>>
    %dma_start3A_12 = tpu.memref_squeeze %dma_start3A_11 : memref<1x128xi32, #tpu.memory_space<vmem>> -> memref<128xi32, #tpu.memory_space<vmem>>
    %dma_start3A_13 = arith.constant 0 : i32
    %dma_start3A_14 = arith.constant 0 : i32
    %dma_start3A_15 = tpu.memref_slice %arg4[%dma_start3A_13, %dma_start3A_14] : memref<2560x128xf32, #tpu.memory_space<hbm>> -> memref<2560x128xf32, #tpu.memory_space<hbm>>
    tpu.enqueue_indirect_dma source(%dma_start3A_15 : memref<2560x128xf32, #tpu.memory_space<hbm>>) target(%arg10 : memref<128x128xf32, #tpu.memory_space<vmem>>) offsets(%dma_start3A_12 : memref<128xi32, #tpu.memory_space<vmem>>) semaphore(%arg13 : memref<!tpu.dma_semaphore, #tpu.memory_space<semaphore_mem>>)
    %scan3A = arith.constant 0 : i32
    %scan3A_16 = arith.constant 0 : i32
    %scan3A_17 = arith.constant 80 : i32
    %scan3A_18 = arith.addi %scan3A_16, %scan3A_17 : i32
    %scan3A_19 = arith.constant 1 : i32
    scf.for %scan3A_26 = %scan3A_16 to %scan3A_18 step %scan3A_19  : i32 {
      %mul3A_27 = arith.constant 2 : i32
      %mul3A_28 = arith.muli %mul3A_27, %scan3A_26 : i32
      %dma_wait3A = arith.constant 0 : i32
      %dma_wait3A_29 = tpu.memref_slice %arg7[%mul3A_28, %dma_wait3A] : memref<160x128xi32, #tpu.memory_space<vmem>> -> memref<1x128xi32, #tpu.memory_space<vmem>>
      %dma_wait3A_30 = tpu.memref_squeeze %dma_wait3A_29 : memref<1x128xi32, #tpu.memory_space<vmem>> -> memref<128xi32, #tpu.memory_space<vmem>>
      %dma_wait3A_31 = arith.constant 0 : i32
      %dma_wait3A_32 = arith.constant 0 : i32
      %dma_wait3A_33 = tpu.memref_slice %arg4[%dma_wait3A_31, %dma_wait3A_32] : memref<2560x128xf32, #tpu.memory_space<hbm>> -> memref<2560x128xf32, #tpu.memory_space<hbm>>
      tpu.wait_indirect_dma semaphore(%arg12 : memref<!tpu.dma_semaphore, #tpu.memory_space<semaphore_mem>>) src(%dma_wait3A_33 : memref<2560x128xf32, #tpu.memory_space<hbm>>) dst(%arg9 : memref<128x128xf32, #tpu.memory_space<vmem>>)
      "tpu.region"() ({
        %run_scoped3A = tpu.sem_alloc : memref<!tpu.dma_semaphore, #tpu.memory_space<semaphore_mem>>
        %dma_start3A_52 = arith.constant 0 : i32
        %dma_start3A_53 = tpu.memref_slice %arg8[%mul3A_28, %dma_start3A_52] : memref<160x128xi32, #tpu.memory_space<vmem>> -> memref<1x128xi32, #tpu.memory_space<vmem>>
        %dma_start3A_54 = tpu.memref_squeeze %dma_start3A_53 : memref<1x128xi32, #tpu.memory_space<vmem>> -> memref<128xi32, #tpu.memory_space<vmem>>
        %dma_start3A_55 = arith.constant 0 : i32
        %dma_start3A_56 = arith.constant 0 : i32
        %dma_start3A_57 = tpu.memref_slice %arg11[%dma_start3A_55, %dma_start3A_56] : memref<5248x128xf32, #tpu.memory_space<vmem_shared>> -> memref<5248x128xf32, #tpu.memory_space<vmem_shared>>
        tpu.enqueue_indirect_dma source(%arg9 : memref<128x128xf32, #tpu.memory_space<vmem>>) target(%dma_start3A_57 : memref<5248x128xf32, #tpu.memory_space<vmem_shared>>) offsets(%dma_start3A_54 : memref<128xi32, #tpu.memory_space<vmem>>) semaphore(%run_scoped3A : memref<!tpu.dma_semaphore, #tpu.memory_space<semaphore_mem>>) {add = true}
        %dma_wait3A_58 = arith.constant 0 : i32
        %dma_wait3A_59 = tpu.memref_slice %arg8[%mul3A_28, %dma_wait3A_58] : memref<160x128xi32, #tpu.memory_space<vmem>> -> memref<1x128xi32, #tpu.memory_space<vmem>>
        %dma_wait3A_60 = tpu.memref_squeeze %dma_wait3A_59 : memref<1x128xi32, #tpu.memory_space<vmem>> -> memref<128xi32, #tpu.memory_space<vmem>>
        %dma_wait3A_61 = arith.constant 0 : i32
        %dma_wait3A_62 = arith.constant 0 : i32
        %dma_wait3A_63 = tpu.memref_slice %arg11[%dma_wait3A_61, %dma_wait3A_62] : memref<5248x128xf32, #tpu.memory_space<vmem_shared>> -> memref<5248x128xf32, #tpu.memory_space<vmem_shared>>
        tpu.wait_indirect_dma semaphore(%run_scoped3A : memref<!tpu.dma_semaphore, #tpu.memory_space<semaphore_mem>>) src(%arg9 : memref<128x128xf32, #tpu.memory_space<vmem>>) dst(%dma_wait3A_63 : memref<5248x128xf32, #tpu.memory_space<vmem_shared>>)
        tpu.yield
      }) : () -> ()
      %add3A = arith.constant 2 : i32
      %add3A_34 = arith.addi %mul3A_28, %add3A : i32
      %lt3A = arith.constant 160 : i32
      %lt3A_35 = arith.cmpi slt, %add3A_34, %lt3A : i32
      %convert_element_type3A = arith.extui %lt3A_35 : i1 to i32
      %cond3A = arith.constant 0 : i32
      %cond3A_36 = arith.cmpi ne, %convert_element_type3A, %cond3A : i32
      scf.if %cond3A_36 {
        %add3A_52 = arith.constant 2 : i32
        %add3A_53 = arith.addi %mul3A_28, %add3A_52 : i32
        %dma_start3A_54 = arith.constant 0 : i32
        %dma_start3A_55 = tpu.memref_slice %arg7[%add3A_53, %dma_start3A_54] : memref<160x128xi32, #tpu.memory_space<vmem>> -> memref<1x128xi32, #tpu.memory_space<vmem>>
        %dma_start3A_56 = tpu.memref_squeeze %dma_start3A_55 : memref<1x128xi32, #tpu.memory_space<vmem>> -> memref<128xi32, #tpu.memory_space<vmem>>
        %dma_start3A_57 = arith.constant 0 : i32
        %dma_start3A_58 = arith.constant 0 : i32
        %dma_start3A_59 = tpu.memref_slice %arg4[%dma_start3A_57, %dma_start3A_58] : memref<2560x128xf32, #tpu.memory_space<hbm>> -> memref<2560x128xf32, #tpu.memory_space<hbm>>
        tpu.enqueue_indirect_dma source(%dma_start3A_59 : memref<2560x128xf32, #tpu.memory_space<hbm>>) target(%arg9 : memref<128x128xf32, #tpu.memory_space<vmem>>) offsets(%dma_start3A_56 : memref<128xi32, #tpu.memory_space<vmem>>) semaphore(%arg12 : memref<!tpu.dma_semaphore, #tpu.memory_space<semaphore_mem>>)
      } else {
      }
      %add3A_37 = arith.constant 1 : i32
      %add3A_38 = arith.addi %mul3A_28, %add3A_37 : i32
      %dma_wait3A_39 = arith.constant 0 : i32
      %dma_wait3A_40 = tpu.memref_slice %arg7[%add3A_38, %dma_wait3A_39] : memref<160x128xi32, #tpu.memory_space<vmem>> -> memref<1x128xi32, #tpu.memory_space<vmem>>
      %dma_wait3A_41 = tpu.memref_squeeze %dma_wait3A_40 : memref<1x128xi32, #tpu.memory_space<vmem>> -> memref<128xi32, #tpu.memory_space<vmem>>
      %dma_wait3A_42 = arith.constant 0 : i32
      %dma_wait3A_43 = arith.constant 0 : i32
      %dma_wait3A_44 = tpu.memref_slice %arg4[%dma_wait3A_42, %dma_wait3A_43] : memref<2560x128xf32, #tpu.memory_space<hbm>> -> memref<2560x128xf32, #tpu.memory_space<hbm>>
      tpu.wait_indirect_dma semaphore(%arg13 : memref<!tpu.dma_semaphore, #tpu.memory_space<semaphore_mem>>) src(%dma_wait3A_44 : memref<2560x128xf32, #tpu.memory_space<hbm>>) dst(%arg10 : memref<128x128xf32, #tpu.memory_space<vmem>>)
      "tpu.region"() ({
        %run_scoped3A = tpu.sem_alloc : memref<!tpu.dma_semaphore, #tpu.memory_space<semaphore_mem>>
        %dma_start3A_52 = arith.constant 0 : i32
        %dma_start3A_53 = tpu.memref_slice %arg8[%add3A_38, %dma_start3A_52] : memref<160x128xi32, #tpu.memory_space<vmem>> -> memref<1x128xi32, #tpu.memory_space<vmem>>
        %dma_start3A_54 = tpu.memref_squeeze %dma_start3A_53 : memref<1x128xi32, #tpu.memory_space<vmem>> -> memref<128xi32, #tpu.memory_space<vmem>>
        %dma_start3A_55 = arith.constant 0 : i32
        %dma_start3A_56 = arith.constant 0 : i32
        %dma_start3A_57 = tpu.memref_slice %arg11[%dma_start3A_55, %dma_start3A_56] : memref<5248x128xf32, #tpu.memory_space<vmem_shared>> -> memref<5248x128xf32, #tpu.memory_space<vmem_shared>>
        tpu.enqueue_indirect_dma source(%arg10 : memref<128x128xf32, #tpu.memory_space<vmem>>) target(%dma_start3A_57 : memref<5248x128xf32, #tpu.memory_space<vmem_shared>>) offsets(%dma_start3A_54 : memref<128xi32, #tpu.memory_space<vmem>>) semaphore(%run_scoped3A : memref<!tpu.dma_semaphore, #tpu.memory_space<semaphore_mem>>) {add = true}
        %dma_wait3A_58 = arith.constant 0 : i32
        %dma_wait3A_59 = tpu.memref_slice %arg8[%add3A_38, %dma_wait3A_58] : memref<160x128xi32, #tpu.memory_space<vmem>> -> memref<1x128xi32, #tpu.memory_space<vmem>>
        %dma_wait3A_60 = tpu.memref_squeeze %dma_wait3A_59 : memref<1x128xi32, #tpu.memory_space<vmem>> -> memref<128xi32, #tpu.memory_space<vmem>>
        %dma_wait3A_61 = arith.constant 0 : i32
        %dma_wait3A_62 = arith.constant 0 : i32
        %dma_wait3A_63 = tpu.memref_slice %arg11[%dma_wait3A_61, %dma_wait3A_62] : memref<5248x128xf32, #tpu.memory_space<vmem_shared>> -> memref<5248x128xf32, #tpu.memory_space<vmem_shared>>
        tpu.wait_indirect_dma semaphore(%run_scoped3A : memref<!tpu.dma_semaphore, #tpu.memory_space<semaphore_mem>>) src(%arg10 : memref<128x128xf32, #tpu.memory_space<vmem>>) dst(%dma_wait3A_63 : memref<5248x128xf32, #tpu.memory_space<vmem_shared>>)
        tpu.yield
      }) : () -> ()
      %add3A_45 = arith.constant 3 : i32
      %add3A_46 = arith.addi %mul3A_28, %add3A_45 : i32
      %lt3A_47 = arith.constant 160 : i32
      %lt3A_48 = arith.cmpi slt, %add3A_46, %lt3A_47 : i32
      %convert_element_type3A_49 = arith.extui %lt3A_48 : i1 to i32
      %cond3A_50 = arith.constant 0 : i32
      %cond3A_51 = arith.cmpi ne, %convert_element_type3A_49, %cond3A_50 : i32
      scf.if %cond3A_51 {
        %add3A_52 = arith.constant 3 : i32
        %add3A_53 = arith.addi %mul3A_28, %add3A_52 : i32
        %dma_start3A_54 = arith.constant 0 : i32
        %dma_start3A_55 = tpu.memref_slice %arg7[%add3A_53, %dma_start3A_54] : memref<160x128xi32, #tpu.memory_space<vmem>> -> memref<1x128xi32, #tpu.memory_space<vmem>>
        %dma_start3A_56 = tpu.memref_squeeze %dma_start3A_55 : memref<1x128xi32, #tpu.memory_space<vmem>> -> memref<128xi32, #tpu.memory_space<vmem>>
        %dma_start3A_57 = arith.constant 0 : i32
        %dma_start3A_58 = arith.constant 0 : i32
        %dma_start3A_59 = tpu.memref_slice %arg4[%dma_start3A_57, %dma_start3A_58] : memref<2560x128xf32, #tpu.memory_space<hbm>> -> memref<2560x128xf32, #tpu.memory_space<hbm>>
        tpu.enqueue_indirect_dma source(%dma_start3A_59 : memref<2560x128xf32, #tpu.memory_space<hbm>>) target(%arg10 : memref<128x128xf32, #tpu.memory_space<vmem>>) offsets(%dma_start3A_56 : memref<128xi32, #tpu.memory_space<vmem>>) semaphore(%arg13 : memref<!tpu.dma_semaphore, #tpu.memory_space<semaphore_mem>>)
      } else {
      }
    }
    %scan3A_20 = arith.constant 80 : i32
    %barrier3A_21 = arith.constant 0 : index
    tpu.barrier barrier_id(%barrier3A_21)
    %mul3A_22 = arith.constant 328 : i32
    %mul3A_23 = arith.muli %arg1, %mul3A_22 : i32
    %mul3A_24 = arith.constant 328 : i32
    %mul3A_25 = arith.muli %arg1, %mul3A_24 : i32
    "tpu.region"() ({
      %run_scoped3A = tpu.sem_alloc : memref<!tpu.dma_semaphore, #tpu.memory_space<semaphore_mem>>
      %dma_start3A_26 = arith.constant 0 : i32
      %dma_start3A_27 = tpu.memref_slice %arg6[%arg0, %mul3A_25, %dma_start3A_26] : memref<2x5248x128xf32, #tpu.memory_space<hbm>> -> memref<1x328x128xf32, #tpu.memory_space<hbm>>
      %dma_start3A_28 = tpu.memref_squeeze %dma_start3A_27 : memref<1x328x128xf32, #tpu.memory_space<hbm>> -> memref<328x128xf32, #tpu.memory_space<hbm>>
      %dma_start3A_29 = arith.constant 0 : i32
      %dma_start3A_30 = tpu.memref_slice %arg11[%mul3A_23, %dma_start3A_29] : memref<5248x128xf32, #tpu.memory_space<vmem_shared>> -> memref<328x128xf32, #tpu.memory_space<vmem_shared>>
      tpu.enqueue_dma source(%dma_start3A_30 : memref<328x128xf32, #tpu.memory_space<vmem_shared>>) target(%dma_start3A_28 : memref<328x128xf32, #tpu.memory_space<hbm>>) target_semaphore(%run_scoped3A : memref<!tpu.dma_semaphore, #tpu.memory_space<semaphore_mem>>)
      %dma_wait3A = arith.constant 0 : i32
      %dma_wait3A_31 = tpu.memref_slice %arg6[%arg0, %mul3A_25, %dma_wait3A] : memref<2x5248x128xf32, #tpu.memory_space<hbm>> -> memref<1x328x128xf32, #tpu.memory_space<hbm>>
      %dma_wait3A_32 = tpu.memref_squeeze %dma_wait3A_31 : memref<1x328x128xf32, #tpu.memory_space<hbm>> -> memref<328x128xf32, #tpu.memory_space<hbm>>
      %dma_wait3A_33 = arith.constant 0 : i32
      %dma_wait3A_34 = tpu.memref_slice %arg11[%mul3A_23, %dma_wait3A_33] : memref<5248x128xf32, #tpu.memory_space<vmem_shared>> -> memref<328x128xf32, #tpu.memory_space<vmem_shared>>
      tpu.wait_dma2 semaphore(%run_scoped3A : memref<!tpu.dma_semaphore, #tpu.memory_space<semaphore_mem>>) src(%dma_wait3A_34 : memref<328x128xf32, #tpu.memory_space<vmem_shared>>) dst(%dma_wait3A_32 : memref<328x128xf32, #tpu.memory_space<hbm>>)
      tpu.yield
    }) : () -> ()
    return
  }
}

#map = affine_map<(d0, d1) -> (0, 0)>
#map1 = affine_map<(d0, d1) -> (0, 0, 0)>
module attributes {stable_mosaic.version = 14 : i64} {
  func.func @body(%arg0: i32, %arg1: i32, %arg2: memref<2560x128xi32, #tpu.memory_space<hbm>>, %arg3: memref<2x2560x128xi32, #tpu.memory_space<hbm>>, %arg4: memref<2560x128xf32, #tpu.memory_space<hbm>>, %arg5: memref<328x128xf32, #tpu.memory_space<hbm>>, %arg6: memref<2x5248x128xf32, #tpu.memory_space<hbm>>, %arg7: memref<160x128xi32, #tpu.memory_space<vmem>>, %arg8: memref<160x128xi32, #tpu.memory_space<vmem>>, %arg9: memref<128x128xf32, #tpu.memory_space<vmem>>, %arg10: memref<128x128xf32, #tpu.memory_space<vmem>>, %arg11: memref<5248x128xf32, #tpu.memory_space<vmem_shared>>, %arg12: memref<!tpu.dma_semaphore, #tpu.memory_space<semaphore_mem>>, %arg13: memref<!tpu.dma_semaphore, #tpu.memory_space<semaphore_mem>>) attributes {dimension_semantics = [#tpu.dimension_semantics<core_parallel>, #tpu.dimension_semantics<subcore_parallel>], iteration_bounds = array<i64: 2, 16>, scalar_prefetch = 0 : i64, scratch_operands = 7 : i64, tpu.core_type = #tpu.core_type<sc_vector_subcore>, window_params = [{transform_indices = #map}, {transform_indices = #map1}, {transform_indices = #map}, {transform_indices = #map}, {transform_indices = #map1}]} {
    %mul3A = arith.constant 160 : i32
    %mul3A_0 = arith.muli %arg1, %mul3A : i32
    %mul3A_1 = arith.constant 328 : i32
    %mul3A_2 = arith.muli %arg1, %mul3A_1 : i32
    "tpu.region"() ({
      %run_scoped3A = tpu.sem_alloc : memref<!tpu.dma_semaphore, #tpu.memory_space<semaphore_mem>>
      %dma_start3A_26 = arith.constant 0 : i32
      %dma_start3A_27 = tpu.memref_slice %arg11[%mul3A_2, %dma_start3A_26] : memref<5248x128xf32, #tpu.memory_space<vmem_shared>> -> memref<328x128xf32, #tpu.memory_space<vmem_shared>>
      tpu.enqueue_dma source(%arg5 : memref<328x128xf32, #tpu.memory_space<hbm>>) target(%dma_start3A_27 : memref<328x128xf32, #tpu.memory_space<vmem_shared>>) target_semaphore(%run_scoped3A : memref<!tpu.dma_semaphore, #tpu.memory_space<semaphore_mem>>)
      %dma_wait3A = arith.constant 0 : i32
      %dma_wait3A_28 = tpu.memref_slice %arg11[%mul3A_2, %dma_wait3A] : memref<5248x128xf32, #tpu.memory_space<vmem_shared>> -> memref<328x128xf32, #tpu.memory_space<vmem_shared>>
      tpu.wait_dma2 semaphore(%run_scoped3A : memref<!tpu.dma_semaphore, #tpu.memory_space<semaphore_mem>>) src(%arg5 : memref<328x128xf32, #tpu.memory_space<hbm>>) dst(%dma_wait3A_28 : memref<328x128xf32, #tpu.memory_space<vmem_shared>>)
      tpu.yield
    }) : () -> ()
    "tpu.region"() ({
      %run_scoped3A = tpu.sem_alloc : memref<!tpu.dma_semaphore, #tpu.memory_space<semaphore_mem>>
      %dma_start3A_26 = arith.constant 0 : i32
      %dma_start3A_27 = tpu.memref_slice %arg2[%mul3A_0, %dma_start3A_26] : memref<2560x128xi32, #tpu.memory_space<hbm>> -> memref<160x128xi32, #tpu.memory_space<hbm>>
      %dma_start3A_28 = arith.constant 0 : i32
      %dma_start3A_29 = tpu.memref_slice %arg2[%mul3A_0, %dma_start3A_28] : memref<2560x128xi32, #tpu.memory_space<hbm>> -> memref<160x128xi32, #tpu.memory_space<hbm>>
      tpu.enqueue_dma source(%dma_start3A_29 : memref<160x128xi32, #tpu.memory_space<hbm>>) target(%arg7 : memref<160x128xi32, #tpu.memory_space<vmem>>) target_semaphore(%run_scoped3A : memref<!tpu.dma_semaphore, #tpu.memory_space<semaphore_mem>>)
      %dma_wait3A = arith.constant 0 : i32
      %dma_wait3A_30 = tpu.memref_slice %arg2[%mul3A_0, %dma_wait3A] : memref<2560x128xi32, #tpu.memory_space<hbm>> -> memref<160x128xi32, #tpu.memory_space<hbm>>
      %dma_wait3A_31 = arith.constant 0 : i32
      %dma_wait3A_32 = tpu.memref_slice %arg2[%mul3A_0, %dma_wait3A_31] : memref<2560x128xi32, #tpu.memory_space<hbm>> -> memref<160x128xi32, #tpu.memory_space<hbm>>
      tpu.wait_dma2 semaphore(%run_scoped3A : memref<!tpu.dma_semaphore, #tpu.memory_space<semaphore_mem>>) src(%dma_wait3A_32 : memref<160x128xi32, #tpu.memory_space<hbm>>) dst(%arg7 : memref<160x128xi32, #tpu.memory_space<vmem>>)
      tpu.yield
    }) : () -> ()
    "tpu.region"() ({
      %run_scoped3A = tpu.sem_alloc : memref<!tpu.dma_semaphore, #tpu.memory_space<semaphore_mem>>
      %dma_start3A_26 = arith.constant 0 : i32
      %dma_start3A_27 = tpu.memref_slice %arg3[%arg0, %mul3A_0, %dma_start3A_26] : memref<2x2560x128xi32, #tpu.memory_space<hbm>> -> memref<1x160x128xi32, #tpu.memory_space<hbm>>
      %dma_start3A_28 = tpu.memref_squeeze %dma_start3A_27 : memref<1x160x128xi32, #tpu.memory_space<hbm>> -> memref<160x128xi32, #tpu.memory_space<hbm>>
      %dma_start3A_29 = arith.constant 0 : i32
      %dma_start3A_30 = tpu.memref_slice %arg3[%arg0, %mul3A_0, %dma_start3A_29] : memref<2x2560x128xi32, #tpu.memory_space<hbm>> -> memref<1x160x128xi32, #tpu.memory_space<hbm>>
      %dma_start3A_31 = tpu.memref_squeeze %dma_start3A_30 : memref<1x160x128xi32, #tpu.memory_space<hbm>> -> memref<160x128xi32, #tpu.memory_space<hbm>>
      tpu.enqueue_dma source(%dma_start3A_31 : memref<160x128xi32, #tpu.memory_space<hbm>>) target(%arg8 : memref<160x128xi32, #tpu.memory_space<vmem>>) target_semaphore(%run_scoped3A : memref<!tpu.dma_semaphore, #tpu.memory_space<semaphore_mem>>)
      %dma_wait3A = arith.constant 0 : i32
      %dma_wait3A_32 = tpu.memref_slice %arg3[%arg0, %mul3A_0, %dma_wait3A] : memref<2x2560x128xi32, #tpu.memory_space<hbm>> -> memref<1x160x128xi32, #tpu.memory_space<hbm>>
      %dma_wait3A_33 = tpu.memref_squeeze %dma_wait3A_32 : memref<1x160x128xi32, #tpu.memory_space<hbm>> -> memref<160x128xi32, #tpu.memory_space<hbm>>
      %dma_wait3A_34 = arith.constant 0 : i32
      %dma_wait3A_35 = tpu.memref_slice %arg3[%arg0, %mul3A_0, %dma_wait3A_34] : memref<2x2560x128xi32, #tpu.memory_space<hbm>> -> memref<1x160x128xi32, #tpu.memory_space<hbm>>
      %dma_wait3A_36 = tpu.memref_squeeze %dma_wait3A_35 : memref<1x160x128xi32, #tpu.memory_space<hbm>> -> memref<160x128xi32, #tpu.memory_space<hbm>>
      tpu.wait_dma2 semaphore(%run_scoped3A : memref<!tpu.dma_semaphore, #tpu.memory_space<semaphore_mem>>) src(%dma_wait3A_36 : memref<160x128xi32, #tpu.memory_space<hbm>>) dst(%arg8 : memref<160x128xi32, #tpu.memory_space<vmem>>)
      tpu.yield
    }) : () -> ()
    %barrier3A = arith.constant 0 : index
    tpu.barrier barrier_id(%barrier3A)
    %dma_start3A = arith.constant 0 : i32
    %dma_start3A_3 = arith.constant 0 : i32
    %dma_start3A_4 = tpu.memref_slice %arg7[%dma_start3A, %dma_start3A_3] : memref<160x128xi32, #tpu.memory_space<vmem>> -> memref<1x128xi32, #tpu.memory_space<vmem>>
    %dma_start3A_5 = tpu.memref_squeeze %dma_start3A_4 : memref<1x128xi32, #tpu.memory_space<vmem>> -> memref<128xi32, #tpu.memory_space<vmem>>
    %dma_start3A_6 = arith.constant 0 : i32
    %dma_start3A_7 = arith.constant 0 : i32
    %dma_start3A_8 = tpu.memref_slice %arg4[%dma_start3A_6, %dma_start3A_7] : memref<2560x128xf32, #tpu.memory_space<hbm>> -> memref<2560x128xf32, #tpu.memory_space<hbm>>
    tpu.enqueue_indirect_dma source(%dma_start3A_8 : memref<2560x128xf32, #tpu.memory_space<hbm>>) target(%arg9 : memref<128x128xf32, #tpu.memory_space<vmem>>) offsets(%dma_start3A_5 : memref<128xi32, #tpu.memory_space<vmem>>) semaphore(%arg12 : memref<!tpu.dma_semaphore, #tpu.memory_space<semaphore_mem>>)
    %dma_start3A_9 = arith.constant 1 : i32
    %dma_start3A_10 = arith.constant 0 : i32
    %dma_start3A_11 = tpu.memref_slice %arg7[%dma_start3A_9, %dma_start3A_10] : memref<160x128xi32, #tpu.memory_space<vmem>> -> memref<1x128xi32, #tpu.memory_space<vmem>>
    %dma_start3A_12 = tpu.memref_squeeze %dma_start3A_11 : memref<1x128xi32, #tpu.memory_space<vmem>> -> memref<128xi32, #tpu.memory_space<vmem>>
    %dma_start3A_13 = arith.constant 0 : i32
    %dma_start3A_14 = arith.constant 0 : i32
    %dma_start3A_15 = tpu.memref_slice %arg4[%dma_start3A_13, %dma_start3A_14] : memref<2560x128xf32, #tpu.memory_space<hbm>> -> memref<2560x128xf32, #tpu.memory_space<hbm>>
    tpu.enqueue_indirect_dma source(%dma_start3A_15 : memref<2560x128xf32, #tpu.memory_space<hbm>>) target(%arg10 : memref<128x128xf32, #tpu.memory_space<vmem>>) offsets(%dma_start3A_12 : memref<128xi32, #tpu.memory_space<vmem>>) semaphore(%arg13 : memref<!tpu.dma_semaphore, #tpu.memory_space<semaphore_mem>>)
    %scan3A = arith.constant 0 : i32
    %scan3A_16 = arith.constant 0 : i32
    %scan3A_17 = arith.constant 80 : i32
    %scan3A_18 = arith.addi %scan3A_16, %scan3A_17 : i32
    %scan3A_19 = arith.constant 1 : i32
    scf.for %scan3A_26 = %scan3A_16 to %scan3A_18 step %scan3A_19  : i32 {
      %mul3A_27 = arith.constant 2 : i32
      %mul3A_28 = arith.muli %mul3A_27, %scan3A_26 : i32
      %dma_wait3A = arith.constant 0 : i32
      %dma_wait3A_29 = tpu.memref_slice %arg7[%mul3A_28, %dma_wait3A] : memref<160x128xi32, #tpu.memory_space<vmem>> -> memref<1x128xi32, #tpu.memory_space<vmem>>
      %dma_wait3A_30 = tpu.memref_squeeze %dma_wait3A_29 : memref<1x128xi32, #tpu.memory_space<vmem>> -> memref<128xi32, #tpu.memory_space<vmem>>
      %dma_wait3A_31 = arith.constant 0 : i32
      %dma_wait3A_32 = arith.constant 0 : i32
      %dma_wait3A_33 = tpu.memref_slice %arg4[%dma_wait3A_31, %dma_wait3A_32] : memref<2560x128xf32, #tpu.memory_space<hbm>> -> memref<2560x128xf32, #tpu.memory_space<hbm>>
      tpu.wait_indirect_dma semaphore(%arg12 : memref<!tpu.dma_semaphore, #tpu.memory_space<semaphore_mem>>) src(%dma_wait3A_33 : memref<2560x128xf32, #tpu.memory_space<hbm>>) dst(%arg9 : memref<128x128xf32, #tpu.memory_space<vmem>>)
      "tpu.region"() ({
        %run_scoped3A = tpu.sem_alloc : memref<!tpu.dma_semaphore, #tpu.memory_space<semaphore_mem>>
        %dma_start3A_52 = arith.constant 0 : i32
        %dma_start3A_53 = tpu.memref_slice %arg8[%mul3A_28, %dma_start3A_52] : memref<160x128xi32, #tpu.memory_space<vmem>> -> memref<1x128xi32, #tpu.memory_space<vmem>>
        %dma_start3A_54 = tpu.memref_squeeze %dma_start3A_53 : memref<1x128xi32, #tpu.memory_space<vmem>> -> memref<128xi32, #tpu.memory_space<vmem>>
        %dma_start3A_55 = arith.constant 0 : i32
        %dma_start3A_56 = arith.constant 0 : i32
        %dma_start3A_57 = tpu.memref_slice %arg11[%dma_start3A_55, %dma_start3A_56] : memref<5248x128xf32, #tpu.memory_space<vmem_shared>> -> memref<5248x128xf32, #tpu.memory_space<vmem_shared>>
        tpu.enqueue_indirect_dma source(%arg9 : memref<128x128xf32, #tpu.memory_space<vmem>>) target(%dma_start3A_57 : memref<5248x128xf32, #tpu.memory_space<vmem_shared>>) offsets(%dma_start3A_54 : memref<128xi32, #tpu.memory_space<vmem>>) semaphore(%run_scoped3A : memref<!tpu.dma_semaphore, #tpu.memory_space<semaphore_mem>>) {add = true}
        %dma_wait3A_58 = arith.constant 0 : i32
        %dma_wait3A_59 = tpu.memref_slice %arg8[%mul3A_28, %dma_wait3A_58] : memref<160x128xi32, #tpu.memory_space<vmem>> -> memref<1x128xi32, #tpu.memory_space<vmem>>
        %dma_wait3A_60 = tpu.memref_squeeze %dma_wait3A_59 : memref<1x128xi32, #tpu.memory_space<vmem>> -> memref<128xi32, #tpu.memory_space<vmem>>
        %dma_wait3A_61 = arith.constant 0 : i32
        %dma_wait3A_62 = arith.constant 0 : i32
        %dma_wait3A_63 = tpu.memref_slice %arg11[%dma_wait3A_61, %dma_wait3A_62] : memref<5248x128xf32, #tpu.memory_space<vmem_shared>> -> memref<5248x128xf32, #tpu.memory_space<vmem_shared>>
        tpu.wait_indirect_dma semaphore(%run_scoped3A : memref<!tpu.dma_semaphore, #tpu.memory_space<semaphore_mem>>) src(%arg9 : memref<128x128xf32, #tpu.memory_space<vmem>>) dst(%dma_wait3A_63 : memref<5248x128xf32, #tpu.memory_space<vmem_shared>>)
        tpu.yield
      }) : () -> ()
      %add3A = arith.constant 2 : i32
      %add3A_34 = arith.addi %mul3A_28, %add3A : i32
      %lt3A = arith.constant 160 : i32
      %lt3A_35 = arith.cmpi slt, %add3A_34, %lt3A : i32
      %convert_element_type3A = arith.extui %lt3A_35 : i1 to i32
      %cond3A = arith.constant 0 : i32
      %cond3A_36 = arith.cmpi ne, %convert_element_type3A, %cond3A : i32
      scf.if %cond3A_36 {
        %add3A_52 = arith.constant 2 : i32
        %add3A_53 = arith.addi %mul3A_28, %add3A_52 : i32
        %dma_start3A_54 = arith.constant 0 : i32
        %dma_start3A_55 = tpu.memref_slice %arg7[%add3A_53, %dma_start3A_54] : memref<160x128xi32, #tpu.memory_space<vmem>> -> memref<1x128xi32, #tpu.memory_space<vmem>>
        %dma_start3A_56 = tpu.memref_squeeze %dma_start3A_55 : memref<1x128xi32, #tpu.memory_space<vmem>> -> memref<128xi32, #tpu.memory_space<vmem>>
        %dma_start3A_57 = arith.constant 0 : i32
        %dma_start3A_58 = arith.constant 0 : i32
        %dma_start3A_59 = tpu.memref_slice %arg4[%dma_start3A_57, %dma_start3A_58] : memref<2560x128xf32, #tpu.memory_space<hbm>> -> memref<2560x128xf32, #tpu.memory_space<hbm>>
        tpu.enqueue_indirect_dma source(%dma_start3A_59 : memref<2560x128xf32, #tpu.memory_space<hbm>>) target(%arg9 : memref<128x128xf32, #tpu.memory_space<vmem>>) offsets(%dma_start3A_56 : memref<128xi32, #tpu.memory_space<vmem>>) semaphore(%arg12 : memref<!tpu.dma_semaphore, #tpu.memory_space<semaphore_mem>>)
      } else {
      }
      %add3A_37 = arith.constant 1 : i32
      %add3A_38 = arith.addi %mul3A_28, %add3A_37 : i32
      %dma_wait3A_39 = arith.constant 0 : i32
      %dma_wait3A_40 = tpu.memref_slice %arg7[%add3A_38, %dma_wait3A_39] : memref<160x128xi32, #tpu.memory_space<vmem>> -> memref<1x128xi32, #tpu.memory_space<vmem>>
      %dma_wait3A_41 = tpu.memref_squeeze %dma_wait3A_40 : memref<1x128xi32, #tpu.memory_space<vmem>> -> memref<128xi32, #tpu.memory_space<vmem>>
      %dma_wait3A_42 = arith.constant 0 : i32
      %dma_wait3A_43 = arith.constant 0 : i32
      %dma_wait3A_44 = tpu.memref_slice %arg4[%dma_wait3A_42, %dma_wait3A_43] : memref<2560x128xf32, #tpu.memory_space<hbm>> -> memref<2560x128xf32, #tpu.memory_space<hbm>>
      tpu.wait_indirect_dma semaphore(%arg13 : memref<!tpu.dma_semaphore, #tpu.memory_space<semaphore_mem>>) src(%dma_wait3A_44 : memref<2560x128xf32, #tpu.memory_space<hbm>>) dst(%arg10 : memref<128x128xf32, #tpu.memory_space<vmem>>)
      "tpu.region"() ({
        %run_scoped3A = tpu.sem_alloc : memref<!tpu.dma_semaphore, #tpu.memory_space<semaphore_mem>>
        %dma_start3A_52 = arith.constant 0 : i32
        %dma_start3A_53 = tpu.memref_slice %arg8[%add3A_38, %dma_start3A_52] : memref<160x128xi32, #tpu.memory_space<vmem>> -> memref<1x128xi32, #tpu.memory_space<vmem>>
        %dma_start3A_54 = tpu.memref_squeeze %dma_start3A_53 : memref<1x128xi32, #tpu.memory_space<vmem>> -> memref<128xi32, #tpu.memory_space<vmem>>
        %dma_start3A_55 = arith.constant 0 : i32
        %dma_start3A_56 = arith.constant 0 : i32
        %dma_start3A_57 = tpu.memref_slice %arg11[%dma_start3A_55, %dma_start3A_56] : memref<5248x128xf32, #tpu.memory_space<vmem_shared>> -> memref<5248x128xf32, #tpu.memory_space<vmem_shared>>
        tpu.enqueue_indirect_dma source(%arg10 : memref<128x128xf32, #tpu.memory_space<vmem>>) target(%dma_start3A_57 : memref<5248x128xf32, #tpu.memory_space<vmem_shared>>) offsets(%dma_start3A_54 : memref<128xi32, #tpu.memory_space<vmem>>) semaphore(%run_scoped3A : memref<!tpu.dma_semaphore, #tpu.memory_space<semaphore_mem>>) {add = true}
        %dma_wait3A_58 = arith.constant 0 : i32
        %dma_wait3A_59 = tpu.memref_slice %arg8[%add3A_38, %dma_wait3A_58] : memref<160x128xi32, #tpu.memory_space<vmem>> -> memref<1x128xi32, #tpu.memory_space<vmem>>
        %dma_wait3A_60 = tpu.memref_squeeze %dma_wait3A_59 : memref<1x128xi32, #tpu.memory_space<vmem>> -> memref<128xi32, #tpu.memory_space<vmem>>
        %dma_wait3A_61 = arith.constant 0 : i32
        %dma_wait3A_62 = arith.constant 0 : i32
        %dma_wait3A_63 = tpu.memref_slice %arg11[%dma_wait3A_61, %dma_wait3A_62] : memref<5248x128xf32, #tpu.memory_space<vmem_shared>> -> memref<5248x128xf32, #tpu.memory_space<vmem_shared>>
        tpu.wait_indirect_dma semaphore(%run_scoped3A : memref<!tpu.dma_semaphore, #tpu.memory_space<semaphore_mem>>) src(%arg10 : memref<128x128xf32, #tpu.memory_space<vmem>>) dst(%dma_wait3A_63 : memref<5248x128xf32, #tpu.memory_space<vmem_shared>>)
        tpu.yield
      }) : () -> ()
      %add3A_45 = arith.constant 3 : i32
      %add3A_46 = arith.addi %mul3A_28, %add3A_45 : i32
      %lt3A_47 = arith.constant 160 : i32
      %lt3A_48 = arith.cmpi slt, %add3A_46, %lt3A_47 : i32
      %convert_element_type3A_49 = arith.extui %lt3A_48 : i1 to i32
      %cond3A_50 = arith.constant 0 : i32
      %cond3A_51 = arith.cmpi ne, %convert_element_type3A_49, %cond3A_50 : i32
      scf.if %cond3A_51 {
        %add3A_52 = arith.constant 3 : i32
        %add3A_53 = arith.addi %mul3A_28, %add3A_52 : i32
        %dma_start3A_54 = arith.constant 0 : i32
        %dma_start3A_55 = tpu.memref_slice %arg7[%add3A_53, %dma_start3A_54] : memref<160x128xi32, #tpu.memory_space<vmem>> -> memref<1x128xi32, #tpu.memory_space<vmem>>
        %dma_start3A_56 = tpu.memref_squeeze %dma_start3A_55 : memref<1x128xi32, #tpu.memory_space<vmem>> -> memref<128xi32, #tpu.memory_space<vmem>>
        %dma_start3A_57 = arith.constant 0 : i32
        %dma_start3A_58 = arith.constant 0 : i32
        %dma_start3A_59 = tpu.memref_slice %arg4[%dma_start3A_57, %dma_start3A_58] : memref<2560x128xf32, #tpu.memory_space<hbm>> -> memref<2560x128xf32, #tpu.memory_space<hbm>>
        tpu.enqueue_indirect_dma source(%dma_start3A_59 : memref<2560x128xf32, #tpu.memory_space<hbm>>) target(%arg10 : memref<128x128xf32, #tpu.memory_space<vmem>>) offsets(%dma_start3A_56 : memref<128xi32, #tpu.memory_space<vmem>>) semaphore(%arg13 : memref<!tpu.dma_semaphore, #tpu.memory_space<semaphore_mem>>)
      } else {
      }
    }
    %scan3A_20 = arith.constant 80 : i32
    %barrier3A_21 = arith.constant 0 : index
    tpu.barrier barrier_id(%barrier3A_21)
    %mul3A_22 = arith.constant 328 : i32
    %mul3A_23 = arith.muli %arg1, %mul3A_22 : i32
    %mul3A_24 = arith.constant 328 : i32
    %mul3A_25 = arith.muli %arg1, %mul3A_24 : i32
    "tpu.region"() ({
      %run_scoped3A = tpu.sem_alloc : memref<!tpu.dma_semaphore, #tpu.memory_space<semaphore_mem>>
      %dma_start3A_26 = arith.constant 0 : i32
      %dma_start3A_27 = tpu.memref_slice %arg6[%arg0, %mul3A_25, %dma_start3A_26] : memref<2x5248x128xf32, #tpu.memory_space<hbm>> -> memref<1x328x128xf32, #tpu.memory_space<hbm>>
      %dma_start3A_28 = tpu.memref_squeeze %dma_start3A_27 : memref<1x328x128xf32, #tpu.memory_space<hbm>> -> memref<328x128xf32, #tpu.memory_space<hbm>>
      %dma_start3A_29 = arith.constant 0 : i32
      %dma_start3A_30 = tpu.memref_slice %arg11[%mul3A_23, %dma_start3A_29] : memref<5248x128xf32, #tpu.memory_space<vmem_shared>> -> memref<328x128xf32, #tpu.memory_space<vmem_shared>>
      tpu.enqueue_dma source(%dma_start3A_30 : memref<328x128xf32, #tpu.memory_space<vmem_shared>>) target(%dma_start3A_28 : memref<328x128xf32, #tpu.memory_space<hbm>>) target_semaphore(%run_scoped3A : memref<!tpu.dma_semaphore, #tpu.memory_space<semaphore_mem>>)
      %dma_wait3A = arith.constant 0 : i32
      %dma_wait3A_31 = tpu.memref_slice %arg6[%arg0, %mul3A_25, %dma_wait3A] : memref<2x5248x128xf32, #tpu.memory_space<hbm>> -> memref<1x328x128xf32, #tpu.memory_space<hbm>>
      %dma_wait3A_32 = tpu.memref_squeeze %dma_wait3A_31 : memref<1x328x128xf32, #tpu.memory_space<hbm>> -> memref<328x128xf32, #tpu.memory_space<hbm>>
      %dma_wait3A_33 = arith.constant 0 : i32
      %dma_wait3A_34 = tpu.memref_slice %arg11[%mul3A_23, %dma_wait3A_33] : memref<5248x128xf32, #tpu.memory_space<vmem_shared>> -> memref<328x128xf32, #tpu.memory_space<vmem_shared>>
      tpu.wait_dma2 semaphore(%run_scoped3A : memref<!tpu.dma_semaphore, #tpu.memory_space<semaphore_mem>>) src(%dma_wait3A_34 : memref<328x128xf32, #tpu.memory_space<vmem_shared>>) dst(%dma_wait3A_32 : memref<328x128xf32, #tpu.memory_space<hbm>>)
      tpu.yield
    }) : () -> ()
    return
  }
}

#map = affine_map<(d0, d1) -> (0, 0)>
#map1 = affine_map<(d0, d1) -> (0, 0, 0)>
module attributes {stable_mosaic.version = 14 : i64} {
  func.func @body(%arg0: i32, %arg1: i32, %arg2: memref<256x128xi32, #tpu.memory_space<hbm>>, %arg3: memref<256x128xi32, #tpu.memory_space<hbm>>, %arg4: memref<12288x128xf32, #tpu.memory_space<hbm>>, %arg5: memref<192x128xf32, #tpu.memory_space<hbm>>, %arg6: memref<2x3072x128xf32, #tpu.memory_space<hbm>>, %arg7: memref<8x128xi32, #tpu.memory_space<vmem>>, %arg8: memref<8x128xi32, #tpu.memory_space<vmem>>, %arg9: memref<128x128xf32, #tpu.memory_space<vmem>>, %arg10: memref<128x128xf32, #tpu.memory_space<vmem>>, %arg11: memref<3072x128xf32, #tpu.memory_space<vmem_shared>>, %arg12: memref<!tpu.dma_semaphore, #tpu.memory_space<semaphore_mem>>, %arg13: memref<!tpu.dma_semaphore, #tpu.memory_space<semaphore_mem>>) attributes {dimension_semantics = [#tpu.dimension_semantics<core_parallel>, #tpu.dimension_semantics<subcore_parallel>], iteration_bounds = array<i64: 2, 16>, scalar_prefetch = 0 : i64, scratch_operands = 7 : i64, tpu.core_type = #tpu.core_type<sc_vector_subcore>, window_params = [{transform_indices = #map}, {transform_indices = #map}, {transform_indices = #map}, {transform_indices = #map}, {transform_indices = #map1}]} {
    %mul3A = arith.constant 16 : i32
    %mul3A_0 = arith.muli %arg0, %mul3A : i32
    %add3A = arith.addi %mul3A_0, %arg1 : i32
    %mul3A_1 = arith.constant 8 : i32
    %mul3A_2 = arith.muli %add3A, %mul3A_1 : i32
    %mul3A_3 = arith.constant 192 : i32
    %mul3A_4 = arith.muli %arg1, %mul3A_3 : i32
    "tpu.region"() ({
      %run_scoped3A = tpu.sem_alloc : memref<!tpu.dma_semaphore, #tpu.memory_space<semaphore_mem>>
      %dma_start3A_28 = arith.constant 0 : i32
      %dma_start3A_29 = tpu.memref_slice %arg11[%mul3A_4, %dma_start3A_28] : memref<3072x128xf32, #tpu.memory_space<vmem_shared>> -> memref<192x128xf32, #tpu.memory_space<vmem_shared>>
      tpu.enqueue_dma source(%arg5 : memref<192x128xf32, #tpu.memory_space<hbm>>) target(%dma_start3A_29 : memref<192x128xf32, #tpu.memory_space<vmem_shared>>) target_semaphore(%run_scoped3A : memref<!tpu.dma_semaphore, #tpu.memory_space<semaphore_mem>>)
      %dma_wait3A = arith.constant 0 : i32
      %dma_wait3A_30 = tpu.memref_slice %arg11[%mul3A_4, %dma_wait3A] : memref<3072x128xf32, #tpu.memory_space<vmem_shared>> -> memref<192x128xf32, #tpu.memory_space<vmem_shared>>
      tpu.wait_dma2 semaphore(%run_scoped3A : memref<!tpu.dma_semaphore, #tpu.memory_space<semaphore_mem>>) src(%arg5 : memref<192x128xf32, #tpu.memory_space<hbm>>) dst(%dma_wait3A_30 : memref<192x128xf32, #tpu.memory_space<vmem_shared>>)
      tpu.yield
    }) : () -> ()
    "tpu.region"() ({
      %run_scoped3A = tpu.sem_alloc : memref<!tpu.dma_semaphore, #tpu.memory_space<semaphore_mem>>
      %dma_start3A_28 = arith.constant 0 : i32
      %dma_start3A_29 = tpu.memref_slice %arg2[%mul3A_2, %dma_start3A_28] : memref<256x128xi32, #tpu.memory_space<hbm>> -> memref<8x128xi32, #tpu.memory_space<hbm>>
      %dma_start3A_30 = arith.constant 0 : i32
      %dma_start3A_31 = tpu.memref_slice %arg2[%mul3A_2, %dma_start3A_30] : memref<256x128xi32, #tpu.memory_space<hbm>> -> memref<8x128xi32, #tpu.memory_space<hbm>>
      tpu.enqueue_dma source(%dma_start3A_31 : memref<8x128xi32, #tpu.memory_space<hbm>>) target(%arg7 : memref<8x128xi32, #tpu.memory_space<vmem>>) target_semaphore(%run_scoped3A : memref<!tpu.dma_semaphore, #tpu.memory_space<semaphore_mem>>)
      %dma_wait3A = arith.constant 0 : i32
      %dma_wait3A_32 = tpu.memref_slice %arg2[%mul3A_2, %dma_wait3A] : memref<256x128xi32, #tpu.memory_space<hbm>> -> memref<8x128xi32, #tpu.memory_space<hbm>>
      %dma_wait3A_33 = arith.constant 0 : i32
      %dma_wait3A_34 = tpu.memref_slice %arg2[%mul3A_2, %dma_wait3A_33] : memref<256x128xi32, #tpu.memory_space<hbm>> -> memref<8x128xi32, #tpu.memory_space<hbm>>
      tpu.wait_dma2 semaphore(%run_scoped3A : memref<!tpu.dma_semaphore, #tpu.memory_space<semaphore_mem>>) src(%dma_wait3A_34 : memref<8x128xi32, #tpu.memory_space<hbm>>) dst(%arg7 : memref<8x128xi32, #tpu.memory_space<vmem>>)
      tpu.yield
    }) : () -> ()
    "tpu.region"() ({
      %run_scoped3A = tpu.sem_alloc : memref<!tpu.dma_semaphore, #tpu.memory_space<semaphore_mem>>
      %dma_start3A_28 = arith.constant 0 : i32
      %dma_start3A_29 = tpu.memref_slice %arg3[%mul3A_2, %dma_start3A_28] : memref<256x128xi32, #tpu.memory_space<hbm>> -> memref<8x128xi32, #tpu.memory_space<hbm>>
      %dma_start3A_30 = arith.constant 0 : i32
      %dma_start3A_31 = tpu.memref_slice %arg3[%mul3A_2, %dma_start3A_30] : memref<256x128xi32, #tpu.memory_space<hbm>> -> memref<8x128xi32, #tpu.memory_space<hbm>>
      tpu.enqueue_dma source(%dma_start3A_31 : memref<8x128xi32, #tpu.memory_space<hbm>>) target(%arg8 : memref<8x128xi32, #tpu.memory_space<vmem>>) target_semaphore(%run_scoped3A : memref<!tpu.dma_semaphore, #tpu.memory_space<semaphore_mem>>)
      %dma_wait3A = arith.constant 0 : i32
      %dma_wait3A_32 = tpu.memref_slice %arg3[%mul3A_2, %dma_wait3A] : memref<256x128xi32, #tpu.memory_space<hbm>> -> memref<8x128xi32, #tpu.memory_space<hbm>>
      %dma_wait3A_33 = arith.constant 0 : i32
      %dma_wait3A_34 = tpu.memref_slice %arg3[%mul3A_2, %dma_wait3A_33] : memref<256x128xi32, #tpu.memory_space<hbm>> -> memref<8x128xi32, #tpu.memory_space<hbm>>
      tpu.wait_dma2 semaphore(%run_scoped3A : memref<!tpu.dma_semaphore, #tpu.memory_space<semaphore_mem>>) src(%dma_wait3A_34 : memref<8x128xi32, #tpu.memory_space<hbm>>) dst(%arg8 : memref<8x128xi32, #tpu.memory_space<vmem>>)
      tpu.yield
    }) : () -> ()
    %barrier3A = arith.constant 0 : index
    tpu.barrier barrier_id(%barrier3A)
    %dma_start3A = arith.constant 0 : i32
    %dma_start3A_5 = arith.constant 0 : i32
    %dma_start3A_6 = tpu.memref_slice %arg7[%dma_start3A, %dma_start3A_5] : memref<8x128xi32, #tpu.memory_space<vmem>> -> memref<1x128xi32, #tpu.memory_space<vmem>>
    %dma_start3A_7 = tpu.memref_squeeze %dma_start3A_6 : memref<1x128xi32, #tpu.memory_space<vmem>> -> memref<128xi32, #tpu.memory_space<vmem>>
    %dma_start3A_8 = arith.constant 0 : i32
    %dma_start3A_9 = arith.constant 0 : i32
    %dma_start3A_10 = tpu.memref_slice %arg4[%dma_start3A_8, %dma_start3A_9] : memref<12288x128xf32, #tpu.memory_space<hbm>> -> memref<12288x128xf32, #tpu.memory_space<hbm>>
    tpu.enqueue_indirect_dma source(%dma_start3A_10 : memref<12288x128xf32, #tpu.memory_space<hbm>>) target(%arg9 : memref<128x128xf32, #tpu.memory_space<vmem>>) offsets(%dma_start3A_7 : memref<128xi32, #tpu.memory_space<vmem>>) semaphore(%arg12 : memref<!tpu.dma_semaphore, #tpu.memory_space<semaphore_mem>>)
    %dma_start3A_11 = arith.constant 1 : i32
    %dma_start3A_12 = arith.constant 0 : i32
    %dma_start3A_13 = tpu.memref_slice %arg7[%dma_start3A_11, %dma_start3A_12] : memref<8x128xi32, #tpu.memory_space<vmem>> -> memref<1x128xi32, #tpu.memory_space<vmem>>
    %dma_start3A_14 = tpu.memref_squeeze %dma_start3A_13 : memref<1x128xi32, #tpu.memory_space<vmem>> -> memref<128xi32, #tpu.memory_space<vmem>>
    %dma_start3A_15 = arith.constant 0 : i32
    %dma_start3A_16 = arith.constant 0 : i32
    %dma_start3A_17 = tpu.memref_slice %arg4[%dma_start3A_15, %dma_start3A_16] : memref<12288x128xf32, #tpu.memory_space<hbm>> -> memref<12288x128xf32, #tpu.memory_space<hbm>>
    tpu.enqueue_indirect_dma source(%dma_start3A_17 : memref<12288x128xf32, #tpu.memory_space<hbm>>) target(%arg10 : memref<128x128xf32, #tpu.memory_space<vmem>>) offsets(%dma_start3A_14 : memref<128xi32, #tpu.memory_space<vmem>>) semaphore(%arg13 : memref<!tpu.dma_semaphore, #tpu.memory_space<semaphore_mem>>)
    %scan3A = arith.constant 0 : i32
    %scan3A_18 = arith.constant 0 : i32
    %scan3A_19 = arith.constant 4 : i32
    %scan3A_20 = arith.addi %scan3A_18, %scan3A_19 : i32
    %scan3A_21 = arith.constant 1 : i32
    scf.for %scan3A_28 = %scan3A_18 to %scan3A_20 step %scan3A_21  : i32 {
      %mul3A_29 = arith.constant 2 : i32
      %mul3A_30 = arith.muli %mul3A_29, %scan3A_28 : i32
      %dma_wait3A = arith.constant 0 : i32
      %dma_wait3A_31 = tpu.memref_slice %arg7[%mul3A_30, %dma_wait3A] : memref<8x128xi32, #tpu.memory_space<vmem>> -> memref<1x128xi32, #tpu.memory_space<vmem>>
      %dma_wait3A_32 = tpu.memref_squeeze %dma_wait3A_31 : memref<1x128xi32, #tpu.memory_space<vmem>> -> memref<128xi32, #tpu.memory_space<vmem>>
      %dma_wait3A_33 = arith.constant 0 : i32
      %dma_wait3A_34 = arith.constant 0 : i32
      %dma_wait3A_35 = tpu.memref_slice %arg4[%dma_wait3A_33, %dma_wait3A_34] : memref<12288x128xf32, #tpu.memory_space<hbm>> -> memref<12288x128xf32, #tpu.memory_space<hbm>>
      tpu.wait_indirect_dma semaphore(%arg12 : memref<!tpu.dma_semaphore, #tpu.memory_space<semaphore_mem>>) src(%dma_wait3A_35 : memref<12288x128xf32, #tpu.memory_space<hbm>>) dst(%arg9 : memref<128x128xf32, #tpu.memory_space<vmem>>)
      "tpu.region"() ({
        %run_scoped3A = tpu.sem_alloc : memref<!tpu.dma_semaphore, #tpu.memory_space<semaphore_mem>>
        %dma_start3A_55 = arith.constant 0 : i32
        %dma_start3A_56 = tpu.memref_slice %arg8[%mul3A_30, %dma_start3A_55] : memref<8x128xi32, #tpu.memory_space<vmem>> -> memref<1x128xi32, #tpu.memory_space<vmem>>
        %dma_start3A_57 = tpu.memref_squeeze %dma_start3A_56 : memref<1x128xi32, #tpu.memory_space<vmem>> -> memref<128xi32, #tpu.memory_space<vmem>>
        %dma_start3A_58 = arith.constant 0 : i32
        %dma_start3A_59 = arith.constant 0 : i32
        %dma_start3A_60 = tpu.memref_slice %arg11[%dma_start3A_58, %dma_start3A_59] : memref<3072x128xf32, #tpu.memory_space<vmem_shared>> -> memref<3072x128xf32, #tpu.memory_space<vmem_shared>>
        tpu.enqueue_indirect_dma source(%arg9 : memref<128x128xf32, #tpu.memory_space<vmem>>) target(%dma_start3A_60 : memref<3072x128xf32, #tpu.memory_space<vmem_shared>>) offsets(%dma_start3A_57 : memref<128xi32, #tpu.memory_space<vmem>>) semaphore(%run_scoped3A : memref<!tpu.dma_semaphore, #tpu.memory_space<semaphore_mem>>) {add = true}
        %dma_wait3A_61 = arith.constant 0 : i32
        %dma_wait3A_62 = tpu.memref_slice %arg8[%mul3A_30, %dma_wait3A_61] : memref<8x128xi32, #tpu.memory_space<vmem>> -> memref<1x128xi32, #tpu.memory_space<vmem>>
        %dma_wait3A_63 = tpu.memref_squeeze %dma_wait3A_62 : memref<1x128xi32, #tpu.memory_space<vmem>> -> memref<128xi32, #tpu.memory_space<vmem>>
        %dma_wait3A_64 = arith.constant 0 : i32
        %dma_wait3A_65 = arith.constant 0 : i32
        %dma_wait3A_66 = tpu.memref_slice %arg11[%dma_wait3A_64, %dma_wait3A_65] : memref<3072x128xf32, #tpu.memory_space<vmem_shared>> -> memref<3072x128xf32, #tpu.memory_space<vmem_shared>>
        tpu.wait_indirect_dma semaphore(%run_scoped3A : memref<!tpu.dma_semaphore, #tpu.memory_space<semaphore_mem>>) src(%arg9 : memref<128x128xf32, #tpu.memory_space<vmem>>) dst(%dma_wait3A_66 : memref<3072x128xf32, #tpu.memory_space<vmem_shared>>)
        tpu.yield
      }) : () -> ()
      %add3A_36 = arith.constant 2 : i32
      %add3A_37 = arith.addi %mul3A_30, %add3A_36 : i32
      %lt3A = arith.constant 8 : i32
      %lt3A_38 = arith.cmpi slt, %add3A_37, %lt3A : i32
      %convert_element_type3A = arith.extui %lt3A_38 : i1 to i32
      %cond3A = arith.constant 0 : i32
      %cond3A_39 = arith.cmpi ne, %convert_element_type3A, %cond3A : i32
      scf.if %cond3A_39 {
        %add3A_55 = arith.constant 2 : i32
        %add3A_56 = arith.addi %mul3A_30, %add3A_55 : i32
        %dma_start3A_57 = arith.constant 0 : i32
        %dma_start3A_58 = tpu.memref_slice %arg7[%add3A_56, %dma_start3A_57] : memref<8x128xi32, #tpu.memory_space<vmem>> -> memref<1x128xi32, #tpu.memory_space<vmem>>
        %dma_start3A_59 = tpu.memref_squeeze %dma_start3A_58 : memref<1x128xi32, #tpu.memory_space<vmem>> -> memref<128xi32, #tpu.memory_space<vmem>>
        %dma_start3A_60 = arith.constant 0 : i32
        %dma_start3A_61 = arith.constant 0 : i32
        %dma_start3A_62 = tpu.memref_slice %arg4[%dma_start3A_60, %dma_start3A_61] : memref<12288x128xf32, #tpu.memory_space<hbm>> -> memref<12288x128xf32, #tpu.memory_space<hbm>>
        tpu.enqueue_indirect_dma source(%dma_start3A_62 : memref<12288x128xf32, #tpu.memory_space<hbm>>) target(%arg9 : memref<128x128xf32, #tpu.memory_space<vmem>>) offsets(%dma_start3A_59 : memref<128xi32, #tpu.memory_space<vmem>>) semaphore(%arg12 : memref<!tpu.dma_semaphore, #tpu.memory_space<semaphore_mem>>)
      } else {
      }
      %add3A_40 = arith.constant 1 : i32
      %add3A_41 = arith.addi %mul3A_30, %add3A_40 : i32
      %dma_wait3A_42 = arith.constant 0 : i32
      %dma_wait3A_43 = tpu.memref_slice %arg7[%add3A_41, %dma_wait3A_42] : memref<8x128xi32, #tpu.memory_space<vmem>> -> memref<1x128xi32, #tpu.memory_space<vmem>>
      %dma_wait3A_44 = tpu.memref_squeeze %dma_wait3A_43 : memref<1x128xi32, #tpu.memory_space<vmem>> -> memref<128xi32, #tpu.memory_space<vmem>>
      %dma_wait3A_45 = arith.constant 0 : i32
      %dma_wait3A_46 = arith.constant 0 : i32
      %dma_wait3A_47 = tpu.memref_slice %arg4[%dma_wait3A_45, %dma_wait3A_46] : memref<12288x128xf32, #tpu.memory_space<hbm>> -> memref<12288x128xf32, #tpu.memory_space<hbm>>
      tpu.wait_indirect_dma semaphore(%arg13 : memref<!tpu.dma_semaphore, #tpu.memory_space<semaphore_mem>>) src(%dma_wait3A_47 : memref<12288x128xf32, #tpu.memory_space<hbm>>) dst(%arg10 : memref<128x128xf32, #tpu.memory_space<vmem>>)
      "tpu.region"() ({
        %run_scoped3A = tpu.sem_alloc : memref<!tpu.dma_semaphore, #tpu.memory_space<semaphore_mem>>
        %dma_start3A_55 = arith.constant 0 : i32
        %dma_start3A_56 = tpu.memref_slice %arg8[%add3A_41, %dma_start3A_55] : memref<8x128xi32, #tpu.memory_space<vmem>> -> memref<1x128xi32, #tpu.memory_space<vmem>>
        %dma_start3A_57 = tpu.memref_squeeze %dma_start3A_56 : memref<1x128xi32, #tpu.memory_space<vmem>> -> memref<128xi32, #tpu.memory_space<vmem>>
        %dma_start3A_58 = arith.constant 0 : i32
        %dma_start3A_59 = arith.constant 0 : i32
        %dma_start3A_60 = tpu.memref_slice %arg11[%dma_start3A_58, %dma_start3A_59] : memref<3072x128xf32, #tpu.memory_space<vmem_shared>> -> memref<3072x128xf32, #tpu.memory_space<vmem_shared>>
        tpu.enqueue_indirect_dma source(%arg10 : memref<128x128xf32, #tpu.memory_space<vmem>>) target(%dma_start3A_60 : memref<3072x128xf32, #tpu.memory_space<vmem_shared>>) offsets(%dma_start3A_57 : memref<128xi32, #tpu.memory_space<vmem>>) semaphore(%run_scoped3A : memref<!tpu.dma_semaphore, #tpu.memory_space<semaphore_mem>>) {add = true}
        %dma_wait3A_61 = arith.constant 0 : i32
        %dma_wait3A_62 = tpu.memref_slice %arg8[%add3A_41, %dma_wait3A_61] : memref<8x128xi32, #tpu.memory_space<vmem>> -> memref<1x128xi32, #tpu.memory_space<vmem>>
        %dma_wait3A_63 = tpu.memref_squeeze %dma_wait3A_62 : memref<1x128xi32, #tpu.memory_space<vmem>> -> memref<128xi32, #tpu.memory_space<vmem>>
        %dma_wait3A_64 = arith.constant 0 : i32
        %dma_wait3A_65 = arith.constant 0 : i32
        %dma_wait3A_66 = tpu.memref_slice %arg11[%dma_wait3A_64, %dma_wait3A_65] : memref<3072x128xf32, #tpu.memory_space<vmem_shared>> -> memref<3072x128xf32, #tpu.memory_space<vmem_shared>>
        tpu.wait_indirect_dma semaphore(%run_scoped3A : memref<!tpu.dma_semaphore, #tpu.memory_space<semaphore_mem>>) src(%arg10 : memref<128x128xf32, #tpu.memory_space<vmem>>) dst(%dma_wait3A_66 : memref<3072x128xf32, #tpu.memory_space<vmem_shared>>)
        tpu.yield
      }) : () -> ()
      %add3A_48 = arith.constant 3 : i32
      %add3A_49 = arith.addi %mul3A_30, %add3A_48 : i32
      %lt3A_50 = arith.constant 8 : i32
      %lt3A_51 = arith.cmpi slt, %add3A_49, %lt3A_50 : i32
      %convert_element_type3A_52 = arith.extui %lt3A_51 : i1 to i32
      %cond3A_53 = arith.constant 0 : i32
      %cond3A_54 = arith.cmpi ne, %convert_element_type3A_52, %cond3A_53 : i32
      scf.if %cond3A_54 {
        %add3A_55 = arith.constant 3 : i32
        %add3A_56 = arith.addi %mul3A_30, %add3A_55 : i32
        %dma_start3A_57 = arith.constant 0 : i32
        %dma_start3A_58 = tpu.memref_slice %arg7[%add3A_56, %dma_start3A_57] : memref<8x128xi32, #tpu.memory_space<vmem>> -> memref<1x128xi32, #tpu.memory_space<vmem>>
        %dma_start3A_59 = tpu.memref_squeeze %dma_start3A_58 : memref<1x128xi32, #tpu.memory_space<vmem>> -> memref<128xi32, #tpu.memory_space<vmem>>
        %dma_start3A_60 = arith.constant 0 : i32
        %dma_start3A_61 = arith.constant 0 : i32
        %dma_start3A_62 = tpu.memref_slice %arg4[%dma_start3A_60, %dma_start3A_61] : memref<12288x128xf32, #tpu.memory_space<hbm>> -> memref<12288x128xf32, #tpu.memory_space<hbm>>
        tpu.enqueue_indirect_dma source(%dma_start3A_62 : memref<12288x128xf32, #tpu.memory_space<hbm>>) target(%arg10 : memref<128x128xf32, #tpu.memory_space<vmem>>) offsets(%dma_start3A_59 : memref<128xi32, #tpu.memory_space<vmem>>) semaphore(%arg13 : memref<!tpu.dma_semaphore, #tpu.memory_space<semaphore_mem>>)
      } else {
      }
    }
    %scan3A_22 = arith.constant 4 : i32
    %barrier3A_23 = arith.constant 0 : index
    tpu.barrier barrier_id(%barrier3A_23)
    %mul3A_24 = arith.constant 192 : i32
    %mul3A_25 = arith.muli %arg1, %mul3A_24 : i32
    %mul3A_26 = arith.constant 192 : i32
    %mul3A_27 = arith.muli %arg1, %mul3A_26 : i32
    "tpu.region"() ({
      %run_scoped3A = tpu.sem_alloc : memref<!tpu.dma_semaphore, #tpu.memory_space<semaphore_mem>>
      %dma_start3A_28 = arith.constant 0 : i32
      %dma_start3A_29 = tpu.memref_slice %arg6[%arg0, %mul3A_27, %dma_start3A_28] : memref<2x3072x128xf32, #tpu.memory_space<hbm>> -> memref<1x192x128xf32, #tpu.memory_space<hbm>>
      %dma_start3A_30 = tpu.memref_squeeze %dma_start3A_29 : memref<1x192x128xf32, #tpu.memory_space<hbm>> -> memref<192x128xf32, #tpu.memory_space<hbm>>
      %dma_start3A_31 = arith.constant 0 : i32
      %dma_start3A_32 = tpu.memref_slice %arg11[%mul3A_25, %dma_start3A_31] : memref<3072x128xf32, #tpu.memory_space<vmem_shared>> -> memref<192x128xf32, #tpu.memory_space<vmem_shared>>
      tpu.enqueue_dma source(%dma_start3A_32 : memref<192x128xf32, #tpu.memory_space<vmem_shared>>) target(%dma_start3A_30 : memref<192x128xf32, #tpu.memory_space<hbm>>) target_semaphore(%run_scoped3A : memref<!tpu.dma_semaphore, #tpu.memory_space<semaphore_mem>>)
      %dma_wait3A = arith.constant 0 : i32
      %dma_wait3A_33 = tpu.memref_slice %arg6[%arg0, %mul3A_27, %dma_wait3A] : memref<2x3072x128xf32, #tpu.memory_space<hbm>> -> memref<1x192x128xf32, #tpu.memory_space<hbm>>
      %dma_wait3A_34 = tpu.memref_squeeze %dma_wait3A_33 : memref<1x192x128xf32, #tpu.memory_space<hbm>> -> memref<192x128xf32, #tpu.memory_space<hbm>>
      %dma_wait3A_35 = arith.constant 0 : i32
      %dma_wait3A_36 = tpu.memref_slice %arg11[%mul3A_25, %dma_wait3A_35] : memref<3072x128xf32, #tpu.memory_space<vmem_shared>> -> memref<192x128xf32, #tpu.memory_space<vmem_shared>>
      tpu.wait_dma2 semaphore(%run_scoped3A : memref<!tpu.dma_semaphore, #tpu.memory_space<semaphore_mem>>) src(%dma_wait3A_36 : memref<192x128xf32, #tpu.memory_space<vmem_shared>>) dst(%dma_wait3A_34 : memref<192x128xf32, #tpu.memory_space<hbm>>)
      tpu.yield
    }) : () -> ()
    return
  }
}

module attributes {stable_mosaic.version = 14 : i64} {
  func.func @body(%arg0: memref<9x10240xi32, #tpu.memory_space<vmem>>, %arg1: memref<9x128x128xf32, #tpu.memory_space<vmem>>, %arg2: memref<128x128xf32, #tpu.memory_space<vmem>>, %arg3: memref<1x128xf32, #tpu.memory_space<vmem>>, %arg4: memref<10240x128xf32, #tpu.memory_space<vmem>>) attributes {dimension_semantics = [], scalar_prefetch = 0 : i64, scratch_operands = 0 : i64, tpu.core_type = #tpu.core_type<tc>} {
    %broadcast_in_dim3A = arith.constant 0.000000e+00 : f32
    %broadcast_in_dim3A_0 = vector.broadcast %broadcast_in_dim3A : f32 to vector<10240x128xf32>
    %iota3A = tpu.iota {dimensions = array<i32: 0>} : vector<128x10240xi32>
    %get3A = arith.constant 0 : index
    %get3A_1 = arith.constant 0 : index
    %get3A_2 = vector.load %arg0[%get3A, %get3A_1] : memref<9x10240xi32, #tpu.memory_space<vmem>>, vector<1x10240xi32>
    %get3A_3 = vector.shape_cast %get3A_2 : vector<1x10240xi32> to vector<10240xi32>
    %broadcast_in_dim3A_4 = vector.shape_cast %get3A_3 : vector<10240xi32> to vector<1x10240xi32>
    %eq3A = vector.broadcast %broadcast_in_dim3A_4 : vector<1x10240xi32> to vector<128x10240xi32>
    %eq3A_5 = arith.cmpi eq, %iota3A, %eq3A : vector<128x10240xi32>
    %convert_element_type3A = arith.extui %eq3A_5 : vector<128x10240xi1> to vector<128x10240xi32>
    %convert_element_type3A_6 = arith.sitofp %convert_element_type3A : vector<128x10240xi32> to vector<128x10240xf32>
    %get3A_7 = arith.constant 0 : index
    %get3A_8 = arith.constant 0 : index
    %get3A_9 = arith.constant 0 : index
    %get3A_10 = vector.load %arg1[%get3A_7, %get3A_8, %get3A_9] : memref<9x128x128xf32, #tpu.memory_space<vmem>>, vector<1x128x128xf32>
    %get3A_11 = vector.shape_cast %get3A_10 : vector<1x128x128xf32> to vector<128x128xf32>
    %dot_general3A = arith.constant dense<0.000000e+00> : vector<10240x128xf32>
    %dot_general3A_12 = tpu.matmul %convert_element_type3A_6, %get3A_11, %dot_general3A {dimension_numbers = #tpu.dot_dimension_numbers<[0], [0], [1], [1], [0, 1, 1, 1], [], []>, transpose_lhs_hint = false} : vector<128x10240xf32>, vector<128x128xf32>, vector<10240x128xf32> -> vector<10240x128xf32>
    %add3A = arith.addf %broadcast_in_dim3A_0, %dot_general3A_12 : vector<10240x128xf32>
    %iota3A_13 = tpu.iota {dimensions = array<i32: 0>} : vector<128x10240xi32>
    %get3A_14 = arith.constant 1 : index
    %get3A_15 = arith.constant 0 : index
    %get3A_16 = vector.load %arg0[%get3A_14, %get3A_15] : memref<9x10240xi32, #tpu.memory_space<vmem>>, vector<1x10240xi32>
    %get3A_17 = vector.shape_cast %get3A_16 : vector<1x10240xi32> to vector<10240xi32>
    %broadcast_in_dim3A_18 = vector.shape_cast %get3A_17 : vector<10240xi32> to vector<1x10240xi32>
    %eq3A_19 = vector.broadcast %broadcast_in_dim3A_18 : vector<1x10240xi32> to vector<128x10240xi32>
    %eq3A_20 = arith.cmpi eq, %iota3A_13, %eq3A_19 : vector<128x10240xi32>
    %convert_element_type3A_21 = arith.extui %eq3A_20 : vector<128x10240xi1> to vector<128x10240xi32>
    %convert_element_type3A_22 = arith.sitofp %convert_element_type3A_21 : vector<128x10240xi32> to vector<128x10240xf32>
    %get3A_23 = arith.constant 1 : index
    %get3A_24 = arith.constant 0 : index
    %get3A_25 = arith.constant 0 : index
    %get3A_26 = vector.load %arg1[%get3A_23, %get3A_24, %get3A_25] : memref<9x128x128xf32, #tpu.memory_space<vmem>>, vector<1x128x128xf32>
    %get3A_27 = vector.shape_cast %get3A_26 : vector<1x128x128xf32> to vector<128x128xf32>
    %dot_general3A_28 = arith.constant dense<0.000000e+00> : vector<10240x128xf32>
    %dot_general3A_29 = tpu.matmul %convert_element_type3A_22, %get3A_27, %dot_general3A_28 {dimension_numbers = #tpu.dot_dimension_numbers<[0], [0], [1], [1], [0, 1, 1, 1], [], []>, transpose_lhs_hint = false} : vector<128x10240xf32>, vector<128x128xf32>, vector<10240x128xf32> -> vector<10240x128xf32>
    %add3A_30 = arith.addf %add3A, %dot_general3A_29 : vector<10240x128xf32>
    %iota3A_31 = tpu.iota {dimensions = array<i32: 0>} : vector<128x10240xi32>
    %get3A_32 = arith.constant 2 : index
    %get3A_33 = arith.constant 0 : index
    %get3A_34 = vector.load %arg0[%get3A_32, %get3A_33] : memref<9x10240xi32, #tpu.memory_space<vmem>>, vector<1x10240xi32>
    %get3A_35 = vector.shape_cast %get3A_34 : vector<1x10240xi32> to vector<10240xi32>
    %broadcast_in_dim3A_36 = vector.shape_cast %get3A_35 : vector<10240xi32> to vector<1x10240xi32>
    %eq3A_37 = vector.broadcast %broadcast_in_dim3A_36 : vector<1x10240xi32> to vector<128x10240xi32>
    %eq3A_38 = arith.cmpi eq, %iota3A_31, %eq3A_37 : vector<128x10240xi32>
    %convert_element_type3A_39 = arith.extui %eq3A_38 : vector<128x10240xi1> to vector<128x10240xi32>
    %convert_element_type3A_40 = arith.sitofp %convert_element_type3A_39 : vector<128x10240xi32> to vector<128x10240xf32>
    %get3A_41 = arith.constant 2 : index
    %get3A_42 = arith.constant 0 : index
    %get3A_43 = arith.constant 0 : index
    %get3A_44 = vector.load %arg1[%get3A_41, %get3A_42, %get3A_43] : memref<9x128x128xf32, #tpu.memory_space<vmem>>, vector<1x128x128xf32>
    %get3A_45 = vector.shape_cast %get3A_44 : vector<1x128x128xf32> to vector<128x128xf32>
    %dot_general3A_46 = arith.constant dense<0.000000e+00> : vector<10240x128xf32>
    %dot_general3A_47 = tpu.matmul %convert_element_type3A_40, %get3A_45, %dot_general3A_46 {dimension_numbers = #tpu.dot_dimension_numbers<[0], [0], [1], [1], [0, 1, 1, 1], [], []>, transpose_lhs_hint = false} : vector<128x10240xf32>, vector<128x128xf32>, vector<10240x128xf32> -> vector<10240x128xf32>
    %add3A_48 = arith.addf %add3A_30, %dot_general3A_47 : vector<10240x128xf32>
    %iota3A_49 = tpu.iota {dimensions = array<i32: 0>} : vector<128x10240xi32>
    %get3A_50 = arith.constant 3 : index
    %get3A_51 = arith.constant 0 : index
    %get3A_52 = vector.load %arg0[%get3A_50, %get3A_51] : memref<9x10240xi32, #tpu.memory_space<vmem>>, vector<1x10240xi32>
    %get3A_53 = vector.shape_cast %get3A_52 : vector<1x10240xi32> to vector<10240xi32>
    %broadcast_in_dim3A_54 = vector.shape_cast %get3A_53 : vector<10240xi32> to vector<1x10240xi32>
    %eq3A_55 = vector.broadcast %broadcast_in_dim3A_54 : vector<1x10240xi32> to vector<128x10240xi32>
    %eq3A_56 = arith.cmpi eq, %iota3A_49, %eq3A_55 : vector<128x10240xi32>
    %convert_element_type3A_57 = arith.extui %eq3A_56 : vector<128x10240xi1> to vector<128x10240xi32>
    %convert_element_type3A_58 = arith.sitofp %convert_element_type3A_57 : vector<128x10240xi32> to vector<128x10240xf32>
    %get3A_59 = arith.constant 3 : index
    %get3A_60 = arith.constant 0 : index
    %get3A_61 = arith.constant 0 : index
    %get3A_62 = vector.load %arg1[%get3A_59, %get3A_60, %get3A_61] : memref<9x128x128xf32, #tpu.memory_space<vmem>>, vector<1x128x128xf32>
    %get3A_63 = vector.shape_cast %get3A_62 : vector<1x128x128xf32> to vector<128x128xf32>
    %dot_general3A_64 = arith.constant dense<0.000000e+00> : vector<10240x128xf32>
    %dot_general3A_65 = tpu.matmul %convert_element_type3A_58, %get3A_63, %dot_general3A_64 {dimension_numbers = #tpu.dot_dimension_numbers<[0], [0], [1], [1], [0, 1, 1, 1], [], []>, transpose_lhs_hint = false} : vector<128x10240xf32>, vector<128x128xf32>, vector<10240x128xf32> -> vector<10240x128xf32>
    %add3A_66 = arith.addf %add3A_48, %dot_general3A_65 : vector<10240x128xf32>
    %iota3A_67 = tpu.iota {dimensions = array<i32: 0>} : vector<128x10240xi32>
    %get3A_68 = arith.constant 4 : index
    %get3A_69 = arith.constant 0 : index
    %get3A_70 = vector.load %arg0[%get3A_68, %get3A_69] : memref<9x10240xi32, #tpu.memory_space<vmem>>, vector<1x10240xi32>
    %get3A_71 = vector.shape_cast %get3A_70 : vector<1x10240xi32> to vector<10240xi32>
    %broadcast_in_dim3A_72 = vector.shape_cast %get3A_71 : vector<10240xi32> to vector<1x10240xi32>
    %eq3A_73 = vector.broadcast %broadcast_in_dim3A_72 : vector<1x10240xi32> to vector<128x10240xi32>
    %eq3A_74 = arith.cmpi eq, %iota3A_67, %eq3A_73 : vector<128x10240xi32>
    %convert_element_type3A_75 = arith.extui %eq3A_74 : vector<128x10240xi1> to vector<128x10240xi32>
    %convert_element_type3A_76 = arith.sitofp %convert_element_type3A_75 : vector<128x10240xi32> to vector<128x10240xf32>
    %get3A_77 = arith.constant 4 : index
    %get3A_78 = arith.constant 0 : index
    %get3A_79 = arith.constant 0 : index
    %get3A_80 = vector.load %arg1[%get3A_77, %get3A_78, %get3A_79] : memref<9x128x128xf32, #tpu.memory_space<vmem>>, vector<1x128x128xf32>
    %get3A_81 = vector.shape_cast %get3A_80 : vector<1x128x128xf32> to vector<128x128xf32>
    %dot_general3A_82 = arith.constant dense<0.000000e+00> : vector<10240x128xf32>
    %dot_general3A_83 = tpu.matmul %convert_element_type3A_76, %get3A_81, %dot_general3A_82 {dimension_numbers = #tpu.dot_dimension_numbers<[0], [0], [1], [1], [0, 1, 1, 1], [], []>, transpose_lhs_hint = false} : vector<128x10240xf32>, vector<128x128xf32>, vector<10240x128xf32> -> vector<10240x128xf32>
    %add3A_84 = arith.addf %add3A_66, %dot_general3A_83 : vector<10240x128xf32>
    %iota3A_85 = tpu.iota {dimensions = array<i32: 0>} : vector<128x10240xi32>
    %get3A_86 = arith.constant 5 : index
    %get3A_87 = arith.constant 0 : index
    %get3A_88 = vector.load %arg0[%get3A_86, %get3A_87] : memref<9x10240xi32, #tpu.memory_space<vmem>>, vector<1x10240xi32>
    %get3A_89 = vector.shape_cast %get3A_88 : vector<1x10240xi32> to vector<10240xi32>
    %broadcast_in_dim3A_90 = vector.shape_cast %get3A_89 : vector<10240xi32> to vector<1x10240xi32>
    %eq3A_91 = vector.broadcast %broadcast_in_dim3A_90 : vector<1x10240xi32> to vector<128x10240xi32>
    %eq3A_92 = arith.cmpi eq, %iota3A_85, %eq3A_91 : vector<128x10240xi32>
    %convert_element_type3A_93 = arith.extui %eq3A_92 : vector<128x10240xi1> to vector<128x10240xi32>
    %convert_element_type3A_94 = arith.sitofp %convert_element_type3A_93 : vector<128x10240xi32> to vector<128x10240xf32>
    %get3A_95 = arith.constant 5 : index
    %get3A_96 = arith.constant 0 : index
    %get3A_97 = arith.constant 0 : index
    %get3A_98 = vector.load %arg1[%get3A_95, %get3A_96, %get3A_97] : memref<9x128x128xf32, #tpu.memory_space<vmem>>, vector<1x128x128xf32>
    %get3A_99 = vector.shape_cast %get3A_98 : vector<1x128x128xf32> to vector<128x128xf32>
    %dot_general3A_100 = arith.constant dense<0.000000e+00> : vector<10240x128xf32>
    %dot_general3A_101 = tpu.matmul %convert_element_type3A_94, %get3A_99, %dot_general3A_100 {dimension_numbers = #tpu.dot_dimension_numbers<[0], [0], [1], [1], [0, 1, 1, 1], [], []>, transpose_lhs_hint = false} : vector<128x10240xf32>, vector<128x128xf32>, vector<10240x128xf32> -> vector<10240x128xf32>
    %add3A_102 = arith.addf %add3A_84, %dot_general3A_101 : vector<10240x128xf32>
    %iota3A_103 = tpu.iota {dimensions = array<i32: 0>} : vector<128x10240xi32>
    %get3A_104 = arith.constant 6 : index
    %get3A_105 = arith.constant 0 : index
    %get3A_106 = vector.load %arg0[%get3A_104, %get3A_105] : memref<9x10240xi32, #tpu.memory_space<vmem>>, vector<1x10240xi32>
    %get3A_107 = vector.shape_cast %get3A_106 : vector<1x10240xi32> to vector<10240xi32>
    %broadcast_in_dim3A_108 = vector.shape_cast %get3A_107 : vector<10240xi32> to vector<1x10240xi32>
    %eq3A_109 = vector.broadcast %broadcast_in_dim3A_108 : vector<1x10240xi32> to vector<128x10240xi32>
    %eq3A_110 = arith.cmpi eq, %iota3A_103, %eq3A_109 : vector<128x10240xi32>
    %convert_element_type3A_111 = arith.extui %eq3A_110 : vector<128x10240xi1> to vector<128x10240xi32>
    %convert_element_type3A_112 = arith.sitofp %convert_element_type3A_111 : vector<128x10240xi32> to vector<128x10240xf32>
    %get3A_113 = arith.constant 6 : index
    %get3A_114 = arith.constant 0 : index
    %get3A_115 = arith.constant 0 : index
    %get3A_116 = vector.load %arg1[%get3A_113, %get3A_114, %get3A_115] : memref<9x128x128xf32, #tpu.memory_space<vmem>>, vector<1x128x128xf32>
    %get3A_117 = vector.shape_cast %get3A_116 : vector<1x128x128xf32> to vector<128x128xf32>
    %dot_general3A_118 = arith.constant dense<0.000000e+00> : vector<10240x128xf32>
    %dot_general3A_119 = tpu.matmul %convert_element_type3A_112, %get3A_117, %dot_general3A_118 {dimension_numbers = #tpu.dot_dimension_numbers<[0], [0], [1], [1], [0, 1, 1, 1], [], []>, transpose_lhs_hint = false} : vector<128x10240xf32>, vector<128x128xf32>, vector<10240x128xf32> -> vector<10240x128xf32>
    %add3A_120 = arith.addf %add3A_102, %dot_general3A_119 : vector<10240x128xf32>
    %iota3A_121 = tpu.iota {dimensions = array<i32: 0>} : vector<128x10240xi32>
    %get3A_122 = arith.constant 7 : index
    %get3A_123 = arith.constant 0 : index
    %get3A_124 = vector.load %arg0[%get3A_122, %get3A_123] : memref<9x10240xi32, #tpu.memory_space<vmem>>, vector<1x10240xi32>
    %get3A_125 = vector.shape_cast %get3A_124 : vector<1x10240xi32> to vector<10240xi32>
    %broadcast_in_dim3A_126 = vector.shape_cast %get3A_125 : vector<10240xi32> to vector<1x10240xi32>
    %eq3A_127 = vector.broadcast %broadcast_in_dim3A_126 : vector<1x10240xi32> to vector<128x10240xi32>
    %eq3A_128 = arith.cmpi eq, %iota3A_121, %eq3A_127 : vector<128x10240xi32>
    %convert_element_type3A_129 = arith.extui %eq3A_128 : vector<128x10240xi1> to vector<128x10240xi32>
    %convert_element_type3A_130 = arith.sitofp %convert_element_type3A_129 : vector<128x10240xi32> to vector<128x10240xf32>
    %get3A_131 = arith.constant 7 : index
    %get3A_132 = arith.constant 0 : index
    %get3A_133 = arith.constant 0 : index
    %get3A_134 = vector.load %arg1[%get3A_131, %get3A_132, %get3A_133] : memref<9x128x128xf32, #tpu.memory_space<vmem>>, vector<1x128x128xf32>
    %get3A_135 = vector.shape_cast %get3A_134 : vector<1x128x128xf32> to vector<128x128xf32>
    %dot_general3A_136 = arith.constant dense<0.000000e+00> : vector<10240x128xf32>
    %dot_general3A_137 = tpu.matmul %convert_element_type3A_130, %get3A_135, %dot_general3A_136 {dimension_numbers = #tpu.dot_dimension_numbers<[0], [0], [1], [1], [0, 1, 1, 1], [], []>, transpose_lhs_hint = false} : vector<128x10240xf32>, vector<128x128xf32>, vector<10240x128xf32> -> vector<10240x128xf32>
    %add3A_138 = arith.addf %add3A_120, %dot_general3A_137 : vector<10240x128xf32>
    %iota3A_139 = tpu.iota {dimensions = array<i32: 0>} : vector<128x10240xi32>
    %get3A_140 = arith.constant 8 : index
    %get3A_141 = arith.constant 0 : index
    %get3A_142 = vector.load %arg0[%get3A_140, %get3A_141] : memref<9x10240xi32, #tpu.memory_space<vmem>>, vector<1x10240xi32>
    %get3A_143 = vector.shape_cast %get3A_142 : vector<1x10240xi32> to vector<10240xi32>
    %broadcast_in_dim3A_144 = vector.shape_cast %get3A_143 : vector<10240xi32> to vector<1x10240xi32>
    %eq3A_145 = vector.broadcast %broadcast_in_dim3A_144 : vector<1x10240xi32> to vector<128x10240xi32>
    %eq3A_146 = arith.cmpi eq, %iota3A_139, %eq3A_145 : vector<128x10240xi32>
    %convert_element_type3A_147 = arith.extui %eq3A_146 : vector<128x10240xi1> to vector<128x10240xi32>
    %convert_element_type3A_148 = arith.sitofp %convert_element_type3A_147 : vector<128x10240xi32> to vector<128x10240xf32>
    %get3A_149 = arith.constant 8 : index
    %get3A_150 = arith.constant 0 : index
    %get3A_151 = arith.constant 0 : index
    %get3A_152 = vector.load %arg1[%get3A_149, %get3A_150, %get3A_151] : memref<9x128x128xf32, #tpu.memory_space<vmem>>, vector<1x128x128xf32>
    %get3A_153 = vector.shape_cast %get3A_152 : vector<1x128x128xf32> to vector<128x128xf32>
    %dot_general3A_154 = arith.constant dense<0.000000e+00> : vector<10240x128xf32>
    %dot_general3A_155 = tpu.matmul %convert_element_type3A_148, %get3A_153, %dot_general3A_154 {dimension_numbers = #tpu.dot_dimension_numbers<[0], [0], [1], [1], [0, 1, 1, 1], [], []>, transpose_lhs_hint = false} : vector<128x10240xf32>, vector<128x128xf32>, vector<10240x128xf32> -> vector<10240x128xf32>
    %add3A_156 = arith.addf %add3A_138, %dot_general3A_155 : vector<10240x128xf32>
    %get3A_157 = arith.constant 0 : index
    %get3A_158 = arith.constant 0 : index
    %get3A_159 = vector.load %arg2[%get3A_157, %get3A_158] : memref<128x128xf32, #tpu.memory_space<vmem>>, vector<128x128xf32>
    %dot_general3A_160 = arith.constant dense<0.000000e+00> : vector<10240x128xf32>
    %dot_general3A_161 = tpu.matmul %add3A_156, %get3A_159, %dot_general3A_160 {dimension_numbers = #tpu.dot_dimension_numbers<[1], [0], [0], [1], [0, 0, 1, 1], [], []>, precision = #tpu.contract_precision<fp32>, transpose_lhs_hint = false} : vector<10240x128xf32>, vector<128x128xf32>, vector<10240x128xf32> -> vector<10240x128xf32>
    %get3A_162 = arith.constant 0 : index
    %get3A_163 = arith.constant 0 : index
    %get3A_164 = vector.load %arg3[%get3A_162, %get3A_163] : memref<1x128xf32, #tpu.memory_space<vmem>>, vector<1x128xf32>
    %add3A_165 = vector.broadcast %get3A_164 : vector<1x128xf32> to vector<10240x128xf32>
    %add3A_166 = arith.addf %dot_general3A_161, %add3A_165 : vector<10240x128xf32>
    %swap3A = arith.constant 0 : index
    %swap3A_167 = arith.constant 0 : index
    %swap3A_168 = vector.load %arg4[%swap3A, %swap3A_167] : memref<10240x128xf32, #tpu.memory_space<vmem>>, vector<10240x128xf32>
    tpu.vector_store %arg4[%swap3A, %swap3A_167], %add3A_166 {strides = array<i32>} : memref<10240x128xf32, #tpu.memory_space<vmem>>, vector<10240x128xf32>,
    return
  }
}

module attributes {stable_mosaic.version = 14 : i64} {
  func.func @body(%arg0: memref<2x2560x128xf32, #tpu.memory_space<vmem>>, %arg1: memref<192x2560xf32, #tpu.memory_space<vmem>>, %arg2: memref<128x128xf32, #tpu.memory_space<vmem>>, %arg3: memref<1x128xf32, #tpu.memory_space<vmem>>, %arg4: memref<2560x128xf32, #tpu.memory_space<vmem>>) attributes {dimension_semantics = [], scalar_prefetch = 0 : i64, scratch_operands = 0 : i64, tpu.core_type = #tpu.core_type<tc>} {
    %get3A = arith.constant 0 : index
    %get3A_0 = arith.constant 0 : index
    %get3A_1 = vector.load %arg1[%get3A, %get3A_0] : memref<192x2560xf32, #tpu.memory_space<vmem>>, vector<192x2560xf32>
    %reduce_sum3A = arith.constant dense<0.000000e+00> : vector<2560xf32>
    %reduce_sum3A_2 = vector.multi_reduction <add>, %get3A_1, %reduce_sum3A [0] : vector<192x2560xf32> to vector<2560xf32>
    %max3A = arith.constant 1.000000e+00 : f32
    %max3A_3 = vector.broadcast %max3A : f32 to vector<2560xf32>
    %max3A_4 = arith.maximumf %reduce_sum3A_2, %max3A_3 : vector<2560xf32>
    %broadcast_in_dim3A = vector.shape_cast %max3A_4 : vector<2560xf32> to vector<2560x1xf32>
    %get3A_5 = arith.constant 0 : index
    %get3A_6 = arith.constant 0 : index
    %get3A_7 = arith.constant 0 : index
    %get3A_8 = vector.load %arg0[%get3A_5, %get3A_6, %get3A_7] : memref<2x2560x128xf32, #tpu.memory_space<vmem>>, vector<1x2560x128xf32>
    %get3A_9 = vector.shape_cast %get3A_8 : vector<1x2560x128xf32> to vector<2560x128xf32>
    %get3A_10 = arith.constant 1 : index
    %get3A_11 = arith.constant 0 : index
    %get3A_12 = arith.constant 0 : index
    %get3A_13 = vector.load %arg0[%get3A_10, %get3A_11, %get3A_12] : memref<2x2560x128xf32, #tpu.memory_space<vmem>>, vector<1x2560x128xf32>
    %get3A_14 = vector.shape_cast %get3A_13 : vector<1x2560x128xf32> to vector<2560x128xf32>
    %add3A = arith.addf %get3A_9, %get3A_14 : vector<2560x128xf32>
    %div3A = vector.broadcast %broadcast_in_dim3A : vector<2560x1xf32> to vector<2560x128xf32>
    %div3A_15 = arith.divf %add3A, %div3A : vector<2560x128xf32>
    %max3A_16 = arith.constant 0.000000e+00 : f32
    %max3A_17 = vector.broadcast %max3A_16 : f32 to vector<2560x128xf32>
    %max3A_18 = arith.maximumf %div3A_15, %max3A_17 : vector<2560x128xf32>
    %get3A_19 = arith.constant 0 : index
    %get3A_20 = arith.constant 0 : index
    %get3A_21 = vector.load %arg2[%get3A_19, %get3A_20] : memref<128x128xf32, #tpu.memory_space<vmem>>, vector<128x128xf32>
    %dot_general3A = arith.constant dense<0.000000e+00> : vector<2560x128xf32>
    %dot_general3A_22 = tpu.matmul %max3A_18, %get3A_21, %dot_general3A {dimension_numbers = #tpu.dot_dimension_numbers<[1], [0], [0], [1], [0, 0, 1, 1], [], []>, precision = #tpu.contract_precision<fp32>, transpose_lhs_hint = false} : vector<2560x128xf32>, vector<128x128xf32>, vector<2560x128xf32> -> vector<2560x128xf32>
    %get3A_23 = arith.constant 0 : index
    %get3A_24 = arith.constant 0 : index
    %get3A_25 = vector.load %arg3[%get3A_23, %get3A_24] : memref<1x128xf32, #tpu.memory_space<vmem>>, vector<1x128xf32>
    %add3A_26 = vector.broadcast %get3A_25 : vector<1x128xf32> to vector<2560x128xf32>
    %add3A_27 = arith.addf %dot_general3A_22, %add3A_26 : vector<2560x128xf32>
    %swap3A = arith.constant 0 : index
    %swap3A_28 = arith.constant 0 : index
    %swap3A_29 = vector.load %arg4[%swap3A, %swap3A_28] : memref<2560x128xf32, #tpu.memory_space<vmem>>, vector<2560x128xf32>
    tpu.vector_store %arg4[%swap3A, %swap3A_28], %add3A_27 {strides = array<i32>} : memref<2560x128xf32, #tpu.memory_space<vmem>>, vector<2560x128xf32>,
    return
  }
}

module attributes {stable_mosaic.version = 14 : i64} {
  func.func @body(%arg0: memref<2x5248x128xf32, #tpu.memory_space<vmem>>, %arg1: memref<32x10240xf32, #tpu.memory_space<vmem>>, %arg2: memref<128x128xf32, #tpu.memory_space<vmem>>, %arg3: memref<1x128xf32, #tpu.memory_space<vmem>>, %arg4: memref<10240x128xf32, #tpu.memory_space<vmem>>) attributes {dimension_semantics = [], scalar_prefetch = 0 : i64, scratch_operands = 0 : i64, tpu.core_type = #tpu.core_type<tc>} {
    %get3A = arith.constant 0 : index
    %get3A_0 = arith.constant 0 : index
    %get3A_1 = vector.load %arg1[%get3A, %get3A_0] : memref<32x10240xf32, #tpu.memory_space<vmem>>, vector<32x10240xf32>
    %reduce_sum3A = arith.constant dense<0.000000e+00> : vector<10240xf32>
    %reduce_sum3A_2 = vector.multi_reduction <add>, %get3A_1, %reduce_sum3A [0] : vector<32x10240xf32> to vector<10240xf32>
    %max3A = arith.constant 1.000000e+00 : f32
    %max3A_3 = vector.broadcast %max3A : f32 to vector<10240xf32>
    %max3A_4 = arith.maximumf %reduce_sum3A_2, %max3A_3 : vector<10240xf32>
    %broadcast_in_dim3A = vector.shape_cast %max3A_4 : vector<10240xf32> to vector<10240x1xf32>
    %get3A_5 = arith.constant 0 : index
    %get3A_6 = arith.constant 0 : index
    %get3A_7 = arith.constant 0 : index
    %get3A_8 = vector.load %arg0[%get3A_5, %get3A_6, %get3A_7] : memref<2x5248x128xf32, #tpu.memory_space<vmem>>, vector<1x5120x128xf32>
    %get3A_9 = vector.shape_cast %get3A_8 : vector<1x5120x128xf32> to vector<5120x128xf32>
    %get3A_10 = arith.constant 1 : index
    %get3A_11 = arith.constant 0 : index
    %get3A_12 = arith.constant 0 : index
    %get3A_13 = vector.load %arg0[%get3A_10, %get3A_11, %get3A_12] : memref<2x5248x128xf32, #tpu.memory_space<vmem>>, vector<1x5120x128xf32>
    %get3A_14 = vector.shape_cast %get3A_13 : vector<1x5120x128xf32> to vector<5120x128xf32>
    %concatenate3A = tpu.concatenate %get3A_9, %get3A_14 in 0 : vector<5120x128xf32>, vector<5120x128xf32> -> vector<10240x128xf32>
    %div3A = vector.broadcast %broadcast_in_dim3A : vector<10240x1xf32> to vector<10240x128xf32>
    %div3A_15 = arith.divf %concatenate3A, %div3A : vector<10240x128xf32>
    %max3A_16 = arith.constant 0.000000e+00 : f32
    %max3A_17 = vector.broadcast %max3A_16 : f32 to vector<10240x128xf32>
    %max3A_18 = arith.maximumf %div3A_15, %max3A_17 : vector<10240x128xf32>
    %get3A_19 = arith.constant 0 : index
    %get3A_20 = arith.constant 0 : index
    %get3A_21 = vector.load %arg2[%get3A_19, %get3A_20] : memref<128x128xf32, #tpu.memory_space<vmem>>, vector<128x128xf32>
    %dot_general3A = arith.constant dense<0.000000e+00> : vector<10240x128xf32>
    %dot_general3A_22 = tpu.matmul %max3A_18, %get3A_21, %dot_general3A {dimension_numbers = #tpu.dot_dimension_numbers<[1], [0], [0], [1], [0, 0, 1, 1], [], []>, precision = #tpu.contract_precision<fp32>, transpose_lhs_hint = false} : vector<10240x128xf32>, vector<128x128xf32>, vector<10240x128xf32> -> vector<10240x128xf32>
    %get3A_23 = arith.constant 0 : index
    %get3A_24 = arith.constant 0 : index
    %get3A_25 = vector.load %arg3[%get3A_23, %get3A_24] : memref<1x128xf32, #tpu.memory_space<vmem>>, vector<1x128xf32>
    %add3A = vector.broadcast %get3A_25 : vector<1x128xf32> to vector<10240x128xf32>
    %add3A_26 = arith.addf %dot_general3A_22, %add3A : vector<10240x128xf32>
    %swap3A = arith.constant 0 : index
    %swap3A_27 = arith.constant 0 : index
    %swap3A_28 = vector.load %arg4[%swap3A, %swap3A_27] : memref<10240x128xf32, #tpu.memory_space<vmem>>, vector<10240x128xf32>
    tpu.vector_store %arg4[%swap3A, %swap3A_27], %add3A_26 {strides = array<i32>} : memref<10240x128xf32, #tpu.memory_space<vmem>>, vector<10240x128xf32>,
    return
  }
}

module attributes {stable_mosaic.version = 14 : i64} {
  func.func @body(%arg0: memref<2x5248x128xf32, #tpu.memory_space<vmem>>, %arg1: memref<32x10240xf32, #tpu.memory_space<vmem>>, %arg2: memref<12288x128xf32, #tpu.memory_space<vmem>>) attributes {dimension_semantics = [], scalar_prefetch = 0 : i64, scratch_operands = 0 : i64, tpu.core_type = #tpu.core_type<tc>} {
    %get3A = arith.constant 0 : index
    %get3A_0 = arith.constant 0 : index
    %get3A_1 = vector.load %arg1[%get3A, %get3A_0] : memref<32x10240xf32, #tpu.memory_space<vmem>>, vector<32x10240xf32>
    %reduce_sum3A = arith.constant dense<0.000000e+00> : vector<10240xf32>
    %reduce_sum3A_2 = vector.multi_reduction <add>, %get3A_1, %reduce_sum3A [0] : vector<32x10240xf32> to vector<10240xf32>
    %max3A = arith.constant 1.000000e+00 : f32
    %max3A_3 = vector.broadcast %max3A : f32 to vector<10240xf32>
    %max3A_4 = arith.maximumf %reduce_sum3A_2, %max3A_3 : vector<10240xf32>
    %broadcast_in_dim3A = vector.shape_cast %max3A_4 : vector<10240xf32> to vector<10240x1xf32>
    %get3A_5 = arith.constant 0 : index
    %get3A_6 = arith.constant 0 : index
    %get3A_7 = arith.constant 0 : index
    %get3A_8 = vector.load %arg0[%get3A_5, %get3A_6, %get3A_7] : memref<2x5248x128xf32, #tpu.memory_space<vmem>>, vector<1x5120x128xf32>
    %get3A_9 = vector.shape_cast %get3A_8 : vector<1x5120x128xf32> to vector<5120x128xf32>
    %get3A_10 = arith.constant 1 : index
    %get3A_11 = arith.constant 0 : index
    %get3A_12 = arith.constant 0 : index
    %get3A_13 = vector.load %arg0[%get3A_10, %get3A_11, %get3A_12] : memref<2x5248x128xf32, #tpu.memory_space<vmem>>, vector<1x5120x128xf32>
    %get3A_14 = vector.shape_cast %get3A_13 : vector<1x5120x128xf32> to vector<5120x128xf32>
    %concatenate3A = tpu.concatenate %get3A_9, %get3A_14 in 0 : vector<5120x128xf32>, vector<5120x128xf32> -> vector<10240x128xf32>
    %div3A = vector.broadcast %broadcast_in_dim3A : vector<10240x1xf32> to vector<10240x128xf32>
    %div3A_15 = arith.divf %concatenate3A, %div3A : vector<10240x128xf32>
    %max3A_16 = arith.constant 0.000000e+00 : f32
    %max3A_17 = vector.broadcast %max3A_16 : f32 to vector<10240x128xf32>
    %max3A_18 = arith.maximumf %div3A_15, %max3A_17 : vector<10240x128xf32>
    %swap3A = arith.constant 0 : index
    %swap3A_19 = arith.constant 0 : index
    %swap3A_20 = vector.load %arg2[%swap3A, %swap3A_19] : memref<12288x128xf32, #tpu.memory_space<vmem>>, vector<10240x128xf32>
    tpu.vector_store %arg2[%swap3A, %swap3A_19], %max3A_18 {strides = array<i32>} : memref<12288x128xf32, #tpu.memory_space<vmem>>, vector<10240x128xf32>,
    %broadcast_in_dim3A_21 = arith.constant 0.000000e+00 : f32
    %broadcast_in_dim3A_22 = vector.broadcast %broadcast_in_dim3A_21 : f32 to vector<2048x128xf32>
    %swap3A_23 = arith.constant 10240 : index
    %swap3A_24 = arith.constant 0 : index
    %swap3A_25 = vector.load %arg2[%swap3A_23, %swap3A_24] : memref<12288x128xf32, #tpu.memory_space<vmem>>, vector<2048x128xf32>
    tpu.vector_store %arg2[%swap3A_23, %swap3A_24], %broadcast_in_dim3A_22 {strides = array<i32>} : memref<12288x128xf32, #tpu.memory_space<vmem>>, vector<2048x128xf32>,
    return
  }
}

module attributes {stable_mosaic.version = 14 : i64} {
  func.func @body(%arg0: memref<16x384x128xf32, #tpu.memory_space<vmem>>, %arg1: memref<128x128xf32, #tpu.memory_space<vmem>>, %arg2: memref<1x128xf32, #tpu.memory_space<vmem>>, %arg3: memref<128x128xf32, #tpu.memory_space<vmem>>, %arg4: memref<1x128xf32, #tpu.memory_space<vmem>>, %arg5: memref<128x1xf32, #tpu.memory_space<vmem>>, %arg6: memref<1x1xf32, #tpu.memory_space<vmem>>, %arg7: memref<256x1xf32, #tpu.memory_space<vmem>>) attributes {dimension_semantics = [], scalar_prefetch = 0 : i64, scratch_operands = 0 : i64, tpu.core_type = #tpu.core_type<tc>} {
    %get3A = arith.constant 0 : index
    %get3A_0 = arith.constant 0 : index
    %get3A_1 = arith.constant 0 : index
    %get3A_2 = vector.load %arg0[%get3A, %get3A_0, %get3A_1] : memref<16x384x128xf32, #tpu.memory_space<vmem>>, vector<16x384x128xf32>
    %reduce_sum3A = arith.constant dense<0.000000e+00> : vector<384x128xf32>
    %reduce_sum3A_3 = vector.multi_reduction <add>, %get3A_2, %reduce_sum3A [0] : vector<16x384x128xf32> to vector<384x128xf32>
    %slice3A = vector.extract_strided_slice %reduce_sum3A_3 {offsets = [0, 0], sizes = [256, 128], strides = [1, 1]} : vector<384x128xf32> to vector<256x128xf32>
    %get3A_4 = arith.constant 0 : index
    %get3A_5 = arith.constant 0 : index
    %get3A_6 = vector.load %arg1[%get3A_4, %get3A_5] : memref<128x128xf32, #tpu.memory_space<vmem>>, vector<128x128xf32>
    %dot_general3A = arith.constant dense<0.000000e+00> : vector<256x128xf32>
    %dot_general3A_7 = tpu.matmul %slice3A, %get3A_6, %dot_general3A {dimension_numbers = #tpu.dot_dimension_numbers<[1], [0], [0], [1], [0, 0, 1, 1], [], []>, precision = #tpu.contract_precision<fp32>, transpose_lhs_hint = false} : vector<256x128xf32>, vector<128x128xf32>, vector<256x128xf32> -> vector<256x128xf32>
    %get3A_8 = arith.constant 0 : index
    %get3A_9 = arith.constant 0 : index
    %get3A_10 = vector.load %arg2[%get3A_8, %get3A_9] : memref<1x128xf32, #tpu.memory_space<vmem>>, vector<1x128xf32>
    %add3A = vector.broadcast %get3A_10 : vector<1x128xf32> to vector<256x128xf32>
    %add3A_11 = arith.addf %dot_general3A_7, %add3A : vector<256x128xf32>
    %max3A = arith.constant 0.000000e+00 : f32
    %max3A_12 = vector.broadcast %max3A : f32 to vector<256x128xf32>
    %max3A_13 = arith.maximumf %add3A_11, %max3A_12 : vector<256x128xf32>
    %get3A_14 = arith.constant 0 : index
    %get3A_15 = arith.constant 0 : index
    %get3A_16 = vector.load %arg3[%get3A_14, %get3A_15] : memref<128x128xf32, #tpu.memory_space<vmem>>, vector<128x128xf32>
    %dot_general3A_17 = arith.constant dense<0.000000e+00> : vector<256x128xf32>
    %dot_general3A_18 = tpu.matmul %max3A_13, %get3A_16, %dot_general3A_17 {dimension_numbers = #tpu.dot_dimension_numbers<[1], [0], [0], [1], [0, 0, 1, 1], [], []>, precision = #tpu.contract_precision<fp32>, transpose_lhs_hint = false} : vector<256x128xf32>, vector<128x128xf32>, vector<256x128xf32> -> vector<256x128xf32>
    %get3A_19 = arith.constant 0 : index
    %get3A_20 = arith.constant 0 : index
    %get3A_21 = vector.load %arg4[%get3A_19, %get3A_20] : memref<1x128xf32, #tpu.memory_space<vmem>>, vector<1x128xf32>
    %add3A_22 = vector.broadcast %get3A_21 : vector<1x128xf32> to vector<256x128xf32>
    %add3A_23 = arith.addf %dot_general3A_18, %add3A_22 : vector<256x128xf32>
    %max3A_24 = arith.constant 0.000000e+00 : f32
    %max3A_25 = vector.broadcast %max3A_24 : f32 to vector<256x128xf32>
    %max3A_26 = arith.maximumf %add3A_23, %max3A_25 : vector<256x128xf32>
    %get3A_27 = arith.constant 0 : index
    %get3A_28 = arith.constant 0 : index
    %get3A_29 = vector.load %arg5[%get3A_27, %get3A_28] : memref<128x1xf32, #tpu.memory_space<vmem>>, vector<128x1xf32>
    %dot_general3A_30 = arith.constant dense<0.000000e+00> : vector<256x1xf32>
    %dot_general3A_31 = tpu.matmul %max3A_26, %get3A_29, %dot_general3A_30 {dimension_numbers = #tpu.dot_dimension_numbers<[1], [0], [0], [1], [0, 0, 1, 1], [], []>, precision = #tpu.contract_precision<fp32>, transpose_lhs_hint = false} : vector<256x128xf32>, vector<128x1xf32>, vector<256x1xf32> -> vector<256x1xf32>
    %get3A_32 = arith.constant 0 : index
    %get3A_33 = arith.constant 0 : index
    %get3A_34 = vector.load %arg6[%get3A_32, %get3A_33] : memref<1x1xf32, #tpu.memory_space<vmem>>, vector<1x1xf32>
    %add3A_35 = vector.broadcast %get3A_34 : vector<1x1xf32> to vector<256x1xf32>
    %add3A_36 = arith.addf %dot_general3A_31, %add3A_35 : vector<256x1xf32>
    %swap3A = arith.constant 0 : index
    %swap3A_37 = arith.constant 0 : index
    %swap3A_38 = vector.load %arg7[%swap3A, %swap3A_37] : memref<256x1xf32, #tpu.memory_space<vmem>>, vector<256x1xf32>
    tpu.vector_store %arg7[%swap3A, %swap3A_37], %add3A_36 {strides = array<i32>} : memref<256x1xf32, #tpu.memory_space<vmem>>, vector<256x1xf32>,
    return
  }
}

</mosaic_0001>

<sc_bundles>
// kernel: kernel.18.cloned.1.call-start
scs
__scs_entry_jumppad:
0x0: {  	(pc) =	sbr.rel $0x88, $3  }
0x1: {  	(tag) =	ssettag $0x0;
	lr =	simm.s32 $0x1  }
0x2: {  	[smem:$0x3F92] =	sst lr;
	_ =	strace $0xD0000000  }
0x3: {  	_ = 	snop  }
0x4: {  	_ = 	snop  }
0x5: {  	_ = 	snop  }
0x6: {  	_ = 	snop  }
0x7: {  	_ = 	snop  }
__scs_overlays_trampoline_lowered:
0x8: {  	[smem:$0x3FA1] =	sst s0  }
0x9: {  	[smem:$0x3FA2] =	sst s1  }
0xa: {  	[smem:$0x3FA3] =	sst s2  }
0xb: {  	[smem:$0x3FA4] =	sst s3  }
0xc: {  	[smem:$0x3FA5] =	sst s4  }
0xd: {  	[smem:$0x3FA6] =	sst s5  }
0xe: {  	[smem:$0x3FA7] =	sst s6  }
0xf: {  	[smem:$0x3FA8] =	sst s7  }
0x10: {  	[smem:$0x3FA9] =	sst s8  }
0x11: {  	[smem:$0x3FAA] =	sst s9;
	s0 =	simm.s32 @!p0 $0x0  }
0x12: {  	s1 =	sld [smem:$0x3F90];
	s0 =	simm.s32 @p0 $0x1  }
0x13: {  	[smem:$0x3FAB] =	sst s0;
	s0 =	simm.s32 @!p1 $0x0  }
0x14: {  	s2 =	sld [smem:$0x3F8F];
	s0 =	simm.s32 @p1 $0x1  }
0x15: {  	[smem:$0x3FAC] =	sst s0;
	s0 =	simm.s32 @!p2 $0x0  }
0x16: {  	s3 =	sld [smem:$0x3FDB];
	s0 =	simm.s32 @p2 $0x1  }
0x17: {  	s4 =	simm.s32 $0x1BF5;
	[smem:$0x3FAE] =	sst s0  }
0x18: {  	s0 =	sld [smem:$0x3F91];
	_ =	swait.ge [sflag:s4], $0x0  }
0x19: {  	s7 =	sld [smem:$0x3F92]  }
0x1a: {  	s8 =	sadd.s32 $0xFFFFE003, lr  }
0x1b: {  	s9 =	sadd.s32 $0xFFFFFEF7, lr;
	s5 =	simm.s32 $0xFFFFFFFF;
	p2 =	slt.u32 s8, $0xFFFFF086  }
0x1c: {  	p1 =	slt.u32 s9, $0xF7A;
	s5 =	simm.s32 @!p2 $0x0  }
0x1d: {  	s5 =	simm.s32 @p1 $0x1;
	p0 =	seq.s32 s7, s2  }
0x1e: {  	s7 =	smul.u32 @!p0 $0xF7A, s2;
	p2 =	seq.s32 @!p0 s5, $0x0  }
0x1f: {  	s9 =	smul.u32 $0xF7A, s1;
	s8 =	simm.s32 @!p0 $0x1BF5;
	p2 =	por !p2, p0  }
0x20: {  	[sflag:s8] =	ssyncset.s32 @!p0 $0xFFFFF086;
	s6 =	sadd.s32 @!p0 s3, s7;
	s7 =	simm.s32 @!p0 $0x108  }
0x21: {  	s3 =	sadd.s32 s3, s9;
	s6 =	sadd.s32 @!p0 $0x88, s6;
	s7 =	simm.s32 @p2 $0x1082  }
0x22: {  	[simem:s7], [sflag:s8] =	dma.local @!p0 [hbm:s6], $0xF7A  }
0x23: {  	s9 =	sor.u32 $0xD0000000, s2;
	s6 =	simm.s32 $0x108;
	_ =	swait.ge @!p0 [sflag:s8], $0x0  }
0x24: {  	s3 =	sadd.s32 $0x88, s3;
	s6 =	simm.s32 @!p1 $0x1082;
	[sflag:s4] =	ssyncset.s32 $0xFFFFF086  }
0x25: {  	[simem:s6], [sflag:s4] =	dma.local [hbm:s3], $0xF7A  }
0x26: {  	[smem:$0x3F92] =	sst s1;
	(tag) =	ssettag s2;
	_ =	strace s9  }
0x27: {  	s1 =	sld [smem:$0x3FA2]  }
0x28: {  	s2 =	sld [smem:$0x3FA3]  }
0x29: {  	s4 =	sld [smem:$0x3FA5]  }
0x2a: {  	p0 =	seq.s32 s5, $0x0;
	s5 =	sld [smem:$0x3FA6]  }
0x2b: {  	s6 =	sld [smem:$0x3FA7]  }
0x2c: {  	s7 =	sld [smem:$0x3FA8]  }
0x2d: {  	s3 =	simm.s32 $0x108;
	s8 =	sld [smem:$0x3FA9]  }
0x2e: {  	s3 =	simm.s32 @!p0 $0x1082;
	s9 =	sld [smem:$0x3FAA]  }
0x2f: {  	lr =	sadd.s32 s0, s3;
	s0 =	sld [smem:$0x3FA1]  }
0x30: {  	s3 =	sld [smem:$0x3FA4]  }
0x31: {  	[smem:$0x3FAD] =	sst s10  }
0x32: {  	s10 =	sld [smem:$0x3FAB];
	_ =	sdelay $0x3  }
0x33: {  	p0 =	seq.s32 s10, $0x1;
	s10 =	sld [smem:$0x3FAD];
	_ =	sdelay $0x3  }
0x34: {  	[smem:$0x3FAD] =	sst s10  }
0x35: {  	s10 =	sld [smem:$0x3FAC];
	_ =	sdelay $0x3  }
0x36: {  	p1 =	seq.s32 s10, $0x1;
	s10 =	sld [smem:$0x3FAD];
	_ =	sdelay $0x3  }
0x37: {  	[smem:$0x3FAD] =	sst s10  }
0x38: {  	s10 =	sld [smem:$0x3FAE]  }
0x39: {  	_ = 	snop;
	(pc) =	sbr.ind lr, $3  }
0x3a: {  	_ = 	snop  }
0x3b: {  	_ = 	snop  }
0x3c: {  	p2 =	seq.s32 s10, $0x1;
	s10 =	sld [smem:$0x3FAD]  }
0x3d: {  	_ =	shalt  }
0x3e: {  	_ =	shalt  }
0x3f: {  	_ =	shalt  }
0x40: {  	_ =	shalt  }
0x41: {  	_ =	shalt  }
0x42: {  	_ =	shalt  }
0x43: {  	_ =	shalt  }
0x44: {  	_ =	shalt  }
0x45: {  	_ =	shalt  }
0x46: {  	_ =	shalt  }
0x47: {  	_ =	shalt  }
0x48: {  	_ =	shalt  }
0x49: {  	_ =	shalt  }
0x4a: {  	_ =	shalt  }
0x4b: {  	_ =	shalt  }
0x4c: {  	_ =	shalt  }
0x4d: {  	_ =	shalt  }
0x4e: {  	_ =	shalt  }
0x4f: {  	_ =	shalt  }
0x50: {  	_ =	shalt  }
0x51: {  	_ =	shalt  }
0x52: {  	_ =	shalt  }
0x53: {  	_ =	shalt  }
0x54: {  	_ =	shalt  }
0x55: {  	_ =	shalt  }
0x56: {  	_ =	shalt  }
0x57: {  	_ =	shalt  }
0x58: {  	_ =	shalt  }
0x59: {  	_ =	shalt  }
0x5a: {  	_ =	shalt  }
0x5b: {  	_ =	shalt  }
0x5c: {  	_ =	shalt  }
0x5d: {  	_ =	shalt  }
0x5e: {  	_ =	shalt  }
0x5f: {  	_ =	shalt  }
0x60: {  	_ =	shalt  }
0x61: {  	_ =	shalt  }
0x62: {  	_ =	shalt  }
0x63: {  	_ =	shalt  }
0x64: {  	_ =	shalt  }
0x65: {  	_ =	shalt  }
0x66: {  	_ =	shalt  }
0x67: {  	_ =	shalt  }
0x68: {  	_ =	shalt  }
0x69: {  	_ =	shalt  }
0x6a: {  	_ =	shalt  }
0x6b: {  	_ =	shalt  }
0x6c: {  	_ =	shalt  }
0x6d: {  	_ =	shalt  }
0x6e: {  	_ =	shalt  }
0x6f: {  	_ =	shalt  }
0x70: {  	_ =	shalt  }
0x71: {  	_ =	shalt  }
0x72: {  	_ =	shalt  }
0x73: {  	_ =	shalt  }
0x74: {  	_ =	shalt  }
0x75: {  	_ =	shalt  }
0x76: {  	_ =	shalt  }
0x77: {  	_ =	shalt  }
0x78: {  	_ =	shalt  }
0x79: {  	_ =	shalt  }
0x7a: {  	_ =	shalt  }
0x7b: {  	_ =	shalt  }
0x7c: {  	_ =	shalt  }
0x7d: {  	_ =	shalt  }
0x7e: {  	_ =	shalt  }
0x7f: {  	_ =	shalt  }
0x80: {  	_ =	shalt  }
0x81: {  	_ =	shalt  }
0x82: {  	_ =	shalt  }
0x83: {  	_ =	shalt  }
0x84: {  	_ =	shalt  }
0x85: {  	_ =	shalt  }
0x86: {  	_ =	shalt  }
0x87: {  	_ =	shalt  }
.Lfunc_end0:
.L_simem_size_0:
called_computation_lowered:
.L_overlay_start_0:
0x88: {  	s2 =	sld [smem:$0x3FD9]  }
0x89: {  	s3 =	sld [smem:$0x3FFE];
	_ =	sdelay $0x1  }
0x8a: {  	s1 =	srdreg.scid  }
0x8b: {  	s0 =	sand.u32 $0x1, s1  }
0x8c: {  	s16 =	sshll.u32 s0, $0xA;
	s2 =	sadd.s32 s3, s2  }
0x8d: {  	s2 =	sadd.s32 s2, s16  }
0x8e: {  	[smem:$0x3FB9] =	sst s2  }
0x8f: {  	_ = 	snop  }
0x90: {  	(tm) =	ssettm $0x1  }
0x91: {  	s17 =	sld [smem:$0x3FFB];
	_ =	sdelay $0x3  }
0x92: {  	_ =	strace s17  }
0x93: {  	s2 =	sld [smem:$0x3FFC];
	_ =	sdelay $0x3  }
0x94: {  	_ =	strace s2  }
0x95: {  	s2 =	sld [smem:$0x3FFD];
	_ =	sdelay $0x3  }
0x96: {  	_ =	strace s2  }
0x97: {  	_ =	strace $0x8FFFFFFF  }
0x98: {  	s18 =	sld [smem:$0x3FDB];
	_ =	sdelay $0x1  }
0x99: {  	s19 =	simm.s32 $_scs_section_size  }
0x9a: {  	s4 =	simm.s32 $_size__tile_overlayer_lowered;
	s5 =	simm.s32 $_tile_overlayer_lowered  }
0x9b: {  	s22 =	simm.s32 $0x1BFF;
	s21 =	sshll.u32 s5, $0x1;
	s2 =	sadd.s32 s19, s18  }
0x9c: {  	s6 =	simm.s32 $0x0;
	s20 =	sshll.u32 s4, $0x1;
	s4 =	sadd.s32 s21, s2  }
0x9d: {  	[timem:s6], [sflag:s22] =	dma.local [hbm:s4], s20  }
0x9e: {  	_ =	swait.ge [sflag:s22], s20  }
0x9f: {  	s3 =	ssub.s32 $0x0, s20;
	[sflag:s22] =	ssyncset.done $0x0  }
0xa0: {  	[sflag:s22] =	ssyncadd.s32 s3;
	_ =	sdelay $0x1  }
0xa1: {  	s23 =	simm.s32 $0x1B8B  }
0xa2: {  	_ =	swait.ge [sflag:s23], $0x1  }
0xa3: {  	[sflag:s23] =	ssyncset.done $0x0  }
0xa4: {  	s25 =	simm.s32 $0x1B8E;
	s24 =	sld [smem:$0x3FFE];
	[sflag:s23] =	ssyncadd.s32 $0xFFFFFFFF  }
0xa5: {  	s26 =	simm.s32 $execute0_lowered;
	[smem:$0x3FD2] =	sst s25  }
0xa6: {  	s4 =	sshll.u32 s26, $0x1;
	_ =	strace $0x80000046;
	[dreg:$0x1] =	wrdreg $0xFFFFFFFF  }
0xa7: {  	s28 =	simm.s32 $_size_execute0_lowered;
	s2 =	sadd.s32 s2, s4;
	[dreg:$0x0] =	wrdreg $0x0  }
0xa8: {  	s4 =	sshll.u32 s28, $0x1;
	[dreg:$0x2] =	wrdreg s2  }
0xa9: {  	[dreg:$0x3] =	wrdreg s4  }
0xaa: {  	[dreg:$0x4] =	wrdreg $0xC0  }
0xab: {  	_ =	task [dreg:s6], $0x5FFFF  }
0xac: {  	[dreg:$0x1] =	wrdreg $0xFFFFFFFF  }
0xad: {  	[dreg:$0x0] =	wrdreg $0x60  }
0xae: {  	[dreg:$0x2] =	wrdreg s24  }
0xaf: {  	[dreg:$0x3] =	wrdreg $0x120000  }
0xb0: {  	[dreg:$0x4] =	wrdreg $0x9  }
0xb1: {  	_ =	task.clear_ibuf [dreg:s6], $0x5FFFF;
	_ =	strace $0x90000046  }
0xb2: {  	s29 =	simm.s32 $0x9;
	_ =	strace $0x80000048  }
0xb3: {  	_ =	swait.ge [sflag:s29], $0x1  }
0xb4: {  	[sflag:s29] =	ssyncadd.s32 $0xFFFFFFFF  }
0xb5: {  	_ =	strace $0x90000048  }
0xb6: {  	_ =	sfence  }
0xb7: {  	s30 =	sld [smem:$0x0];
	_ =	sdelay $0x2  }
0xb8: {  	s31 =	sshll.u32 s1, $0xD;
	s1 =	sshrl.u32 s1, $0x2  }
0xb9: {  	s3 =	sand.u32 $0x4000, s31;
	s1 =	sadd.s32 s1, s30  }
0xba: {  	s0 =	sor.u32 s3, s0;
	s1 =	sshll.u32 s1, $0x11  }
0xbb: {  	s0 =	sor.u32 s1, s0  }
0xbc: {  	s0 =	sadd.s32 $0x8F2B, s0  }
0xbd: {  	[sflag:s0] =	ssyncadd.remote.s32 $0x1  }
0xbe: {  	_ =	sfence.sel $0xFFFF  }
0xbf: {  	[dreg:$0x0] =	wrdreg $0xFFFFFFFF;
	(pc) =	sbr.abs _section_cstart, $3  }
0xc0: {  	[dreg:$0x1] =	wrdreg $0xFFFFFFFF  }
0xc1: {  	_ =	task.clear_ibuf [dreg:s6], $0x2FFFF;
	_ =	strace $0x9FFFFFFF  }
0xc2: {  	(tm) =	ssettm $0x7FFFFFFF  }
0xc3: {  	_ =	shalt  }
tec
execute0_lowered:
.L_overlay_start_1:
0x0: {  	(tag) =	ssettag $0x1  }
0x1: {  	s0 =	srdreg.scid;
	s7 =	rddreg [dreg:$0x0]  }
0x2: {  	s2 =	rddreg [dreg:$0x1];
	s3 =	simm.s32 $0x0;
	s14 =	simm.s32 $0x80  }
0x3: {  	s15 =	simm.s32 $0xA000;
	s16 =	simm.s32 $0xE000;
	s17 =	simm.s32 $0x1  }
0x4: {  	s18 =	simm.s32 $0x2;
	s19 =	simm.s32 $0x9F00;
	s20 =	simm.s32 $0x9F80  }
0x5: {  	s21 =	simm.s32 $0x0;
	s6 =	sand.u32 $0x1, s0;
	s0 =	stileid.u32  }
0x6: {  	[smem:$0x7FF] =	sst s3;
	s5 =	sadd.s32 $0x2EA00, s7;
	s1 =	sshll.u32 s6, $0x4  }
0x7: {  	s9 =	ssub.s32 $0x2, s6;
	s10 =	sshll.u32 s0, $0xC;
	s29 =	sshll.u32 s0, $0xF  }
0x8: {  	s30 =	sshll.u32 s0, $0x6;
	s12 =	sshll.u32 s6, $0x10;
	s4 =	sor.u32 s0, s1  }
0x9: {  	s1 =	rddreg [dreg:$0x2];
	_ =	strace $0x80000047;
	s11 =	sshrl.u32 s9, $0x1  }
0xa: {  	s13 =	sadd.s32 s29, s2;
	s6 =	sor.u32 $0x1C03, s30;
	s4 =	smul.u32 $0xA00, s4  }
0xb: {  	s28 =	ssub.s32 s9, s11;
	s11 =	sshrl.u32 s13, $0x3;
	s13 =	simm.s32 $0x5000  }
0xc: {  	s8 =	sadd.s32 s4, s7;
	s4 =	sadd.s32 $0x6200, s7;
	s7 =	sadd.s32 s10, s7  }
0xd: {  	s10 =	smax.u32 s28, $0x1;
	s31 =	sadd.s32 s12, s7;
	s7 =	sadd.s32 $0x1AA00, s8  }
0xe: {  	s8 =	sadd.s32 $0x6A00, s8;
	s12 =	simm.s32 $0x3;
	s9 =	sadd.s32 $0x2FA00, s31  }
.LBB2_1:
0xf: {  	[spmem:s11], [sflag:s6] =	dma.local [hbm:s5], $0x1000  }
0x10: {  	_ =	swait.ge [sflag:s12], $0x1000  }
0x11: {  	[sflag:s12] =	ssyncset.done $0x0  }
0x12: {  	[sflag:s12] =	ssyncadd.s32 $0xFFFFF000  }
0x13: {  	[tilespmem:s3], [sflag:$0x3] =	stream.linear.gather [hbm4b:s7+s3], $0x5000, $0x38;
	[tilespmem:$0x1A000] =	vst v63  }
0x14: {  	_ =	swait.ge [sflag:s12], $0x5000  }
0x15: {  	[sflag:s12] =	ssyncset.done $0x0  }
0x16: {  	[sflag:s12] =	ssyncadd.s32 $0xFFFFB000  }
0x17: {  	[tilespmem:s13], [sflag:$0x3] =	stream.linear.gather [hbm4b:s8+s3], $0x5000, $0x38;
	[tilespmem:$0x1A000] =	vst v63  }
0x18: {  	_ =	swait.ge [sflag:s12], $0x5000  }
0x19: {  	[sflag:s12] =	ssyncset.done $0x0  }
0x1a: {  	[sflag:s12] =	ssyncadd.s32 $0xFFFFB000  }
0x1b: {  	[bflag:$0x0] =	sbarrier.arrive $0xFFFF  }
0x1c: {  	[tilespmem:s15], [sflag:$0x1] =	stream.indirect.gather [hbm4b:s4+s14], $0x80, s3, s14, $0xb8;
	[tilespmem:$0x1A000] =	vst v63  }
0x1d: {  	_ = 	snop  }
0x1e: {  	[tilespmem:s16], [sflag:$0x2] =	stream.indirect.gather [hbm4b:s4+s14], $0x80, s14, s14, $0xb8;
	[tilespmem:$0x1A000] =	vst v63  }
0x1f: {  	_ =	swait.ge [sflag:s17], $0x4000  }
0x20: {  	[sflag:s17] =	ssyncset.done $0x0  }
0x21: {  	s22 =	simm.s32 $0x5000;
	[sflag:s17] =	ssyncadd.s32 $0xFFFFC000  }
0x22: {  	[spmem:s2] =	stream.indirect.scatter.add.f32 [tilespmem:s15], [sflag:$0x3], $0x80, s22, s14, $0xb8;
	[tilespmem:$0x1A000] =	vst v63  }
0x23: {  	_ =	swait.ge [sflag:s12], $0x4000  }
0x24: {  	[sflag:s12] =	ssyncset.done $0x0  }
0x25: {  	s30 =	simm.s32 $0x100;
	[sflag:s12] =	ssyncadd.s32 $0xFFFFC000  }
0x26: {  	[tilespmem:s15], [sflag:$0x1] =	stream.indirect.gather [hbm4b:s4+s14], $0x80, s30, s14, $0xb8;
	[tilespmem:$0x1A000] =	vst v63  }
0x27: {  	_ =	swait.ge [sflag:s18], $0x4000  }
0x28: {  	[sflag:s18] =	ssyncset.done $0x0  }
0x29: {  	s31 =	simm.s32 $0x5080;
	[sflag:s18] =	ssyncadd.s32 $0xFFFFC000  }
0x2a: {  	[spmem:s2] =	stream.indirect.scatter.add.f32 [tilespmem:s16], [sflag:$0x3], $0x80, s31, s14, $0xb8;
	[tilespmem:$0x1A000] =	vst v63  }
0x2b: {  	_ =	swait.ge [sflag:s12], $0x4000  }
0x2c: {  	[sflag:s12] =	ssyncset.done $0x0  }
0x2d: {  	s23 =	simm.s32 $0x180;
	s22 =	simm.s32 $0x400;
	[sflag:s12] =	ssyncadd.s32 $0xFFFFC000  }
.LBB2_2:
0x2e: {  	[tilespmem:s16], [sflag:$0x2] =	stream.indirect.gather [hbm4b:s4+s14], $0x80, s23, s14, $0xb8;
	[tilespmem:$0x1A000] =	vst v63  }
0x2f: {  	s23 =	smov.u32 s22  }
0x30: {  	p0 =	sne.s32 s22, $0x13800;
	s22 =	sadd.s32 $0x400, s22;
	_ =	swait.ge [sflag:s17], $0x4000  }
0x31: {  	s23 =	sshra.s32 s23, $0x2;
	[sflag:s17] =	ssyncset.done $0x0  }
0x32: {  	s24 =	sadd.s32 $0x5000, s23;
	[sflag:s17] =	ssyncadd.s32 $0xFFFFC000  }
0x33: {  	[spmem:s2] =	stream.indirect.scatter.add.f32 [tilespmem:s15], [sflag:$0x3], $0x80, s24, s14, $0xb8;
	[tilespmem:$0x1A000] =	vst v63  }
0x34: {  	_ =	swait.ge [sflag:s12], $0x4000  }
0x35: {  	[sflag:s12] =	ssyncset.done $0x0  }
0x36: {  	s24 =	sadd.s32 $0x100, s23;
	[sflag:s12] =	ssyncadd.s32 $0xFFFFC000  }
0x37: {  	[tilespmem:s15], [sflag:$0x1] =	stream.indirect.gather [hbm4b:s4+s14], $0x80, s24, s14, $0xb8;
	[tilespmem:$0x1A000] =	vst v63  }
0x38: {  	_ =	swait.ge [sflag:s18], $0x4000  }
0x39: {  	[sflag:s18] =	ssyncset.done $0x0  }
.Ltmp0:
0x3a: {  	s24 =	sadd.s32 $0x5080, s23;
	[sflag:s18] =	ssyncadd.s32 $0xFFFFC000;
	(pc) =	sbr.rel @p0 .LBB2_2-.Ltmp0, $4  }
0x3b: {  	[spmem:s2] =	stream.indirect.scatter.add.f32 [tilespmem:s16], [sflag:$0x3], $0x80, s24, s14, $0xb8;
	[tilespmem:$0x1A000] =	vst v63  }
0x3c: {  	_ =	swait.ge [sflag:s12], $0x4000  }
0x3d: {  	[sflag:s12] =	ssyncset.done $0x0  }
0x3e: {  	s23 =	sadd.s32 $0x180, s23;
	[sflag:s12] =	ssyncadd.s32 $0xFFFFC000  }
0x3f: {  	[tilespmem:s16], [sflag:$0x2] =	stream.indirect.gather [hbm4b:s4+s14], $0x80, s23, s14, $0xb8;
	[tilespmem:$0x1A000] =	vst v63  }
0x40: {  	_ =	swait.ge [sflag:s17], $0x4000  }
0x41: {  	[sflag:s17] =	ssyncset.done $0x0  }
0x42: {  	[sflag:s17] =	ssyncadd.s32 $0xFFFFC000  }
0x43: {  	[spmem:s2] =	stream.indirect.scatter.add.f32 [tilespmem:s15], [sflag:$0x3], $0x80, s19, s14, $0xb8;
	[tilespmem:$0x1A000] =	vst v63  }
0x44: {  	_ =	swait.ge [sflag:s12], $0x4000  }
0x45: {  	[sflag:s12] =	ssyncset.done $0x0  }
0x46: {  	[sflag:s12] =	ssyncadd.s32 $0xFFFFC000  }
0x47: {  	_ =	swait.ge [sflag:s18], $0x4000  }
0x48: {  	[sflag:s18] =	ssyncset.done $0x0  }
0x49: {  	[sflag:s18] =	ssyncadd.s32 $0xFFFFC000  }
0x4a: {  	[spmem:s2] =	stream.indirect.scatter.add.f32 [tilespmem:s16], [sflag:$0x3], $0x80, s20, s14, $0xb8;
	[tilespmem:$0x1A000] =	vst v63  }
0x4b: {  	_ =	swait.ge [sflag:s12], $0x4000  }
0x4c: {  	s21 =	sadd.s32 $0x1, s21;
	[sflag:s12] =	ssyncset.done $0x0  }
0x4d: {  	p0 =	sne.s32 s21, s10;
	[sflag:s12] =	ssyncadd.s32 $0xFFFFC000  }
.Ltmp1:
0x4e: {  	[bflag:$0x0] =	sbarrier.arrive $0xFFFF;
	(pc) =	sbr.rel @p0 .LBB2_1-.Ltmp1, $4  }
0x4f: {  	[hbm:s9], [sflag:s6] =	dma.local [spmem:s11], $0x1000  }
0x50: {  	_ =	swait.ge [sflag:s12], $0x1000  }
0x51: {  	[sflag:s12] =	ssyncset.done $0x0  }
0x52: {  	[sflag:s12] =	ssyncadd.s32 $0xFFFFF000  }
0x53: {  	_ =	sfence.sel $0x180000  }
0x54: {  	[bflag:$0x0] =	sbarrier.arrive $0xFFFF  }
0x55: {  	p0 =	sne.s32 s0, $0x0;
	_ =	strace $0x90000047  }
0x56: {  	s0 =	sadd.s32 @!p0 $0x100000, s1;
	[bflag:$0x2] =	sbarrier.arrive $0xFFFF  }
0x57: {  	[sflag:s0] =	ssyncadd.tile.s32 @!p0 $0x1;
	_ =	shalt  }
.Lfunc_end2:
_tile_overlayer_lowered:
.L_overlay_start_2:
0x58: {  	(tag) =	ssettag $0x2  }
0x59: {  	s0 =	rddreg [dreg:$0x0];
	s2 =	stileid.u32  }
0x5a: {  	s1 =	rddreg [dreg:$0x1];
	p0 =	sne.s32 s2, $0x0  }
0x5b: {  	s3 =	rddreg [dreg:$0x2];
	[bflag:$0x3] =	sbarrier.arrive $0xFFFF;
	s2 =	simm.s32 @!p0 $0x1C03  }
0x5c: {  	[timem:s3], [sflag:s2] =	dma.local @!p0 [hbm:s0], s1  }
0x5d: {  	s0 =	simm.s32 @!p0 $0x3  }
0x5e: {  	_ =	swait.ge @!p0 [sflag:s0], s1  }
0x5f: {  	s1 =	ssub.s32 @!p0 $0x0, s1;
	[sflag:s0] =	ssyncset.done @!p0 $0x0  }
0x60: {  	[sflag:s0] =	ssyncadd.s32 @!p0 s1  }
0x61: {  	[bflag:$0x3] =	sbarrier.arrive $0xFFFF  }
0x62: {  	_ =	shalt  }

// kernel: kernel.21.cloned.1.call-start
scs
__scs_entry_jumppad:
0x0: {  	(pc) =	sbr.rel $0x88, $3  }
0x1: {  	(tag) =	ssettag $0x0;
	lr =	simm.s32 $0x1  }
0x2: {  	[smem:$0x3F92] =	sst lr;
	_ =	strace $0xD0000000  }
0x3: {  	_ = 	snop  }
0x4: {  	_ = 	snop  }
0x5: {  	_ = 	snop  }
0x6: {  	_ = 	snop  }
0x7: {  	_ = 	snop  }
__scs_overlays_trampoline_lowered:
0x8: {  	[smem:$0x3FA1] =	sst s0  }
0x9: {  	[smem:$0x3FA2] =	sst s1  }
0xa: {  	[smem:$0x3FA3] =	sst s2  }
0xb: {  	[smem:$0x3FA4] =	sst s3  }
0xc: {  	[smem:$0x3FA5] =	sst s4  }
0xd: {  	[smem:$0x3FA6] =	sst s5  }
0xe: {  	[smem:$0x3FA7] =	sst s6  }
0xf: {  	[smem:$0x3FA8] =	sst s7  }
0x10: {  	[smem:$0x3FA9] =	sst s8  }
0x11: {  	[smem:$0x3FAA] =	sst s9;
	s0 =	simm.s32 @!p0 $0x0  }
0x12: {  	s1 =	sld [smem:$0x3F90];
	s0 =	simm.s32 @p0 $0x1  }
0x13: {  	[smem:$0x3FAB] =	sst s0;
	s0 =	simm.s32 @!p1 $0x0  }
0x14: {  	s2 =	sld [smem:$0x3F8F];
	s0 =	simm.s32 @p1 $0x1  }
0x15: {  	[smem:$0x3FAC] =	sst s0;
	s0 =	simm.s32 @!p2 $0x0  }
0x16: {  	s3 =	sld [smem:$0x3FDB];
	s0 =	simm.s32 @p2 $0x1  }
0x17: {  	s4 =	simm.s32 $0x1BF5;
	[smem:$0x3FAE] =	sst s0  }
0x18: {  	s0 =	sld [smem:$0x3F91];
	_ =	swait.ge [sflag:s4], $0x0  }
0x19: {  	s7 =	sld [smem:$0x3F92]  }
0x1a: {  	s8 =	sadd.s32 $0xFFFFE003, lr  }
0x1b: {  	s9 =	sadd.s32 $0xFFFFFEF7, lr;
	s5 =	simm.s32 $0xFFFFFFFF;
	p2 =	slt.u32 s8, $0xFFFFF086  }
0x1c: {  	p1 =	slt.u32 s9, $0xF7A;
	s5 =	simm.s32 @!p2 $0x0  }
0x1d: {  	s5 =	simm.s32 @p1 $0x1;
	p0 =	seq.s32 s7, s2  }
0x1e: {  	s7 =	smul.u32 @!p0 $0xF7A, s2;
	p2 =	seq.s32 @!p0 s5, $0x0  }
0x1f: {  	s9 =	smul.u32 $0xF7A, s1;
	s8 =	simm.s32 @!p0 $0x1BF5;
	p2 =	por !p2, p0  }
0x20: {  	[sflag:s8] =	ssyncset.s32 @!p0 $0xFFFFF086;
	s6 =	sadd.s32 @!p0 s3, s7;
	s7 =	simm.s32 @!p0 $0x108  }
0x21: {  	s3 =	sadd.s32 s3, s9;
	s6 =	sadd.s32 @!p0 $0x88, s6;
	s7 =	simm.s32 @p2 $0x1082  }
0x22: {  	[simem:s7], [sflag:s8] =	dma.local @!p0 [hbm:s6], $0xF7A  }
0x23: {  	s9 =	sor.u32 $0xD0000000, s2;
	s6 =	simm.s32 $0x108;
	_ =	swait.ge @!p0 [sflag:s8], $0x0  }
0x24: {  	s3 =	sadd.s32 $0x88, s3;
	s6 =	simm.s32 @!p1 $0x1082;
	[sflag:s4] =	ssyncset.s32 $0xFFFFF086  }
0x25: {  	[simem:s6], [sflag:s4] =	dma.local [hbm:s3], $0xF7A  }
0x26: {  	[smem:$0x3F92] =	sst s1;
	(tag) =	ssettag s2;
	_ =	strace s9  }
0x27: {  	s1 =	sld [smem:$0x3FA2]  }
0x28: {  	s2 =	sld [smem:$0x3FA3]  }
0x29: {  	s4 =	sld [smem:$0x3FA5]  }
0x2a: {  	p0 =	seq.s32 s5, $0x0;
	s5 =	sld [smem:$0x3FA6]  }
0x2b: {  	s6 =	sld [smem:$0x3FA7]  }
0x2c: {  	s7 =	sld [smem:$0x3FA8]  }
0x2d: {  	s3 =	simm.s32 $0x108;
	s8 =	sld [smem:$0x3FA9]  }
0x2e: {  	s3 =	simm.s32 @!p0 $0x1082;
	s9 =	sld [smem:$0x3FAA]  }
0x2f: {  	lr =	sadd.s32 s0, s3;
	s0 =	sld [smem:$0x3FA1]  }
0x30: {  	s3 =	sld [smem:$0x3FA4]  }
0x31: {  	[smem:$0x3FAD] =	sst s10  }
0x32: {  	s10 =	sld [smem:$0x3FAB];
	_ =	sdelay $0x3  }
0x33: {  	p0 =	seq.s32 s10, $0x1;
	s10 =	sld [smem:$0x3FAD];
	_ =	sdelay $0x3  }
0x34: {  	[smem:$0x3FAD] =	sst s10  }
0x35: {  	s10 =	sld [smem:$0x3FAC];
	_ =	sdelay $0x3  }
0x36: {  	p1 =	seq.s32 s10, $0x1;
	s10 =	sld [smem:$0x3FAD];
	_ =	sdelay $0x3  }
0x37: {  	[smem:$0x3FAD] =	sst s10  }
0x38: {  	s10 =	sld [smem:$0x3FAE]  }
0x39: {  	_ = 	snop;
	(pc) =	sbr.ind lr, $3  }
0x3a: {  	_ = 	snop  }
0x3b: {  	_ = 	snop  }
0x3c: {  	p2 =	seq.s32 s10, $0x1;
	s10 =	sld [smem:$0x3FAD]  }
0x3d: {  	_ =	shalt  }
0x3e: {  	_ =	shalt  }
0x3f: {  	_ =	shalt  }
0x40: {  	_ =	shalt  }
0x41: {  	_ =	shalt  }
0x42: {  	_ =	shalt  }
0x43: {  	_ =	shalt  }
0x44: {  	_ =	shalt  }
0x45: {  	_ =	shalt  }
0x46: {  	_ =	shalt  }
0x47: {  	_ =	shalt  }
0x48: {  	_ =	shalt  }
0x49: {  	_ =	shalt  }
0x4a: {  	_ =	shalt  }
0x4b: {  	_ =	shalt  }
0x4c: {  	_ =	shalt  }
0x4d: {  	_ =	shalt  }
0x4e: {  	_ =	shalt  }
0x4f: {  	_ =	shalt  }
0x50: {  	_ =	shalt  }
0x51: {  	_ =	shalt  }
0x52: {  	_ =	shalt  }
0x53: {  	_ =	shalt  }
0x54: {  	_ =	shalt  }
0x55: {  	_ =	shalt  }
0x56: {  	_ =	shalt  }
0x57: {  	_ =	shalt  }
0x58: {  	_ =	shalt  }
0x59: {  	_ =	shalt  }
0x5a: {  	_ =	shalt  }
0x5b: {  	_ =	shalt  }
0x5c: {  	_ =	shalt  }
0x5d: {  	_ =	shalt  }
0x5e: {  	_ =	shalt  }
0x5f: {  	_ =	shalt  }
0x60: {  	_ =	shalt  }
0x61: {  	_ =	shalt  }
0x62: {  	_ =	shalt  }
0x63: {  	_ =	shalt  }
0x64: {  	_ =	shalt  }
0x65: {  	_ =	shalt  }
0x66: {  	_ =	shalt  }
0x67: {  	_ =	shalt  }
0x68: {  	_ =	shalt  }
0x69: {  	_ =	shalt  }
0x6a: {  	_ =	shalt  }
0x6b: {  	_ =	shalt  }
0x6c: {  	_ =	shalt  }
0x6d: {  	_ =	shalt  }
0x6e: {  	_ =	shalt  }
0x6f: {  	_ =	shalt  }
0x70: {  	_ =	shalt  }
0x71: {  	_ =	shalt  }
0x72: {  	_ =	shalt  }
0x73: {  	_ =	shalt  }
0x74: {  	_ =	shalt  }
0x75: {  	_ =	shalt  }
0x76: {  	_ =	shalt  }
0x77: {  	_ =	shalt  }
0x78: {  	_ =	shalt  }
0x79: {  	_ =	shalt  }
0x7a: {  	_ =	shalt  }
0x7b: {  	_ =	shalt  }
0x7c: {  	_ =	shalt  }
0x7d: {  	_ =	shalt  }
0x7e: {  	_ =	shalt  }
0x7f: {  	_ =	shalt  }
0x80: {  	_ =	shalt  }
0x81: {  	_ =	shalt  }
0x82: {  	_ =	shalt  }
0x83: {  	_ =	shalt  }
0x84: {  	_ =	shalt  }
0x85: {  	_ =	shalt  }
0x86: {  	_ =	shalt  }
0x87: {  	_ =	shalt  }
.Lfunc_end0:
.L_simem_size_0:
called_computation.1_lowered:
.L_overlay_start_0:
0x88: {  	s2 =	sld [smem:$0x3FD9]  }
0x89: {  	s3 =	sld [smem:$0x3FFE];
	_ =	sdelay $0x1  }
0x8a: {  	s1 =	srdreg.scid  }
0x8b: {  	s0 =	sand.u32 $0x1, s1  }
0x8c: {  	s17 =	sshll.u32 s0, $0xA;
	s2 =	sadd.s32 s3, s2  }
0x8d: {  	s2 =	sadd.s32 s2, s17  }
0x8e: {  	[smem:$0x3FB9] =	sst s2  }
0x8f: {  	_ = 	snop  }
0x90: {  	(tm) =	ssettm $0x1  }
0x91: {  	s18 =	sld [smem:$0x3FFB];
	_ =	sdelay $0x3  }
0x92: {  	_ =	strace s18  }
0x93: {  	s2 =	sld [smem:$0x3FFC];
	_ =	sdelay $0x3  }
0x94: {  	_ =	strace s2  }
0x95: {  	s2 =	sld [smem:$0x3FFD];
	_ =	sdelay $0x3  }
0x96: {  	_ =	strace s2  }
0x97: {  	_ =	strace $0x8FFFFFFF  }
0x98: {  	s19 =	sld [smem:$0x3FDB];
	_ =	sdelay $0x1  }
0x99: {  	s20 =	simm.s32 $_scs_section_size  }
0x9a: {  	s4 =	simm.s32 $_size__tile_overlayer_lowered;
	s5 =	simm.s32 $_tile_overlayer_lowered  }
0x9b: {  	s6 =	simm.s32 $0x1BFF;
	s21 =	sshll.u32 s5, $0x1;
	s3 =	sadd.s32 s20, s19  }
0x9c: {  	s22 =	simm.s32 $0x0;
	s4 =	sshll.u32 s4, $0x1;
	s5 =	sadd.s32 s21, s3  }
0x9d: {  	[timem:s22], [sflag:s6] =	dma.local [hbm:s5], s4  }
0x9e: {  	_ =	swait.ge [sflag:s6], s4  }
0x9f: {  	s4 =	ssub.s32 $0x0, s4;
	[sflag:s6] =	ssyncset.done $0x0  }
0xa0: {  	[sflag:s6] =	ssyncadd.s32 s4;
	_ =	sdelay $0x1  }
0xa1: {  	s23 =	simm.s32 $0x1B8B  }
0xa2: {  	_ =	swait.ge [sflag:s23], $0x1  }
0xa3: {  	[sflag:s23] =	ssyncset.done $0x0  }
0xa4: {  	[sflag:s23] =	ssyncadd.s32 $0xFFFFFFFF  }
0xa5: {  	s4 =	sld [smem:$0x0]  }
0xa6: {  	s5 =	sand.u32 $0xFFFFFFFE, s1  }
0xa7: {  	p0 =	sne.s32 s1, s5  }
0xa8: {  	s5 =	sshll.u32 @p0 s5, $0xE  }
0xa9: {  	s5 =	sadd.s32 @p0 $0x11B8D, s5;
	s6 =	sshll.u32 @p0 s4, $0x11  }
0xaa: {  	s5 =	sor.u32 @p0 s6, s5  }
0xab: {  	[sflag:s5] =	ssyncadd.remote.s32 @p0 $0x1;
	_ =	sdelay $0x1  }
0xac: {  	s5 =	simm.s32 @p0 $0x1B8D  }
0xad: {  	_ =	swait.eq @p0 [sflag:s5], $0x1  }
0xae: {  	[sflag:s5] =	ssyncadd.s32 @p0 $0xFFFFFFFF  }
0xaf: {  	s6 =	sshll.u32 @!p0 s1, $0xE  }
0xb0: {  	s6 =	sor.u32 @!p0 $0x4000, s6;
	s5 =	simm.s32 @!p0 $0x1B8D  }
0xb1: {  	s4 =	sshll.u32 @!p0 s4, $0x11;
	s6 =	sadd.s32 @!p0 $0x11B8D, s6;
	_ =	swait.eq @!p0 [sflag:s5], $0x1  }
0xb2: {  	s4 =	sor.u32 @!p0 s4, s6;
	[sflag:s5] =	ssyncadd.s32 @!p0 $0xFFFFFFFF  }
0xb3: {  	s25 =	simm.s32 $0x1B8E;
	s24 =	sld [smem:$0x3FFE];
	[sflag:s4] =	ssyncadd.remote.s32 @!p0 $0x1  }
0xb4: {  	s26 =	simm.s32 $execute0_lowered;
	[smem:$0x3FD2] =	sst s25  }
0xb5: {  	s5 =	sshll.u32 s26, $0x1;
	_ =	strace $0x80000049;
	[dreg:$0x1] =	wrdreg $0xFFFFFFFF  }
0xb6: {  	s28 =	simm.s32 $_size_execute0_lowered;
	s3 =	sadd.s32 s3, s5;
	[dreg:$0x0] =	wrdreg $0x0  }
0xb7: {  	s5 =	sshll.u32 s28, $0x1;
	[dreg:$0x2] =	wrdreg s3  }
0xb8: {  	[dreg:$0x3] =	wrdreg s5  }
0xb9: {  	[dreg:$0x4] =	wrdreg $0xC0  }
0xba: {  	_ =	task [dreg:s22], $0x5FFFF  }
0xbb: {  	[dreg:$0x1] =	wrdreg $0xFFFFFFFF  }
0xbc: {  	[dreg:$0x0] =	wrdreg $0x60  }
0xbd: {  	[dreg:$0x2] =	wrdreg s24  }
0xbe: {  	[dreg:$0x3] =	wrdreg $0xD0000  }
0xbf: {  	[dreg:$0x4] =	wrdreg $0xA  }
0xc0: {  	_ =	task.clear_ibuf [dreg:s22], $0x5FFFF;
	_ =	strace $0x90000049  }
0xc1: {  	s29 =	simm.s32 $0xA;
	_ =	strace $0x8000004B  }
0xc2: {  	_ =	swait.ge [sflag:s29], $0x1  }
0xc3: {  	[sflag:s29] =	ssyncadd.s32 $0xFFFFFFFF  }
0xc4: {  	_ =	strace $0x9000004B  }
0xc5: {  	_ =	sfence  }
0xc6: {  	s30 =	sld [smem:$0x0];
	_ =	sdelay $0x2  }
0xc7: {  	s31 =	sshll.u32 s1, $0xD;
	s1 =	sshrl.u32 s1, $0x2  }
0xc8: {  	s4 =	sand.u32 $0x4000, s31;
	s1 =	sadd.s32 s1, s30  }
0xc9: {  	s0 =	sor.u32 s4, s0;
	s1 =	sshll.u32 s1, $0x11  }
0xca: {  	s0 =	sor.u32 s1, s0  }
0xcb: {  	s0 =	sadd.s32 $0x8F2B, s0  }
0xcc: {  	[sflag:s0] =	ssyncadd.remote.s32 $0x1  }
0xcd: {  	_ =	sfence.sel $0xFFFF  }
0xce: {  	[dreg:$0x0] =	wrdreg $0xFFFFFFFF;
	(pc) =	sbr.abs _section_cstart, $3  }
0xcf: {  	[dreg:$0x1] =	wrdreg $0xFFFFFFFF  }
0xd0: {  	_ =	task.clear_ibuf [dreg:s22], $0x2FFFF;
	_ =	strace $0x9FFFFFFF  }
0xd1: {  	(tm) =	ssettm $0x7FFFFFFF  }
tec
execute0_lowered:
.L_overlay_start_1:
0x0: {  	(tag) =	ssettag $0x1  }
0x1: {  	s7 =	rddreg [dreg:$0x0]  }
0x2: {  	s0 =	srdreg.scid;
	s2 =	rddreg [dreg:$0x1];
	s3 =	simm.s32 $0x0  }
0x3: {  	s14 =	simm.s32 $0x80;
	s15 =	simm.s32 $0x5000;
	s16 =	simm.s32 $0x9000  }
0x4: {  	s17 =	simm.s32 $0x1;
	s18 =	simm.s32 $0x2;
	s6 =	sand.u32 $0x1, s0  }
0x5: {  	s19 =	simm.s32 $0x4F00;
	s0 =	stileid.u32;
	s5 =	smul.u32 $0x50000, s6  }
0x6: {  	s20 =	simm.s32 $0x4F80;
	s21 =	simm.s32 $0x0;
	s8 =	smul.u32 $0x5000, s0  }
0x7: {  	[smem:$0x7FF] =	sst s3;
	s1 =	sshll.u32 s6, $0x4;
	s10 =	smul.u32 $0x14000, s0  }
0x8: {  	s6 =	ssub.s32 $0x2, s6;
	s31 =	sshll.u32 s0, $0x6;
	s1 =	sor.u32 s0, s1  }
0x9: {  	s29 =	sshrl.u32 s6, $0x1;
	s4 =	smul.u32 $0x500, s1;
	s1 =	rddreg [dreg:$0x2]  }
0xa: {  	_ =	strace $0x8000004A;
	s5 =	sadd.s32 s8, s5;
	s30 =	sshrl.u32 s10, $0x2  }
0xb: {  	s12 =	ssub.s32 s6, s29;
	s6 =	sor.u32 $0x1C03, s31;
	s8 =	sshrl.u32 s5, $0x3  }
0xc: {  	s5 =	sadd.s32 $0x95A00, s7;
	s13 =	sadd.s32 s30, s2;
	s10 =	smax.u32 s12, $0x1  }
0xd: {  	s12 =	simm.s32 $0x3;
	s9 =	sadd.s32 s4, s7;
	s4 =	sadd.s32 $0x4FA00, s7  }
0xe: {  	s11 =	sadd.s32 s8, s7;
	s7 =	sadd.s32 $0x81A00, s9;
	s8 =	sadd.s32 $0x77A00, s9  }
0xf: {  	s9 =	sadd.s32 $0x96400, s11;
	s11 =	sshrl.u32 s13, $0x3;
	s13 =	simm.s32 $0x2800  }
.LBB2_1:
0x10: {  	[spmem:s11], [sflag:s6] =	dma.local [hbm:s5], $0xA00  }
0x11: {  	_ =	swait.ge [sflag:s12], $0xA00  }
0x12: {  	[sflag:s12] =	ssyncset.done $0x0  }
0x13: {  	[sflag:s12] =	ssyncadd.s32 $0xFFFFF600  }
0x14: {  	[tilespmem:s3], [sflag:$0x3] =	stream.linear.gather [hbm4b:s7+s3], $0x2800, $0x38;
	[tilespmem:$0x12000] =	vst v63  }
0x15: {  	_ =	swait.ge [sflag:s12], $0x2800  }
0x16: {  	[sflag:s12] =	ssyncset.done $0x0  }
0x17: {  	[sflag:s12] =	ssyncadd.s32 $0xFFFFD800  }
0x18: {  	[tilespmem:s13], [sflag:$0x3] =	stream.linear.gather [hbm4b:s8+s3], $0x2800, $0x38;
	[tilespmem:$0x12000] =	vst v63  }
0x19: {  	_ =	swait.ge [sflag:s12], $0x2800  }
0x1a: {  	[sflag:s12] =	ssyncset.done $0x0  }
0x1b: {  	[sflag:s12] =	ssyncadd.s32 $0xFFFFD800  }
0x1c: {  	[bflag:$0x0] =	sbarrier.arrive $0xFFFF  }
0x1d: {  	[tilespmem:s15], [sflag:$0x1] =	stream.indirect.gather [hbm4b:s4+s14], $0x80, s3, s14, $0xb8;
	[tilespmem:$0x12000] =	vst v63  }
0x1e: {  	_ = 	snop  }
0x1f: {  	[tilespmem:s16], [sflag:$0x2] =	stream.indirect.gather [hbm4b:s4+s14], $0x80, s14, s14, $0xb8;
	[tilespmem:$0x12000] =	vst v63  }
0x20: {  	_ =	swait.ge [sflag:s17], $0x4000  }
0x21: {  	[sflag:s17] =	ssyncset.done $0x0  }
0x22: {  	s22 =	simm.s32 $0x2800;
	[sflag:s17] =	ssyncadd.s32 $0xFFFFC000  }
0x23: {  	[spmem:s2] =	stream.indirect.scatter.add.f32 [tilespmem:s15], [sflag:$0x3], $0x80, s22, s14, $0xb8;
	[tilespmem:$0x12000] =	vst v63  }
0x24: {  	_ =	swait.ge [sflag:s12], $0x4000  }
0x25: {  	[sflag:s12] =	ssyncset.done $0x0  }
0x26: {  	s30 =	simm.s32 $0x100;
	[sflag:s12] =	ssyncadd.s32 $0xFFFFC000  }
0x27: {  	[tilespmem:s15], [sflag:$0x1] =	stream.indirect.gather [hbm4b:s4+s14], $0x80, s30, s14, $0xb8;
	[tilespmem:$0x12000] =	vst v63  }
0x28: {  	_ =	swait.ge [sflag:s18], $0x4000  }
0x29: {  	[sflag:s18] =	ssyncset.done $0x0  }
0x2a: {  	s31 =	simm.s32 $0x2880;
	[sflag:s18] =	ssyncadd.s32 $0xFFFFC000  }
0x2b: {  	[spmem:s2] =	stream.indirect.scatter.add.f32 [tilespmem:s16], [sflag:$0x3], $0x80, s31, s14, $0xb8;
	[tilespmem:$0x12000] =	vst v63  }
0x2c: {  	_ =	swait.ge [sflag:s12], $0x4000  }
0x2d: {  	[sflag:s12] =	ssyncset.done $0x0  }
0x2e: {  	s23 =	simm.s32 $0x180;
	s22 =	simm.s32 $0x400;
	[sflag:s12] =	ssyncadd.s32 $0xFFFFC000  }
.LBB2_2:
0x2f: {  	[tilespmem:s16], [sflag:$0x2] =	stream.indirect.gather [hbm4b:s4+s14], $0x80, s23, s14, $0xb8;
	[tilespmem:$0x12000] =	vst v63  }
0x30: {  	s23 =	smov.u32 s22  }
0x31: {  	p0 =	sne.s32 s22, $0x9800;
	s22 =	sadd.s32 $0x400, s22;
	_ =	swait.ge [sflag:s17], $0x4000  }
0x32: {  	s23 =	sshra.s32 s23, $0x2;
	[sflag:s17] =	ssyncset.done $0x0  }
0x33: {  	s24 =	sadd.s32 $0x2800, s23;
	[sflag:s17] =	ssyncadd.s32 $0xFFFFC000  }
0x34: {  	[spmem:s2] =	stream.indirect.scatter.add.f32 [tilespmem:s15], [sflag:$0x3], $0x80, s24, s14, $0xb8;
	[tilespmem:$0x12000] =	vst v63  }
0x35: {  	_ =	swait.ge [sflag:s12], $0x4000  }
0x36: {  	[sflag:s12] =	ssyncset.done $0x0  }
0x37: {  	s24 =	sadd.s32 $0x100, s23;
	[sflag:s12] =	ssyncadd.s32 $0xFFFFC000  }
0x38: {  	[tilespmem:s15], [sflag:$0x1] =	stream.indirect.gather [hbm4b:s4+s14], $0x80, s24, s14, $0xb8;
	[tilespmem:$0x12000] =	vst v63  }
0x39: {  	_ =	swait.ge [sflag:s18], $0x4000  }
0x3a: {  	[sflag:s18] =	ssyncset.done $0x0  }
.Ltmp0:
0x3b: {  	s24 =	sadd.s32 $0x2880, s23;
	[sflag:s18] =	ssyncadd.s32 $0xFFFFC000;
	(pc) =	sbr.rel @p0 .LBB2_2-.Ltmp0, $4  }
0x3c: {  	[spmem:s2] =	stream.indirect.scatter.add.f32 [tilespmem:s16], [sflag:$0x3], $0x80, s24, s14, $0xb8;
	[tilespmem:$0x12000] =	vst v63  }
0x3d: {  	_ =	swait.ge [sflag:s12], $0x4000  }
0x3e: {  	[sflag:s12] =	ssyncset.done $0x0  }
0x3f: {  	s23 =	sadd.s32 $0x180, s23;
	[sflag:s12] =	ssyncadd.s32 $0xFFFFC000  }
0x40: {  	[tilespmem:s16], [sflag:$0x2] =	stream.indirect.gather [hbm4b:s4+s14], $0x80, s23, s14, $0xb8;
	[tilespmem:$0x12000] =	vst v63  }
0x41: {  	_ =	swait.ge [sflag:s17], $0x4000  }
0x42: {  	[sflag:s17] =	ssyncset.done $0x0  }
0x43: {  	[sflag:s17] =	ssyncadd.s32 $0xFFFFC000  }
0x44: {  	[spmem:s2] =	stream.indirect.scatter.add.f32 [tilespmem:s15], [sflag:$0x3], $0x80, s19, s14, $0xb8;
	[tilespmem:$0x12000] =	vst v63  }
0x45: {  	_ =	swait.ge [sflag:s12], $0x4000  }
0x46: {  	[sflag:s12] =	ssyncset.done $0x0  }
0x47: {  	[sflag:s12] =	ssyncadd.s32 $0xFFFFC000  }
0x48: {  	_ =	swait.ge [sflag:s18], $0x4000  }
0x49: {  	[sflag:s18] =	ssyncset.done $0x0  }
0x4a: {  	[sflag:s18] =	ssyncadd.s32 $0xFFFFC000  }
0x4b: {  	[spmem:s2] =	stream.indirect.scatter.add.f32 [tilespmem:s16], [sflag:$0x3], $0x80, s20, s14, $0xb8;
	[tilespmem:$0x12000] =	vst v63  }
0x4c: {  	_ =	swait.ge [sflag:s12], $0x4000  }
0x4d: {  	s21 =	sadd.s32 $0x1, s21;
	[sflag:s12] =	ssyncset.done $0x0  }
0x4e: {  	p0 =	sne.s32 s21, s10;
	[sflag:s12] =	ssyncadd.s32 $0xFFFFC000  }
.Ltmp1:
0x4f: {  	[bflag:$0x0] =	sbarrier.arrive $0xFFFF;
	(pc) =	sbr.rel @p0 .LBB2_1-.Ltmp1, $4  }
0x50: {  	[hbm:s9], [sflag:s6] =	dma.local [spmem:s11], $0xA00  }
0x51: {  	_ =	swait.ge [sflag:s12], $0xA00  }
0x52: {  	[sflag:s12] =	ssyncset.done $0x0  }
0x53: {  	[sflag:s12] =	ssyncadd.s32 $0xFFFFF600  }
0x54: {  	_ =	sfence.sel $0x180000  }
0x55: {  	[bflag:$0x0] =	sbarrier.arrive $0xFFFF  }
0x56: {  	p0 =	sne.s32 s0, $0x0;
	_ =	strace $0x9000004A  }
0x57: {  	s0 =	sadd.s32 @!p0 $0x100000, s1;
	[bflag:$0x2] =	sbarrier.arrive $0xFFFF  }
0x58: {  	[sflag:s0] =	ssyncadd.tile.s32 @!p0 $0x1;
	_ =	shalt  }
.Lfunc_end2:
_tile_overlayer_lowered:
.L_overlay_start_2:
0x59: {  	(tag) =	ssettag $0x2  }
0x5a: {  	s0 =	rddreg [dreg:$0x0];
	s2 =	stileid.u32  }
0x5b: {  	s1 =	rddreg [dreg:$0x1];
	p0 =	sne.s32 s2, $0x0  }
0x5c: {  	s3 =	rddreg [dreg:$0x2];
	[bflag:$0x3] =	sbarrier.arrive $0xFFFF;
	s2 =	simm.s32 @!p0 $0x1C03  }
0x5d: {  	[timem:s3], [sflag:s2] =	dma.local @!p0 [hbm:s0], s1  }
0x5e: {  	s0 =	simm.s32 @!p0 $0x3  }
0x5f: {  	_ =	swait.ge @!p0 [sflag:s0], s1  }
0x60: {  	s1 =	ssub.s32 @!p0 $0x0, s1;
	[sflag:s0] =	ssyncset.done @!p0 $0x0  }
0x61: {  	[sflag:s0] =	ssyncadd.s32 @!p0 s1  }
0x62: {  	[bflag:$0x3] =	sbarrier.arrive $0xFFFF  }
0x63: {  	_ =	shalt  }

// kernel: kernel.24.cloned.1.call-start
scs
__scs_entry_jumppad:
0x0: {  	(pc) =	sbr.rel $0x88, $3  }
0x1: {  	(tag) =	ssettag $0x0;
	lr =	simm.s32 $0x1  }
0x2: {  	[smem:$0x3F92] =	sst lr;
	_ =	strace $0xD0000000  }
0x3: {  	_ = 	snop  }
0x4: {  	_ = 	snop  }
0x5: {  	_ = 	snop  }
0x6: {  	_ = 	snop  }
0x7: {  	_ = 	snop  }
__scs_overlays_trampoline_lowered:
0x8: {  	[smem:$0x3FA1] =	sst s0  }
0x9: {  	[smem:$0x3FA2] =	sst s1  }
0xa: {  	[smem:$0x3FA3] =	sst s2  }
0xb: {  	[smem:$0x3FA4] =	sst s3  }
0xc: {  	[smem:$0x3FA5] =	sst s4  }
0xd: {  	[smem:$0x3FA6] =	sst s5  }
0xe: {  	[smem:$0x3FA7] =	sst s6  }
0xf: {  	[smem:$0x3FA8] =	sst s7  }
0x10: {  	[smem:$0x3FA9] =	sst s8  }
0x11: {  	[smem:$0x3FAA] =	sst s9;
	s0 =	simm.s32 @!p0 $0x0  }
0x12: {  	s1 =	sld [smem:$0x3F90];
	s0 =	simm.s32 @p0 $0x1  }
0x13: {  	[smem:$0x3FAB] =	sst s0;
	s0 =	simm.s32 @!p1 $0x0  }
0x14: {  	s2 =	sld [smem:$0x3F8F];
	s0 =	simm.s32 @p1 $0x1  }
0x15: {  	[smem:$0x3FAC] =	sst s0;
	s0 =	simm.s32 @!p2 $0x0  }
0x16: {  	s3 =	sld [smem:$0x3FDB];
	s0 =	simm.s32 @p2 $0x1  }
0x17: {  	s4 =	simm.s32 $0x1BF5;
	[smem:$0x3FAE] =	sst s0  }
0x18: {  	s0 =	sld [smem:$0x3F91];
	_ =	swait.ge [sflag:s4], $0x0  }
0x19: {  	s7 =	sld [smem:$0x3F92]  }
0x1a: {  	s8 =	sadd.s32 $0xFFFFE003, lr  }
0x1b: {  	s9 =	sadd.s32 $0xFFFFFEF7, lr;
	s5 =	simm.s32 $0xFFFFFFFF;
	p2 =	slt.u32 s8, $0xFFFFF086  }
0x1c: {  	p1 =	slt.u32 s9, $0xF7A;
	s5 =	simm.s32 @!p2 $0x0  }
0x1d: {  	s5 =	simm.s32 @p1 $0x1;
	p0 =	seq.s32 s7, s2  }
0x1e: {  	s7 =	smul.u32 @!p0 $0xF7A, s2;
	p2 =	seq.s32 @!p0 s5, $0x0  }
0x1f: {  	s9 =	smul.u32 $0xF7A, s1;
	s8 =	simm.s32 @!p0 $0x1BF5;
	p2 =	por !p2, p0  }
0x20: {  	[sflag:s8] =	ssyncset.s32 @!p0 $0xFFFFF086;
	s6 =	sadd.s32 @!p0 s3, s7;
	s7 =	simm.s32 @!p0 $0x108  }
0x21: {  	s3 =	sadd.s32 s3, s9;
	s6 =	sadd.s32 @!p0 $0x88, s6;
	s7 =	simm.s32 @p2 $0x1082  }
0x22: {  	[simem:s7], [sflag:s8] =	dma.local @!p0 [hbm:s6], $0xF7A  }
0x23: {  	s9 =	sor.u32 $0xD0000000, s2;
	s6 =	simm.s32 $0x108;
	_ =	swait.ge @!p0 [sflag:s8], $0x0  }
0x24: {  	s3 =	sadd.s32 $0x88, s3;
	s6 =	simm.s32 @!p1 $0x1082;
	[sflag:s4] =	ssyncset.s32 $0xFFFFF086  }
0x25: {  	[simem:s6], [sflag:s4] =	dma.local [hbm:s3], $0xF7A  }
0x26: {  	[smem:$0x3F92] =	sst s1;
	(tag) =	ssettag s2;
	_ =	strace s9  }
0x27: {  	s1 =	sld [smem:$0x3FA2]  }
0x28: {  	s2 =	sld [smem:$0x3FA3]  }
0x29: {  	s4 =	sld [smem:$0x3FA5]  }
0x2a: {  	p0 =	seq.s32 s5, $0x0;
	s5 =	sld [smem:$0x3FA6]  }
0x2b: {  	s6 =	sld [smem:$0x3FA7]  }
0x2c: {  	s7 =	sld [smem:$0x3FA8]  }
0x2d: {  	s3 =	simm.s32 $0x108;
	s8 =	sld [smem:$0x3FA9]  }
0x2e: {  	s3 =	simm.s32 @!p0 $0x1082;
	s9 =	sld [smem:$0x3FAA]  }
0x2f: {  	lr =	sadd.s32 s0, s3;
	s0 =	sld [smem:$0x3FA1]  }
0x30: {  	s3 =	sld [smem:$0x3FA4]  }
0x31: {  	[smem:$0x3FAD] =	sst s10  }
0x32: {  	s10 =	sld [smem:$0x3FAB];
	_ =	sdelay $0x3  }
0x33: {  	p0 =	seq.s32 s10, $0x1;
	s10 =	sld [smem:$0x3FAD];
	_ =	sdelay $0x3  }
0x34: {  	[smem:$0x3FAD] =	sst s10  }
0x35: {  	s10 =	sld [smem:$0x3FAC];
	_ =	sdelay $0x3  }
0x36: {  	p1 =	seq.s32 s10, $0x1;
	s10 =	sld [smem:$0x3FAD];
	_ =	sdelay $0x3  }
0x37: {  	[smem:$0x3FAD] =	sst s10  }
0x38: {  	s10 =	sld [smem:$0x3FAE]  }
0x39: {  	_ = 	snop;
	(pc) =	sbr.ind lr, $3  }
0x3a: {  	_ = 	snop  }
0x3b: {  	_ = 	snop  }
0x3c: {  	p2 =	seq.s32 s10, $0x1;
	s10 =	sld [smem:$0x3FAD]  }
0x3d: {  	_ =	shalt  }
0x3e: {  	_ =	shalt  }
0x3f: {  	_ =	shalt  }
0x40: {  	_ =	shalt  }
0x41: {  	_ =	shalt  }
0x42: {  	_ =	shalt  }
0x43: {  	_ =	shalt  }
0x44: {  	_ =	shalt  }
0x45: {  	_ =	shalt  }
0x46: {  	_ =	shalt  }
0x47: {  	_ =	shalt  }
0x48: {  	_ =	shalt  }
0x49: {  	_ =	shalt  }
0x4a: {  	_ =	shalt  }
0x4b: {  	_ =	shalt  }
0x4c: {  	_ =	shalt  }
0x4d: {  	_ =	shalt  }
0x4e: {  	_ =	shalt  }
0x4f: {  	_ =	shalt  }
0x50: {  	_ =	shalt  }
0x51: {  	_ =	shalt  }
0x52: {  	_ =	shalt  }
0x53: {  	_ =	shalt  }
0x54: {  	_ =	shalt  }
0x55: {  	_ =	shalt  }
0x56: {  	_ =	shalt  }
0x57: {  	_ =	shalt  }
0x58: {  	_ =	shalt  }
0x59: {  	_ =	shalt  }
0x5a: {  	_ =	shalt  }
0x5b: {  	_ =	shalt  }
0x5c: {  	_ =	shalt  }
0x5d: {  	_ =	shalt  }
0x5e: {  	_ =	shalt  }
0x5f: {  	_ =	shalt  }
0x60: {  	_ =	shalt  }
0x61: {  	_ =	shalt  }
0x62: {  	_ =	shalt  }
0x63: {  	_ =	shalt  }
0x64: {  	_ =	shalt  }
0x65: {  	_ =	shalt  }
0x66: {  	_ =	shalt  }
0x67: {  	_ =	shalt  }
0x68: {  	_ =	shalt  }
0x69: {  	_ =	shalt  }
0x6a: {  	_ =	shalt  }
0x6b: {  	_ =	shalt  }
0x6c: {  	_ =	shalt  }
0x6d: {  	_ =	shalt  }
0x6e: {  	_ =	shalt  }
0x6f: {  	_ =	shalt  }
0x70: {  	_ =	shalt  }
0x71: {  	_ =	shalt  }
0x72: {  	_ =	shalt  }
0x73: {  	_ =	shalt  }
0x74: {  	_ =	shalt  }
0x75: {  	_ =	shalt  }
0x76: {  	_ =	shalt  }
0x77: {  	_ =	shalt  }
0x78: {  	_ =	shalt  }
0x79: {  	_ =	shalt  }
0x7a: {  	_ =	shalt  }
0x7b: {  	_ =	shalt  }
0x7c: {  	_ =	shalt  }
0x7d: {  	_ =	shalt  }
0x7e: {  	_ =	shalt  }
0x7f: {  	_ =	shalt  }
0x80: {  	_ =	shalt  }
0x81: {  	_ =	shalt  }
0x82: {  	_ =	shalt  }
0x83: {  	_ =	shalt  }
0x84: {  	_ =	shalt  }
0x85: {  	_ =	shalt  }
0x86: {  	_ =	shalt  }
0x87: {  	_ =	shalt  }
.Lfunc_end0:
.L_simem_size_0:
called_computation.2_lowered:
.L_overlay_start_0:
0x88: {  	s2 =	sld [smem:$0x3FD9]  }
0x89: {  	s3 =	sld [smem:$0x3FFE];
	_ =	sdelay $0x1  }
0x8a: {  	s1 =	srdreg.scid  }
0x8b: {  	s0 =	sand.u32 $0x1, s1  }
0x8c: {  	s16 =	sshll.u32 s0, $0xA;
	s2 =	sadd.s32 s3, s2  }
0x8d: {  	s2 =	sadd.s32 s2, s16  }
0x8e: {  	[smem:$0x3FB9] =	sst s2  }
0x8f: {  	_ = 	snop  }
0x90: {  	(tm) =	ssettm $0x1  }
0x91: {  	s17 =	sld [smem:$0x3FFB];
	_ =	sdelay $0x3  }
0x92: {  	_ =	strace s17  }
0x93: {  	s2 =	sld [smem:$0x3FFC];
	_ =	sdelay $0x3  }
0x94: {  	_ =	strace s2  }
0x95: {  	s2 =	sld [smem:$0x3FFD];
	_ =	sdelay $0x3  }
0x96: {  	_ =	strace s2  }
0x97: {  	_ =	strace $0x8FFFFFFF  }
0x98: {  	s18 =	sld [smem:$0x3FDB];
	_ =	sdelay $0x1  }
0x99: {  	s19 =	simm.s32 $_scs_section_size  }
0x9a: {  	s4 =	simm.s32 $_size__tile_overlayer_lowered;
	s5 =	simm.s32 $_tile_overlayer_lowered  }
0x9b: {  	s22 =	simm.s32 $0x1BFF;
	s21 =	sshll.u32 s5, $0x1;
	s2 =	sadd.s32 s19, s18  }
0x9c: {  	s6 =	simm.s32 $0x0;
	s20 =	sshll.u32 s4, $0x1;
	s4 =	sadd.s32 s21, s2  }
0x9d: {  	[timem:s6], [sflag:s22] =	dma.local [hbm:s4], s20  }
0x9e: {  	_ =	swait.ge [sflag:s22], s20  }
0x9f: {  	s3 =	ssub.s32 $0x0, s20;
	[sflag:s22] =	ssyncset.done $0x0  }
0xa0: {  	[sflag:s22] =	ssyncadd.s32 s3;
	_ =	sdelay $0x1  }
0xa1: {  	s23 =	simm.s32 $0x1B8B  }
0xa2: {  	_ =	swait.ge [sflag:s23], $0x1  }
0xa3: {  	[sflag:s23] =	ssyncset.done $0x0  }
0xa4: {  	s25 =	simm.s32 $0x1B8E;
	s24 =	sld [smem:$0x3FFE];
	[sflag:s23] =	ssyncadd.s32 $0xFFFFFFFF  }
0xa5: {  	s26 =	simm.s32 $execute0_lowered;
	[smem:$0x3FD2] =	sst s25  }
0xa6: {  	s4 =	sshll.u32 s26, $0x1;
	_ =	strace $0x8000004C;
	[dreg:$0x1] =	wrdreg $0xFFFFFFFF  }
0xa7: {  	s28 =	simm.s32 $_size_execute0_lowered;
	s2 =	sadd.s32 s2, s4;
	[dreg:$0x0] =	wrdreg $0x0  }
0xa8: {  	s4 =	sshll.u32 s28, $0x1;
	[dreg:$0x2] =	wrdreg s2  }
0xa9: {  	[dreg:$0x3] =	wrdreg s4  }
0xaa: {  	[dreg:$0x4] =	wrdreg $0xC0  }
0xab: {  	_ =	task [dreg:s6], $0x5FFFF  }
0xac: {  	[dreg:$0x1] =	wrdreg $0xFFFFFFFF  }
0xad: {  	[dreg:$0x0] =	wrdreg $0x60  }
0xae: {  	[dreg:$0x2] =	wrdreg s24  }
0xaf: {  	[dreg:$0x3] =	wrdreg $0x120000  }
0xb0: {  	[dreg:$0x4] =	wrdreg $0x9  }
0xb1: {  	_ =	task.clear_ibuf [dreg:s6], $0x5FFFF;
	_ =	strace $0x9000004C  }
0xb2: {  	s29 =	simm.s32 $0x9;
	_ =	strace $0x8000004E  }
0xb3: {  	_ =	swait.ge [sflag:s29], $0x1  }
0xb4: {  	[sflag:s29] =	ssyncadd.s32 $0xFFFFFFFF  }
0xb5: {  	_ =	strace $0x9000004E  }
0xb6: {  	_ =	sfence  }
0xb7: {  	s30 =	sld [smem:$0x0];
	_ =	sdelay $0x2  }
0xb8: {  	s31 =	sshll.u32 s1, $0xD;
	s1 =	sshrl.u32 s1, $0x2  }
0xb9: {  	s3 =	sand.u32 $0x4000, s31;
	s1 =	sadd.s32 s1, s30  }
0xba: {  	s0 =	sor.u32 s3, s0;
	s1 =	sshll.u32 s1, $0x11  }
0xbb: {  	s0 =	sor.u32 s1, s0  }
0xbc: {  	s0 =	sadd.s32 $0x8F2B, s0  }
0xbd: {  	[sflag:s0] =	ssyncadd.remote.s32 $0x1  }
0xbe: {  	_ =	sfence.sel $0xFFFF  }
0xbf: {  	[dreg:$0x0] =	wrdreg $0xFFFFFFFF;
	(pc) =	sbr.abs _section_cstart, $3  }
0xc0: {  	[dreg:$0x1] =	wrdreg $0xFFFFFFFF  }
0xc1: {  	_ =	task.clear_ibuf [dreg:s6], $0x2FFFF;
	_ =	strace $0x9FFFFFFF  }
0xc2: {  	(tm) =	ssettm $0x7FFFFFFF  }
0xc3: {  	_ =	shalt  }
tec
execute0_lowered:
.L_overlay_start_1:
0x0: {  	(tag) =	ssettag $0x1  }
0x1: {  	s0 =	stileid.u32;
	s6 =	rddreg [dreg:$0x0]  }
0x2: {  	s1 =	srdreg.scid;
	s2 =	rddreg [dreg:$0x1]  }
0x3: {  	s3 =	simm.s32 $0x0;
	s15 =	simm.s32 $0xA000;
	s16 =	simm.s32 $0xE000  }
0x4: {  	s17 =	simm.s32 $0x1;
	s18 =	simm.s32 $0x2;
	s4 =	smul.u32 $0x5000, s0  }
0x5: {  	s19 =	simm.s32 $0x9F00;
	s20 =	simm.s32 $0x9F80;
	s9 =	smul.u32 $0xA400, s0  }
0x6: {  	s7 =	sand.u32 $0x1, s1;
	s1 =	rddreg [dreg:$0x2];
	s28 =	smul.u32 $0x29000, s0  }
0x7: {  	s21 =	simm.s32 $0x0;
	[smem:$0x7FF] =	sst s3;
	s5 =	smul.u32 $0x50000, s7  }
0x8: {  	s31 =	sshll.u32 s0, $0x6;
	s8 =	smul.u32 $0xA4000, s7;
	s29 =	ssub.s32 $0x2, s7  }
0x9: {  	_ =	strace $0x8000004D;
	s7 =	sshrl.u32 s29, $0x1;
	s30 =	sshrl.u32 s28, $0x2  }
0xa: {  	s5 =	sadd.s32 s4, s5;
	s4 =	sshrl.u32 s4, $0x3;
	s26 =	sadd.s32 s9, s8  }
0xb: {  	s13 =	ssub.s32 s29, s7;
	s14 =	sadd.s32 s30, s2;
	s5 =	sshrl.u32 s5, $0x3  }
0xc: {  	s10 =	sadd.s32 s4, s6;
	s4 =	sadd.s32 $0x96400, s6;
	s8 =	sshrl.u32 s26, $0x3  }
0xd: {  	s11 =	sadd.s32 s5, s6;
	s5 =	sadd.s32 $0xA0400, s6;
	s12 =	sadd.s32 s8, s6  }
0xe: {  	s6 =	sor.u32 $0x1C03, s31;
	s7 =	sadd.s32 $0x8BA00, s10;
	s10 =	smax.u32 s13, $0x1  }
0xf: {  	s13 =	simm.s32 $0x5000;
	s8 =	sadd.s32 $0xAA400, s11;
	s9 =	sadd.s32 $0x6200, s12  }
0x10: {  	s11 =	sshrl.u32 s14, $0x3;
	s12 =	simm.s32 $0x3;
	s14 =	simm.s32 $0x80  }
.LBB2_1:
0x11: {  	[spmem:s11], [sflag:s6] =	dma.local [hbm:s5], $0x1480  }
0x12: {  	_ =	swait.ge [sflag:s12], $0x1480  }
0x13: {  	[sflag:s12] =	ssyncset.done $0x0  }
0x14: {  	[sflag:s12] =	ssyncadd.s32 $0xFFFFEB80  }
0x15: {  	[tilespmem:s3], [sflag:$0x3] =	stream.linear.gather [hbm4b:s7+s3], $0x5000, $0x38;
	[tilespmem:$0x1C400] =	vst v63  }
0x16: {  	_ =	swait.ge [sflag:s12], $0x5000  }
0x17: {  	[sflag:s12] =	ssyncset.done $0x0  }
0x18: {  	[sflag:s12] =	ssyncadd.s32 $0xFFFFB000  }
0x19: {  	[tilespmem:s13], [sflag:$0x3] =	stream.linear.gather [hbm4b:s8+s3], $0x5000, $0x38;
	[tilespmem:$0x1C400] =	vst v63  }
0x1a: {  	_ =	swait.ge [sflag:s12], $0x5000  }
0x1b: {  	[sflag:s12] =	ssyncset.done $0x0  }
0x1c: {  	[sflag:s12] =	ssyncadd.s32 $0xFFFFB000  }
0x1d: {  	[bflag:$0x0] =	sbarrier.arrive $0xFFFF  }
0x1e: {  	[tilespmem:s15], [sflag:$0x1] =	stream.indirect.gather [hbm4b:s4+s14], $0x80, s3, s14, $0xb8;
	[tilespmem:$0x1C400] =	vst v63  }
0x1f: {  	_ = 	snop  }
0x20: {  	[tilespmem:s16], [sflag:$0x2] =	stream.indirect.gather [hbm4b:s4+s14], $0x80, s14, s14, $0xb8;
	[tilespmem:$0x1C400] =	vst v63  }
0x21: {  	_ =	swait.ge [sflag:s17], $0x4000  }
0x22: {  	[sflag:s17] =	ssyncset.done $0x0  }
0x23: {  	s22 =	simm.s32 $0x5000;
	[sflag:s17] =	ssyncadd.s32 $0xFFFFC000  }
0x24: {  	[spmem:s2] =	stream.indirect.scatter.add.f32 [tilespmem:s15], [sflag:$0x3], $0x80, s22, s14, $0xb8;
	[tilespmem:$0x1C400] =	vst v63  }
0x25: {  	_ =	swait.ge [sflag:s12], $0x4000  }
0x26: {  	[sflag:s12] =	ssyncset.done $0x0  }
0x27: {  	s30 =	simm.s32 $0x100;
	[sflag:s12] =	ssyncadd.s32 $0xFFFFC000  }
0x28: {  	[tilespmem:s15], [sflag:$0x1] =	stream.indirect.gather [hbm4b:s4+s14], $0x80, s30, s14, $0xb8;
	[tilespmem:$0x1C400] =	vst v63  }
0x29: {  	_ =	swait.ge [sflag:s18], $0x4000  }
0x2a: {  	[sflag:s18] =	ssyncset.done $0x0  }
0x2b: {  	s31 =	simm.s32 $0x5080;
	[sflag:s18] =	ssyncadd.s32 $0xFFFFC000  }
0x2c: {  	[spmem:s2] =	stream.indirect.scatter.add.f32 [tilespmem:s16], [sflag:$0x3], $0x80, s31, s14, $0xb8;
	[tilespmem:$0x1C400] =	vst v63  }
0x2d: {  	_ =	swait.ge [sflag:s12], $0x4000  }
0x2e: {  	[sflag:s12] =	ssyncset.done $0x0  }
0x2f: {  	s23 =	simm.s32 $0x180;
	s22 =	simm.s32 $0x400;
	[sflag:s12] =	ssyncadd.s32 $0xFFFFC000  }
.LBB2_2:
0x30: {  	[tilespmem:s16], [sflag:$0x2] =	stream.indirect.gather [hbm4b:s4+s14], $0x80, s23, s14, $0xb8;
	[tilespmem:$0x1C400] =	vst v63  }
0x31: {  	s23 =	smov.u32 s22  }
0x32: {  	p0 =	sne.s32 s22, $0x13800;
	s22 =	sadd.s32 $0x400, s22;
	_ =	swait.ge [sflag:s17], $0x4000  }
0x33: {  	s23 =	sshra.s32 s23, $0x2;
	[sflag:s17] =	ssyncset.done $0x0  }
0x34: {  	s24 =	sadd.s32 $0x5000, s23;
	[sflag:s17] =	ssyncadd.s32 $0xFFFFC000  }
0x35: {  	[spmem:s2] =	stream.indirect.scatter.add.f32 [tilespmem:s15], [sflag:$0x3], $0x80, s24, s14, $0xb8;
	[tilespmem:$0x1C400] =	vst v63  }
0x36: {  	_ =	swait.ge [sflag:s12], $0x4000  }
0x37: {  	[sflag:s12] =	ssyncset.done $0x0  }
0x38: {  	s24 =	sadd.s32 $0x100, s23;
	[sflag:s12] =	ssyncadd.s32 $0xFFFFC000  }
0x39: {  	[tilespmem:s15], [sflag:$0x1] =	stream.indirect.gather [hbm4b:s4+s14], $0x80, s24, s14, $0xb8;
	[tilespmem:$0x1C400] =	vst v63  }
0x3a: {  	_ =	swait.ge [sflag:s18], $0x4000  }
0x3b: {  	[sflag:s18] =	ssyncset.done $0x0  }
.Ltmp0:
0x3c: {  	s24 =	sadd.s32 $0x5080, s23;
	[sflag:s18] =	ssyncadd.s32 $0xFFFFC000;
	(pc) =	sbr.rel @p0 .LBB2_2-.Ltmp0, $4  }
0x3d: {  	[spmem:s2] =	stream.indirect.scatter.add.f32 [tilespmem:s16], [sflag:$0x3], $0x80, s24, s14, $0xb8;
	[tilespmem:$0x1C400] =	vst v63  }
0x3e: {  	_ =	swait.ge [sflag:s12], $0x4000  }
0x3f: {  	[sflag:s12] =	ssyncset.done $0x0  }
0x40: {  	s23 =	sadd.s32 $0x180, s23;
	[sflag:s12] =	ssyncadd.s32 $0xFFFFC000  }
0x41: {  	[tilespmem:s16], [sflag:$0x2] =	stream.indirect.gather [hbm4b:s4+s14], $0x80, s23, s14, $0xb8;
	[tilespmem:$0x1C400] =	vst v63  }
0x42: {  	_ =	swait.ge [sflag:s17], $0x4000  }
0x43: {  	[sflag:s17] =	ssyncset.done $0x0  }
0x44: {  	[sflag:s17] =	ssyncadd.s32 $0xFFFFC000  }
0x45: {  	[spmem:s2] =	stream.indirect.scatter.add.f32 [tilespmem:s15], [sflag:$0x3], $0x80, s19, s14, $0xb8;
	[tilespmem:$0x1C400] =	vst v63  }
0x46: {  	_ =	swait.ge [sflag:s12], $0x4000  }
0x47: {  	[sflag:s12] =	ssyncset.done $0x0  }
0x48: {  	[sflag:s12] =	ssyncadd.s32 $0xFFFFC000  }
0x49: {  	_ =	swait.ge [sflag:s18], $0x4000  }
0x4a: {  	[sflag:s18] =	ssyncset.done $0x0  }
0x4b: {  	[sflag:s18] =	ssyncadd.s32 $0xFFFFC000  }
0x4c: {  	[spmem:s2] =	stream.indirect.scatter.add.f32 [tilespmem:s16], [sflag:$0x3], $0x80, s20, s14, $0xb8;
	[tilespmem:$0x1C400] =	vst v63  }
0x4d: {  	_ =	swait.ge [sflag:s12], $0x4000  }
0x4e: {  	s21 =	sadd.s32 $0x1, s21;
	[sflag:s12] =	ssyncset.done $0x0  }
0x4f: {  	p0 =	sne.s32 s21, s10;
	[sflag:s12] =	ssyncadd.s32 $0xFFFFC000  }
.Ltmp1:
0x50: {  	[bflag:$0x0] =	sbarrier.arrive $0xFFFF;
	(pc) =	sbr.rel @p0 .LBB2_1-.Ltmp1, $4  }
0x51: {  	[hbm:s9], [sflag:s6] =	dma.local [spmem:s11], $0x1480  }
0x52: {  	_ =	swait.ge [sflag:s12], $0x1480  }
0x53: {  	[sflag:s12] =	ssyncset.done $0x0  }
0x54: {  	[sflag:s12] =	ssyncadd.s32 $0xFFFFEB80  }
0x55: {  	_ =	sfence.sel $0x180000  }
0x56: {  	[bflag:$0x0] =	sbarrier.arrive $0xFFFF  }
0x57: {  	p0 =	sne.s32 s0, $0x0;
	_ =	strace $0x9000004D  }
0x58: {  	s0 =	sadd.s32 @!p0 $0x100000, s1;
	[bflag:$0x2] =	sbarrier.arrive $0xFFFF  }
0x59: {  	[sflag:s0] =	ssyncadd.tile.s32 @!p0 $0x1;
	_ =	shalt  }
.Lfunc_end2:
_tile_overlayer_lowered:
.L_overlay_start_2:
0x5a: {  	(tag) =	ssettag $0x2  }
0x5b: {  	s0 =	rddreg [dreg:$0x0];
	s2 =	stileid.u32  }
0x5c: {  	s1 =	rddreg [dreg:$0x1];
	p0 =	sne.s32 s2, $0x0  }
0x5d: {  	s3 =	rddreg [dreg:$0x2];
	[bflag:$0x3] =	sbarrier.arrive $0xFFFF;
	s2 =	simm.s32 @!p0 $0x1C03  }
0x5e: {  	[timem:s3], [sflag:s2] =	dma.local @!p0 [hbm:s0], s1  }
0x5f: {  	s0 =	simm.s32 @!p0 $0x3  }
0x60: {  	_ =	swait.ge @!p0 [sflag:s0], s1  }
0x61: {  	s1 =	ssub.s32 @!p0 $0x0, s1;
	[sflag:s0] =	ssyncset.done @!p0 $0x0  }
0x62: {  	[sflag:s0] =	ssyncadd.s32 @!p0 s1  }
0x63: {  	[bflag:$0x3] =	sbarrier.arrive $0xFFFF  }
0x64: {  	_ =	shalt  }

// kernel: kernel.27.cloned.1.call-start
scs
__scs_entry_jumppad:
0x0: {  	(pc) =	sbr.rel $0x88, $3  }
0x1: {  	(tag) =	ssettag $0x0;
	lr =	simm.s32 $0x1  }
0x2: {  	[smem:$0x3F92] =	sst lr;
	_ =	strace $0xD0000000  }
0x3: {  	_ = 	snop  }
0x4: {  	_ = 	snop  }
0x5: {  	_ = 	snop  }
0x6: {  	_ = 	snop  }
0x7: {  	_ = 	snop  }
__scs_overlays_trampoline_lowered:
0x8: {  	[smem:$0x3FA1] =	sst s0  }
0x9: {  	[smem:$0x3FA2] =	sst s1  }
0xa: {  	[smem:$0x3FA3] =	sst s2  }
0xb: {  	[smem:$0x3FA4] =	sst s3  }
0xc: {  	[smem:$0x3FA5] =	sst s4  }
0xd: {  	[smem:$0x3FA6] =	sst s5  }
0xe: {  	[smem:$0x3FA7] =	sst s6  }
0xf: {  	[smem:$0x3FA8] =	sst s7  }
0x10: {  	[smem:$0x3FA9] =	sst s8  }
0x11: {  	[smem:$0x3FAA] =	sst s9;
	s0 =	simm.s32 @!p0 $0x0  }
0x12: {  	s1 =	sld [smem:$0x3F90];
	s0 =	simm.s32 @p0 $0x1  }
0x13: {  	[smem:$0x3FAB] =	sst s0;
	s0 =	simm.s32 @!p1 $0x0  }
0x14: {  	s2 =	sld [smem:$0x3F8F];
	s0 =	simm.s32 @p1 $0x1  }
0x15: {  	[smem:$0x3FAC] =	sst s0;
	s0 =	simm.s32 @!p2 $0x0  }
0x16: {  	s3 =	sld [smem:$0x3FDB];
	s0 =	simm.s32 @p2 $0x1  }
0x17: {  	s4 =	simm.s32 $0x1BF5;
	[smem:$0x3FAE] =	sst s0  }
0x18: {  	s0 =	sld [smem:$0x3F91];
	_ =	swait.ge [sflag:s4], $0x0  }
0x19: {  	s7 =	sld [smem:$0x3F92]  }
0x1a: {  	s8 =	sadd.s32 $0xFFFFE003, lr  }
0x1b: {  	s9 =	sadd.s32 $0xFFFFFEF7, lr;
	s5 =	simm.s32 $0xFFFFFFFF;
	p2 =	slt.u32 s8, $0xFFFFF086  }
0x1c: {  	p1 =	slt.u32 s9, $0xF7A;
	s5 =	simm.s32 @!p2 $0x0  }
0x1d: {  	s5 =	simm.s32 @p1 $0x1;
	p0 =	seq.s32 s7, s2  }
0x1e: {  	s7 =	smul.u32 @!p0 $0xF7A, s2;
	p2 =	seq.s32 @!p0 s5, $0x0  }
0x1f: {  	s9 =	smul.u32 $0xF7A, s1;
	s8 =	simm.s32 @!p0 $0x1BF5;
	p2 =	por !p2, p0  }
0x20: {  	[sflag:s8] =	ssyncset.s32 @!p0 $0xFFFFF086;
	s6 =	sadd.s32 @!p0 s3, s7;
	s7 =	simm.s32 @!p0 $0x108  }
0x21: {  	s3 =	sadd.s32 s3, s9;
	s6 =	sadd.s32 @!p0 $0x88, s6;
	s7 =	simm.s32 @p2 $0x1082  }
0x22: {  	[simem:s7], [sflag:s8] =	dma.local @!p0 [hbm:s6], $0xF7A  }
0x23: {  	s9 =	sor.u32 $0xD0000000, s2;
	s6 =	simm.s32 $0x108;
	_ =	swait.ge @!p0 [sflag:s8], $0x0  }
0x24: {  	s3 =	sadd.s32 $0x88, s3;
	s6 =	simm.s32 @!p1 $0x1082;
	[sflag:s4] =	ssyncset.s32 $0xFFFFF086  }
0x25: {  	[simem:s6], [sflag:s4] =	dma.local [hbm:s3], $0xF7A  }
0x26: {  	[smem:$0x3F92] =	sst s1;
	(tag) =	ssettag s2;
	_ =	strace s9  }
0x27: {  	s1 =	sld [smem:$0x3FA2]  }
0x28: {  	s2 =	sld [smem:$0x3FA3]  }
0x29: {  	s4 =	sld [smem:$0x3FA5]  }
0x2a: {  	p0 =	seq.s32 s5, $0x0;
	s5 =	sld [smem:$0x3FA6]  }
0x2b: {  	s6 =	sld [smem:$0x3FA7]  }
0x2c: {  	s7 =	sld [smem:$0x3FA8]  }
0x2d: {  	s3 =	simm.s32 $0x108;
	s8 =	sld [smem:$0x3FA9]  }
0x2e: {  	s3 =	simm.s32 @!p0 $0x1082;
	s9 =	sld [smem:$0x3FAA]  }
0x2f: {  	lr =	sadd.s32 s0, s3;
	s0 =	sld [smem:$0x3FA1]  }
0x30: {  	s3 =	sld [smem:$0x3FA4]  }
0x31: {  	[smem:$0x3FAD] =	sst s10  }
0x32: {  	s10 =	sld [smem:$0x3FAB];
	_ =	sdelay $0x3  }
0x33: {  	p0 =	seq.s32 s10, $0x1;
	s10 =	sld [smem:$0x3FAD];
	_ =	sdelay $0x3  }
0x34: {  	[smem:$0x3FAD] =	sst s10  }
0x35: {  	s10 =	sld [smem:$0x3FAC];
	_ =	sdelay $0x3  }
0x36: {  	p1 =	seq.s32 s10, $0x1;
	s10 =	sld [smem:$0x3FAD];
	_ =	sdelay $0x3  }
0x37: {  	[smem:$0x3FAD] =	sst s10  }
0x38: {  	s10 =	sld [smem:$0x3FAE]  }
0x39: {  	_ = 	snop;
	(pc) =	sbr.ind lr, $3  }
0x3a: {  	_ = 	snop  }
0x3b: {  	_ = 	snop  }
0x3c: {  	p2 =	seq.s32 s10, $0x1;
	s10 =	sld [smem:$0x3FAD]  }
0x3d: {  	_ =	shalt  }
0x3e: {  	_ =	shalt  }
0x3f: {  	_ =	shalt  }
0x40: {  	_ =	shalt  }
0x41: {  	_ =	shalt  }
0x42: {  	_ =	shalt  }
0x43: {  	_ =	shalt  }
0x44: {  	_ =	shalt  }
0x45: {  	_ =	shalt  }
0x46: {  	_ =	shalt  }
0x47: {  	_ =	shalt  }
0x48: {  	_ =	shalt  }
0x49: {  	_ =	shalt  }
0x4a: {  	_ =	shalt  }
0x4b: {  	_ =	shalt  }
0x4c: {  	_ =	shalt  }
0x4d: {  	_ =	shalt  }
0x4e: {  	_ =	shalt  }
0x4f: {  	_ =	shalt  }
0x50: {  	_ =	shalt  }
0x51: {  	_ =	shalt  }
0x52: {  	_ =	shalt  }
0x53: {  	_ =	shalt  }
0x54: {  	_ =	shalt  }
0x55: {  	_ =	shalt  }
0x56: {  	_ =	shalt  }
0x57: {  	_ =	shalt  }
0x58: {  	_ =	shalt  }
0x59: {  	_ =	shalt  }
0x5a: {  	_ =	shalt  }
0x5b: {  	_ =	shalt  }
0x5c: {  	_ =	shalt  }
0x5d: {  	_ =	shalt  }
0x5e: {  	_ =	shalt  }
0x5f: {  	_ =	shalt  }
0x60: {  	_ =	shalt  }
0x61: {  	_ =	shalt  }
0x62: {  	_ =	shalt  }
0x63: {  	_ =	shalt  }
0x64: {  	_ =	shalt  }
0x65: {  	_ =	shalt  }
0x66: {  	_ =	shalt  }
0x67: {  	_ =	shalt  }
0x68: {  	_ =	shalt  }
0x69: {  	_ =	shalt  }
0x6a: {  	_ =	shalt  }
0x6b: {  	_ =	shalt  }
0x6c: {  	_ =	shalt  }
0x6d: {  	_ =	shalt  }
0x6e: {  	_ =	shalt  }
0x6f: {  	_ =	shalt  }
0x70: {  	_ =	shalt  }
0x71: {  	_ =	shalt  }
0x72: {  	_ =	shalt  }
0x73: {  	_ =	shalt  }
0x74: {  	_ =	shalt  }
0x75: {  	_ =	shalt  }
0x76: {  	_ =	shalt  }
0x77: {  	_ =	shalt  }
0x78: {  	_ =	shalt  }
0x79: {  	_ =	shalt  }
0x7a: {  	_ =	shalt  }
0x7b: {  	_ =	shalt  }
0x7c: {  	_ =	shalt  }
0x7d: {  	_ =	shalt  }
0x7e: {  	_ =	shalt  }
0x7f: {  	_ =	shalt  }
0x80: {  	_ =	shalt  }
0x81: {  	_ =	shalt  }
0x82: {  	_ =	shalt  }
0x83: {  	_ =	shalt  }
0x84: {  	_ =	shalt  }
0x85: {  	_ =	shalt  }
0x86: {  	_ =	shalt  }
0x87: {  	_ =	shalt  }
.Lfunc_end0:
.L_simem_size_0:
called_computation.3_lowered:
.L_overlay_start_0:
0x88: {  	s2 =	sld [smem:$0x3FD9]  }
0x89: {  	s3 =	sld [smem:$0x3FFE];
	_ =	sdelay $0x1  }
0x8a: {  	s1 =	srdreg.scid  }
0x8b: {  	s0 =	sand.u32 $0x1, s1  }
0x8c: {  	s16 =	sshll.u32 s0, $0xA;
	s2 =	sadd.s32 s3, s2  }
0x8d: {  	s2 =	sadd.s32 s2, s16  }
0x8e: {  	[smem:$0x3FB9] =	sst s2  }
0x8f: {  	_ = 	snop  }
0x90: {  	(tm) =	ssettm $0x1  }
0x91: {  	s17 =	sld [smem:$0x3FFB];
	_ =	sdelay $0x3  }
0x92: {  	_ =	strace s17  }
0x93: {  	s2 =	sld [smem:$0x3FFC];
	_ =	sdelay $0x3  }
0x94: {  	_ =	strace s2  }
0x95: {  	s2 =	sld [smem:$0x3FFD];
	_ =	sdelay $0x3  }
0x96: {  	_ =	strace s2  }
0x97: {  	_ =	strace $0x8FFFFFFF  }
0x98: {  	s18 =	sld [smem:$0x3FDB];
	_ =	sdelay $0x1  }
0x99: {  	s19 =	simm.s32 $_scs_section_size  }
0x9a: {  	s4 =	simm.s32 $_size__tile_overlayer_lowered;
	s5 =	simm.s32 $_tile_overlayer_lowered  }
0x9b: {  	s22 =	simm.s32 $0x1BFF;
	s21 =	sshll.u32 s5, $0x1;
	s2 =	sadd.s32 s19, s18  }
0x9c: {  	s6 =	simm.s32 $0x0;
	s20 =	sshll.u32 s4, $0x1;
	s4 =	sadd.s32 s21, s2  }
0x9d: {  	[timem:s6], [sflag:s22] =	dma.local [hbm:s4], s20  }
0x9e: {  	_ =	swait.ge [sflag:s22], s20  }
0x9f: {  	s3 =	ssub.s32 $0x0, s20;
	[sflag:s22] =	ssyncset.done $0x0  }
0xa0: {  	[sflag:s22] =	ssyncadd.s32 s3;
	_ =	sdelay $0x1  }
0xa1: {  	s23 =	simm.s32 $0x1B8B  }
0xa2: {  	_ =	swait.ge [sflag:s23], $0x1  }
0xa3: {  	[sflag:s23] =	ssyncset.done $0x0  }
0xa4: {  	s25 =	simm.s32 $0x1B8E;
	s24 =	sld [smem:$0x3FFE];
	[sflag:s23] =	ssyncadd.s32 $0xFFFFFFFF  }
0xa5: {  	s26 =	simm.s32 $execute0_lowered;
	[smem:$0x3FD2] =	sst s25  }
0xa6: {  	s4 =	sshll.u32 s26, $0x1;
	_ =	strace $0x8000004F;
	[dreg:$0x1] =	wrdreg $0xFFFFFFFF  }
0xa7: {  	s28 =	simm.s32 $_size_execute0_lowered;
	s2 =	sadd.s32 s2, s4;
	[dreg:$0x0] =	wrdreg $0x0  }
0xa8: {  	s4 =	sshll.u32 s28, $0x1;
	[dreg:$0x2] =	wrdreg s2  }
0xa9: {  	[dreg:$0x3] =	wrdreg s4  }
0xaa: {  	[dreg:$0x4] =	wrdreg $0xC0  }
0xab: {  	_ =	task [dreg:s6], $0x5FFFF  }
0xac: {  	[dreg:$0x1] =	wrdreg $0xFFFFFFFF  }
0xad: {  	[dreg:$0x0] =	wrdreg $0x60  }
0xae: {  	[dreg:$0x2] =	wrdreg s24  }
0xaf: {  	[dreg:$0x3] =	wrdreg $0xD0000  }
0xb0: {  	[dreg:$0x4] =	wrdreg $0x9  }
0xb1: {  	_ =	task.clear_ibuf [dreg:s6], $0x5FFFF;
	_ =	strace $0x9000004F  }
0xb2: {  	s29 =	simm.s32 $0x9;
	_ =	strace $0x80000051  }
0xb3: {  	_ =	swait.ge [sflag:s29], $0x1  }
0xb4: {  	[sflag:s29] =	ssyncadd.s32 $0xFFFFFFFF  }
0xb5: {  	_ =	strace $0x90000051  }
0xb6: {  	_ =	sfence  }
0xb7: {  	s30 =	sld [smem:$0x0];
	_ =	sdelay $0x2  }
0xb8: {  	s31 =	sshll.u32 s1, $0xD;
	s1 =	sshrl.u32 s1, $0x2  }
0xb9: {  	s3 =	sand.u32 $0x4000, s31;
	s1 =	sadd.s32 s1, s30  }
0xba: {  	s0 =	sor.u32 s3, s0;
	s1 =	sshll.u32 s1, $0x11  }
0xbb: {  	s0 =	sor.u32 s1, s0  }
0xbc: {  	s0 =	sadd.s32 $0x8F2B, s0  }
0xbd: {  	[sflag:s0] =	ssyncadd.remote.s32 $0x1  }
0xbe: {  	_ =	sfence.sel $0xFFFF  }
0xbf: {  	[dreg:$0x0] =	wrdreg $0xFFFFFFFF;
	(pc) =	sbr.abs _section_cstart, $3  }
0xc0: {  	[dreg:$0x1] =	wrdreg $0xFFFFFFFF  }
0xc1: {  	_ =	task.clear_ibuf [dreg:s6], $0x2FFFF;
	_ =	strace $0x9FFFFFFF  }
0xc2: {  	(tm) =	ssettm $0x7FFFFFFF  }
0xc3: {  	_ =	shalt  }
tec
execute0_lowered:
.L_overlay_start_1:
0x0: {  	(tag) =	ssettag $0x1  }
0x1: {  	s7 =	rddreg [dreg:$0x0]  }
0x2: {  	s0 =	srdreg.scid;
	s2 =	rddreg [dreg:$0x1];
	s3 =	simm.s32 $0x0  }
0x3: {  	s14 =	simm.s32 $0x80;
	s15 =	simm.s32 $0x5000;
	s16 =	simm.s32 $0x9000  }
0x4: {  	s17 =	simm.s32 $0x1;
	s18 =	simm.s32 $0x2;
	s6 =	sand.u32 $0x1, s0  }
0x5: {  	s19 =	simm.s32 $0x4F00;
	s0 =	stileid.u32;
	s5 =	smul.u32 $0x50000, s6  }
0x6: {  	s20 =	simm.s32 $0x4F80;
	s21 =	simm.s32 $0x0;
	s8 =	smul.u32 $0x5000, s0  }
0x7: {  	[smem:$0x7FF] =	sst s3;
	s1 =	sshll.u32 s6, $0x4;
	s10 =	smul.u32 $0x14000, s0  }
0x8: {  	s6 =	ssub.s32 $0x2, s6;
	s31 =	sshll.u32 s0, $0x6;
	s1 =	sor.u32 s0, s1  }
0x9: {  	s29 =	sshrl.u32 s6, $0x1;
	s4 =	smul.u32 $0x500, s1;
	s1 =	rddreg [dreg:$0x2]  }
0xa: {  	_ =	strace $0x80000050;
	s5 =	sadd.s32 s8, s5;
	s30 =	sshrl.u32 s10, $0x2  }
0xb: {  	s12 =	ssub.s32 s6, s29;
	s6 =	sor.u32 $0x1C03, s31;
	s8 =	sshrl.u32 s5, $0x3  }
0xc: {  	s5 =	sadd.s32 $0x95A00, s7;
	s13 =	sadd.s32 s30, s2;
	s10 =	smax.u32 s12, $0x1  }
0xd: {  	s12 =	simm.s32 $0x3;
	s9 =	sadd.s32 s4, s7;
	s4 =	sadd.s32 $0x6200, s7  }
0xe: {  	s11 =	sadd.s32 s8, s7;
	s7 =	sadd.s32 $0x81A00, s9;
	s8 =	sadd.s32 $0x77A00, s9  }
0xf: {  	s9 =	sadd.s32 $0x2E200, s11;
	s11 =	sshrl.u32 s13, $0x3;
	s13 =	simm.s32 $0x2800  }
.LBB2_1:
0x10: {  	[spmem:s11], [sflag:s6] =	dma.local [hbm:s5], $0xA00  }
0x11: {  	_ =	swait.ge [sflag:s12], $0xA00  }
0x12: {  	[sflag:s12] =	ssyncset.done $0x0  }
0x13: {  	[sflag:s12] =	ssyncadd.s32 $0xFFFFF600  }
0x14: {  	[tilespmem:s3], [sflag:$0x3] =	stream.linear.gather [hbm4b:s7+s3], $0x2800, $0x38;
	[tilespmem:$0x12000] =	vst v63  }
0x15: {  	_ =	swait.ge [sflag:s12], $0x2800  }
0x16: {  	[sflag:s12] =	ssyncset.done $0x0  }
0x17: {  	[sflag:s12] =	ssyncadd.s32 $0xFFFFD800  }
0x18: {  	[tilespmem:s13], [sflag:$0x3] =	stream.linear.gather [hbm4b:s8+s3], $0x2800, $0x38;
	[tilespmem:$0x12000] =	vst v63  }
0x19: {  	_ =	swait.ge [sflag:s12], $0x2800  }
0x1a: {  	[sflag:s12] =	ssyncset.done $0x0  }
0x1b: {  	[sflag:s12] =	ssyncadd.s32 $0xFFFFD800  }
0x1c: {  	[bflag:$0x0] =	sbarrier.arrive $0xFFFF  }
0x1d: {  	[tilespmem:s15], [sflag:$0x1] =	stream.indirect.gather [hbm4b:s4+s14], $0x80, s3, s14, $0xb8;
	[tilespmem:$0x12000] =	vst v63  }
0x1e: {  	_ = 	snop  }
0x1f: {  	[tilespmem:s16], [sflag:$0x2] =	stream.indirect.gather [hbm4b:s4+s14], $0x80, s14, s14, $0xb8;
	[tilespmem:$0x12000] =	vst v63  }
0x20: {  	_ =	swait.ge [sflag:s17], $0x4000  }
0x21: {  	[sflag:s17] =	ssyncset.done $0x0  }
0x22: {  	s22 =	simm.s32 $0x2800;
	[sflag:s17] =	ssyncadd.s32 $0xFFFFC000  }
0x23: {  	[spmem:s2] =	stream.indirect.scatter.add.f32 [tilespmem:s15], [sflag:$0x3], $0x80, s22, s14, $0xb8;
	[tilespmem:$0x12000] =	vst v63  }
0x24: {  	_ =	swait.ge [sflag:s12], $0x4000  }
0x25: {  	[sflag:s12] =	ssyncset.done $0x0  }
0x26: {  	s30 =	simm.s32 $0x100;
	[sflag:s12] =	ssyncadd.s32 $0xFFFFC000  }
0x27: {  	[tilespmem:s15], [sflag:$0x1] =	stream.indirect.gather [hbm4b:s4+s14], $0x80, s30, s14, $0xb8;
	[tilespmem:$0x12000] =	vst v63  }
0x28: {  	_ =	swait.ge [sflag:s18], $0x4000  }
0x29: {  	[sflag:s18] =	ssyncset.done $0x0  }
0x2a: {  	s31 =	simm.s32 $0x2880;
	[sflag:s18] =	ssyncadd.s32 $0xFFFFC000  }
0x2b: {  	[spmem:s2] =	stream.indirect.scatter.add.f32 [tilespmem:s16], [sflag:$0x3], $0x80, s31, s14, $0xb8;
	[tilespmem:$0x12000] =	vst v63  }
0x2c: {  	_ =	swait.ge [sflag:s12], $0x4000  }
0x2d: {  	[sflag:s12] =	ssyncset.done $0x0  }
0x2e: {  	s23 =	simm.s32 $0x180;
	s22 =	simm.s32 $0x400;
	[sflag:s12] =	ssyncadd.s32 $0xFFFFC000  }
.LBB2_2:
0x2f: {  	[tilespmem:s16], [sflag:$0x2] =	stream.indirect.gather [hbm4b:s4+s14], $0x80, s23, s14, $0xb8;
	[tilespmem:$0x12000] =	vst v63  }
0x30: {  	s23 =	smov.u32 s22  }
0x31: {  	p0 =	sne.s32 s22, $0x9800;
	s22 =	sadd.s32 $0x400, s22;
	_ =	swait.ge [sflag:s17], $0x4000  }
0x32: {  	s23 =	sshra.s32 s23, $0x2;
	[sflag:s17] =	ssyncset.done $0x0  }
0x33: {  	s24 =	sadd.s32 $0x2800, s23;
	[sflag:s17] =	ssyncadd.s32 $0xFFFFC000  }
0x34: {  	[spmem:s2] =	stream.indirect.scatter.add.f32 [tilespmem:s15], [sflag:$0x3], $0x80, s24, s14, $0xb8;
	[tilespmem:$0x12000] =	vst v63  }
0x35: {  	_ =	swait.ge [sflag:s12], $0x4000  }
0x36: {  	[sflag:s12] =	ssyncset.done $0x0  }
0x37: {  	s24 =	sadd.s32 $0x100, s23;
	[sflag:s12] =	ssyncadd.s32 $0xFFFFC000  }
0x38: {  	[tilespmem:s15], [sflag:$0x1] =	stream.indirect.gather [hbm4b:s4+s14], $0x80, s24, s14, $0xb8;
	[tilespmem:$0x12000] =	vst v63  }
0x39: {  	_ =	swait.ge [sflag:s18], $0x4000  }
0x3a: {  	[sflag:s18] =	ssyncset.done $0x0  }
.Ltmp0:
0x3b: {  	s24 =	sadd.s32 $0x2880, s23;
	[sflag:s18] =	ssyncadd.s32 $0xFFFFC000;
	(pc) =	sbr.rel @p0 .LBB2_2-.Ltmp0, $4  }
0x3c: {  	[spmem:s2] =	stream.indirect.scatter.add.f32 [tilespmem:s16], [sflag:$0x3], $0x80, s24, s14, $0xb8;
	[tilespmem:$0x12000] =	vst v63  }
0x3d: {  	_ =	swait.ge [sflag:s12], $0x4000  }
0x3e: {  	[sflag:s12] =	ssyncset.done $0x0  }
0x3f: {  	s23 =	sadd.s32 $0x180, s23;
	[sflag:s12] =	ssyncadd.s32 $0xFFFFC000  }
0x40: {  	[tilespmem:s16], [sflag:$0x2] =	stream.indirect.gather [hbm4b:s4+s14], $0x80, s23, s14, $0xb8;
	[tilespmem:$0x12000] =	vst v63  }
0x41: {  	_ =	swait.ge [sflag:s17], $0x4000  }
0x42: {  	[sflag:s17] =	ssyncset.done $0x0  }
0x43: {  	[sflag:s17] =	ssyncadd.s32 $0xFFFFC000  }
0x44: {  	[spmem:s2] =	stream.indirect.scatter.add.f32 [tilespmem:s15], [sflag:$0x3], $0x80, s19, s14, $0xb8;
	[tilespmem:$0x12000] =	vst v63  }
0x45: {  	_ =	swait.ge [sflag:s12], $0x4000  }
0x46: {  	[sflag:s12] =	ssyncset.done $0x0  }
0x47: {  	[sflag:s12] =	ssyncadd.s32 $0xFFFFC000  }
0x48: {  	_ =	swait.ge [sflag:s18], $0x4000  }
0x49: {  	[sflag:s18] =	ssyncset.done $0x0  }
0x4a: {  	[sflag:s18] =	ssyncadd.s32 $0xFFFFC000  }
0x4b: {  	[spmem:s2] =	stream.indirect.scatter.add.f32 [tilespmem:s16], [sflag:$0x3], $0x80, s20, s14, $0xb8;
	[tilespmem:$0x12000] =	vst v63  }
0x4c: {  	_ =	swait.ge [sflag:s12], $0x4000  }
0x4d: {  	s21 =	sadd.s32 $0x1, s21;
	[sflag:s12] =	ssyncset.done $0x0  }
0x4e: {  	p0 =	sne.s32 s21, s10;
	[sflag:s12] =	ssyncadd.s32 $0xFFFFC000  }
.Ltmp1:
0x4f: {  	[bflag:$0x0] =	sbarrier.arrive $0xFFFF;
	(pc) =	sbr.rel @p0 .LBB2_1-.Ltmp1, $4  }
0x50: {  	[hbm:s9], [sflag:s6] =	dma.local [spmem:s11], $0xA00  }
0x51: {  	_ =	swait.ge [sflag:s12], $0xA00  }
0x52: {  	[sflag:s12] =	ssyncset.done $0x0  }
0x53: {  	[sflag:s12] =	ssyncadd.s32 $0xFFFFF600  }
0x54: {  	_ =	sfence.sel $0x180000  }
0x55: {  	[bflag:$0x0] =	sbarrier.arrive $0xFFFF  }
0x56: {  	p0 =	sne.s32 s0, $0x0;
	_ =	strace $0x90000050  }
0x57: {  	s0 =	sadd.s32 @!p0 $0x100000, s1;
	[bflag:$0x2] =	sbarrier.arrive $0xFFFF  }
0x58: {  	[sflag:s0] =	ssyncadd.tile.s32 @!p0 $0x1;
	_ =	shalt  }
.Lfunc_end2:
_tile_overlayer_lowered:
.L_overlay_start_2:
0x59: {  	(tag) =	ssettag $0x2  }
0x5a: {  	s0 =	rddreg [dreg:$0x0];
	s2 =	stileid.u32  }
0x5b: {  	s1 =	rddreg [dreg:$0x1];
	p0 =	sne.s32 s2, $0x0  }
0x5c: {  	s3 =	rddreg [dreg:$0x2];
	[bflag:$0x3] =	sbarrier.arrive $0xFFFF;
	s2 =	simm.s32 @!p0 $0x1C03  }
0x5d: {  	[timem:s3], [sflag:s2] =	dma.local @!p0 [hbm:s0], s1  }
0x5e: {  	s0 =	simm.s32 @!p0 $0x3  }
0x5f: {  	_ =	swait.ge @!p0 [sflag:s0], s1  }
0x60: {  	s1 =	ssub.s32 @!p0 $0x0, s1;
	[sflag:s0] =	ssyncset.done @!p0 $0x0  }
0x61: {  	[sflag:s0] =	ssyncadd.s32 @!p0 s1  }
0x62: {  	[bflag:$0x3] =	sbarrier.arrive $0xFFFF  }
0x63: {  	_ =	shalt  }

// kernel: kernel.30.cloned.1.call-start
scs
__scs_entry_jumppad:
0x0: {  	(pc) =	sbr.rel $0x88, $3  }
0x1: {  	(tag) =	ssettag $0x0;
	lr =	simm.s32 $0x1  }
0x2: {  	[smem:$0x3F92] =	sst lr;
	_ =	strace $0xD0000000  }
0x3: {  	_ = 	snop  }
0x4: {  	_ = 	snop  }
0x5: {  	_ = 	snop  }
0x6: {  	_ = 	snop  }
0x7: {  	_ = 	snop  }
__scs_overlays_trampoline_lowered:
0x8: {  	[smem:$0x3FA1] =	sst s0  }
0x9: {  	[smem:$0x3FA2] =	sst s1  }
0xa: {  	[smem:$0x3FA3] =	sst s2  }
0xb: {  	[smem:$0x3FA4] =	sst s3  }
0xc: {  	[smem:$0x3FA5] =	sst s4  }
0xd: {  	[smem:$0x3FA6] =	sst s5  }
0xe: {  	[smem:$0x3FA7] =	sst s6  }
0xf: {  	[smem:$0x3FA8] =	sst s7  }
0x10: {  	[smem:$0x3FA9] =	sst s8  }
0x11: {  	[smem:$0x3FAA] =	sst s9;
	s0 =	simm.s32 @!p0 $0x0  }
0x12: {  	s1 =	sld [smem:$0x3F90];
	s0 =	simm.s32 @p0 $0x1  }
0x13: {  	[smem:$0x3FAB] =	sst s0;
	s0 =	simm.s32 @!p1 $0x0  }
0x14: {  	s2 =	sld [smem:$0x3F8F];
	s0 =	simm.s32 @p1 $0x1  }
0x15: {  	[smem:$0x3FAC] =	sst s0;
	s0 =	simm.s32 @!p2 $0x0  }
0x16: {  	s3 =	sld [smem:$0x3FDB];
	s0 =	simm.s32 @p2 $0x1  }
0x17: {  	s4 =	simm.s32 $0x1BF5;
	[smem:$0x3FAE] =	sst s0  }
0x18: {  	s0 =	sld [smem:$0x3F91];
	_ =	swait.ge [sflag:s4], $0x0  }
0x19: {  	s7 =	sld [smem:$0x3F92]  }
0x1a: {  	s8 =	sadd.s32 $0xFFFFE003, lr  }
0x1b: {  	s9 =	sadd.s32 $0xFFFFFEF7, lr;
	s5 =	simm.s32 $0xFFFFFFFF;
	p2 =	slt.u32 s8, $0xFFFFF086  }
0x1c: {  	p1 =	slt.u32 s9, $0xF7A;
	s5 =	simm.s32 @!p2 $0x0  }
0x1d: {  	s5 =	simm.s32 @p1 $0x1;
	p0 =	seq.s32 s7, s2  }
0x1e: {  	s7 =	smul.u32 @!p0 $0xF7A, s2;
	p2 =	seq.s32 @!p0 s5, $0x0  }
0x1f: {  	s9 =	smul.u32 $0xF7A, s1;
	s8 =	simm.s32 @!p0 $0x1BF5;
	p2 =	por !p2, p0  }
0x20: {  	[sflag:s8] =	ssyncset.s32 @!p0 $0xFFFFF086;
	s6 =	sadd.s32 @!p0 s3, s7;
	s7 =	simm.s32 @!p0 $0x108  }
0x21: {  	s3 =	sadd.s32 s3, s9;
	s6 =	sadd.s32 @!p0 $0x88, s6;
	s7 =	simm.s32 @p2 $0x1082  }
0x22: {  	[simem:s7], [sflag:s8] =	dma.local @!p0 [hbm:s6], $0xF7A  }
0x23: {  	s9 =	sor.u32 $0xD0000000, s2;
	s6 =	simm.s32 $0x108;
	_ =	swait.ge @!p0 [sflag:s8], $0x0  }
0x24: {  	s3 =	sadd.s32 $0x88, s3;
	s6 =	simm.s32 @!p1 $0x1082;
	[sflag:s4] =	ssyncset.s32 $0xFFFFF086  }
0x25: {  	[simem:s6], [sflag:s4] =	dma.local [hbm:s3], $0xF7A  }
0x26: {  	[smem:$0x3F92] =	sst s1;
	(tag) =	ssettag s2;
	_ =	strace s9  }
0x27: {  	s1 =	sld [smem:$0x3FA2]  }
0x28: {  	s2 =	sld [smem:$0x3FA3]  }
0x29: {  	s4 =	sld [smem:$0x3FA5]  }
0x2a: {  	p0 =	seq.s32 s5, $0x0;
	s5 =	sld [smem:$0x3FA6]  }
0x2b: {  	s6 =	sld [smem:$0x3FA7]  }
0x2c: {  	s7 =	sld [smem:$0x3FA8]  }
0x2d: {  	s3 =	simm.s32 $0x108;
	s8 =	sld [smem:$0x3FA9]  }
0x2e: {  	s3 =	simm.s32 @!p0 $0x1082;
	s9 =	sld [smem:$0x3FAA]  }
0x2f: {  	lr =	sadd.s32 s0, s3;
	s0 =	sld [smem:$0x3FA1]  }
0x30: {  	s3 =	sld [smem:$0x3FA4]  }
0x31: {  	[smem:$0x3FAD] =	sst s10  }
0x32: {  	s10 =	sld [smem:$0x3FAB];
	_ =	sdelay $0x3  }
0x33: {  	p0 =	seq.s32 s10, $0x1;
	s10 =	sld [smem:$0x3FAD];
	_ =	sdelay $0x3  }
0x34: {  	[smem:$0x3FAD] =	sst s10  }
0x35: {  	s10 =	sld [smem:$0x3FAC];
	_ =	sdelay $0x3  }
0x36: {  	p1 =	seq.s32 s10, $0x1;
	s10 =	sld [smem:$0x3FAD];
	_ =	sdelay $0x3  }
0x37: {  	[smem:$0x3FAD] =	sst s10  }
0x38: {  	s10 =	sld [smem:$0x3FAE]  }
0x39: {  	_ = 	snop;
	(pc) =	sbr.ind lr, $3  }
0x3a: {  	_ = 	snop  }
0x3b: {  	_ = 	snop  }
0x3c: {  	p2 =	seq.s32 s10, $0x1;
	s10 =	sld [smem:$0x3FAD]  }
0x3d: {  	_ =	shalt  }
0x3e: {  	_ =	shalt  }
0x3f: {  	_ =	shalt  }
0x40: {  	_ =	shalt  }
0x41: {  	_ =	shalt  }
0x42: {  	_ =	shalt  }
0x43: {  	_ =	shalt  }
0x44: {  	_ =	shalt  }
0x45: {  	_ =	shalt  }
0x46: {  	_ =	shalt  }
0x47: {  	_ =	shalt  }
0x48: {  	_ =	shalt  }
0x49: {  	_ =	shalt  }
0x4a: {  	_ =	shalt  }
0x4b: {  	_ =	shalt  }
0x4c: {  	_ =	shalt  }
0x4d: {  	_ =	shalt  }
0x4e: {  	_ =	shalt  }
0x4f: {  	_ =	shalt  }
0x50: {  	_ =	shalt  }
0x51: {  	_ =	shalt  }
0x52: {  	_ =	shalt  }
0x53: {  	_ =	shalt  }
0x54: {  	_ =	shalt  }
0x55: {  	_ =	shalt  }
0x56: {  	_ =	shalt  }
0x57: {  	_ =	shalt  }
0x58: {  	_ =	shalt  }
0x59: {  	_ =	shalt  }
0x5a: {  	_ =	shalt  }
0x5b: {  	_ =	shalt  }
0x5c: {  	_ =	shalt  }
0x5d: {  	_ =	shalt  }
0x5e: {  	_ =	shalt  }
0x5f: {  	_ =	shalt  }
0x60: {  	_ =	shalt  }
0x61: {  	_ =	shalt  }
0x62: {  	_ =	shalt  }
0x63: {  	_ =	shalt  }
0x64: {  	_ =	shalt  }
0x65: {  	_ =	shalt  }
0x66: {  	_ =	shalt  }
0x67: {  	_ =	shalt  }
0x68: {  	_ =	shalt  }
0x69: {  	_ =	shalt  }
0x6a: {  	_ =	shalt  }
0x6b: {  	_ =	shalt  }
0x6c: {  	_ =	shalt  }
0x6d: {  	_ =	shalt  }
0x6e: {  	_ =	shalt  }
0x6f: {  	_ =	shalt  }
0x70: {  	_ =	shalt  }
0x71: {  	_ =	shalt  }
0x72: {  	_ =	shalt  }
0x73: {  	_ =	shalt  }
0x74: {  	_ =	shalt  }
0x75: {  	_ =	shalt  }
0x76: {  	_ =	shalt  }
0x77: {  	_ =	shalt  }
0x78: {  	_ =	shalt  }
0x79: {  	_ =	shalt  }
0x7a: {  	_ =	shalt  }
0x7b: {  	_ =	shalt  }
0x7c: {  	_ =	shalt  }
0x7d: {  	_ =	shalt  }
0x7e: {  	_ =	shalt  }
0x7f: {  	_ =	shalt  }
0x80: {  	_ =	shalt  }
0x81: {  	_ =	shalt  }
0x82: {  	_ =	shalt  }
0x83: {  	_ =	shalt  }
0x84: {  	_ =	shalt  }
0x85: {  	_ =	shalt  }
0x86: {  	_ =	shalt  }
0x87: {  	_ =	shalt  }
.Lfunc_end0:
.L_simem_size_0:
called_computation.4_lowered:
.L_overlay_start_0:
0x88: {  	s2 =	sld [smem:$0x3FD9]  }
0x89: {  	s3 =	sld [smem:$0x3FFE];
	_ =	sdelay $0x1  }
0x8a: {  	s1 =	srdreg.scid  }
0x8b: {  	s0 =	sand.u32 $0x1, s1  }
0x8c: {  	s16 =	sshll.u32 s0, $0xA;
	s2 =	sadd.s32 s3, s2  }
0x8d: {  	s2 =	sadd.s32 s2, s16  }
0x8e: {  	[smem:$0x3FB9] =	sst s2  }
0x8f: {  	_ = 	snop  }
0x90: {  	(tm) =	ssettm $0x1  }
0x91: {  	s17 =	sld [smem:$0x3FFB];
	_ =	sdelay $0x3  }
0x92: {  	_ =	strace s17  }
0x93: {  	s2 =	sld [smem:$0x3FFC];
	_ =	sdelay $0x3  }
0x94: {  	_ =	strace s2  }
0x95: {  	s2 =	sld [smem:$0x3FFD];
	_ =	sdelay $0x3  }
0x96: {  	_ =	strace s2  }
0x97: {  	_ =	strace $0x8FFFFFFF  }
0x98: {  	s18 =	sld [smem:$0x3FDB];
	_ =	sdelay $0x1  }
0x99: {  	s19 =	simm.s32 $_scs_section_size  }
0x9a: {  	s4 =	simm.s32 $_size__tile_overlayer_lowered;
	s5 =	simm.s32 $_tile_overlayer_lowered  }
0x9b: {  	s22 =	simm.s32 $0x1BFF;
	s21 =	sshll.u32 s5, $0x1;
	s2 =	sadd.s32 s19, s18  }
0x9c: {  	s6 =	simm.s32 $0x0;
	s20 =	sshll.u32 s4, $0x1;
	s4 =	sadd.s32 s21, s2  }
0x9d: {  	[timem:s6], [sflag:s22] =	dma.local [hbm:s4], s20  }
0x9e: {  	_ =	swait.ge [sflag:s22], s20  }
0x9f: {  	s3 =	ssub.s32 $0x0, s20;
	[sflag:s22] =	ssyncset.done $0x0  }
0xa0: {  	[sflag:s22] =	ssyncadd.s32 s3;
	_ =	sdelay $0x1  }
0xa1: {  	s23 =	simm.s32 $0x1B8B  }
0xa2: {  	_ =	swait.ge [sflag:s23], $0x1  }
0xa3: {  	[sflag:s23] =	ssyncset.done $0x0  }
0xa4: {  	s25 =	simm.s32 $0x1B8E;
	s24 =	sld [smem:$0x3FFE];
	[sflag:s23] =	ssyncadd.s32 $0xFFFFFFFF  }
0xa5: {  	s26 =	simm.s32 $execute0_lowered;
	[smem:$0x3FD2] =	sst s25  }
0xa6: {  	s4 =	sshll.u32 s26, $0x1;
	_ =	strace $0x80000052;
	[dreg:$0x1] =	wrdreg $0xFFFFFFFF  }
0xa7: {  	s28 =	simm.s32 $_size_execute0_lowered;
	s2 =	sadd.s32 s2, s4;
	[dreg:$0x0] =	wrdreg $0x0  }
0xa8: {  	s4 =	sshll.u32 s28, $0x1;
	[dreg:$0x2] =	wrdreg s2  }
0xa9: {  	[dreg:$0x3] =	wrdreg s4  }
0xaa: {  	[dreg:$0x4] =	wrdreg $0xC0  }
0xab: {  	_ =	task [dreg:s6], $0x5FFFF  }
0xac: {  	[dreg:$0x1] =	wrdreg $0xFFFFFFFF  }
0xad: {  	[dreg:$0x0] =	wrdreg $0x60  }
0xae: {  	[dreg:$0x2] =	wrdreg s24  }
0xaf: {  	[dreg:$0x3] =	wrdreg $0x120000  }
0xb0: {  	[dreg:$0x4] =	wrdreg $0x9  }
0xb1: {  	_ =	task.clear_ibuf [dreg:s6], $0x5FFFF;
	_ =	strace $0x90000052  }
0xb2: {  	s29 =	simm.s32 $0x9;
	_ =	strace $0x80000054  }
0xb3: {  	_ =	swait.ge [sflag:s29], $0x1  }
0xb4: {  	[sflag:s29] =	ssyncadd.s32 $0xFFFFFFFF  }
0xb5: {  	_ =	strace $0x90000054  }
0xb6: {  	_ =	sfence  }
0xb7: {  	s30 =	sld [smem:$0x0];
	_ =	sdelay $0x2  }
0xb8: {  	s31 =	sshll.u32 s1, $0xD;
	s1 =	sshrl.u32 s1, $0x2  }
0xb9: {  	s3 =	sand.u32 $0x4000, s31;
	s1 =	sadd.s32 s1, s30  }
0xba: {  	s0 =	sor.u32 s3, s0;
	s1 =	sshll.u32 s1, $0x11  }
0xbb: {  	s0 =	sor.u32 s1, s0  }
0xbc: {  	s0 =	sadd.s32 $0x8F2B, s0  }
0xbd: {  	[sflag:s0] =	ssyncadd.remote.s32 $0x1  }
0xbe: {  	_ =	sfence.sel $0xFFFF  }
0xbf: {  	[dreg:$0x0] =	wrdreg $0xFFFFFFFF;
	(pc) =	sbr.abs _section_cstart, $3  }
0xc0: {  	[dreg:$0x1] =	wrdreg $0xFFFFFFFF  }
0xc1: {  	_ =	task.clear_ibuf [dreg:s6], $0x2FFFF;
	_ =	strace $0x9FFFFFFF  }
0xc2: {  	(tm) =	ssettm $0x7FFFFFFF  }
0xc3: {  	_ =	shalt  }
tec
execute0_lowered:
.L_overlay_start_1:
0x0: {  	(tag) =	ssettag $0x1  }
0x1: {  	s0 =	stileid.u32;
	s6 =	rddreg [dreg:$0x0]  }
0x2: {  	s1 =	srdreg.scid;
	s2 =	rddreg [dreg:$0x1]  }
0x3: {  	s3 =	simm.s32 $0x0;
	s15 =	simm.s32 $0xA000;
	s16 =	simm.s32 $0xE000  }
0x4: {  	s17 =	simm.s32 $0x1;
	s18 =	simm.s32 $0x2;
	s4 =	smul.u32 $0x5000, s0  }
0x5: {  	s19 =	simm.s32 $0x9F00;
	s20 =	simm.s32 $0x9F80;
	s9 =	smul.u32 $0xA400, s0  }
0x6: {  	s7 =	sand.u32 $0x1, s1;
	s1 =	rddreg [dreg:$0x2];
	s28 =	smul.u32 $0x29000, s0  }
0x7: {  	s21 =	simm.s32 $0x0;
	[smem:$0x7FF] =	sst s3;
	s5 =	smul.u32 $0x50000, s7  }
0x8: {  	s31 =	sshll.u32 s0, $0x6;
	s8 =	smul.u32 $0xA4000, s7;
	s29 =	ssub.s32 $0x2, s7  }
0x9: {  	_ =	strace $0x80000053;
	s7 =	sshrl.u32 s29, $0x1;
	s30 =	sshrl.u32 s28, $0x2  }
0xa: {  	s5 =	sadd.s32 s4, s5;
	s4 =	sshrl.u32 s4, $0x3;
	s26 =	sadd.s32 s9, s8  }
0xb: {  	s13 =	ssub.s32 s29, s7;
	s14 =	sadd.s32 s30, s2;
	s5 =	sshrl.u32 s5, $0x3  }
0xc: {  	s10 =	sadd.s32 s4, s6;
	s4 =	sadd.s32 $0x96400, s6;
	s8 =	sshrl.u32 s26, $0x3  }
0xd: {  	s11 =	sadd.s32 s5, s6;
	s5 =	sadd.s32 $0xA0400, s6;
	s12 =	sadd.s32 s8, s6  }
0xe: {  	s6 =	sor.u32 $0x1C03, s31;
	s7 =	sadd.s32 $0x8BA00, s10;
	s10 =	smax.u32 s13, $0x1  }
0xf: {  	s13 =	simm.s32 $0x5000;
	s8 =	sadd.s32 $0xAA400, s11;
	s9 =	sadd.s32 $0x6200, s12  }
0x10: {  	s11 =	sshrl.u32 s14, $0x3;
	s12 =	simm.s32 $0x3;
	s14 =	simm.s32 $0x80  }
.LBB2_1:
0x11: {  	[spmem:s11], [sflag:s6] =	dma.local [hbm:s5], $0x1480  }
0x12: {  	_ =	swait.ge [sflag:s12], $0x1480  }
0x13: {  	[sflag:s12] =	ssyncset.done $0x0  }
0x14: {  	[sflag:s12] =	ssyncadd.s32 $0xFFFFEB80  }
0x15: {  	[tilespmem:s3], [sflag:$0x3] =	stream.linear.gather [hbm4b:s7+s3], $0x5000, $0x38;
	[tilespmem:$0x1C400] =	vst v63  }
0x16: {  	_ =	swait.ge [sflag:s12], $0x5000  }
0x17: {  	[sflag:s12] =	ssyncset.done $0x0  }
0x18: {  	[sflag:s12] =	ssyncadd.s32 $0xFFFFB000  }
0x19: {  	[tilespmem:s13], [sflag:$0x3] =	stream.linear.gather [hbm4b:s8+s3], $0x5000, $0x38;
	[tilespmem:$0x1C400] =	vst v63  }
0x1a: {  	_ =	swait.ge [sflag:s12], $0x5000  }
0x1b: {  	[sflag:s12] =	ssyncset.done $0x0  }
0x1c: {  	[sflag:s12] =	ssyncadd.s32 $0xFFFFB000  }
0x1d: {  	[bflag:$0x0] =	sbarrier.arrive $0xFFFF  }
0x1e: {  	[tilespmem:s15], [sflag:$0x1] =	stream.indirect.gather [hbm4b:s4+s14], $0x80, s3, s14, $0xb8;
	[tilespmem:$0x1C400] =	vst v63  }
0x1f: {  	_ = 	snop  }
0x20: {  	[tilespmem:s16], [sflag:$0x2] =	stream.indirect.gather [hbm4b:s4+s14], $0x80, s14, s14, $0xb8;
	[tilespmem:$0x1C400] =	vst v63  }
0x21: {  	_ =	swait.ge [sflag:s17], $0x4000  }
0x22: {  	[sflag:s17] =	ssyncset.done $0x0  }
0x23: {  	s22 =	simm.s32 $0x5000;
	[sflag:s17] =	ssyncadd.s32 $0xFFFFC000  }
0x24: {  	[spmem:s2] =	stream.indirect.scatter.add.f32 [tilespmem:s15], [sflag:$0x3], $0x80, s22, s14, $0xb8;
	[tilespmem:$0x1C400] =	vst v63  }
0x25: {  	_ =	swait.ge [sflag:s12], $0x4000  }
0x26: {  	[sflag:s12] =	ssyncset.done $0x0  }
0x27: {  	s30 =	simm.s32 $0x100;
	[sflag:s12] =	ssyncadd.s32 $0xFFFFC000  }
0x28: {  	[tilespmem:s15], [sflag:$0x1] =	stream.indirect.gather [hbm4b:s4+s14], $0x80, s30, s14, $0xb8;
	[tilespmem:$0x1C400] =	vst v63  }
0x29: {  	_ =	swait.ge [sflag:s18], $0x4000  }
0x2a: {  	[sflag:s18] =	ssyncset.done $0x0  }
0x2b: {  	s31 =	simm.s32 $0x5080;
	[sflag:s18] =	ssyncadd.s32 $0xFFFFC000  }
0x2c: {  	[spmem:s2] =	stream.indirect.scatter.add.f32 [tilespmem:s16], [sflag:$0x3], $0x80, s31, s14, $0xb8;
	[tilespmem:$0x1C400] =	vst v63  }
0x2d: {  	_ =	swait.ge [sflag:s12], $0x4000  }
0x2e: {  	[sflag:s12] =	ssyncset.done $0x0  }
0x2f: {  	s23 =	simm.s32 $0x180;
	s22 =	simm.s32 $0x400;
	[sflag:s12] =	ssyncadd.s32 $0xFFFFC000  }
.LBB2_2:
0x30: {  	[tilespmem:s16], [sflag:$0x2] =	stream.indirect.gather [hbm4b:s4+s14], $0x80, s23, s14, $0xb8;
	[tilespmem:$0x1C400] =	vst v63  }
0x31: {  	s23 =	smov.u32 s22  }
0x32: {  	p0 =	sne.s32 s22, $0x13800;
	s22 =	sadd.s32 $0x400, s22;
	_ =	swait.ge [sflag:s17], $0x4000  }
0x33: {  	s23 =	sshra.s32 s23, $0x2;
	[sflag:s17] =	ssyncset.done $0x0  }
0x34: {  	s24 =	sadd.s32 $0x5000, s23;
	[sflag:s17] =	ssyncadd.s32 $0xFFFFC000  }
0x35: {  	[spmem:s2] =	stream.indirect.scatter.add.f32 [tilespmem:s15], [sflag:$0x3], $0x80, s24, s14, $0xb8;
	[tilespmem:$0x1C400] =	vst v63  }
0x36: {  	_ =	swait.ge [sflag:s12], $0x4000  }
0x37: {  	[sflag:s12] =	ssyncset.done $0x0  }
0x38: {  	s24 =	sadd.s32 $0x100, s23;
	[sflag:s12] =	ssyncadd.s32 $0xFFFFC000  }
0x39: {  	[tilespmem:s15], [sflag:$0x1] =	stream.indirect.gather [hbm4b:s4+s14], $0x80, s24, s14, $0xb8;
	[tilespmem:$0x1C400] =	vst v63  }
0x3a: {  	_ =	swait.ge [sflag:s18], $0x4000  }
0x3b: {  	[sflag:s18] =	ssyncset.done $0x0  }
.Ltmp0:
0x3c: {  	s24 =	sadd.s32 $0x5080, s23;
	[sflag:s18] =	ssyncadd.s32 $0xFFFFC000;
	(pc) =	sbr.rel @p0 .LBB2_2-.Ltmp0, $4  }
0x3d: {  	[spmem:s2] =	stream.indirect.scatter.add.f32 [tilespmem:s16], [sflag:$0x3], $0x80, s24, s14, $0xb8;
	[tilespmem:$0x1C400] =	vst v63  }
0x3e: {  	_ =	swait.ge [sflag:s12], $0x4000  }
0x3f: {  	[sflag:s12] =	ssyncset.done $0x0  }
0x40: {  	s23 =	sadd.s32 $0x180, s23;
	[sflag:s12] =	ssyncadd.s32 $0xFFFFC000  }
0x41: {  	[tilespmem:s16], [sflag:$0x2] =	stream.indirect.gather [hbm4b:s4+s14], $0x80, s23, s14, $0xb8;
	[tilespmem:$0x1C400] =	vst v63  }
0x42: {  	_ =	swait.ge [sflag:s17], $0x4000  }
0x43: {  	[sflag:s17] =	ssyncset.done $0x0  }
0x44: {  	[sflag:s17] =	ssyncadd.s32 $0xFFFFC000  }
0x45: {  	[spmem:s2] =	stream.indirect.scatter.add.f32 [tilespmem:s15], [sflag:$0x3], $0x80, s19, s14, $0xb8;
	[tilespmem:$0x1C400] =	vst v63  }
0x46: {  	_ =	swait.ge [sflag:s12], $0x4000  }
0x47: {  	[sflag:s12] =	ssyncset.done $0x0  }
0x48: {  	[sflag:s12] =	ssyncadd.s32 $0xFFFFC000  }
0x49: {  	_ =	swait.ge [sflag:s18], $0x4000  }
0x4a: {  	[sflag:s18] =	ssyncset.done $0x0  }
0x4b: {  	[sflag:s18] =	ssyncadd.s32 $0xFFFFC000  }
0x4c: {  	[spmem:s2] =	stream.indirect.scatter.add.f32 [tilespmem:s16], [sflag:$0x3], $0x80, s20, s14, $0xb8;
	[tilespmem:$0x1C400] =	vst v63  }
0x4d: {  	_ =	swait.ge [sflag:s12], $0x4000  }
0x4e: {  	s21 =	sadd.s32 $0x1, s21;
	[sflag:s12] =	ssyncset.done $0x0  }
0x4f: {  	p0 =	sne.s32 s21, s10;
	[sflag:s12] =	ssyncadd.s32 $0xFFFFC000  }
.Ltmp1:
0x50: {  	[bflag:$0x0] =	sbarrier.arrive $0xFFFF;
	(pc) =	sbr.rel @p0 .LBB2_1-.Ltmp1, $4  }
0x51: {  	[hbm:s9], [sflag:s6] =	dma.local [spmem:s11], $0x1480  }
0x52: {  	_ =	swait.ge [sflag:s12], $0x1480  }
0x53: {  	[sflag:s12] =	ssyncset.done $0x0  }
0x54: {  	[sflag:s12] =	ssyncadd.s32 $0xFFFFEB80  }
0x55: {  	_ =	sfence.sel $0x180000  }
0x56: {  	[bflag:$0x0] =	sbarrier.arrive $0xFFFF  }
0x57: {  	p0 =	sne.s32 s0, $0x0;
	_ =	strace $0x90000053  }
0x58: {  	s0 =	sadd.s32 @!p0 $0x100000, s1;
	[bflag:$0x2] =	sbarrier.arrive $0xFFFF  }
0x59: {  	[sflag:s0] =	ssyncadd.tile.s32 @!p0 $0x1;
	_ =	shalt  }
.Lfunc_end2:
_tile_overlayer_lowered:
.L_overlay_start_2:
0x5a: {  	(tag) =	ssettag $0x2  }
0x5b: {  	s0 =	rddreg [dreg:$0x0];
	s2 =	stileid.u32  }
0x5c: {  	s1 =	rddreg [dreg:$0x1];
	p0 =	sne.s32 s2, $0x0  }
0x5d: {  	s3 =	rddreg [dreg:$0x2];
	[bflag:$0x3] =	sbarrier.arrive $0xFFFF;
	s2 =	simm.s32 @!p0 $0x1C03  }
0x5e: {  	[timem:s3], [sflag:s2] =	dma.local @!p0 [hbm:s0], s1  }
0x5f: {  	s0 =	simm.s32 @!p0 $0x3  }
0x60: {  	_ =	swait.ge @!p0 [sflag:s0], s1  }
0x61: {  	s1 =	ssub.s32 @!p0 $0x0, s1;
	[sflag:s0] =	ssyncset.done @!p0 $0x0  }
0x62: {  	[sflag:s0] =	ssyncadd.s32 @!p0 s1  }
0x63: {  	[bflag:$0x3] =	sbarrier.arrive $0xFFFF  }
0x64: {  	_ =	shalt  }

// kernel: kernel.33.cloned.1.call-start
scs
__scs_entry_jumppad:
0x0: {  	(pc) =	sbr.rel $0x88, $3  }
0x1: {  	(tag) =	ssettag $0x0;
	lr =	simm.s32 $0x1  }
0x2: {  	[smem:$0x3F92] =	sst lr;
	_ =	strace $0xD0000000  }
0x3: {  	_ = 	snop  }
0x4: {  	_ = 	snop  }
0x5: {  	_ = 	snop  }
0x6: {  	_ = 	snop  }
0x7: {  	_ = 	snop  }
__scs_overlays_trampoline_lowered:
0x8: {  	[smem:$0x3FA1] =	sst s0  }
0x9: {  	[smem:$0x3FA2] =	sst s1  }
0xa: {  	[smem:$0x3FA3] =	sst s2  }
0xb: {  	[smem:$0x3FA4] =	sst s3  }
0xc: {  	[smem:$0x3FA5] =	sst s4  }
0xd: {  	[smem:$0x3FA6] =	sst s5  }
0xe: {  	[smem:$0x3FA7] =	sst s6  }
0xf: {  	[smem:$0x3FA8] =	sst s7  }
0x10: {  	[smem:$0x3FA9] =	sst s8  }
0x11: {  	[smem:$0x3FAA] =	sst s9;
	s0 =	simm.s32 @!p0 $0x0  }
0x12: {  	s1 =	sld [smem:$0x3F90];
	s0 =	simm.s32 @p0 $0x1  }
0x13: {  	[smem:$0x3FAB] =	sst s0;
	s0 =	simm.s32 @!p1 $0x0  }
0x14: {  	s2 =	sld [smem:$0x3F8F];
	s0 =	simm.s32 @p1 $0x1  }
0x15: {  	[smem:$0x3FAC] =	sst s0;
	s0 =	simm.s32 @!p2 $0x0  }
0x16: {  	s3 =	sld [smem:$0x3FDB];
	s0 =	simm.s32 @p2 $0x1  }
0x17: {  	s4 =	simm.s32 $0x1BF5;
	[smem:$0x3FAE] =	sst s0  }
0x18: {  	s0 =	sld [smem:$0x3F91];
	_ =	swait.ge [sflag:s4], $0x0  }
0x19: {  	s7 =	sld [smem:$0x3F92]  }
0x1a: {  	s8 =	sadd.s32 $0xFFFFE003, lr  }
0x1b: {  	s9 =	sadd.s32 $0xFFFFFEF7, lr;
	s5 =	simm.s32 $0xFFFFFFFF;
	p2 =	slt.u32 s8, $0xFFFFF086  }
0x1c: {  	p1 =	slt.u32 s9, $0xF7A;
	s5 =	simm.s32 @!p2 $0x0  }
0x1d: {  	s5 =	simm.s32 @p1 $0x1;
	p0 =	seq.s32 s7, s2  }
0x1e: {  	s7 =	smul.u32 @!p0 $0xF7A, s2;
	p2 =	seq.s32 @!p0 s5, $0x0  }
0x1f: {  	s9 =	smul.u32 $0xF7A, s1;
	s8 =	simm.s32 @!p0 $0x1BF5;
	p2 =	por !p2, p0  }
0x20: {  	[sflag:s8] =	ssyncset.s32 @!p0 $0xFFFFF086;
	s6 =	sadd.s32 @!p0 s3, s7;
	s7 =	simm.s32 @!p0 $0x108  }
0x21: {  	s3 =	sadd.s32 s3, s9;
	s6 =	sadd.s32 @!p0 $0x88, s6;
	s7 =	simm.s32 @p2 $0x1082  }
0x22: {  	[simem:s7], [sflag:s8] =	dma.local @!p0 [hbm:s6], $0xF7A  }
0x23: {  	s9 =	sor.u32 $0xD0000000, s2;
	s6 =	simm.s32 $0x108;
	_ =	swait.ge @!p0 [sflag:s8], $0x0  }
0x24: {  	s3 =	sadd.s32 $0x88, s3;
	s6 =	simm.s32 @!p1 $0x1082;
	[sflag:s4] =	ssyncset.s32 $0xFFFFF086  }
0x25: {  	[simem:s6], [sflag:s4] =	dma.local [hbm:s3], $0xF7A  }
0x26: {  	[smem:$0x3F92] =	sst s1;
	(tag) =	ssettag s2;
	_ =	strace s9  }
0x27: {  	s1 =	sld [smem:$0x3FA2]  }
0x28: {  	s2 =	sld [smem:$0x3FA3]  }
0x29: {  	s4 =	sld [smem:$0x3FA5]  }
0x2a: {  	p0 =	seq.s32 s5, $0x0;
	s5 =	sld [smem:$0x3FA6]  }
0x2b: {  	s6 =	sld [smem:$0x3FA7]  }
0x2c: {  	s7 =	sld [smem:$0x3FA8]  }
0x2d: {  	s3 =	simm.s32 $0x108;
	s8 =	sld [smem:$0x3FA9]  }
0x2e: {  	s3 =	simm.s32 @!p0 $0x1082;
	s9 =	sld [smem:$0x3FAA]  }
0x2f: {  	lr =	sadd.s32 s0, s3;
	s0 =	sld [smem:$0x3FA1]  }
0x30: {  	s3 =	sld [smem:$0x3FA4]  }
0x31: {  	[smem:$0x3FAD] =	sst s10  }
0x32: {  	s10 =	sld [smem:$0x3FAB];
	_ =	sdelay $0x3  }
0x33: {  	p0 =	seq.s32 s10, $0x1;
	s10 =	sld [smem:$0x3FAD];
	_ =	sdelay $0x3  }
0x34: {  	[smem:$0x3FAD] =	sst s10  }
0x35: {  	s10 =	sld [smem:$0x3FAC];
	_ =	sdelay $0x3  }
0x36: {  	p1 =	seq.s32 s10, $0x1;
	s10 =	sld [smem:$0x3FAD];
	_ =	sdelay $0x3  }
0x37: {  	[smem:$0x3FAD] =	sst s10  }
0x38: {  	s10 =	sld [smem:$0x3FAE]  }
0x39: {  	_ = 	snop;
	(pc) =	sbr.ind lr, $3  }
0x3a: {  	_ = 	snop  }
0x3b: {  	_ = 	snop  }
0x3c: {  	p2 =	seq.s32 s10, $0x1;
	s10 =	sld [smem:$0x3FAD]  }
0x3d: {  	_ =	shalt  }
0x3e: {  	_ =	shalt  }
0x3f: {  	_ =	shalt  }
0x40: {  	_ =	shalt  }
0x41: {  	_ =	shalt  }
0x42: {  	_ =	shalt  }
0x43: {  	_ =	shalt  }
0x44: {  	_ =	shalt  }
0x45: {  	_ =	shalt  }
0x46: {  	_ =	shalt  }
0x47: {  	_ =	shalt  }
0x48: {  	_ =	shalt  }
0x49: {  	_ =	shalt  }
0x4a: {  	_ =	shalt  }
0x4b: {  	_ =	shalt  }
0x4c: {  	_ =	shalt  }
0x4d: {  	_ =	shalt  }
0x4e: {  	_ =	shalt  }
0x4f: {  	_ =	shalt  }
0x50: {  	_ =	shalt  }
0x51: {  	_ =	shalt  }
0x52: {  	_ =	shalt  }
0x53: {  	_ =	shalt  }
0x54: {  	_ =	shalt  }
0x55: {  	_ =	shalt  }
0x56: {  	_ =	shalt  }
0x57: {  	_ =	shalt  }
0x58: {  	_ =	shalt  }
0x59: {  	_ =	shalt  }
0x5a: {  	_ =	shalt  }
0x5b: {  	_ =	shalt  }
0x5c: {  	_ =	shalt  }
0x5d: {  	_ =	shalt  }
0x5e: {  	_ =	shalt  }
0x5f: {  	_ =	shalt  }
0x60: {  	_ =	shalt  }
0x61: {  	_ =	shalt  }
0x62: {  	_ =	shalt  }
0x63: {  	_ =	shalt  }
0x64: {  	_ =	shalt  }
0x65: {  	_ =	shalt  }
0x66: {  	_ =	shalt  }
0x67: {  	_ =	shalt  }
0x68: {  	_ =	shalt  }
0x69: {  	_ =	shalt  }
0x6a: {  	_ =	shalt  }
0x6b: {  	_ =	shalt  }
0x6c: {  	_ =	shalt  }
0x6d: {  	_ =	shalt  }
0x6e: {  	_ =	shalt  }
0x6f: {  	_ =	shalt  }
0x70: {  	_ =	shalt  }
0x71: {  	_ =	shalt  }
0x72: {  	_ =	shalt  }
0x73: {  	_ =	shalt  }
0x74: {  	_ =	shalt  }
0x75: {  	_ =	shalt  }
0x76: {  	_ =	shalt  }
0x77: {  	_ =	shalt  }
0x78: {  	_ =	shalt  }
0x79: {  	_ =	shalt  }
0x7a: {  	_ =	shalt  }
0x7b: {  	_ =	shalt  }
0x7c: {  	_ =	shalt  }
0x7d: {  	_ =	shalt  }
0x7e: {  	_ =	shalt  }
0x7f: {  	_ =	shalt  }
0x80: {  	_ =	shalt  }
0x81: {  	_ =	shalt  }
0x82: {  	_ =	shalt  }
0x83: {  	_ =	shalt  }
0x84: {  	_ =	shalt  }
0x85: {  	_ =	shalt  }
0x86: {  	_ =	shalt  }
0x87: {  	_ =	shalt  }
.Lfunc_end0:
.L_simem_size_0:
called_computation.5_lowered:
.L_overlay_start_0:
0x88: {  	s2 =	sld [smem:$0x3FD9]  }
0x89: {  	s3 =	sld [smem:$0x3FFE];
	_ =	sdelay $0x1  }
0x8a: {  	s1 =	srdreg.scid  }
0x8b: {  	s0 =	sand.u32 $0x1, s1  }
0x8c: {  	s16 =	sshll.u32 s0, $0xA;
	s2 =	sadd.s32 s3, s2  }
0x8d: {  	s2 =	sadd.s32 s2, s16  }
0x8e: {  	[smem:$0x3FB9] =	sst s2  }
0x8f: {  	_ = 	snop  }
0x90: {  	(tm) =	ssettm $0x1  }
0x91: {  	s17 =	sld [smem:$0x3FFB];
	_ =	sdelay $0x3  }
0x92: {  	_ =	strace s17  }
0x93: {  	s2 =	sld [smem:$0x3FFC];
	_ =	sdelay $0x3  }
0x94: {  	_ =	strace s2  }
0x95: {  	s2 =	sld [smem:$0x3FFD];
	_ =	sdelay $0x3  }
0x96: {  	_ =	strace s2  }
0x97: {  	_ =	strace $0x8FFFFFFF  }
0x98: {  	s18 =	sld [smem:$0x3FDB];
	_ =	sdelay $0x1  }
0x99: {  	s19 =	simm.s32 $_scs_section_size  }
0x9a: {  	s4 =	simm.s32 $_size__tile_overlayer_lowered;
	s5 =	simm.s32 $_tile_overlayer_lowered  }
0x9b: {  	s22 =	simm.s32 $0x1BFF;
	s21 =	sshll.u32 s5, $0x1;
	s2 =	sadd.s32 s19, s18  }
0x9c: {  	s6 =	simm.s32 $0x0;
	s20 =	sshll.u32 s4, $0x1;
	s4 =	sadd.s32 s21, s2  }
0x9d: {  	[timem:s6], [sflag:s22] =	dma.local [hbm:s4], s20  }
0x9e: {  	_ =	swait.ge [sflag:s22], s20  }
0x9f: {  	s3 =	ssub.s32 $0x0, s20;
	[sflag:s22] =	ssyncset.done $0x0  }
0xa0: {  	[sflag:s22] =	ssyncadd.s32 s3;
	_ =	sdelay $0x1  }
0xa1: {  	s23 =	simm.s32 $0x1B8B  }
0xa2: {  	_ =	swait.ge [sflag:s23], $0x1  }
0xa3: {  	[sflag:s23] =	ssyncset.done $0x0  }
0xa4: {  	s25 =	simm.s32 $0x1B8E;
	s24 =	sld [smem:$0x3FFE];
	[sflag:s23] =	ssyncadd.s32 $0xFFFFFFFF  }
0xa5: {  	s26 =	simm.s32 $execute0_lowered;
	[smem:$0x3FD2] =	sst s25  }
0xa6: {  	s4 =	sshll.u32 s26, $0x1;
	_ =	strace $0x80000055;
	[dreg:$0x1] =	wrdreg $0xFFFFFFFF  }
0xa7: {  	s28 =	simm.s32 $_size_execute0_lowered;
	s2 =	sadd.s32 s2, s4;
	[dreg:$0x0] =	wrdreg $0x0  }
0xa8: {  	s4 =	sshll.u32 s28, $0x1;
	[dreg:$0x2] =	wrdreg s2  }
0xa9: {  	[dreg:$0x3] =	wrdreg s4  }
0xaa: {  	[dreg:$0x4] =	wrdreg $0xC0  }
0xab: {  	_ =	task [dreg:s6], $0x5FFFF  }
0xac: {  	[dreg:$0x1] =	wrdreg $0xFFFFFFFF  }
0xad: {  	[dreg:$0x0] =	wrdreg $0x60  }
0xae: {  	[dreg:$0x2] =	wrdreg s24  }
0xaf: {  	[dreg:$0x3] =	wrdreg $0xD0000  }
0xb0: {  	[dreg:$0x4] =	wrdreg $0x9  }
0xb1: {  	_ =	task.clear_ibuf [dreg:s6], $0x5FFFF;
	_ =	strace $0x90000055  }
0xb2: {  	s29 =	simm.s32 $0x9;
	_ =	strace $0x80000057  }
0xb3: {  	_ =	swait.ge [sflag:s29], $0x1  }
0xb4: {  	[sflag:s29] =	ssyncadd.s32 $0xFFFFFFFF  }
0xb5: {  	_ =	strace $0x90000057  }
0xb6: {  	_ =	sfence  }
0xb7: {  	s30 =	sld [smem:$0x0];
	_ =	sdelay $0x2  }
0xb8: {  	s31 =	sshll.u32 s1, $0xD;
	s1 =	sshrl.u32 s1, $0x2  }
0xb9: {  	s3 =	sand.u32 $0x4000, s31;
	s1 =	sadd.s32 s1, s30  }
0xba: {  	s0 =	sor.u32 s3, s0;
	s1 =	sshll.u32 s1, $0x11  }
0xbb: {  	s0 =	sor.u32 s1, s0  }
0xbc: {  	s0 =	sadd.s32 $0x8F2B, s0  }
0xbd: {  	[sflag:s0] =	ssyncadd.remote.s32 $0x1  }
0xbe: {  	_ =	sfence.sel $0xFFFF  }
0xbf: {  	[dreg:$0x0] =	wrdreg $0xFFFFFFFF;
	(pc) =	sbr.abs _section_cstart, $3  }
0xc0: {  	[dreg:$0x1] =	wrdreg $0xFFFFFFFF  }
0xc1: {  	_ =	task.clear_ibuf [dreg:s6], $0x2FFFF;
	_ =	strace $0x9FFFFFFF  }
0xc2: {  	(tm) =	ssettm $0x7FFFFFFF  }
0xc3: {  	_ =	shalt  }
tec
execute0_lowered:
.L_overlay_start_1:
0x0: {  	(tag) =	ssettag $0x1  }
0x1: {  	s7 =	rddreg [dreg:$0x0]  }
0x2: {  	s0 =	srdreg.scid;
	s2 =	rddreg [dreg:$0x1];
	s3 =	simm.s32 $0x0  }
0x3: {  	s14 =	simm.s32 $0x80;
	s15 =	simm.s32 $0x5000;
	s16 =	simm.s32 $0x9000  }
0x4: {  	s17 =	simm.s32 $0x1;
	s18 =	simm.s32 $0x2;
	s6 =	sand.u32 $0x1, s0  }
0x5: {  	s19 =	simm.s32 $0x4F00;
	s0 =	stileid.u32;
	s5 =	smul.u32 $0x50000, s6  }
0x6: {  	s20 =	simm.s32 $0x4F80;
	s21 =	simm.s32 $0x0;
	s8 =	smul.u32 $0x5000, s0  }
0x7: {  	[smem:$0x7FF] =	sst s3;
	s1 =	sshll.u32 s6, $0x4;
	s10 =	smul.u32 $0x14000, s0  }
0x8: {  	s6 =	ssub.s32 $0x2, s6;
	s31 =	sshll.u32 s0, $0x6;
	s1 =	sor.u32 s0, s1  }
0x9: {  	s29 =	sshrl.u32 s6, $0x1;
	s4 =	smul.u32 $0x500, s1;
	s1 =	rddreg [dreg:$0x2]  }
0xa: {  	_ =	strace $0x80000056;
	s5 =	sadd.s32 s8, s5;
	s30 =	sshrl.u32 s10, $0x2  }
0xb: {  	s12 =	ssub.s32 s6, s29;
	s6 =	sor.u32 $0x1C03, s31;
	s8 =	sshrl.u32 s5, $0x3  }
0xc: {  	s5 =	sadd.s32 $0x95A00, s7;
	s13 =	sadd.s32 s30, s2;
	s10 =	smax.u32 s12, $0x1  }
0xd: {  	s12 =	simm.s32 $0x3;
	s9 =	sadd.s32 s4, s7;
	s4 =	sadd.s32 $0x6200, s7  }
0xe: {  	s11 =	sadd.s32 s8, s7;
	s7 =	sadd.s32 $0x81A00, s9;
	s8 =	sadd.s32 $0x77A00, s9  }
0xf: {  	s9 =	sadd.s32 $0x2E200, s11;
	s11 =	sshrl.u32 s13, $0x3;
	s13 =	simm.s32 $0x2800  }
.LBB2_1:
0x10: {  	[spmem:s11], [sflag:s6] =	dma.local [hbm:s5], $0xA00  }
0x11: {  	_ =	swait.ge [sflag:s12], $0xA00  }
0x12: {  	[sflag:s12] =	ssyncset.done $0x0  }
0x13: {  	[sflag:s12] =	ssyncadd.s32 $0xFFFFF600  }
0x14: {  	[tilespmem:s3], [sflag:$0x3] =	stream.linear.gather [hbm4b:s7+s3], $0x2800, $0x38;
	[tilespmem:$0x12000] =	vst v63  }
0x15: {  	_ =	swait.ge [sflag:s12], $0x2800  }
0x16: {  	[sflag:s12] =	ssyncset.done $0x0  }
0x17: {  	[sflag:s12] =	ssyncadd.s32 $0xFFFFD800  }
0x18: {  	[tilespmem:s13], [sflag:$0x3] =	stream.linear.gather [hbm4b:s8+s3], $0x2800, $0x38;
	[tilespmem:$0x12000] =	vst v63  }
0x19: {  	_ =	swait.ge [sflag:s12], $0x2800  }
0x1a: {  	[sflag:s12] =	ssyncset.done $0x0  }
0x1b: {  	[sflag:s12] =	ssyncadd.s32 $0xFFFFD800  }
0x1c: {  	[bflag:$0x0] =	sbarrier.arrive $0xFFFF  }
0x1d: {  	[tilespmem:s15], [sflag:$0x1] =	stream.indirect.gather [hbm4b:s4+s14], $0x80, s3, s14, $0xb8;
	[tilespmem:$0x12000] =	vst v63  }
0x1e: {  	_ = 	snop  }
0x1f: {  	[tilespmem:s16], [sflag:$0x2] =	stream.indirect.gather [hbm4b:s4+s14], $0x80, s14, s14, $0xb8;
	[tilespmem:$0x12000] =	vst v63  }
0x20: {  	_ =	swait.ge [sflag:s17], $0x4000  }
0x21: {  	[sflag:s17] =	ssyncset.done $0x0  }
0x22: {  	s22 =	simm.s32 $0x2800;
	[sflag:s17] =	ssyncadd.s32 $0xFFFFC000  }
0x23: {  	[spmem:s2] =	stream.indirect.scatter.add.f32 [tilespmem:s15], [sflag:$0x3], $0x80, s22, s14, $0xb8;
	[tilespmem:$0x12000] =	vst v63  }
0x24: {  	_ =	swait.ge [sflag:s12], $0x4000  }
0x25: {  	[sflag:s12] =	ssyncset.done $0x0  }
0x26: {  	s30 =	simm.s32 $0x100;
	[sflag:s12] =	ssyncadd.s32 $0xFFFFC000  }
0x27: {  	[tilespmem:s15], [sflag:$0x1] =	stream.indirect.gather [hbm4b:s4+s14], $0x80, s30, s14, $0xb8;
	[tilespmem:$0x12000] =	vst v63  }
0x28: {  	_ =	swait.ge [sflag:s18], $0x4000  }
0x29: {  	[sflag:s18] =	ssyncset.done $0x0  }
0x2a: {  	s31 =	simm.s32 $0x2880;
	[sflag:s18] =	ssyncadd.s32 $0xFFFFC000  }
0x2b: {  	[spmem:s2] =	stream.indirect.scatter.add.f32 [tilespmem:s16], [sflag:$0x3], $0x80, s31, s14, $0xb8;
	[tilespmem:$0x12000] =	vst v63  }
0x2c: {  	_ =	swait.ge [sflag:s12], $0x4000  }
0x2d: {  	[sflag:s12] =	ssyncset.done $0x0  }
0x2e: {  	s23 =	simm.s32 $0x180;
	s22 =	simm.s32 $0x400;
	[sflag:s12] =	ssyncadd.s32 $0xFFFFC000  }
.LBB2_2:
0x2f: {  	[tilespmem:s16], [sflag:$0x2] =	stream.indirect.gather [hbm4b:s4+s14], $0x80, s23, s14, $0xb8;
	[tilespmem:$0x12000] =	vst v63  }
0x30: {  	s23 =	smov.u32 s22  }
0x31: {  	p0 =	sne.s32 s22, $0x9800;
	s22 =	sadd.s32 $0x400, s22;
	_ =	swait.ge [sflag:s17], $0x4000  }
0x32: {  	s23 =	sshra.s32 s23, $0x2;
	[sflag:s17] =	ssyncset.done $0x0  }
0x33: {  	s24 =	sadd.s32 $0x2800, s23;
	[sflag:s17] =	ssyncadd.s32 $0xFFFFC000  }
0x34: {  	[spmem:s2] =	stream.indirect.scatter.add.f32 [tilespmem:s15], [sflag:$0x3], $0x80, s24, s14, $0xb8;
	[tilespmem:$0x12000] =	vst v63  }
0x35: {  	_ =	swait.ge [sflag:s12], $0x4000  }
0x36: {  	[sflag:s12] =	ssyncset.done $0x0  }
0x37: {  	s24 =	sadd.s32 $0x100, s23;
	[sflag:s12] =	ssyncadd.s32 $0xFFFFC000  }
0x38: {  	[tilespmem:s15], [sflag:$0x1] =	stream.indirect.gather [hbm4b:s4+s14], $0x80, s24, s14, $0xb8;
	[tilespmem:$0x12000] =	vst v63  }
0x39: {  	_ =	swait.ge [sflag:s18], $0x4000  }
0x3a: {  	[sflag:s18] =	ssyncset.done $0x0  }
.Ltmp0:
0x3b: {  	s24 =	sadd.s32 $0x2880, s23;
	[sflag:s18] =	ssyncadd.s32 $0xFFFFC000;
	(pc) =	sbr.rel @p0 .LBB2_2-.Ltmp0, $4  }
0x3c: {  	[spmem:s2] =	stream.indirect.scatter.add.f32 [tilespmem:s16], [sflag:$0x3], $0x80, s24, s14, $0xb8;
	[tilespmem:$0x12000] =	vst v63  }
0x3d: {  	_ =	swait.ge [sflag:s12], $0x4000  }
0x3e: {  	[sflag:s12] =	ssyncset.done $0x0  }
0x3f: {  	s23 =	sadd.s32 $0x180, s23;
	[sflag:s12] =	ssyncadd.s32 $0xFFFFC000  }
0x40: {  	[tilespmem:s16], [sflag:$0x2] =	stream.indirect.gather [hbm4b:s4+s14], $0x80, s23, s14, $0xb8;
	[tilespmem:$0x12000] =	vst v63  }
0x41: {  	_ =	swait.ge [sflag:s17], $0x4000  }
0x42: {  	[sflag:s17] =	ssyncset.done $0x0  }
0x43: {  	[sflag:s17] =	ssyncadd.s32 $0xFFFFC000  }
0x44: {  	[spmem:s2] =	stream.indirect.scatter.add.f32 [tilespmem:s15], [sflag:$0x3], $0x80, s19, s14, $0xb8;
	[tilespmem:$0x12000] =	vst v63  }
0x45: {  	_ =	swait.ge [sflag:s12], $0x4000  }
0x46: {  	[sflag:s12] =	ssyncset.done $0x0  }
0x47: {  	[sflag:s12] =	ssyncadd.s32 $0xFFFFC000  }
0x48: {  	_ =	swait.ge [sflag:s18], $0x4000  }
0x49: {  	[sflag:s18] =	ssyncset.done $0x0  }
0x4a: {  	[sflag:s18] =	ssyncadd.s32 $0xFFFFC000  }
0x4b: {  	[spmem:s2] =	stream.indirect.scatter.add.f32 [tilespmem:s16], [sflag:$0x3], $0x80, s20, s14, $0xb8;
	[tilespmem:$0x12000] =	vst v63  }
0x4c: {  	_ =	swait.ge [sflag:s12], $0x4000  }
0x4d: {  	s21 =	sadd.s32 $0x1, s21;
	[sflag:s12] =	ssyncset.done $0x0  }
0x4e: {  	p0 =	sne.s32 s21, s10;
	[sflag:s12] =	ssyncadd.s32 $0xFFFFC000  }
.Ltmp1:
0x4f: {  	[bflag:$0x0] =	sbarrier.arrive $0xFFFF;
	(pc) =	sbr.rel @p0 .LBB2_1-.Ltmp1, $4  }
0x50: {  	[hbm:s9], [sflag:s6] =	dma.local [spmem:s11], $0xA00  }
0x51: {  	_ =	swait.ge [sflag:s12], $0xA00  }
0x52: {  	[sflag:s12] =	ssyncset.done $0x0  }
0x53: {  	[sflag:s12] =	ssyncadd.s32 $0xFFFFF600  }
0x54: {  	_ =	sfence.sel $0x180000  }
0x55: {  	[bflag:$0x0] =	sbarrier.arrive $0xFFFF  }
0x56: {  	p0 =	sne.s32 s0, $0x0;
	_ =	strace $0x90000056  }
0x57: {  	s0 =	sadd.s32 @!p0 $0x100000, s1;
	[bflag:$0x2] =	sbarrier.arrive $0xFFFF  }
0x58: {  	[sflag:s0] =	ssyncadd.tile.s32 @!p0 $0x1;
	_ =	shalt  }
.Lfunc_end2:
_tile_overlayer_lowered:
.L_overlay_start_2:
0x59: {  	(tag) =	ssettag $0x2  }
0x5a: {  	s0 =	rddreg [dreg:$0x0];
	s2 =	stileid.u32  }
0x5b: {  	s1 =	rddreg [dreg:$0x1];
	p0 =	sne.s32 s2, $0x0  }
0x5c: {  	s3 =	rddreg [dreg:$0x2];
	[bflag:$0x3] =	sbarrier.arrive $0xFFFF;
	s2 =	simm.s32 @!p0 $0x1C03  }
0x5d: {  	[timem:s3], [sflag:s2] =	dma.local @!p0 [hbm:s0], s1  }
0x5e: {  	s0 =	simm.s32 @!p0 $0x3  }
0x5f: {  	_ =	swait.ge @!p0 [sflag:s0], s1  }
0x60: {  	s1 =	ssub.s32 @!p0 $0x0, s1;
	[sflag:s0] =	ssyncset.done @!p0 $0x0  }
0x61: {  	[sflag:s0] =	ssyncadd.s32 @!p0 s1  }
0x62: {  	[bflag:$0x3] =	sbarrier.arrive $0xFFFF  }
0x63: {  	_ =	shalt  }

// kernel: kernel.36.cloned.1.call-start
scs
__scs_entry_jumppad:
0x0: {  	(pc) =	sbr.rel $0x88, $3  }
0x1: {  	(tag) =	ssettag $0x0;
	lr =	simm.s32 $0x1  }
0x2: {  	[smem:$0x3F92] =	sst lr;
	_ =	strace $0xD0000000  }
0x3: {  	_ = 	snop  }
0x4: {  	_ = 	snop  }
0x5: {  	_ = 	snop  }
0x6: {  	_ = 	snop  }
0x7: {  	_ = 	snop  }
__scs_overlays_trampoline_lowered:
0x8: {  	[smem:$0x3FA1] =	sst s0  }
0x9: {  	[smem:$0x3FA2] =	sst s1  }
0xa: {  	[smem:$0x3FA3] =	sst s2  }
0xb: {  	[smem:$0x3FA4] =	sst s3  }
0xc: {  	[smem:$0x3FA5] =	sst s4  }
0xd: {  	[smem:$0x3FA6] =	sst s5  }
0xe: {  	[smem:$0x3FA7] =	sst s6  }
0xf: {  	[smem:$0x3FA8] =	sst s7  }
0x10: {  	[smem:$0x3FA9] =	sst s8  }
0x11: {  	[smem:$0x3FAA] =	sst s9;
	s0 =	simm.s32 @!p0 $0x0  }
0x12: {  	s1 =	sld [smem:$0x3F90];
	s0 =	simm.s32 @p0 $0x1  }
0x13: {  	[smem:$0x3FAB] =	sst s0;
	s0 =	simm.s32 @!p1 $0x0  }
0x14: {  	s2 =	sld [smem:$0x3F8F];
	s0 =	simm.s32 @p1 $0x1  }
0x15: {  	[smem:$0x3FAC] =	sst s0;
	s0 =	simm.s32 @!p2 $0x0  }
0x16: {  	s3 =	sld [smem:$0x3FDB];
	s0 =	simm.s32 @p2 $0x1  }
0x17: {  	s4 =	simm.s32 $0x1BF5;
	[smem:$0x3FAE] =	sst s0  }
0x18: {  	s0 =	sld [smem:$0x3F91];
	_ =	swait.ge [sflag:s4], $0x0  }
0x19: {  	s7 =	sld [smem:$0x3F92]  }
0x1a: {  	s8 =	sadd.s32 $0xFFFFE003, lr  }
0x1b: {  	s9 =	sadd.s32 $0xFFFFFEF7, lr;
	s5 =	simm.s32 $0xFFFFFFFF;
	p2 =	slt.u32 s8, $0xFFFFF086  }
0x1c: {  	p1 =	slt.u32 s9, $0xF7A;
	s5 =	simm.s32 @!p2 $0x0  }
0x1d: {  	s5 =	simm.s32 @p1 $0x1;
	p0 =	seq.s32 s7, s2  }
0x1e: {  	s7 =	smul.u32 @!p0 $0xF7A, s2;
	p2 =	seq.s32 @!p0 s5, $0x0  }
0x1f: {  	s9 =	smul.u32 $0xF7A, s1;
	s8 =	simm.s32 @!p0 $0x1BF5;
	p2 =	por !p2, p0  }
0x20: {  	[sflag:s8] =	ssyncset.s32 @!p0 $0xFFFFF086;
	s6 =	sadd.s32 @!p0 s3, s7;
	s7 =	simm.s32 @!p0 $0x108  }
0x21: {  	s3 =	sadd.s32 s3, s9;
	s6 =	sadd.s32 @!p0 $0x88, s6;
	s7 =	simm.s32 @p2 $0x1082  }
0x22: {  	[simem:s7], [sflag:s8] =	dma.local @!p0 [hbm:s6], $0xF7A  }
0x23: {  	s9 =	sor.u32 $0xD0000000, s2;
	s6 =	simm.s32 $0x108;
	_ =	swait.ge @!p0 [sflag:s8], $0x0  }
0x24: {  	s3 =	sadd.s32 $0x88, s3;
	s6 =	simm.s32 @!p1 $0x1082;
	[sflag:s4] =	ssyncset.s32 $0xFFFFF086  }
0x25: {  	[simem:s6], [sflag:s4] =	dma.local [hbm:s3], $0xF7A  }
0x26: {  	[smem:$0x3F92] =	sst s1;
	(tag) =	ssettag s2;
	_ =	strace s9  }
0x27: {  	s1 =	sld [smem:$0x3FA2]  }
0x28: {  	s2 =	sld [smem:$0x3FA3]  }
0x29: {  	s4 =	sld [smem:$0x3FA5]  }
0x2a: {  	p0 =	seq.s32 s5, $0x0;
	s5 =	sld [smem:$0x3FA6]  }
0x2b: {  	s6 =	sld [smem:$0x3FA7]  }
0x2c: {  	s7 =	sld [smem:$0x3FA8]  }
0x2d: {  	s3 =	simm.s32 $0x108;
	s8 =	sld [smem:$0x3FA9]  }
0x2e: {  	s3 =	simm.s32 @!p0 $0x1082;
	s9 =	sld [smem:$0x3FAA]  }
0x2f: {  	lr =	sadd.s32 s0, s3;
	s0 =	sld [smem:$0x3FA1]  }
0x30: {  	s3 =	sld [smem:$0x3FA4]  }
0x31: {  	[smem:$0x3FAD] =	sst s10  }
0x32: {  	s10 =	sld [smem:$0x3FAB];
	_ =	sdelay $0x3  }
0x33: {  	p0 =	seq.s32 s10, $0x1;
	s10 =	sld [smem:$0x3FAD];
	_ =	sdelay $0x3  }
0x34: {  	[smem:$0x3FAD] =	sst s10  }
0x35: {  	s10 =	sld [smem:$0x3FAC];
	_ =	sdelay $0x3  }
0x36: {  	p1 =	seq.s32 s10, $0x1;
	s10 =	sld [smem:$0x3FAD];
	_ =	sdelay $0x3  }
0x37: {  	[smem:$0x3FAD] =	sst s10  }
0x38: {  	s10 =	sld [smem:$0x3FAE]  }
0x39: {  	_ = 	snop;
	(pc) =	sbr.ind lr, $3  }
0x3a: {  	_ = 	snop  }
0x3b: {  	_ = 	snop  }
0x3c: {  	p2 =	seq.s32 s10, $0x1;
	s10 =	sld [smem:$0x3FAD]  }
0x3d: {  	_ =	shalt  }
0x3e: {  	_ =	shalt  }
0x3f: {  	_ =	shalt  }
0x40: {  	_ =	shalt  }
0x41: {  	_ =	shalt  }
0x42: {  	_ =	shalt  }
0x43: {  	_ =	shalt  }
0x44: {  	_ =	shalt  }
0x45: {  	_ =	shalt  }
0x46: {  	_ =	shalt  }
0x47: {  	_ =	shalt  }
0x48: {  	_ =	shalt  }
0x49: {  	_ =	shalt  }
0x4a: {  	_ =	shalt  }
0x4b: {  	_ =	shalt  }
0x4c: {  	_ =	shalt  }
0x4d: {  	_ =	shalt  }
0x4e: {  	_ =	shalt  }
0x4f: {  	_ =	shalt  }
0x50: {  	_ =	shalt  }
0x51: {  	_ =	shalt  }
0x52: {  	_ =	shalt  }
0x53: {  	_ =	shalt  }
0x54: {  	_ =	shalt  }
0x55: {  	_ =	shalt  }
0x56: {  	_ =	shalt  }
0x57: {  	_ =	shalt  }
0x58: {  	_ =	shalt  }
0x59: {  	_ =	shalt  }
0x5a: {  	_ =	shalt  }
0x5b: {  	_ =	shalt  }
0x5c: {  	_ =	shalt  }
0x5d: {  	_ =	shalt  }
0x5e: {  	_ =	shalt  }
0x5f: {  	_ =	shalt  }
0x60: {  	_ =	shalt  }
0x61: {  	_ =	shalt  }
0x62: {  	_ =	shalt  }
0x63: {  	_ =	shalt  }
0x64: {  	_ =	shalt  }
0x65: {  	_ =	shalt  }
0x66: {  	_ =	shalt  }
0x67: {  	_ =	shalt  }
0x68: {  	_ =	shalt  }
0x69: {  	_ =	shalt  }
0x6a: {  	_ =	shalt  }
0x6b: {  	_ =	shalt  }
0x6c: {  	_ =	shalt  }
0x6d: {  	_ =	shalt  }
0x6e: {  	_ =	shalt  }
0x6f: {  	_ =	shalt  }
0x70: {  	_ =	shalt  }
0x71: {  	_ =	shalt  }
0x72: {  	_ =	shalt  }
0x73: {  	_ =	shalt  }
0x74: {  	_ =	shalt  }
0x75: {  	_ =	shalt  }
0x76: {  	_ =	shalt  }
0x77: {  	_ =	shalt  }
0x78: {  	_ =	shalt  }
0x79: {  	_ =	shalt  }
0x7a: {  	_ =	shalt  }
0x7b: {  	_ =	shalt  }
0x7c: {  	_ =	shalt  }
0x7d: {  	_ =	shalt  }
0x7e: {  	_ =	shalt  }
0x7f: {  	_ =	shalt  }
0x80: {  	_ =	shalt  }
0x81: {  	_ =	shalt  }
0x82: {  	_ =	shalt  }
0x83: {  	_ =	shalt  }
0x84: {  	_ =	shalt  }
0x85: {  	_ =	shalt  }
0x86: {  	_ =	shalt  }
0x87: {  	_ =	shalt  }
.Lfunc_end0:
.L_simem_size_0:
called_computation.6_lowered:
.L_overlay_start_0:
0x88: {  	s2 =	sld [smem:$0x3FD9]  }
0x89: {  	s3 =	sld [smem:$0x3FFE];
	_ =	sdelay $0x1  }
0x8a: {  	s1 =	srdreg.scid  }
0x8b: {  	s0 =	sand.u32 $0x1, s1  }
0x8c: {  	s16 =	sshll.u32 s0, $0xA;
	s2 =	sadd.s32 s3, s2  }
0x8d: {  	s2 =	sadd.s32 s2, s16  }
0x8e: {  	[smem:$0x3FB9] =	sst s2  }
0x8f: {  	_ = 	snop  }
0x90: {  	(tm) =	ssettm $0x1  }
0x91: {  	s17 =	sld [smem:$0x3FFB];
	_ =	sdelay $0x3  }
0x92: {  	_ =	strace s17  }
0x93: {  	s2 =	sld [smem:$0x3FFC];
	_ =	sdelay $0x3  }
0x94: {  	_ =	strace s2  }
0x95: {  	s2 =	sld [smem:$0x3FFD];
	_ =	sdelay $0x3  }
0x96: {  	_ =	strace s2  }
0x97: {  	_ =	strace $0x8FFFFFFF  }
0x98: {  	s18 =	sld [smem:$0x3FDB];
	_ =	sdelay $0x1  }
0x99: {  	s19 =	simm.s32 $_scs_section_size  }
0x9a: {  	s4 =	simm.s32 $_size__tile_overlayer_lowered;
	s5 =	simm.s32 $_tile_overlayer_lowered  }
0x9b: {  	s22 =	simm.s32 $0x1BFF;
	s21 =	sshll.u32 s5, $0x1;
	s2 =	sadd.s32 s19, s18  }
0x9c: {  	s6 =	simm.s32 $0x0;
	s20 =	sshll.u32 s4, $0x1;
	s4 =	sadd.s32 s21, s2  }
0x9d: {  	[timem:s6], [sflag:s22] =	dma.local [hbm:s4], s20  }
0x9e: {  	_ =	swait.ge [sflag:s22], s20  }
0x9f: {  	s3 =	ssub.s32 $0x0, s20;
	[sflag:s22] =	ssyncset.done $0x0  }
0xa0: {  	[sflag:s22] =	ssyncadd.s32 s3;
	_ =	sdelay $0x1  }
0xa1: {  	s23 =	simm.s32 $0x1B8B  }
0xa2: {  	_ =	swait.ge [sflag:s23], $0x1  }
0xa3: {  	[sflag:s23] =	ssyncset.done $0x0  }
0xa4: {  	s25 =	simm.s32 $0x1B8E;
	s24 =	sld [smem:$0x3FFE];
	[sflag:s23] =	ssyncadd.s32 $0xFFFFFFFF  }
0xa5: {  	s26 =	simm.s32 $execute0_lowered;
	[smem:$0x3FD2] =	sst s25  }
0xa6: {  	s4 =	sshll.u32 s26, $0x1;
	_ =	strace $0x80000058;
	[dreg:$0x1] =	wrdreg $0xFFFFFFFF  }
0xa7: {  	s28 =	simm.s32 $_size_execute0_lowered;
	s2 =	sadd.s32 s2, s4;
	[dreg:$0x0] =	wrdreg $0x0  }
0xa8: {  	s4 =	sshll.u32 s28, $0x1;
	[dreg:$0x2] =	wrdreg s2  }
0xa9: {  	[dreg:$0x3] =	wrdreg s4  }
0xaa: {  	[dreg:$0x4] =	wrdreg $0xC0  }
0xab: {  	_ =	task [dreg:s6], $0x5FFFF  }
0xac: {  	[dreg:$0x1] =	wrdreg $0xFFFFFFFF  }
0xad: {  	[dreg:$0x0] =	wrdreg $0x60  }
0xae: {  	[dreg:$0x2] =	wrdreg s24  }
0xaf: {  	[dreg:$0x3] =	wrdreg $0x120000  }
0xb0: {  	[dreg:$0x4] =	wrdreg $0x9  }
0xb1: {  	_ =	task.clear_ibuf [dreg:s6], $0x5FFFF;
	_ =	strace $0x90000058  }
0xb2: {  	s29 =	simm.s32 $0x9;
	_ =	strace $0x8000005A  }
0xb3: {  	_ =	swait.ge [sflag:s29], $0x1  }
0xb4: {  	[sflag:s29] =	ssyncadd.s32 $0xFFFFFFFF  }
0xb5: {  	_ =	strace $0x9000005A  }
0xb6: {  	_ =	sfence  }
0xb7: {  	s30 =	sld [smem:$0x0];
	_ =	sdelay $0x2  }
0xb8: {  	s31 =	sshll.u32 s1, $0xD;
	s1 =	sshrl.u32 s1, $0x2  }
0xb9: {  	s3 =	sand.u32 $0x4000, s31;
	s1 =	sadd.s32 s1, s30  }
0xba: {  	s0 =	sor.u32 s3, s0;
	s1 =	sshll.u32 s1, $0x11  }
0xbb: {  	s0 =	sor.u32 s1, s0  }
0xbc: {  	s0 =	sadd.s32 $0x8F2B, s0  }
0xbd: {  	[sflag:s0] =	ssyncadd.remote.s32 $0x1  }
0xbe: {  	_ =	sfence.sel $0xFFFF  }
0xbf: {  	[dreg:$0x0] =	wrdreg $0xFFFFFFFF;
	(pc) =	sbr.abs _section_cstart, $3  }
0xc0: {  	[dreg:$0x1] =	wrdreg $0xFFFFFFFF  }
0xc1: {  	_ =	task.clear_ibuf [dreg:s6], $0x2FFFF;
	_ =	strace $0x9FFFFFFF  }
0xc2: {  	(tm) =	ssettm $0x7FFFFFFF  }
0xc3: {  	_ =	shalt  }
tec
execute0_lowered:
.L_overlay_start_1:
0x0: {  	(tag) =	ssettag $0x1  }
0x1: {  	s0 =	stileid.u32;
	s6 =	rddreg [dreg:$0x0]  }
0x2: {  	s1 =	srdreg.scid;
	s2 =	rddreg [dreg:$0x1]  }
0x3: {  	s3 =	simm.s32 $0x0;
	s15 =	simm.s32 $0xA000;
	s16 =	simm.s32 $0xE000  }
0x4: {  	s17 =	simm.s32 $0x1;
	s18 =	simm.s32 $0x2;
	s4 =	smul.u32 $0x5000, s0  }
0x5: {  	s19 =	simm.s32 $0x9F00;
	s20 =	simm.s32 $0x9F80;
	s9 =	smul.u32 $0xA400, s0  }
0x6: {  	s7 =	sand.u32 $0x1, s1;
	s1 =	rddreg [dreg:$0x2];
	s28 =	smul.u32 $0x29000, s0  }
0x7: {  	s21 =	simm.s32 $0x0;
	[smem:$0x7FF] =	sst s3;
	s5 =	smul.u32 $0x50000, s7  }
0x8: {  	s31 =	sshll.u32 s0, $0x6;
	s8 =	smul.u32 $0xA4000, s7;
	s29 =	ssub.s32 $0x2, s7  }
0x9: {  	_ =	strace $0x80000059;
	s7 =	sshrl.u32 s29, $0x1;
	s30 =	sshrl.u32 s28, $0x2  }
0xa: {  	s5 =	sadd.s32 s4, s5;
	s4 =	sshrl.u32 s4, $0x3;
	s26 =	sadd.s32 s9, s8  }
0xb: {  	s13 =	ssub.s32 s29, s7;
	s14 =	sadd.s32 s30, s2;
	s5 =	sshrl.u32 s5, $0x3  }
0xc: {  	s10 =	sadd.s32 s4, s6;
	s4 =	sadd.s32 $0x95A00, s6;
	s8 =	sshrl.u32 s26, $0x3  }
0xd: {  	s11 =	sadd.s32 s5, s6;
	s5 =	sadd.s32 $0xA0400, s6;
	s12 =	sadd.s32 s8, s6  }
0xe: {  	s6 =	sor.u32 $0x1C03, s31;
	s7 =	sadd.s32 $0x8BA00, s10;
	s10 =	smax.u32 s13, $0x1  }
0xf: {  	s13 =	simm.s32 $0x5000;
	s8 =	sadd.s32 $0xAA400, s11;
	s9 =	sadd.s32 $0x6200, s12  }
0x10: {  	s11 =	sshrl.u32 s14, $0x3;
	s12 =	simm.s32 $0x3;
	s14 =	simm.s32 $0x80  }
.LBB2_1:
0x11: {  	[spmem:s11], [sflag:s6] =	dma.local [hbm:s5], $0x1480  }
0x12: {  	_ =	swait.ge [sflag:s12], $0x1480  }
0x13: {  	[sflag:s12] =	ssyncset.done $0x0  }
0x14: {  	[sflag:s12] =	ssyncadd.s32 $0xFFFFEB80  }
0x15: {  	[tilespmem:s3], [sflag:$0x3] =	stream.linear.gather [hbm4b:s7+s3], $0x5000, $0x38;
	[tilespmem:$0x1C400] =	vst v63  }
0x16: {  	_ =	swait.ge [sflag:s12], $0x5000  }
0x17: {  	[sflag:s12] =	ssyncset.done $0x0  }
0x18: {  	[sflag:s12] =	ssyncadd.s32 $0xFFFFB000  }
0x19: {  	[tilespmem:s13], [sflag:$0x3] =	stream.linear.gather [hbm4b:s8+s3], $0x5000, $0x38;
	[tilespmem:$0x1C400] =	vst v63  }
0x1a: {  	_ =	swait.ge [sflag:s12], $0x5000  }
0x1b: {  	[sflag:s12] =	ssyncset.done $0x0  }
0x1c: {  	[sflag:s12] =	ssyncadd.s32 $0xFFFFB000  }
0x1d: {  	[bflag:$0x0] =	sbarrier.arrive $0xFFFF  }
0x1e: {  	[tilespmem:s15], [sflag:$0x1] =	stream.indirect.gather [hbm4b:s4+s14], $0x80, s3, s14, $0xb8;
	[tilespmem:$0x1C400] =	vst v63  }
0x1f: {  	_ = 	snop  }
0x20: {  	[tilespmem:s16], [sflag:$0x2] =	stream.indirect.gather [hbm4b:s4+s14], $0x80, s14, s14, $0xb8;
	[tilespmem:$0x1C400] =	vst v63  }
0x21: {  	_ =	swait.ge [sflag:s17], $0x4000  }
0x22: {  	[sflag:s17] =	ssyncset.done $0x0  }
0x23: {  	s22 =	simm.s32 $0x5000;
	[sflag:s17] =	ssyncadd.s32 $0xFFFFC000  }
0x24: {  	[spmem:s2] =	stream.indirect.scatter.add.f32 [tilespmem:s15], [sflag:$0x3], $0x80, s22, s14, $0xb8;
	[tilespmem:$0x1C400] =	vst v63  }
0x25: {  	_ =	swait.ge [sflag:s12], $0x4000  }
0x26: {  	[sflag:s12] =	ssyncset.done $0x0  }
0x27: {  	s30 =	simm.s32 $0x100;
	[sflag:s12] =	ssyncadd.s32 $0xFFFFC000  }
0x28: {  	[tilespmem:s15], [sflag:$0x1] =	stream.indirect.gather [hbm4b:s4+s14], $0x80, s30, s14, $0xb8;
	[tilespmem:$0x1C400] =	vst v63  }
0x29: {  	_ =	swait.ge [sflag:s18], $0x4000  }
0x2a: {  	[sflag:s18] =	ssyncset.done $0x0  }
0x2b: {  	s31 =	simm.s32 $0x5080;
	[sflag:s18] =	ssyncadd.s32 $0xFFFFC000  }
0x2c: {  	[spmem:s2] =	stream.indirect.scatter.add.f32 [tilespmem:s16], [sflag:$0x3], $0x80, s31, s14, $0xb8;
	[tilespmem:$0x1C400] =	vst v63  }
0x2d: {  	_ =	swait.ge [sflag:s12], $0x4000  }
0x2e: {  	[sflag:s12] =	ssyncset.done $0x0  }
0x2f: {  	s23 =	simm.s32 $0x180;
	s22 =	simm.s32 $0x400;
	[sflag:s12] =	ssyncadd.s32 $0xFFFFC000  }
.LBB2_2:
0x30: {  	[tilespmem:s16], [sflag:$0x2] =	stream.indirect.gather [hbm4b:s4+s14], $0x80, s23, s14, $0xb8;
	[tilespmem:$0x1C400] =	vst v63  }
0x31: {  	s23 =	smov.u32 s22  }
0x32: {  	p0 =	sne.s32 s22, $0x13800;
	s22 =	sadd.s32 $0x400, s22;
	_ =	swait.ge [sflag:s17], $0x4000  }
0x33: {  	s23 =	sshra.s32 s23, $0x2;
	[sflag:s17] =	ssyncset.done $0x0  }
0x34: {  	s24 =	sadd.s32 $0x5000, s23;
	[sflag:s17] =	ssyncadd.s32 $0xFFFFC000  }
0x35: {  	[spmem:s2] =	stream.indirect.scatter.add.f32 [tilespmem:s15], [sflag:$0x3], $0x80, s24, s14, $0xb8;
	[tilespmem:$0x1C400] =	vst v63  }
0x36: {  	_ =	swait.ge [sflag:s12], $0x4000  }
0x37: {  	[sflag:s12] =	ssyncset.done $0x0  }
0x38: {  	s24 =	sadd.s32 $0x100, s23;
	[sflag:s12] =	ssyncadd.s32 $0xFFFFC000  }
0x39: {  	[tilespmem:s15], [sflag:$0x1] =	stream.indirect.gather [hbm4b:s4+s14], $0x80, s24, s14, $0xb8;
	[tilespmem:$0x1C400] =	vst v63  }
0x3a: {  	_ =	swait.ge [sflag:s18], $0x4000  }
0x3b: {  	[sflag:s18] =	ssyncset.done $0x0  }
.Ltmp0:
0x3c: {  	s24 =	sadd.s32 $0x5080, s23;
	[sflag:s18] =	ssyncadd.s32 $0xFFFFC000;
	(pc) =	sbr.rel @p0 .LBB2_2-.Ltmp0, $4  }
0x3d: {  	[spmem:s2] =	stream.indirect.scatter.add.f32 [tilespmem:s16], [sflag:$0x3], $0x80, s24, s14, $0xb8;
	[tilespmem:$0x1C400] =	vst v63  }
0x3e: {  	_ =	swait.ge [sflag:s12], $0x4000  }
0x3f: {  	[sflag:s12] =	ssyncset.done $0x0  }
0x40: {  	s23 =	sadd.s32 $0x180, s23;
	[sflag:s12] =	ssyncadd.s32 $0xFFFFC000  }
0x41: {  	[tilespmem:s16], [sflag:$0x2] =	stream.indirect.gather [hbm4b:s4+s14], $0x80, s23, s14, $0xb8;
	[tilespmem:$0x1C400] =	vst v63  }
0x42: {  	_ =	swait.ge [sflag:s17], $0x4000  }
0x43: {  	[sflag:s17] =	ssyncset.done $0x0  }
0x44: {  	[sflag:s17] =	ssyncadd.s32 $0xFFFFC000  }
0x45: {  	[spmem:s2] =	stream.indirect.scatter.add.f32 [tilespmem:s15], [sflag:$0x3], $0x80, s19, s14, $0xb8;
	[tilespmem:$0x1C400] =	vst v63  }
0x46: {  	_ =	swait.ge [sflag:s12], $0x4000  }
0x47: {  	[sflag:s12] =	ssyncset.done $0x0  }
0x48: {  	[sflag:s12] =	ssyncadd.s32 $0xFFFFC000  }
0x49: {  	_ =	swait.ge [sflag:s18], $0x4000  }
0x4a: {  	[sflag:s18] =	ssyncset.done $0x0  }
0x4b: {  	[sflag:s18] =	ssyncadd.s32 $0xFFFFC000  }
0x4c: {  	[spmem:s2] =	stream.indirect.scatter.add.f32 [tilespmem:s16], [sflag:$0x3], $0x80, s20, s14, $0xb8;
	[tilespmem:$0x1C400] =	vst v63  }
0x4d: {  	_ =	swait.ge [sflag:s12], $0x4000  }
0x4e: {  	s21 =	sadd.s32 $0x1, s21;
	[sflag:s12] =	ssyncset.done $0x0  }
0x4f: {  	p0 =	sne.s32 s21, s10;
	[sflag:s12] =	ssyncadd.s32 $0xFFFFC000  }
.Ltmp1:
0x50: {  	[bflag:$0x0] =	sbarrier.arrive $0xFFFF;
	(pc) =	sbr.rel @p0 .LBB2_1-.Ltmp1, $4  }
0x51: {  	[hbm:s9], [sflag:s6] =	dma.local [spmem:s11], $0x1480  }
0x52: {  	_ =	swait.ge [sflag:s12], $0x1480  }
0x53: {  	[sflag:s12] =	ssyncset.done $0x0  }
0x54: {  	[sflag:s12] =	ssyncadd.s32 $0xFFFFEB80  }
0x55: {  	_ =	sfence.sel $0x180000  }
0x56: {  	[bflag:$0x0] =	sbarrier.arrive $0xFFFF  }
0x57: {  	p0 =	sne.s32 s0, $0x0;
	_ =	strace $0x90000059  }
0x58: {  	s0 =	sadd.s32 @!p0 $0x100000, s1;
	[bflag:$0x2] =	sbarrier.arrive $0xFFFF  }
0x59: {  	[sflag:s0] =	ssyncadd.tile.s32 @!p0 $0x1;
	_ =	shalt  }
.Lfunc_end2:
_tile_overlayer_lowered:
.L_overlay_start_2:
0x5a: {  	(tag) =	ssettag $0x2  }
0x5b: {  	s0 =	rddreg [dreg:$0x0];
	s2 =	stileid.u32  }
0x5c: {  	s1 =	rddreg [dreg:$0x1];
	p0 =	sne.s32 s2, $0x0  }
0x5d: {  	s3 =	rddreg [dreg:$0x2];
	[bflag:$0x3] =	sbarrier.arrive $0xFFFF;
	s2 =	simm.s32 @!p0 $0x1C03  }
0x5e: {  	[timem:s3], [sflag:s2] =	dma.local @!p0 [hbm:s0], s1  }
0x5f: {  	s0 =	simm.s32 @!p0 $0x3  }
0x60: {  	_ =	swait.ge @!p0 [sflag:s0], s1  }
0x61: {  	s1 =	ssub.s32 @!p0 $0x0, s1;
	[sflag:s0] =	ssyncset.done @!p0 $0x0  }
0x62: {  	[sflag:s0] =	ssyncadd.s32 @!p0 s1  }
0x63: {  	[bflag:$0x3] =	sbarrier.arrive $0xFFFF  }
0x64: {  	_ =	shalt  }

// kernel: kernel.39.cloned.1.call-start
scs
__scs_entry_jumppad:
0x0: {  	(pc) =	sbr.rel $0x88, $3  }
0x1: {  	(tag) =	ssettag $0x0;
	lr =	simm.s32 $0x1  }
0x2: {  	[smem:$0x3F92] =	sst lr;
	_ =	strace $0xD0000000  }
0x3: {  	_ = 	snop  }
0x4: {  	_ = 	snop  }
0x5: {  	_ = 	snop  }
0x6: {  	_ = 	snop  }
0x7: {  	_ = 	snop  }
__scs_overlays_trampoline_lowered:
0x8: {  	[smem:$0x3FA1] =	sst s0  }
0x9: {  	[smem:$0x3FA2] =	sst s1  }
0xa: {  	[smem:$0x3FA3] =	sst s2  }
0xb: {  	[smem:$0x3FA4] =	sst s3  }
0xc: {  	[smem:$0x3FA5] =	sst s4  }
0xd: {  	[smem:$0x3FA6] =	sst s5  }
0xe: {  	[smem:$0x3FA7] =	sst s6  }
0xf: {  	[smem:$0x3FA8] =	sst s7  }
0x10: {  	[smem:$0x3FA9] =	sst s8  }
0x11: {  	[smem:$0x3FAA] =	sst s9;
	s0 =	simm.s32 @!p0 $0x0  }
0x12: {  	s1 =	sld [smem:$0x3F90];
	s0 =	simm.s32 @p0 $0x1  }
0x13: {  	[smem:$0x3FAB] =	sst s0;
	s0 =	simm.s32 @!p1 $0x0  }
0x14: {  	s2 =	sld [smem:$0x3F8F];
	s0 =	simm.s32 @p1 $0x1  }
0x15: {  	[smem:$0x3FAC] =	sst s0;
	s0 =	simm.s32 @!p2 $0x0  }
0x16: {  	s3 =	sld [smem:$0x3FDB];
	s0 =	simm.s32 @p2 $0x1  }
0x17: {  	s4 =	simm.s32 $0x1BF5;
	[smem:$0x3FAE] =	sst s0  }
0x18: {  	s0 =	sld [smem:$0x3F91];
	_ =	swait.ge [sflag:s4], $0x0  }
0x19: {  	s7 =	sld [smem:$0x3F92]  }
0x1a: {  	s8 =	sadd.s32 $0xFFFFE003, lr  }
0x1b: {  	s9 =	sadd.s32 $0xFFFFFEF7, lr;
	s5 =	simm.s32 $0xFFFFFFFF;
	p2 =	slt.u32 s8, $0xFFFFF086  }
0x1c: {  	p1 =	slt.u32 s9, $0xF7A;
	s5 =	simm.s32 @!p2 $0x0  }
0x1d: {  	s5 =	simm.s32 @p1 $0x1;
	p0 =	seq.s32 s7, s2  }
0x1e: {  	s7 =	smul.u32 @!p0 $0xF7A, s2;
	p2 =	seq.s32 @!p0 s5, $0x0  }
0x1f: {  	s9 =	smul.u32 $0xF7A, s1;
	s8 =	simm.s32 @!p0 $0x1BF5;
	p2 =	por !p2, p0  }
0x20: {  	[sflag:s8] =	ssyncset.s32 @!p0 $0xFFFFF086;
	s6 =	sadd.s32 @!p0 s3, s7;
	s7 =	simm.s32 @!p0 $0x108  }
0x21: {  	s3 =	sadd.s32 s3, s9;
	s6 =	sadd.s32 @!p0 $0x88, s6;
	s7 =	simm.s32 @p2 $0x1082  }
0x22: {  	[simem:s7], [sflag:s8] =	dma.local @!p0 [hbm:s6], $0xF7A  }
0x23: {  	s9 =	sor.u32 $0xD0000000, s2;
	s6 =	simm.s32 $0x108;
	_ =	swait.ge @!p0 [sflag:s8], $0x0  }
0x24: {  	s3 =	sadd.s32 $0x88, s3;
	s6 =	simm.s32 @!p1 $0x1082;
	[sflag:s4] =	ssyncset.s32 $0xFFFFF086  }
0x25: {  	[simem:s6], [sflag:s4] =	dma.local [hbm:s3], $0xF7A  }
0x26: {  	[smem:$0x3F92] =	sst s1;
	(tag) =	ssettag s2;
	_ =	strace s9  }
0x27: {  	s1 =	sld [smem:$0x3FA2]  }
0x28: {  	s2 =	sld [smem:$0x3FA3]  }
0x29: {  	s4 =	sld [smem:$0x3FA5]  }
0x2a: {  	p0 =	seq.s32 s5, $0x0;
	s5 =	sld [smem:$0x3FA6]  }
0x2b: {  	s6 =	sld [smem:$0x3FA7]  }
0x2c: {  	s7 =	sld [smem:$0x3FA8]  }
0x2d: {  	s3 =	simm.s32 $0x108;
	s8 =	sld [smem:$0x3FA9]  }
0x2e: {  	s3 =	simm.s32 @!p0 $0x1082;
	s9 =	sld [smem:$0x3FAA]  }
0x2f: {  	lr =	sadd.s32 s0, s3;
	s0 =	sld [smem:$0x3FA1]  }
0x30: {  	s3 =	sld [smem:$0x3FA4]  }
0x31: {  	[smem:$0x3FAD] =	sst s10  }
0x32: {  	s10 =	sld [smem:$0x3FAB];
	_ =	sdelay $0x3  }
0x33: {  	p0 =	seq.s32 s10, $0x1;
	s10 =	sld [smem:$0x3FAD];
	_ =	sdelay $0x3  }
0x34: {  	[smem:$0x3FAD] =	sst s10  }
0x35: {  	s10 =	sld [smem:$0x3FAC];
	_ =	sdelay $0x3  }
0x36: {  	p1 =	seq.s32 s10, $0x1;
	s10 =	sld [smem:$0x3FAD];
	_ =	sdelay $0x3  }
0x37: {  	[smem:$0x3FAD] =	sst s10  }
0x38: {  	s10 =	sld [smem:$0x3FAE]  }
0x39: {  	_ = 	snop;
	(pc) =	sbr.ind lr, $3  }
0x3a: {  	_ = 	snop  }
0x3b: {  	_ = 	snop  }
0x3c: {  	p2 =	seq.s32 s10, $0x1;
	s10 =	sld [smem:$0x3FAD]  }
0x3d: {  	_ =	shalt  }
0x3e: {  	_ =	shalt  }
0x3f: {  	_ =	shalt  }
0x40: {  	_ =	shalt  }
0x41: {  	_ =	shalt  }
0x42: {  	_ =	shalt  }
0x43: {  	_ =	shalt  }
0x44: {  	_ =	shalt  }
0x45: {  	_ =	shalt  }
0x46: {  	_ =	shalt  }
0x47: {  	_ =	shalt  }
0x48: {  	_ =	shalt  }
0x49: {  	_ =	shalt  }
0x4a: {  	_ =	shalt  }
0x4b: {  	_ =	shalt  }
0x4c: {  	_ =	shalt  }
0x4d: {  	_ =	shalt  }
0x4e: {  	_ =	shalt  }
0x4f: {  	_ =	shalt  }
0x50: {  	_ =	shalt  }
0x51: {  	_ =	shalt  }
0x52: {  	_ =	shalt  }
0x53: {  	_ =	shalt  }
0x54: {  	_ =	shalt  }
0x55: {  	_ =	shalt  }
0x56: {  	_ =	shalt  }
0x57: {  	_ =	shalt  }
0x58: {  	_ =	shalt  }
0x59: {  	_ =	shalt  }
0x5a: {  	_ =	shalt  }
0x5b: {  	_ =	shalt  }
0x5c: {  	_ =	shalt  }
0x5d: {  	_ =	shalt  }
0x5e: {  	_ =	shalt  }
0x5f: {  	_ =	shalt  }
0x60: {  	_ =	shalt  }
0x61: {  	_ =	shalt  }
0x62: {  	_ =	shalt  }
0x63: {  	_ =	shalt  }
0x64: {  	_ =	shalt  }
0x65: {  	_ =	shalt  }
0x66: {  	_ =	shalt  }
0x67: {  	_ =	shalt  }
0x68: {  	_ =	shalt  }
0x69: {  	_ =	shalt  }
0x6a: {  	_ =	shalt  }
0x6b: {  	_ =	shalt  }
0x6c: {  	_ =	shalt  }
0x6d: {  	_ =	shalt  }
0x6e: {  	_ =	shalt  }
0x6f: {  	_ =	shalt  }
0x70: {  	_ =	shalt  }
0x71: {  	_ =	shalt  }
0x72: {  	_ =	shalt  }
0x73: {  	_ =	shalt  }
0x74: {  	_ =	shalt  }
0x75: {  	_ =	shalt  }
0x76: {  	_ =	shalt  }
0x77: {  	_ =	shalt  }
0x78: {  	_ =	shalt  }
0x79: {  	_ =	shalt  }
0x7a: {  	_ =	shalt  }
0x7b: {  	_ =	shalt  }
0x7c: {  	_ =	shalt  }
0x7d: {  	_ =	shalt  }
0x7e: {  	_ =	shalt  }
0x7f: {  	_ =	shalt  }
0x80: {  	_ =	shalt  }
0x81: {  	_ =	shalt  }
0x82: {  	_ =	shalt  }
0x83: {  	_ =	shalt  }
0x84: {  	_ =	shalt  }
0x85: {  	_ =	shalt  }
0x86: {  	_ =	shalt  }
0x87: {  	_ =	shalt  }
.Lfunc_end0:
.L_simem_size_0:
called_computation.7_lowered:
.L_overlay_start_0:
0x88: {  	s2 =	sld [smem:$0x3FD9]  }
0x89: {  	s3 =	sld [smem:$0x3FFE];
	_ =	sdelay $0x1  }
0x8a: {  	s1 =	srdreg.scid  }
0x8b: {  	s0 =	sand.u32 $0x1, s1  }
0x8c: {  	s16 =	sshll.u32 s0, $0xA;
	s2 =	sadd.s32 s3, s2  }
0x8d: {  	s2 =	sadd.s32 s2, s16  }
0x8e: {  	[smem:$0x3FB9] =	sst s2  }
0x8f: {  	_ = 	snop  }
0x90: {  	(tm) =	ssettm $0x1  }
0x91: {  	s17 =	sld [smem:$0x3FFB];
	_ =	sdelay $0x3  }
0x92: {  	_ =	strace s17  }
0x93: {  	s2 =	sld [smem:$0x3FFC];
	_ =	sdelay $0x3  }
0x94: {  	_ =	strace s2  }
0x95: {  	s2 =	sld [smem:$0x3FFD];
	_ =	sdelay $0x3  }
0x96: {  	_ =	strace s2  }
0x97: {  	_ =	strace $0x8FFFFFFF  }
0x98: {  	s18 =	sld [smem:$0x3FDB];
	_ =	sdelay $0x1  }
0x99: {  	s19 =	simm.s32 $_scs_section_size  }
0x9a: {  	s4 =	simm.s32 $_size__tile_overlayer_lowered;
	s5 =	simm.s32 $_tile_overlayer_lowered  }
0x9b: {  	s22 =	simm.s32 $0x1BFF;
	s21 =	sshll.u32 s5, $0x1;
	s2 =	sadd.s32 s19, s18  }
0x9c: {  	s6 =	simm.s32 $0x0;
	s20 =	sshll.u32 s4, $0x1;
	s4 =	sadd.s32 s21, s2  }
0x9d: {  	[timem:s6], [sflag:s22] =	dma.local [hbm:s4], s20  }
0x9e: {  	_ =	swait.ge [sflag:s22], s20  }
0x9f: {  	s3 =	ssub.s32 $0x0, s20;
	[sflag:s22] =	ssyncset.done $0x0  }
0xa0: {  	[sflag:s22] =	ssyncadd.s32 s3;
	_ =	sdelay $0x1  }
0xa1: {  	s23 =	simm.s32 $0x1B8B  }
0xa2: {  	_ =	swait.ge [sflag:s23], $0x1  }
0xa3: {  	[sflag:s23] =	ssyncset.done $0x0  }
0xa4: {  	s25 =	simm.s32 $0x1B8E;
	s24 =	sld [smem:$0x3FFE];
	[sflag:s23] =	ssyncadd.s32 $0xFFFFFFFF  }
0xa5: {  	s26 =	simm.s32 $execute0_lowered;
	[smem:$0x3FD2] =	sst s25  }
0xa6: {  	s4 =	sshll.u32 s26, $0x1;
	_ =	strace $0x8000005B;
	[dreg:$0x1] =	wrdreg $0xFFFFFFFF  }
0xa7: {  	s28 =	simm.s32 $_size_execute0_lowered;
	s2 =	sadd.s32 s2, s4;
	[dreg:$0x0] =	wrdreg $0x0  }
0xa8: {  	s4 =	sshll.u32 s28, $0x1;
	[dreg:$0x2] =	wrdreg s2  }
0xa9: {  	[dreg:$0x3] =	wrdreg s4  }
0xaa: {  	[dreg:$0x4] =	wrdreg $0xC0  }
0xab: {  	_ =	task [dreg:s6], $0x5FFFF  }
0xac: {  	[dreg:$0x1] =	wrdreg $0xFFFFFFFF  }
0xad: {  	[dreg:$0x0] =	wrdreg $0x60  }
0xae: {  	[dreg:$0x2] =	wrdreg s24  }
0xaf: {  	[dreg:$0x3] =	wrdreg $0x88000  }
0xb0: {  	[dreg:$0x4] =	wrdreg $0x9  }
0xb1: {  	_ =	task.clear_ibuf [dreg:s6], $0x5FFFF;
	_ =	strace $0x9000005B  }
0xb2: {  	s29 =	simm.s32 $0x9;
	_ =	strace $0x8000005D  }
0xb3: {  	_ =	swait.ge [sflag:s29], $0x1  }
0xb4: {  	[sflag:s29] =	ssyncadd.s32 $0xFFFFFFFF  }
0xb5: {  	_ =	strace $0x9000005D  }
0xb6: {  	_ =	sfence  }
0xb7: {  	s30 =	sld [smem:$0x0];
	_ =	sdelay $0x2  }
0xb8: {  	s31 =	sshll.u32 s1, $0xD;
	s1 =	sshrl.u32 s1, $0x2  }
0xb9: {  	s3 =	sand.u32 $0x4000, s31;
	s1 =	sadd.s32 s1, s30  }
0xba: {  	s0 =	sor.u32 s3, s0;
	s1 =	sshll.u32 s1, $0x11  }
0xbb: {  	s0 =	sor.u32 s1, s0  }
0xbc: {  	s0 =	sadd.s32 $0x8F2B, s0  }
0xbd: {  	[sflag:s0] =	ssyncadd.remote.s32 $0x1  }
0xbe: {  	_ =	sfence.sel $0xFFFF  }
0xbf: {  	[dreg:$0x0] =	wrdreg $0xFFFFFFFF;
	(pc) =	sbr.abs _section_cstart, $3  }
0xc0: {  	[dreg:$0x1] =	wrdreg $0xFFFFFFFF  }
0xc1: {  	_ =	task.clear_ibuf [dreg:s6], $0x2FFFF;
	_ =	strace $0x9FFFFFFF  }
0xc2: {  	(tm) =	ssettm $0x7FFFFFFF  }
0xc3: {  	_ =	shalt  }
tec
execute0_lowered:
.L_overlay_start_1:
0x0: {  	(tag) =	ssettag $0x1  }
0x1: {  	s30 =	rddreg [dreg:$0x0]  }
0x2: {  	s2 =	rddreg [dreg:$0x1]  }
0x3: {  	s3 =	simm.s32 $0x0;
	s1 =	stileid.u32;
	s4 =	srdreg.scid  }
0x4: {  	[smem:$0x7FF] =	sst s3;
	s5 =	sadd.s32 $0x36200, s30;
	s6 =	smul.u32 $0x18000, s1  }
0x5: {  	s31 =	sand.u32 $0x1, s4;
	s9 =	sshll.u32 s1, $0x7;
	s26 =	sshll.u32 s1, $0x6  }
0x6: {  	_ =	strace $0x8000005C;
	[dreg:$0x3] =	wrdreg s5;
	s25 =	sshrl.u32 s6, $0x2  }
0x7: {  	s7 =	sshll.u32 s31, $0xB;
	s5 =	sor.u32 $0x1C03, s26;
	s4 =	sadd.s32 s25, s2  }
0x8: {  	s8 =	rddreg [dreg:$0x3];
	s6 =	sshrl.u32 s4, $0x3;
	s4 =	simm.s32 $0x3  }
0x9: {  	[spmem:s6], [sflag:s5] =	dma.local [hbm:s8], $0xC00  }
0xa: {  	s7 =	sor.u32 s9, s7;
	_ =	swait.ge [sflag:s4], $0xC00  }
0xb: {  	s0 =	sadd.s32 s7, s30;
	[sflag:s4] =	ssyncset.done $0x0  }
0xc: {  	s7 =	sadd.s32 $0xA1A00, s0;
	[sflag:s4] =	ssyncadd.s32 $0xFFFFF400  }
0xd: {  	[tilespmem:s3], [sflag:$0x3] =	stream.linear.gather [hbm4b:s7+s3], $0x400, $0x38;
	[tilespmem:$0xE800] =	vst v63  }
0xe: {  	_ =	swait.ge [sflag:s4], $0x400  }
0xf: {  	[sflag:s4] =	ssyncset.done $0x0  }
0x10: {  	s9 =	simm.s32 $0x400;
	s8 =	sadd.s32 $0xA2A00, s0;
	[sflag:s4] =	ssyncadd.s32 $0xFFFFFC00  }
0x11: {  	[tilespmem:s9], [sflag:$0x3] =	stream.linear.gather [hbm4b:s8+s3], $0x400, $0x38;
	[tilespmem:$0xE800] =	vst v63  }
0x12: {  	_ =	swait.ge [sflag:s4], $0x400  }
0x13: {  	[sflag:s4] =	ssyncset.done $0x0  }
0x14: {  	s11 =	simm.s32 $0x80;
	[sflag:s4] =	ssyncadd.s32 $0xFFFFFC00  }
0x15: {  	s12 =	simm.s32 $0x800;
	s10 =	sadd.s32 $0x6200, s30;
	[bflag:$0x0] =	sbarrier.arrive $0xFFFF  }
0x16: {  	[tilespmem:s12], [sflag:$0x1] =	stream.indirect.gather [hbm4b:s10+s11], $0x80, s3, s11, $0xb8;
	[tilespmem:$0xE800] =	vst v63  }
0x17: {  	s13 =	simm.s32 $0x4800;
	s14 =	simm.s32 $0x1  }
0x18: {  	[tilespmem:s13], [sflag:$0x2] =	stream.indirect.gather [hbm4b:s10+s11], $0x80, s11, s11, $0xb8;
	[tilespmem:$0xE800] =	vst v63  }
0x19: {  	_ =	swait.ge [sflag:s14], $0x4000  }
0x1a: {  	[sflag:s14] =	ssyncset.done $0x0  }
0x1b: {  	[sflag:s14] =	ssyncadd.s32 $0xFFFFC000  }
0x1c: {  	[spmem:s2] =	stream.indirect.scatter.add.f32 [tilespmem:s12], [sflag:$0x3], $0x80, s9, s11, $0xb8;
	[tilespmem:$0xE800] =	vst v63  }
0x1d: {  	_ =	swait.ge [sflag:s4], $0x4000  }
0x1e: {  	[sflag:s4] =	ssyncset.done $0x0  }
0x1f: {  	s15 =	simm.s32 $0x100;
	s16 =	simm.s32 $0x2;
	[sflag:s4] =	ssyncadd.s32 $0xFFFFC000  }
0x20: {  	[tilespmem:s12], [sflag:$0x1] =	stream.indirect.gather [hbm4b:s10+s11], $0x80, s15, s11, $0xb8;
	[tilespmem:$0xE800] =	vst v63  }
0x21: {  	_ =	swait.ge [sflag:s16], $0x4000  }
0x22: {  	[sflag:s16] =	ssyncset.done $0x0  }
0x23: {  	s17 =	simm.s32 $0x480;
	[sflag:s16] =	ssyncadd.s32 $0xFFFFC000  }
0x24: {  	[spmem:s2] =	stream.indirect.scatter.add.f32 [tilespmem:s13], [sflag:$0x3], $0x80, s17, s11, $0xb8;
	[tilespmem:$0xE800] =	vst v63  }
0x25: {  	_ =	swait.ge [sflag:s4], $0x4000  }
0x26: {  	[sflag:s4] =	ssyncset.done $0x0  }
0x27: {  	s18 =	simm.s32 $0x180;
	[sflag:s4] =	ssyncadd.s32 $0xFFFFC000  }
0x28: {  	[tilespmem:s13], [sflag:$0x2] =	stream.indirect.gather [hbm4b:s10+s11], $0x80, s18, s11, $0xb8;
	[tilespmem:$0xE800] =	vst v63  }
0x29: {  	_ =	swait.ge [sflag:s14], $0x4000  }
0x2a: {  	[sflag:s14] =	ssyncset.done $0x0  }
0x2b: {  	s19 =	simm.s32 $0x500;
	[sflag:s14] =	ssyncadd.s32 $0xFFFFC000  }
0x2c: {  	[spmem:s2] =	stream.indirect.scatter.add.f32 [tilespmem:s12], [sflag:$0x3], $0x80, s19, s11, $0xb8;
	[tilespmem:$0xE800] =	vst v63  }
0x2d: {  	_ =	swait.ge [sflag:s4], $0x4000  }
0x2e: {  	[sflag:s4] =	ssyncset.done $0x0  }
0x2f: {  	s20 =	simm.s32 $0x200;
	[sflag:s4] =	ssyncadd.s32 $0xFFFFC000  }
0x30: {  	[tilespmem:s12], [sflag:$0x1] =	stream.indirect.gather [hbm4b:s10+s11], $0x80, s20, s11, $0xb8;
	[tilespmem:$0xE800] =	vst v63  }
0x31: {  	_ =	swait.ge [sflag:s16], $0x4000  }
0x32: {  	[sflag:s16] =	ssyncset.done $0x0  }
0x33: {  	s21 =	simm.s32 $0x580;
	[sflag:s16] =	ssyncadd.s32 $0xFFFFC000  }
0x34: {  	[spmem:s2] =	stream.indirect.scatter.add.f32 [tilespmem:s13], [sflag:$0x3], $0x80, s21, s11, $0xb8;
	[tilespmem:$0xE800] =	vst v63  }
0x35: {  	_ =	swait.ge [sflag:s4], $0x4000  }
0x36: {  	[sflag:s4] =	ssyncset.done $0x0  }
0x37: {  	s22 =	simm.s32 $0x280;
	[sflag:s4] =	ssyncadd.s32 $0xFFFFC000  }
0x38: {  	[tilespmem:s13], [sflag:$0x2] =	stream.indirect.gather [hbm4b:s10+s11], $0x80, s22, s11, $0xb8;
	[tilespmem:$0xE800] =	vst v63  }
0x39: {  	_ =	swait.ge [sflag:s14], $0x4000  }
0x3a: {  	[sflag:s14] =	ssyncset.done $0x0  }
0x3b: {  	s23 =	simm.s32 $0x600;
	[sflag:s14] =	ssyncadd.s32 $0xFFFFC000  }
0x3c: {  	[spmem:s2] =	stream.indirect.scatter.add.f32 [tilespmem:s12], [sflag:$0x3], $0x80, s23, s11, $0xb8;
	[tilespmem:$0xE800] =	vst v63  }
0x3d: {  	_ =	swait.ge [sflag:s4], $0x4000  }
0x3e: {  	[sflag:s4] =	ssyncset.done $0x0  }
0x3f: {  	s24 =	simm.s32 $0x300;
	[sflag:s4] =	ssyncadd.s32 $0xFFFFC000  }
0x40: {  	[tilespmem:s12], [sflag:$0x1] =	stream.indirect.gather [hbm4b:s10+s11], $0x80, s24, s11, $0xb8;
	[tilespmem:$0xE800] =	vst v63  }
0x41: {  	_ =	swait.ge [sflag:s16], $0x4000  }
0x42: {  	[sflag:s16] =	ssyncset.done $0x0  }
0x43: {  	s25 =	simm.s32 $0x680;
	[sflag:s16] =	ssyncadd.s32 $0xFFFFC000  }
0x44: {  	[spmem:s2] =	stream.indirect.scatter.add.f32 [tilespmem:s13], [sflag:$0x3], $0x80, s25, s11, $0xb8;
	[tilespmem:$0xE800] =	vst v63  }
0x45: {  	_ =	swait.ge [sflag:s4], $0x4000  }
0x46: {  	[sflag:s4] =	ssyncset.done $0x0  }
0x47: {  	s26 =	simm.s32 $0x380;
	[sflag:s4] =	ssyncadd.s32 $0xFFFFC000  }
0x48: {  	[tilespmem:s13], [sflag:$0x2] =	stream.indirect.gather [hbm4b:s10+s11], $0x80, s26, s11, $0xb8;
	[tilespmem:$0xE800] =	vst v63  }
0x49: {  	_ =	swait.ge [sflag:s14], $0x4000  }
0x4a: {  	[sflag:s14] =	ssyncset.done $0x0  }
0x4b: {  	s28 =	simm.s32 $0x700;
	s1 =	smul.u32 $0x6000, s1;
	[sflag:s14] =	ssyncadd.s32 $0xFFFFC000  }
0x4c: {  	[spmem:s2] =	stream.indirect.scatter.add.f32 [tilespmem:s12], [sflag:$0x3], $0x80, s28, s11, $0xb8;
	[tilespmem:$0xE800] =	vst v63  }
0x4d: {  	s0 =	smul.u32 $0x60000, s31;
	_ =	swait.ge [sflag:s4], $0x4000  }
0x4e: {  	[sflag:s4] =	ssyncset.done $0x0  }
0x4f: {  	s0 =	sadd.s32 s1, s0;
	s1 =	ssub.s32 $0x2, s31;
	[sflag:s4] =	ssyncadd.s32 $0xFFFFC000  }
0x50: {  	s31 =	sshrl.u32 s1, $0x1;
	_ =	swait.ge [sflag:s16], $0x4000  }
0x51: {  	s1 =	ssub.s32 s1, s31;
	[sflag:s16] =	ssyncset.done $0x0  }
0x52: {  	s29 =	simm.s32 $0x780;
	s1 =	smax.u32 s1, $0x1;
	[sflag:s16] =	ssyncadd.s32 $0xFFFFC000  }
0x53: {  	[spmem:s2] =	stream.indirect.scatter.add.f32 [tilespmem:s13], [sflag:$0x3], $0x80, s29, s11, $0xb8;
	[tilespmem:$0xE800] =	vst v63  }
0x54: {  	p0 =	sne.s32 s1, $0x1;
	_ =	swait.ge [sflag:s4], $0x4000  }
.Ltmp0:
0x55: {  	s0 =	sshrl.u32 s0, $0x3;
	[sflag:s4] =	ssyncset.done $0x0;
	(pc) =	sbr.rel @!p0 .LBB2_2-.Ltmp0, $4  }
0x56: {  	s0 =	sadd.s32 s0, s30;
	[sflag:s4] =	ssyncadd.s32 $0xFFFFC000  }
0x57: {  	s30 =	sadd.s32 $0x36E00, s0;
	[bflag:$0x0] =	sbarrier.arrive $0xFFFF  }
0x58: {  	[hbm:s30], [sflag:s5] =	dma.local [spmem:s6], $0xC00  }
0x59: {  	s31 =	sadd.s32 $0xFFFFFFFF, s1;
	_ =	swait.ge [sflag:s4], $0xC00  }
.LBB2_1:
0x5a: {  	[sflag:s4] =	ssyncset.done $0x0  }
0x5b: {  	s0 =	rddreg [dreg:$0x3];
	[sflag:s4] =	ssyncadd.s32 $0xFFFFF400  }
0x5c: {  	[spmem:s6], [sflag:s5] =	dma.local [hbm:s0], $0xC00  }
0x5d: {  	_ =	swait.ge [sflag:s4], $0xC00  }
0x5e: {  	[sflag:s4] =	ssyncset.done $0x0  }
0x5f: {  	[sflag:s4] =	ssyncadd.s32 $0xFFFFF400  }
0x60: {  	[tilespmem:s3], [sflag:$0x3] =	stream.linear.gather [hbm4b:s7+s3], $0x400, $0x38;
	[tilespmem:$0xE800] =	vst v63  }
0x61: {  	_ =	swait.ge [sflag:s4], $0x400  }
0x62: {  	[sflag:s4] =	ssyncset.done $0x0  }
0x63: {  	[sflag:s4] =	ssyncadd.s32 $0xFFFFFC00  }
0x64: {  	[tilespmem:s9], [sflag:$0x3] =	stream.linear.gather [hbm4b:s8+s3], $0x400, $0x38;
	[tilespmem:$0xE800] =	vst v63  }
0x65: {  	_ =	swait.ge [sflag:s4], $0x400  }
0x66: {  	[sflag:s4] =	ssyncset.done $0x0  }
0x67: {  	[sflag:s4] =	ssyncadd.s32 $0xFFFFFC00  }
0x68: {  	[bflag:$0x0] =	sbarrier.arrive $0xFFFF  }
0x69: {  	[tilespmem:s12], [sflag:$0x1] =	stream.indirect.gather [hbm4b:s10+s11], $0x80, s3, s11, $0xb8;
	[tilespmem:$0xE800] =	vst v63  }
0x6a: {  	_ = 	snop  }
0x6b: {  	[tilespmem:s13], [sflag:$0x2] =	stream.indirect.gather [hbm4b:s10+s11], $0x80, s11, s11, $0xb8;
	[tilespmem:$0xE800] =	vst v63  }
0x6c: {  	_ =	swait.ge [sflag:s14], $0x4000  }
0x6d: {  	[sflag:s14] =	ssyncset.done $0x0  }
0x6e: {  	[sflag:s14] =	ssyncadd.s32 $0xFFFFC000  }
0x6f: {  	[spmem:s2] =	stream.indirect.scatter.add.f32 [tilespmem:s12], [sflag:$0x3], $0x80, s9, s11, $0xb8;
	[tilespmem:$0xE800] =	vst v63  }
0x70: {  	_ =	swait.ge [sflag:s4], $0x4000  }
0x71: {  	[sflag:s4] =	ssyncset.done $0x0  }
0x72: {  	[sflag:s4] =	ssyncadd.s32 $0xFFFFC000  }
0x73: {  	[tilespmem:s12], [sflag:$0x1] =	stream.indirect.gather [hbm4b:s10+s11], $0x80, s15, s11, $0xb8;
	[tilespmem:$0xE800] =	vst v63  }
0x74: {  	_ =	swait.ge [sflag:s16], $0x4000  }
0x75: {  	[sflag:s16] =	ssyncset.done $0x0  }
0x76: {  	[sflag:s16] =	ssyncadd.s32 $0xFFFFC000  }
0x77: {  	[spmem:s2] =	stream.indirect.scatter.add.f32 [tilespmem:s13], [sflag:$0x3], $0x80, s17, s11, $0xb8;
	[tilespmem:$0xE800] =	vst v63  }
0x78: {  	_ =	swait.ge [sflag:s4], $0x4000  }
0x79: {  	[sflag:s4] =	ssyncset.done $0x0  }
0x7a: {  	[sflag:s4] =	ssyncadd.s32 $0xFFFFC000  }
0x7b: {  	[tilespmem:s13], [sflag:$0x2] =	stream.indirect.gather [hbm4b:s10+s11], $0x80, s18, s11, $0xb8;
	[tilespmem:$0xE800] =	vst v63  }
0x7c: {  	_ =	swait.ge [sflag:s14], $0x4000  }
0x7d: {  	[sflag:s14] =	ssyncset.done $0x0  }
0x7e: {  	[sflag:s14] =	ssyncadd.s32 $0xFFFFC000  }
0x7f: {  	[spmem:s2] =	stream.indirect.scatter.add.f32 [tilespmem:s12], [sflag:$0x3], $0x80, s19, s11, $0xb8;
	[tilespmem:$0xE800] =	vst v63  }
0x80: {  	_ =	swait.ge [sflag:s4], $0x4000  }
0x81: {  	[sflag:s4] =	ssyncset.done $0x0  }
0x82: {  	[sflag:s4] =	ssyncadd.s32 $0xFFFFC000  }
0x83: {  	[tilespmem:s12], [sflag:$0x1] =	stream.indirect.gather [hbm4b:s10+s11], $0x80, s20, s11, $0xb8;
	[tilespmem:$0xE800] =	vst v63  }
0x84: {  	_ =	swait.ge [sflag:s16], $0x4000  }
0x85: {  	[sflag:s16] =	ssyncset.done $0x0  }
0x86: {  	[sflag:s16] =	ssyncadd.s32 $0xFFFFC000  }
0x87: {  	[spmem:s2] =	stream.indirect.scatter.add.f32 [tilespmem:s13], [sflag:$0x3], $0x80, s21, s11, $0xb8;
	[tilespmem:$0xE800] =	vst v63  }
0x88: {  	_ =	swait.ge [sflag:s4], $0x4000  }
0x89: {  	[sflag:s4] =	ssyncset.done $0x0  }
0x8a: {  	[sflag:s4] =	ssyncadd.s32 $0xFFFFC000  }
0x8b: {  	[tilespmem:s13], [sflag:$0x2] =	stream.indirect.gather [hbm4b:s10+s11], $0x80, s22, s11, $0xb8;
	[tilespmem:$0xE800] =	vst v63  }
0x8c: {  	_ =	swait.ge [sflag:s14], $0x4000  }
0x8d: {  	[sflag:s14] =	ssyncset.done $0x0  }
0x8e: {  	[sflag:s14] =	ssyncadd.s32 $0xFFFFC000  }
0x8f: {  	[spmem:s2] =	stream.indirect.scatter.add.f32 [tilespmem:s12], [sflag:$0x3], $0x80, s23, s11, $0xb8;
	[tilespmem:$0xE800] =	vst v63  }
0x90: {  	_ =	swait.ge [sflag:s4], $0x4000  }
0x91: {  	[sflag:s4] =	ssyncset.done $0x0  }
0x92: {  	[sflag:s4] =	ssyncadd.s32 $0xFFFFC000  }
0x93: {  	[tilespmem:s12], [sflag:$0x1] =	stream.indirect.gather [hbm4b:s10+s11], $0x80, s24, s11, $0xb8;
	[tilespmem:$0xE800] =	vst v63  }
0x94: {  	_ =	swait.ge [sflag:s16], $0x4000  }
0x95: {  	[sflag:s16] =	ssyncset.done $0x0  }
0x96: {  	[sflag:s16] =	ssyncadd.s32 $0xFFFFC000  }
0x97: {  	[spmem:s2] =	stream.indirect.scatter.add.f32 [tilespmem:s13], [sflag:$0x3], $0x80, s25, s11, $0xb8;
	[tilespmem:$0xE800] =	vst v63  }
0x98: {  	_ =	swait.ge [sflag:s4], $0x4000  }
0x99: {  	[sflag:s4] =	ssyncset.done $0x0  }
0x9a: {  	[sflag:s4] =	ssyncadd.s32 $0xFFFFC000  }
0x9b: {  	[tilespmem:s13], [sflag:$0x2] =	stream.indirect.gather [hbm4b:s10+s11], $0x80, s26, s11, $0xb8;
	[tilespmem:$0xE800] =	vst v63  }
0x9c: {  	_ =	swait.ge [sflag:s14], $0x4000  }
0x9d: {  	[sflag:s14] =	ssyncset.done $0x0  }
0x9e: {  	[sflag:s14] =	ssyncadd.s32 $0xFFFFC000  }
0x9f: {  	[spmem:s2] =	stream.indirect.scatter.add.f32 [tilespmem:s12], [sflag:$0x3], $0x80, s28, s11, $0xb8;
	[tilespmem:$0xE800] =	vst v63  }
0xa0: {  	_ =	swait.ge [sflag:s4], $0x4000  }
0xa1: {  	[sflag:s4] =	ssyncset.done $0x0  }
0xa2: {  	[sflag:s4] =	ssyncadd.s32 $0xFFFFC000  }
0xa3: {  	_ =	swait.ge [sflag:s16], $0x4000  }
0xa4: {  	[sflag:s16] =	ssyncset.done $0x0  }
0xa5: {  	[sflag:s16] =	ssyncadd.s32 $0xFFFFC000  }
0xa6: {  	[spmem:s2] =	stream.indirect.scatter.add.f32 [tilespmem:s13], [sflag:$0x3], $0x80, s29, s11, $0xb8;
	[tilespmem:$0xE800] =	vst v63  }
0xa7: {  	p0 =	sne.s32 s31, $0x1;
	_ =	swait.ge [sflag:s4], $0x4000  }
.Ltmp1:
0xa8: {  	[sflag:s4] =	ssyncset.done $0x0;
	(pc) =	sbr.rel @p0 .LBB2_1-.Ltmp1, $4  }
0xa9: {  	[sflag:s4] =	ssyncadd.s32 $0xFFFFC000  }
0xaa: {  	[bflag:$0x0] =	sbarrier.arrive $0xFFFF  }
0xab: {  	[hbm:s30], [sflag:s5] =	dma.local [spmem:s6], $0xC00  }
0xac: {  	s31 =	sadd.s32 $0xFFFFFFFF, s31;
	_ =	swait.ge [sflag:s4], $0xC00  }
.LBB2_2:
0xad: {  	[sflag:s4] =	ssyncset.done $0x0  }
0xae: {  	[sflag:s4] =	ssyncadd.s32 $0xFFFFF400  }
0xaf: {  	_ =	sfence.sel $0x180000  }
0xb0: {  	[bflag:$0x0] =	sbarrier.arrive $0xFFFF  }
0xb1: {  	_ =	strace $0x9000005C  }
0xb2: {  	s0 =	stileid.u32;
	[bflag:$0x2] =	sbarrier.arrive $0xFFFF  }
0xb3: {  	p0 =	sne.s32 s0, $0x0;
	s0 =	rddreg [dreg:$0x2]  }
0xb4: {  	s0 =	sadd.s32 @!p0 $0x100000, s0  }
0xb5: {  	[sflag:s0] =	ssyncadd.tile.s32 @!p0 $0x1;
	_ =	shalt  }
.Lfunc_end2:
_tile_overlayer_lowered:
.L_overlay_start_2:
0xb6: {  	(tag) =	ssettag $0x2  }
0xb7: {  	s0 =	rddreg [dreg:$0x0];
	s2 =	stileid.u32  }
0xb8: {  	s1 =	rddreg [dreg:$0x1];
	p0 =	sne.s32 s2, $0x0  }
0xb9: {  	s3 =	rddreg [dreg:$0x2];
	[bflag:$0x3] =	sbarrier.arrive $0xFFFF;
	s2 =	simm.s32 @!p0 $0x1C03  }
0xba: {  	[timem:s3], [sflag:s2] =	dma.local @!p0 [hbm:s0], s1  }
0xbb: {  	s0 =	simm.s32 @!p0 $0x3  }
0xbc: {  	_ =	swait.ge @!p0 [sflag:s0], s1  }
0xbd: {  	s1 =	ssub.s32 @!p0 $0x0, s1;
	[sflag:s0] =	ssyncset.done @!p0 $0x0  }
0xbe: {  	[sflag:s0] =	ssyncadd.s32 @!p0 s1  }
0xbf: {  	[bflag:$0x3] =	sbarrier.arrive $0xFFFF  }
0xc0: {  	_ =	shalt  }

</sc_bundles>
